<compile_context>
chip_gen: v7x
topology: tpu7x:2x2x1
jax: 0.10.2.dev20260603
libtpu: 0.0.44.dev20260713+nightly
codegen_flags: <defaults>
</compile_context>

<pallas_src>
import functools

import jax
import jax.numpy as jnp
from jax import lax
from jax.experimental import pallas as pl
from jax.experimental.pallas import tpu as pltpu
from jax.experimental.pallas import tpu_sc as plsc

_KC = 30
_KP = 32


def _stage1_body(x_ref, aW_ref, ab_ref, pW_ref, pb_ref, S_ref, Z_ref, SS_ref):
    i = pl.program_id(0)
    x = x_ref[...]
    logits = jnp.dot(x, aW_ref[...], preferred_element_type=jnp.float32)
    logits = logits + ab_ref[...]
    kmask = lax.broadcasted_iota(jnp.int32, logits.shape, 1) < _KC
    logits = jnp.where(kmask, logits, -1e30)
    m = jnp.max(logits, axis=1, keepdims=True)
    e = jnp.exp(logits - m)
    S = e / jnp.sum(e, axis=1, keepdims=True)
    S_ref[...] = S
    Xp = jnp.dot(x, pW_ref[...], preferred_element_type=jnp.float32) + pb_ref[...]
    Zp = lax.dot_general(S, Xp, (((0,), (0,)), ((), ())),
                         preferred_element_type=jnp.float32)
    SSp = lax.dot_general(S, S, (((0,), (0,)), ((), ())),
                          preferred_element_type=jnp.float32)

    @pl.when(i == 0)
    def _init():
        Z_ref[...] = Zp
        SS_ref[...] = SSp

    @pl.when(i != 0)
    def _acc():
        Z_ref[...] += Zp
        SS_ref[...] += SSp


_CH = 512
_Q = _CH // 4


def _make_gather(E_pad, NT):
    info = plsc.get_sparse_core_info()
    nw = info.num_cores * info.num_subcores
    ns = info.num_subcores
    tpw = (E_pad // _CH) // nw
    rpt = NT // ns
    mesh = plsc.VectorSubcoreMesh(core_axis_name="c", subcore_axis_name="s")

    @functools.partial(
        pl.kernel,
        mesh=mesh,
        compiler_params=pltpu.CompilerParams(use_tc_tiling_on_sc=False),
        out_type=(jax.ShapeDtypeStruct((E_pad // 4, 128), jnp.float32),
                  jax.ShapeDtypeStruct((E_pad // 4, 128), jnp.float32)),
        scratch_types=[
            [pltpu.VMEM((_CH,), jnp.int32) for _ in range(4)],
            [pltpu.VMEM((_CH, _KP), jnp.float32) for _ in range(4)],
            pltpu.VMEM_SHARED((NT, _KP), jnp.float32),
            [pltpu.SemaphoreType.DMA for _ in range(4)],
            [pltpu.SemaphoreType.DMA for _ in range(4)],
            [pltpu.SemaphoreType.DMA for _ in range(4)],
        ],
    )
    def gather_k(table, row_idx, col_idx, out_r, out_c,
                 idxb, bufb, stab, si, sg, sw):
        sid = lax.axis_index("s")
        wid = sid * info.num_cores + lax.axis_index("c")
        o = 0
        while o < rpt:
            n = min(_CH, rpt - o)
            pltpu.sync_copy(table.at[pl.ds(sid * rpt + o, n)],
                            bufb[0].at[pl.ds(0, n)])
            pltpu.sync_copy(bufb[0].at[pl.ds(0, n)],
                            stab.at[pl.ds(sid * rpt + o, n)])
            o += n
        plsc.subcore_barrier()
        jobs = []
        for t in range(tpw):
            cid = t * nw + wid
            for idx_hbm, out_hbm in ((row_idx, out_r), (col_idx, out_c)):
                jobs.append((idx_hbm, out_hbm, cid * _CH, cid * _Q))
        nj = len(jobs)

        def start_idx(j):
            src, _, eoff, _ = jobs[j]
            return pltpu.async_copy(src.at[pl.ds(eoff, _CH)], idxb[j % 4],
                                    si[j % 4])

        def start_gather(j):
            return pltpu.async_copy(stab.at[idxb[j % 4]], bufb[j % 4],
                                    sg[j % 4])

        def start_writes(j):
            _, out, _, poff = jobs[j]
            buf = bufb[j % 4]
            hs = []
            for q in range(4):
                hs.append(pltpu.async_copy(
                    buf.at[pl.ds(q * _Q, _Q)],
                    out.at[pl.ds(poff, _Q), pl.ds(q * _KP, _KP)],
                    sw[j % 4]))
            return hs

        hi, hg, hw = {}, {}, {}
        for j in range(min(4, nj)):
            hi[j] = start_idx(j)
        for j in range(min(2, nj)):
            hi[j].wait()
            hg[j] = start_gather(j)
        for j in range(nj):
            hg[j].wait()
            if j + 2 < nj:
                hi[j + 2].wait()
                if j >= 2:
                    for h in hw[j - 2]:
                        h.wait()
                hg[j + 2] = start_gather(j + 2)
            hw[j] = start_writes(j)
            if j + 4 < nj:
                hi[j + 4] = start_idx(j + 4)
        for j in range(max(0, nj - 4), nj):
            for h in hw[j]:
                h.wait()

    return gather_k


def _stage3_body(sr_ref, sc_ref, Z_ref, SS_ref,
                 m1a_ref, m1b_ref, m1b1_ref, m1W2_ref, m1b2_ref, lin1_ref,
                 m2a_ref, m2b_ref, m2b1_ref, m2W2_ref, m2b2_ref, lin2_ref,
                 finW_ref, finb_ref,
                 out_ref, mc_ref, ol_ref,
                 adj_ref, vol_ref):
    i = pl.program_id(0)
    sr = sr_ref[...]
    sc = sc_ref[...]
    adj_p = None
    for q in range(4):
        p = lax.dot_general(sr[:, q * _KP:(q + 1) * _KP],
                            sc[:, q * _KP:(q + 1) * _KP],
                            (((0,), (0,)), ((), ())),
                            preferred_element_type=jnp.float32)
        adj_p = p if adj_p is None else adj_p + p

    @pl.when(i == 0)
    def _init():
        adj_ref[...] = adj_p
        vol_ref[0, 0] = jnp.sum(sr)

    @pl.when(i != 0)
    def _acc():
        adj_ref[...] += adj_p
        vol_ref[0, 0] += jnp.sum(sr)

    @pl.when(i == pl.num_programs(0) - 1)
    def _finale():
        f32 = jnp.float32
        adj = adj_ref[...]
        vol = vol_ref[0, 0]
        rio = lax.broadcasted_iota(jnp.int32, (_KP, _KP), 0)
        cio = lax.broadcasted_iota(jnp.int32, (_KP, _KP), 1)
        eye30 = jnp.where((rio == cio) & (rio < _KC), 1.0, 0.0).astype(f32)
        cut = jnp.sum(adj * eye30)
        mc_ref[...] = jnp.broadcast_to(-cut / (vol + 1e-9), (1, 1))
        d = SS_ref[...] - eye30
        ol_ref[...] = jnp.broadcast_to(jnp.sqrt(jnp.sum(d * d)), (1, 1))

        emask = (adj > 0).astype(f32)
        e2 = _KP * _KP
        eio = lax.broadcasted_iota(jnp.int32, (e2, _KP), 0)
        aio = lax.broadcasted_iota(jnp.int32, (e2, _KP), 1)
        R = (eio // _KP == aio).astype(f32)
        T = (eio % _KP == aio).astype(f32)
        emask_vec = jnp.sum(
            jnp.dot(R, emask, preferred_element_type=f32) * T,
            axis=1, keepdims=True)

        def pgagg(zx, w1a, w1b, b1, w2, b2, lin_w):
            a = jnp.dot(zx, w1a, preferred_element_type=f32)
            b = jnp.dot(zx, w1b, preferred_element_type=f32)
            h = jnp.maximum(
                jnp.dot(R, a, preferred_element_type=f32)
                + jnp.dot(T, b, preferred_element_type=f32) + b1, 0.0)
            s = jnp.dot(h, w2, preferred_element_type=f32) + b2
            mvec = jax.nn.sigmoid(s) * emask_vec
            zc = jnp.dot(T, zx, preferred_element_type=f32)
            msg = zc * mvec
            agg = lax.dot_general(R, msg, (((0,), (0,)), ((), ())),
                                  preferred_element_type=f32)
            norm = lax.dot_general(R, mvec, (((0,), (0,)), ((), ())),
                                   preferred_element_type=f32)
            combined = agg / (norm + 1e-9) + zx
            return jnp.maximum(
                jnp.dot(combined, lin_w, preferred_element_type=f32), 0.0)

        zx = Z_ref[...]
        h1 = pgagg(zx, m1a_ref[...], m1b_ref[...], m1b1_ref[...],
                   m1W2_ref[...], m1b2_ref[...], lin1_ref[...])
        h2 = pgagg(h1, m2a_ref[...], m2b_ref[...], m2b1_ref[...],
                   m2W2_ref[...], m2b2_ref[...], lin2_ref[...])
        outv = jnp.dot(h2, finW_ref[...], preferred_element_type=f32)
        outv = outv + finb_ref[...]
        out_ref[...] = outv[:_KC, :]


def kernel(x, edge_index, assign_W, assign_b, proj_W, proj_b,
           m1_W1, m1_b1, m1_W2, m1_b2, lin1_W,
           m2_W1, m2_b1, m2_W2, m2_b2, lin2_W, fin_W, fin_b):
    f32 = jnp.float32
    N, Din = x.shape
    E = edge_index.shape[1]
    H = lin1_W.shape[1]
    Dout = fin_W.shape[1]

    aW = jnp.pad(assign_W, ((0, 0), (0, _KP - _KC)))
    ab = jnp.pad(assign_b, (0, _KP - _KC)).reshape(1, _KP)
    pb = proj_b.reshape(1, Din)

    bn = 2000
    while N % bn != 0:
        bn //= 2
    grid1 = N // bn
    S32, Z_pad, SS = pl.pallas_call(
        _stage1_body,
        grid=(grid1,),
        in_specs=[
            pl.BlockSpec((bn, Din), lambda i: (i, 0)),
            pl.BlockSpec((Din, _KP), lambda i: (0, 0)),
            pl.BlockSpec((1, _KP), lambda i: (0, 0)),
            pl.BlockSpec((Din, Din), lambda i: (0, 0)),
            pl.BlockSpec((1, Din), lambda i: (0, 0)),
        ],
        out_specs=[
            pl.BlockSpec((bn, _KP), lambda i: (i, 0)),
            pl.BlockSpec((_KP, Din), lambda i: (0, 0)),
            pl.BlockSpec((_KP, _KP), lambda i: (0, 0)),
        ],
        out_shape=[
            jax.ShapeDtypeStruct((N, _KP), f32),
            jax.ShapeDtypeStruct((_KP, Din), f32),
            jax.ShapeDtypeStruct((_KP, _KP), f32),
        ],
    )(x, aW, ab, proj_W, pb)

    unit = 32 * _CH
    E_pad = ((E + unit - 1) // unit) * unit
    NT = ((N + 8 + 127) // 128) * 128
    table = jnp.pad(S32, ((0, NT - N), (0, 0)))
    row = jnp.pad(edge_index[0].astype(jnp.int32), (0, E_pad - E),
                  constant_values=N)
    col = jnp.pad(edge_index[1].astype(jnp.int32), (0, E_pad - E),
                  constant_values=N)
    Srow, Scol = _make_gather(E_pad, NT)(table, row, col)

    np4 = E_pad // 4
    be = 2048
    while np4 % be != 0:
        be //= 2
    grid3 = np4 // be
    const = lambda i: (0, 0)
    wspecs = [
        pl.BlockSpec((Din, 64), const), pl.BlockSpec((Din, 64), const),
        pl.BlockSpec((1, 64), const), pl.BlockSpec((64, 1), const),
        pl.BlockSpec((1, 1), const), pl.BlockSpec((Din, H), const),
        pl.BlockSpec((H, 64), const), pl.BlockSpec((H, 64), const),
        pl.BlockSpec((1, 64), const), pl.BlockSpec((64, 1), const),
        pl.BlockSpec((1, 1), const), pl.BlockSpec((H, H), const),
        pl.BlockSpec((H, Dout), const), pl.BlockSpec((1, Dout), const),
    ]
    out, mc, ol = pl.pallas_call(
        _stage3_body,
        grid=(grid3,),
        in_specs=[
            pl.BlockSpec((be, 128), lambda i: (i, 0)),
            pl.BlockSpec((be, 128), lambda i: (i, 0)),
            pl.BlockSpec((_KP, Din), const),
            pl.BlockSpec((_KP, _KP), const),
        ] + wspecs,
        out_specs=[
            pl.BlockSpec((_KC, Dout), const),
            pl.BlockSpec((1, 1), const),
            pl.BlockSpec((1, 1), const),
        ],
        out_shape=[
            jax.ShapeDtypeStruct((_KC, Dout), f32),
            jax.ShapeDtypeStruct((1, 1), f32),
            jax.ShapeDtypeStruct((1, 1), f32),
        ],
        scratch_shapes=[
            pltpu.VMEM((_KP, _KP), f32),
            pltpu.SMEM((1, 1), f32),
        ],
    )(Srow, Scol, Z_pad, SS,
      m1_W1[:Din], m1_W1[Din:], m1_b1.reshape(1, 64),
      m1_W2, m1_b2.reshape(1, 1), lin1_W,
      m2_W1[:H], m2_W1[H:], m2_b1.reshape(1, 64),
      m2_W2, m2_b2.reshape(1, 1), lin2_W,
      fin_W, fin_b.reshape(1, Dout))

    return (out, mc[0, 0], ol[0, 0], Z_pad[:_KC], S32[:, :_KC])

# --- scband reference (transcript-rebuilt; emitter-appended) ---
"""Pipeline reference for scband-min-cut-pgexplainer-gnn-improved-44770739093926 (READ-ONLY COPY).

The authoritative reference and input builder live on the scoring server;
editing this copy changes nothing except your own understanding.
"""

import jax, jax.numpy as jnp
import numpy as np

N_CLUSTERS = 30


def _pgagg(x, edge_index, W1, b1, W2, b2, linW, edge_mask):
    row = edge_index[0]
    col = edge_index[1]
    x_row = x[row]
    x_col = x[col]
    concat = jnp.concatenate([x_row, x_col], axis=1)
    h = jax.nn.relu(concat @ W1 + b1)
    scores = (h @ W2 + b2)[:, 0]
    masks = jax.nn.sigmoid(scores) * edge_mask
    messages = x_col * masks[:, None]
    n = x.shape[0]
    agg = jax.ops.segment_sum(messages, row, num_segments=n)
    norm = jax.ops.segment_sum(masks, row, num_segments=n)[:, None]
    normalized = agg / (norm + 1e-9)
    combined = normalized + x
    out = jax.nn.relu(combined @ linW)
    return out, masks


def setup_inputs(seed: int = 0):
    key = jax.random.key(seed)
    ks = jax.random.split(key, 20)
    N, E, Din, H, Dout, M = 10000, 160000, 256, 256, 128, 64
    x = jax.random.normal(ks[0], (N, Din), dtype=jnp.float32)
    edge_index = jax.random.randint(ks[1], (2, E), 0, N)
    s = 0.05
    inp = {
        'x': x,
        'edge_index': edge_index,
        'assign_W': jax.random.normal(ks[2], (Din, N_CLUSTERS), jnp.float32) * s,
        'assign_b': jnp.zeros((N_CLUSTERS,), jnp.float32),
        'proj_W': jax.random.normal(ks[3], (Din, Din), jnp.float32) * s,
        'proj_b': jnp.zeros((Din,), jnp.float32),
        'm1_W1': jax.random.normal(ks[4], (2 * Din, M), jnp.float32) * s,
        'm1_b1': jnp.zeros((M,), jnp.float32),
        'm1_W2': jax.random.normal(ks[5], (M, 1), jnp.float32) * s,
        'm1_b2': jnp.zeros((1,), jnp.float32),
        'lin1_W': jax.random.normal(ks[6], (Din, H), jnp.float32) * s,
        'm2_W1': jax.random.normal(ks[7], (2 * H, M), jnp.float32) * s,
        'm2_b1': jnp.zeros((M,), jnp.float32),
        'm2_W2': jax.random.normal(ks[8], (M, 1), jnp.float32) * s,
        'm2_b2': jnp.zeros((1,), jnp.float32),
        'lin2_W': jax.random.normal(ks[9], (H, H), jnp.float32) * s,
        'fin_W': jax.random.normal(ks[10], (H, Dout), jnp.float32) * s,
        'fin_b': jnp.zeros((Dout,), jnp.float32),
    }
    return inp


def reference(x, edge_index, assign_W, assign_b, proj_W, proj_b, m1_W1, m1_b1, m1_W2, m1_b2, lin1_W, m2_W1, m2_b1, m2_W2, m2_b2, lin2_W, fin_W, fin_b):
    N = x.shape[0]
    row = edge_index[0]
    col = edge_index[1]
    # MinCutPoolLayerSparse
    S = jax.nn.softmax(x @ assign_W + assign_b, axis=-1)
    X_proj = x @ proj_W + proj_b
    Z = S.T @ X_proj
    adj_S = jax.ops.segment_sum(S[col], row, num_segments=N)
    adj_new = S.T @ adj_S
    deg = jax.ops.segment_sum(jnp.ones((edge_index.shape[1],), x.dtype), row, num_segments=N)
    D = deg[:, None] * jnp.ones_like(S)
    vol = jnp.trace(S.T @ D)
    cut = jnp.trace(adj_new)
    mincut_loss = -cut / (vol + 1e-9)
    SS = S.T @ S
    I = jnp.eye(N_CLUSTERS, dtype=S.dtype)
    ortho_loss = jnp.linalg.norm(SS - I, ord='fro')
    # pooled edge index (adj_new > 0).nonzero().t()
    K = adj_new.shape[0]
    grid_r = jnp.repeat(jnp.arange(K), K)
    grid_c = jnp.tile(jnp.arange(K), K)
    edge_index_pooled = jnp.stack([grid_r, grid_c], axis=0)
    edge_mask = (adj_new > 0).reshape(-1).astype(Z.dtype)
    # PGExplainer aggregation layers on pooled graph
    x_gnn, _m1 = _pgagg(Z, edge_index_pooled, m1_W1, m1_b1, m1_W2, m1_b2, lin1_W, edge_mask)
    x_gnn, _m2 = _pgagg(x_gnn, edge_index_pooled, m2_W1, m2_b1, m2_W2, m2_b2, lin2_W, edge_mask)
    out = x_gnn @ fin_W + fin_b
    return (out, mincut_loss, ortho_loss, Z, S)

if __name__ == "__main__":
    import jax
    _d = setup_inputs()
    print(jax.jit(kernel)(*tuple(_d.values())))

</pallas_src>

<mosaic_0001>
#map = affine_map<(d0, d1) -> (0, 0)>
#map1 = affine_map<(d0, d1) -> (0)>
module attributes {stable_mosaic.version = 14 : i64} {
  func.func @gather_k(%arg0: i32, %arg1: i32, %arg2: memref<10112x32xf32, #tpu.memory_space<hbm>>, %arg3: memref<163840xi32, #tpu.memory_space<hbm>>, %arg4: memref<163840xi32, #tpu.memory_space<hbm>>, %arg5: memref<40960x128xf32, #tpu.memory_space<hbm>>, %arg6: memref<40960x128xf32, #tpu.memory_space<hbm>>, %arg7: memref<512xi32, #tpu.memory_space<vmem>>, %arg8: memref<512xi32, #tpu.memory_space<vmem>>, %arg9: memref<512xi32, #tpu.memory_space<vmem>>, %arg10: memref<512xi32, #tpu.memory_space<vmem>>, %arg11: memref<512x32xf32, #tpu.memory_space<vmem>>, %arg12: memref<512x32xf32, #tpu.memory_space<vmem>>, %arg13: memref<512x32xf32, #tpu.memory_space<vmem>>, %arg14: memref<512x32xf32, #tpu.memory_space<vmem>>, %arg15: memref<10112x32xf32, #tpu.memory_space<vmem_shared>>, %arg16: memref<!tpu.dma_semaphore, #tpu.memory_space<semaphore_mem>>, %arg17: memref<!tpu.dma_semaphore, #tpu.memory_space<semaphore_mem>>, %arg18: memref<!tpu.dma_semaphore, #tpu.memory_space<semaphore_mem>>, %arg19: memref<!tpu.dma_semaphore, #tpu.memory_space<semaphore_mem>>, %arg20: memref<!tpu.dma_semaphore, #tpu.memory_space<semaphore_mem>>, %arg21: memref<!tpu.dma_semaphore, #tpu.memory_space<semaphore_mem>>, %arg22: memref<!tpu.dma_semaphore, #tpu.memory_space<semaphore_mem>>, %arg23: memref<!tpu.dma_semaphore, #tpu.memory_space<semaphore_mem>>, %arg24: memref<!tpu.dma_semaphore, #tpu.memory_space<semaphore_mem>>, %arg25: memref<!tpu.dma_semaphore, #tpu.memory_space<semaphore_mem>>, %arg26: memref<!tpu.dma_semaphore, #tpu.memory_space<semaphore_mem>>, %arg27: memref<!tpu.dma_semaphore, #tpu.memory_space<semaphore_mem>>) attributes {dimension_semantics = [#tpu.dimension_semantics<core_parallel>, #tpu.dimension_semantics<subcore_parallel>], iteration_bounds = array<i64: 2, 16>, scalar_prefetch = 0 : i64, scratch_operands = 21 : i64, tpu.core_type = #tpu.core_type<sc_vector_subcore>, window_params = [{transform_indices = #map}, {transform_indices = #map1}, {transform_indices = #map1}, {transform_indices = #map}, {transform_indices = #map}]} {
    %mul3A = arith.constant 2 : i32
    %mul3A_0 = arith.muli %arg1, %mul3A : i32
    %add3A = arith.addi %mul3A_0, %arg0 : i32
    %mul3A_1 = arith.constant 632 : i32
    %mul3A_2 = arith.muli %arg1, %mul3A_1 : i32
    %add3A_3 = arith.constant 0 : i32
    %add3A_4 = arith.addi %mul3A_2, %add3A_3 : i32
    "tpu.region"() ({
      %run_scoped3A = tpu.sem_alloc : memref<!tpu.dma_semaphore, #tpu.memory_space<semaphore_mem>>
      %dma_start3A_1915 = arith.constant 0 : i32
      %dma_start3A_1916 = arith.constant 0 : i32
      %dma_start3A_1917 = tpu.memref_slice %arg11[%dma_start3A_1915, %dma_start3A_1916] : memref<512x32xf32, #tpu.memory_space<vmem>> -> memref<512x32xf32, #tpu.memory_space<vmem>>
      %dma_start3A_1918 = arith.constant 0 : i32
      %dma_start3A_1919 = tpu.memref_slice %arg2[%add3A_4, %dma_start3A_1918] : memref<10112x32xf32, #tpu.memory_space<hbm>> -> memref<512x32xf32, #tpu.memory_space<hbm>>
      %dma_start3A_1920 = arith.constant 0 : i32
      %dma_start3A_1921 = arith.constant 0 : i32
      %dma_start3A_1922 = tpu.memref_slice %arg11[%dma_start3A_1920, %dma_start3A_1921] : memref<512x32xf32, #tpu.memory_space<vmem>> -> memref<512x32xf32, #tpu.memory_space<vmem>>
      %dma_start3A_1923 = arith.constant 0 : i32
      %dma_start3A_1924 = tpu.memref_slice %arg2[%add3A_4, %dma_start3A_1923] : memref<10112x32xf32, #tpu.memory_space<hbm>> -> memref<512x32xf32, #tpu.memory_space<hbm>>
      tpu.enqueue_dma source(%dma_start3A_1924 : memref<512x32xf32, #tpu.memory_space<hbm>>) target(%dma_start3A_1922 : memref<512x32xf32, #tpu.memory_space<vmem>>) target_semaphore(%run_scoped3A : memref<!tpu.dma_semaphore, #tpu.memory_space<semaphore_mem>>)
      %dma_wait3A_1925 = arith.constant 0 : i32
      %dma_wait3A_1926 = arith.constant 0 : i32
      %dma_wait3A_1927 = tpu.memref_slice %arg11[%dma_wait3A_1925, %dma_wait3A_1926] : memref<512x32xf32, #tpu.memory_space<vmem>> -> memref<512x32xf32, #tpu.memory_space<vmem>>
      %dma_wait3A_1928 = arith.constant 0 : i32
      %dma_wait3A_1929 = tpu.memref_slice %arg2[%add3A_4, %dma_wait3A_1928] : memref<10112x32xf32, #tpu.memory_space<hbm>> -> memref<512x32xf32, #tpu.memory_space<hbm>>
      %dma_wait3A_1930 = arith.constant 0 : i32
      %dma_wait3A_1931 = arith.constant 0 : i32
      %dma_wait3A_1932 = tpu.memref_slice %arg11[%dma_wait3A_1930, %dma_wait3A_1931] : memref<512x32xf32, #tpu.memory_space<vmem>> -> memref<512x32xf32, #tpu.memory_space<vmem>>
      %dma_wait3A_1933 = arith.constant 0 : i32
      %dma_wait3A_1934 = tpu.memref_slice %arg2[%add3A_4, %dma_wait3A_1933] : memref<10112x32xf32, #tpu.memory_space<hbm>> -> memref<512x32xf32, #tpu.memory_space<hbm>>
      tpu.wait_dma2 semaphore(%run_scoped3A : memref<!tpu.dma_semaphore, #tpu.memory_space<semaphore_mem>>) src(%dma_wait3A_1934 : memref<512x32xf32, #tpu.memory_space<hbm>>) dst(%dma_wait3A_1932 : memref<512x32xf32, #tpu.memory_space<vmem>>)
      tpu.yield
    }) : () -> ()
    %mul3A_5 = arith.constant 632 : i32
    %mul3A_6 = arith.muli %arg1, %mul3A_5 : i32
    %add3A_7 = arith.constant 0 : i32
    %add3A_8 = arith.addi %mul3A_6, %add3A_7 : i32
    "tpu.region"() ({
      %run_scoped3A = tpu.sem_alloc : memref<!tpu.dma_semaphore, #tpu.memory_space<semaphore_mem>>
      %dma_start3A_1915 = arith.constant 0 : i32
      %dma_start3A_1916 = arith.constant 0 : i32
      %dma_start3A_1917 = tpu.memref_slice %arg11[%dma_start3A_1915, %dma_start3A_1916] : memref<512x32xf32, #tpu.memory_space<vmem>> -> memref<512x32xf32, #tpu.memory_space<vmem>>
      %dma_start3A_1918 = arith.constant 0 : i32
      %dma_start3A_1919 = tpu.memref_slice %arg15[%add3A_8, %dma_start3A_1918] : memref<10112x32xf32, #tpu.memory_space<vmem_shared>> -> memref<512x32xf32, #tpu.memory_space<vmem_shared>>
      %dma_start3A_1920 = arith.constant 0 : i32
      %dma_start3A_1921 = tpu.memref_slice %arg15[%add3A_8, %dma_start3A_1920] : memref<10112x32xf32, #tpu.memory_space<vmem_shared>> -> memref<512x32xf32, #tpu.memory_space<vmem_shared>>
      %dma_start3A_1922 = arith.constant 0 : i32
      %dma_start3A_1923 = arith.constant 0 : i32
      %dma_start3A_1924 = tpu.memref_slice %arg11[%dma_start3A_1922, %dma_start3A_1923] : memref<512x32xf32, #tpu.memory_space<vmem>> -> memref<512x32xf32, #tpu.memory_space<vmem>>
      tpu.enqueue_dma source(%dma_start3A_1924 : memref<512x32xf32, #tpu.memory_space<vmem>>) target(%dma_start3A_1921 : memref<512x32xf32, #tpu.memory_space<vmem_shared>>) target_semaphore(%run_scoped3A : memref<!tpu.dma_semaphore, #tpu.memory_space<semaphore_mem>>)
      %dma_wait3A_1925 = arith.constant 0 : i32
      %dma_wait3A_1926 = arith.constant 0 : i32
      %dma_wait3A_1927 = tpu.memref_slice %arg11[%dma_wait3A_1925, %dma_wait3A_1926] : memref<512x32xf32, #tpu.memory_space<vmem>> -> memref<512x32xf32, #tpu.memory_space<vmem>>
      %dma_wait3A_1928 = arith.constant 0 : i32
      %dma_wait3A_1929 = tpu.memref_slice %arg15[%add3A_8, %dma_wait3A_1928] : memref<10112x32xf32, #tpu.memory_space<vmem_shared>> -> memref<512x32xf32, #tpu.memory_space<vmem_shared>>
      %dma_wait3A_1930 = arith.constant 0 : i32
      %dma_wait3A_1931 = tpu.memref_slice %arg15[%add3A_8, %dma_wait3A_1930] : memref<10112x32xf32, #tpu.memory_space<vmem_shared>> -> memref<512x32xf32, #tpu.memory_space<vmem_shared>>
      %dma_wait3A_1932 = arith.constant 0 : i32
      %dma_wait3A_1933 = arith.constant 0 : i32
      %dma_wait3A_1934 = tpu.memref_slice %arg11[%dma_wait3A_1932, %dma_wait3A_1933] : memref<512x32xf32, #tpu.memory_space<vmem>> -> memref<512x32xf32, #tpu.memory_space<vmem>>
      tpu.wait_dma2 semaphore(%run_scoped3A : memref<!tpu.dma_semaphore, #tpu.memory_space<semaphore_mem>>) src(%dma_wait3A_1934 : memref<512x32xf32, #tpu.memory_space<vmem>>) dst(%dma_wait3A_1931 : memref<512x32xf32, #tpu.memory_space<vmem_shared>>)
      tpu.yield
    }) : () -> ()
    %mul3A_9 = arith.constant 632 : i32
    %mul3A_10 = arith.muli %arg1, %mul3A_9 : i32
    %add3A_11 = arith.constant 512 : i32
    %add3A_12 = arith.addi %mul3A_10, %add3A_11 : i32
    "tpu.region"() ({
      %run_scoped3A = tpu.sem_alloc : memref<!tpu.dma_semaphore, #tpu.memory_space<semaphore_mem>>
      %dma_start3A_1915 = arith.constant 0 : i32
      %dma_start3A_1916 = arith.constant 0 : i32
      %dma_start3A_1917 = tpu.memref_slice %arg11[%dma_start3A_1915, %dma_start3A_1916] : memref<512x32xf32, #tpu.memory_space<vmem>> -> memref<120x32xf32, #tpu.memory_space<vmem>>
      %dma_start3A_1918 = arith.constant 0 : i32
      %dma_start3A_1919 = tpu.memref_slice %arg2[%add3A_12, %dma_start3A_1918] : memref<10112x32xf32, #tpu.memory_space<hbm>> -> memref<120x32xf32, #tpu.memory_space<hbm>>
      %dma_start3A_1920 = arith.constant 0 : i32
      %dma_start3A_1921 = arith.constant 0 : i32
      %dma_start3A_1922 = tpu.memref_slice %arg11[%dma_start3A_1920, %dma_start3A_1921] : memref<512x32xf32, #tpu.memory_space<vmem>> -> memref<120x32xf32, #tpu.memory_space<vmem>>
      %dma_start3A_1923 = arith.constant 0 : i32
      %dma_start3A_1924 = tpu.memref_slice %arg2[%add3A_12, %dma_start3A_1923] : memref<10112x32xf32, #tpu.memory_space<hbm>> -> memref<120x32xf32, #tpu.memory_space<hbm>>
      tpu.enqueue_dma source(%dma_start3A_1924 : memref<120x32xf32, #tpu.memory_space<hbm>>) target(%dma_start3A_1922 : memref<120x32xf32, #tpu.memory_space<vmem>>) target_semaphore(%run_scoped3A : memref<!tpu.dma_semaphore, #tpu.memory_space<semaphore_mem>>)
      %dma_wait3A_1925 = arith.constant 0 : i32
      %dma_wait3A_1926 = arith.constant 0 : i32
      %dma_wait3A_1927 = tpu.memref_slice %arg11[%dma_wait3A_1925, %dma_wait3A_1926] : memref<512x32xf32, #tpu.memory_space<vmem>> -> memref<120x32xf32, #tpu.memory_space<vmem>>
      %dma_wait3A_1928 = arith.constant 0 : i32
      %dma_wait3A_1929 = tpu.memref_slice %arg2[%add3A_12, %dma_wait3A_1928] : memref<10112x32xf32, #tpu.memory_space<hbm>> -> memref<120x32xf32, #tpu.memory_space<hbm>>
      %dma_wait3A_1930 = arith.constant 0 : i32
      %dma_wait3A_1931 = arith.constant 0 : i32
      %dma_wait3A_1932 = tpu.memref_slice %arg11[%dma_wait3A_1930, %dma_wait3A_1931] : memref<512x32xf32, #tpu.memory_space<vmem>> -> memref<120x32xf32, #tpu.memory_space<vmem>>
      %dma_wait3A_1933 = arith.constant 0 : i32
      %dma_wait3A_1934 = tpu.memref_slice %arg2[%add3A_12, %dma_wait3A_1933] : memref<10112x32xf32, #tpu.memory_space<hbm>> -> memref<120x32xf32, #tpu.memory_space<hbm>>
      tpu.wait_dma2 semaphore(%run_scoped3A : memref<!tpu.dma_semaphore, #tpu.memory_space<semaphore_mem>>) src(%dma_wait3A_1934 : memref<120x32xf32, #tpu.memory_space<hbm>>) dst(%dma_wait3A_1932 : memref<120x32xf32, #tpu.memory_space<vmem>>)
      tpu.yield
    }) : () -> ()
    %mul3A_13 = arith.constant 632 : i32
    %mul3A_14 = arith.muli %arg1, %mul3A_13 : i32
    %add3A_15 = arith.constant 512 : i32
    %add3A_16 = arith.addi %mul3A_14, %add3A_15 : i32
    "tpu.region"() ({
      %run_scoped3A = tpu.sem_alloc : memref<!tpu.dma_semaphore, #tpu.memory_space<semaphore_mem>>
      %dma_start3A_1915 = arith.constant 0 : i32
      %dma_start3A_1916 = arith.constant 0 : i32
      %dma_start3A_1917 = tpu.memref_slice %arg11[%dma_start3A_1915, %dma_start3A_1916] : memref<512x32xf32, #tpu.memory_space<vmem>> -> memref<120x32xf32, #tpu.memory_space<vmem>>
      %dma_start3A_1918 = arith.constant 0 : i32
      %dma_start3A_1919 = tpu.memref_slice %arg15[%add3A_16, %dma_start3A_1918] : memref<10112x32xf32, #tpu.memory_space<vmem_shared>> -> memref<120x32xf32, #tpu.memory_space<vmem_shared>>
      %dma_start3A_1920 = arith.constant 0 : i32
      %dma_start3A_1921 = tpu.memref_slice %arg15[%add3A_16, %dma_start3A_1920] : memref<10112x32xf32, #tpu.memory_space<vmem_shared>> -> memref<120x32xf32, #tpu.memory_space<vmem_shared>>
      %dma_start3A_1922 = arith.constant 0 : i32
      %dma_start3A_1923 = arith.constant 0 : i32
      %dma_start3A_1924 = tpu.memref_slice %arg11[%dma_start3A_1922, %dma_start3A_1923] : memref<512x32xf32, #tpu.memory_space<vmem>> -> memref<120x32xf32, #tpu.memory_space<vmem>>
      tpu.enqueue_dma source(%dma_start3A_1924 : memref<120x32xf32, #tpu.memory_space<vmem>>) target(%dma_start3A_1921 : memref<120x32xf32, #tpu.memory_space<vmem_shared>>) target_semaphore(%run_scoped3A : memref<!tpu.dma_semaphore, #tpu.memory_space<semaphore_mem>>)
      %dma_wait3A_1925 = arith.constant 0 : i32
      %dma_wait3A_1926 = arith.constant 0 : i32
      %dma_wait3A_1927 = tpu.memref_slice %arg11[%dma_wait3A_1925, %dma_wait3A_1926] : memref<512x32xf32, #tpu.memory_space<vmem>> -> memref<120x32xf32, #tpu.memory_space<vmem>>
      %dma_wait3A_1928 = arith.constant 0 : i32
      %dma_wait3A_1929 = tpu.memref_slice %arg15[%add3A_16, %dma_wait3A_1928] : memref<10112x32xf32, #tpu.memory_space<vmem_shared>> -> memref<120x32xf32, #tpu.memory_space<vmem_shared>>
      %dma_wait3A_1930 = arith.constant 0 : i32
      %dma_wait3A_1931 = tpu.memref_slice %arg15[%add3A_16, %dma_wait3A_1930] : memref<10112x32xf32, #tpu.memory_space<vmem_shared>> -> memref<120x32xf32, #tpu.memory_space<vmem_shared>>
      %dma_wait3A_1932 = arith.constant 0 : i32
      %dma_wait3A_1933 = arith.constant 0 : i32
      %dma_wait3A_1934 = tpu.memref_slice %arg11[%dma_wait3A_1932, %dma_wait3A_1933] : memref<512x32xf32, #tpu.memory_space<vmem>> -> memref<120x32xf32, #tpu.memory_space<vmem>>
      tpu.wait_dma2 semaphore(%run_scoped3A : memref<!tpu.dma_semaphore, #tpu.memory_space<semaphore_mem>>) src(%dma_wait3A_1934 : memref<120x32xf32, #tpu.memory_space<vmem>>) dst(%dma_wait3A_1931 : memref<120x32xf32, #tpu.memory_space<vmem_shared>>)
      tpu.yield
    }) : () -> ()
    %barrier3A = arith.constant 0 : index
    tpu.barrier barrier_id(%barrier3A)
    %add3A_17 = arith.constant 0 : i32
    %add3A_18 = arith.addi %add3A_17, %add3A : i32
    %mul3A_19 = arith.constant 512 : i32
    %mul3A_20 = arith.muli %add3A_18, %mul3A_19 : i32
    %mul3A_21 = arith.constant 128 : i32
    %mul3A_22 = arith.muli %add3A_18, %mul3A_21 : i32
    %mul3A_23 = arith.constant 512 : i32
    %mul3A_24 = arith.muli %add3A_18, %mul3A_23 : i32
    %mul3A_25 = arith.constant 128 : i32
    %mul3A_26 = arith.muli %add3A_18, %mul3A_25 : i32
    %add3A_27 = arith.constant 32 : i32
    %add3A_28 = arith.addi %add3A_27, %add3A : i32
    %mul3A_29 = arith.constant 512 : i32
    %mul3A_30 = arith.muli %add3A_28, %mul3A_29 : i32
    %mul3A_31 = arith.constant 128 : i32
    %mul3A_32 = arith.muli %add3A_28, %mul3A_31 : i32
    %mul3A_33 = arith.constant 512 : i32
    %mul3A_34 = arith.muli %add3A_28, %mul3A_33 : i32
    %mul3A_35 = arith.constant 128 : i32
    %mul3A_36 = arith.muli %add3A_28, %mul3A_35 : i32
    %add3A_37 = arith.constant 64 : i32
    %add3A_38 = arith.addi %add3A_37, %add3A : i32
    %mul3A_39 = arith.constant 512 : i32
    %mul3A_40 = arith.muli %add3A_38, %mul3A_39 : i32
    %mul3A_41 = arith.constant 128 : i32
    %mul3A_42 = arith.muli %add3A_38, %mul3A_41 : i32
    %mul3A_43 = arith.constant 512 : i32
    %mul3A_44 = arith.muli %add3A_38, %mul3A_43 : i32
    %mul3A_45 = arith.constant 128 : i32
    %mul3A_46 = arith.muli %add3A_38, %mul3A_45 : i32
    %add3A_47 = arith.constant 96 : i32
    %add3A_48 = arith.addi %add3A_47, %add3A : i32
    %mul3A_49 = arith.constant 512 : i32
    %mul3A_50 = arith.muli %add3A_48, %mul3A_49 : i32
    %mul3A_51 = arith.constant 128 : i32
    %mul3A_52 = arith.muli %add3A_48, %mul3A_51 : i32
    %mul3A_53 = arith.constant 512 : i32
    %mul3A_54 = arith.muli %add3A_48, %mul3A_53 : i32
    %mul3A_55 = arith.constant 128 : i32
    %mul3A_56 = arith.muli %add3A_48, %mul3A_55 : i32
    %add3A_57 = arith.constant 128 : i32
    %add3A_58 = arith.addi %add3A_57, %add3A : i32
    %mul3A_59 = arith.constant 512 : i32
    %mul3A_60 = arith.muli %add3A_58, %mul3A_59 : i32
    %mul3A_61 = arith.constant 128 : i32
    %mul3A_62 = arith.muli %add3A_58, %mul3A_61 : i32
    %mul3A_63 = arith.constant 512 : i32
    %mul3A_64 = arith.muli %add3A_58, %mul3A_63 : i32
    %mul3A_65 = arith.constant 128 : i32
    %mul3A_66 = arith.muli %add3A_58, %mul3A_65 : i32
    %add3A_67 = arith.constant 160 : i32
    %add3A_68 = arith.addi %add3A_67, %add3A : i32
    %mul3A_69 = arith.constant 512 : i32
    %mul3A_70 = arith.muli %add3A_68, %mul3A_69 : i32
    %mul3A_71 = arith.constant 128 : i32
    %mul3A_72 = arith.muli %add3A_68, %mul3A_71 : i32
    %mul3A_73 = arith.constant 512 : i32
    %mul3A_74 = arith.muli %add3A_68, %mul3A_73 : i32
    %mul3A_75 = arith.constant 128 : i32
    %mul3A_76 = arith.muli %add3A_68, %mul3A_75 : i32
    %add3A_77 = arith.constant 192 : i32
    %add3A_78 = arith.addi %add3A_77, %add3A : i32
    %mul3A_79 = arith.constant 512 : i32
    %mul3A_80 = arith.muli %add3A_78, %mul3A_79 : i32
    %mul3A_81 = arith.constant 128 : i32
    %mul3A_82 = arith.muli %add3A_78, %mul3A_81 : i32
    %mul3A_83 = arith.constant 512 : i32
    %mul3A_84 = arith.muli %add3A_78, %mul3A_83 : i32
    %mul3A_85 = arith.constant 128 : i32
    %mul3A_86 = arith.muli %add3A_78, %mul3A_85 : i32
    %add3A_87 = arith.constant 224 : i32
    %add3A_88 = arith.addi %add3A_87, %add3A : i32
    %mul3A_89 = arith.constant 512 : i32
    %mul3A_90 = arith.muli %add3A_88, %mul3A_89 : i32
    %mul3A_91 = arith.constant 128 : i32
    %mul3A_92 = arith.muli %add3A_88, %mul3A_91 : i32
    %mul3A_93 = arith.constant 512 : i32
    %mul3A_94 = arith.muli %add3A_88, %mul3A_93 : i32
    %mul3A_95 = arith.constant 128 : i32
    %mul3A_96 = arith.muli %add3A_88, %mul3A_95 : i32
    %add3A_97 = arith.constant 256 : i32
    %add3A_98 = arith.addi %add3A_97, %add3A : i32
    %mul3A_99 = arith.constant 512 : i32
    %mul3A_100 = arith.muli %add3A_98, %mul3A_99 : i32
    %mul3A_101 = arith.constant 128 : i32
    %mul3A_102 = arith.muli %add3A_98, %mul3A_101 : i32
    %mul3A_103 = arith.constant 512 : i32
    %mul3A_104 = arith.muli %add3A_98, %mul3A_103 : i32
    %mul3A_105 = arith.constant 128 : i32
    %mul3A_106 = arith.muli %add3A_98, %mul3A_105 : i32
    %add3A_107 = arith.constant 288 : i32
    %add3A_108 = arith.addi %add3A_107, %add3A : i32
    %mul3A_109 = arith.constant 512 : i32
    %mul3A_110 = arith.muli %add3A_108, %mul3A_109 : i32
    %mul3A_111 = arith.constant 128 : i32
    %mul3A_112 = arith.muli %add3A_108, %mul3A_111 : i32
    %mul3A_113 = arith.constant 512 : i32
    %mul3A_114 = arith.muli %add3A_108, %mul3A_113 : i32
    %mul3A_115 = arith.constant 128 : i32
    %mul3A_116 = arith.muli %add3A_108, %mul3A_115 : i32
    %dma_start3A = tpu.memref_slice %arg3[%mul3A_20] : memref<163840xi32, #tpu.memory_space<hbm>> -> memref<512xi32, #tpu.memory_space<hbm>>
    %dma_start3A_117 = tpu.memref_slice %arg3[%mul3A_20] : memref<163840xi32, #tpu.memory_space<hbm>> -> memref<512xi32, #tpu.memory_space<hbm>>
    tpu.enqueue_dma source(%dma_start3A_117 : memref<512xi32, #tpu.memory_space<hbm>>) target(%arg7 : memref<512xi32, #tpu.memory_space<vmem>>) target_semaphore(%arg16 : memref<!tpu.dma_semaphore, #tpu.memory_space<semaphore_mem>>)
    %dma_start3A_118 = tpu.memref_slice %arg4[%mul3A_24] : memref<163840xi32, #tpu.memory_space<hbm>> -> memref<512xi32, #tpu.memory_space<hbm>>
    %dma_start3A_119 = tpu.memref_slice %arg4[%mul3A_24] : memref<163840xi32, #tpu.memory_space<hbm>> -> memref<512xi32, #tpu.memory_space<hbm>>
    tpu.enqueue_dma source(%dma_start3A_119 : memref<512xi32, #tpu.memory_space<hbm>>) target(%arg8 : memref<512xi32, #tpu.memory_space<vmem>>) target_semaphore(%arg17 : memref<!tpu.dma_semaphore, #tpu.memory_space<semaphore_mem>>)
    %dma_start3A_120 = tpu.memref_slice %arg3[%mul3A_30] : memref<163840xi32, #tpu.memory_space<hbm>> -> memref<512xi32, #tpu.memory_space<hbm>>
    %dma_start3A_121 = tpu.memref_slice %arg3[%mul3A_30] : memref<163840xi32, #tpu.memory_space<hbm>> -> memref<512xi32, #tpu.memory_space<hbm>>
    tpu.enqueue_dma source(%dma_start3A_121 : memref<512xi32, #tpu.memory_space<hbm>>) target(%arg9 : memref<512xi32, #tpu.memory_space<vmem>>) target_semaphore(%arg18 : memref<!tpu.dma_semaphore, #tpu.memory_space<semaphore_mem>>)
    %dma_start3A_122 = tpu.memref_slice %arg4[%mul3A_34] : memref<163840xi32, #tpu.memory_space<hbm>> -> memref<512xi32, #tpu.memory_space<hbm>>
    %dma_start3A_123 = tpu.memref_slice %arg4[%mul3A_34] : memref<163840xi32, #tpu.memory_space<hbm>> -> memref<512xi32, #tpu.memory_space<hbm>>
    tpu.enqueue_dma source(%dma_start3A_123 : memref<512xi32, #tpu.memory_space<hbm>>) target(%arg10 : memref<512xi32, #tpu.memory_space<vmem>>) target_semaphore(%arg19 : memref<!tpu.dma_semaphore, #tpu.memory_space<semaphore_mem>>)
    %dma_wait3A = tpu.memref_slice %arg3[%mul3A_20] : memref<163840xi32, #tpu.memory_space<hbm>> -> memref<512xi32, #tpu.memory_space<hbm>>
    %dma_wait3A_124 = tpu.memref_slice %arg3[%mul3A_20] : memref<163840xi32, #tpu.memory_space<hbm>> -> memref<512xi32, #tpu.memory_space<hbm>>
    tpu.wait_dma2 semaphore(%arg16 : memref<!tpu.dma_semaphore, #tpu.memory_space<semaphore_mem>>) src(%dma_wait3A_124 : memref<512xi32, #tpu.memory_space<hbm>>) dst(%arg7 : memref<512xi32, #tpu.memory_space<vmem>>)
    %dma_start3A_125 = arith.constant 0 : i32
    %dma_start3A_126 = arith.constant 0 : i32
    %dma_start3A_127 = tpu.memref_slice %arg15[%dma_start3A_125, %dma_start3A_126] : memref<10112x32xf32, #tpu.memory_space<vmem_shared>> -> memref<10112x32xf32, #tpu.memory_space<vmem_shared>>
    tpu.enqueue_indirect_dma source(%dma_start3A_127 : memref<10112x32xf32, #tpu.memory_space<vmem_shared>>) target(%arg11 : memref<512x32xf32, #tpu.memory_space<vmem>>) offsets(%arg7 : memref<512xi32, #tpu.memory_space<vmem>>) semaphore(%arg20 : memref<!tpu.dma_semaphore, #tpu.memory_space<semaphore_mem>>)
    %dma_wait3A_128 = tpu.memref_slice %arg4[%mul3A_24] : memref<163840xi32, #tpu.memory_space<hbm>> -> memref<512xi32, #tpu.memory_space<hbm>>
    %dma_wait3A_129 = tpu.memref_slice %arg4[%mul3A_24] : memref<163840xi32, #tpu.memory_space<hbm>> -> memref<512xi32, #tpu.memory_space<hbm>>
    tpu.wait_dma2 semaphore(%arg17 : memref<!tpu.dma_semaphore, #tpu.memory_space<semaphore_mem>>) src(%dma_wait3A_129 : memref<512xi32, #tpu.memory_space<hbm>>) dst(%arg8 : memref<512xi32, #tpu.memory_space<vmem>>)
    %dma_start3A_130 = arith.constant 0 : i32
    %dma_start3A_131 = arith.constant 0 : i32
    %dma_start3A_132 = tpu.memref_slice %arg15[%dma_start3A_130, %dma_start3A_131] : memref<10112x32xf32, #tpu.memory_space<vmem_shared>> -> memref<10112x32xf32, #tpu.memory_space<vmem_shared>>
    tpu.enqueue_indirect_dma source(%dma_start3A_132 : memref<10112x32xf32, #tpu.memory_space<vmem_shared>>) target(%arg12 : memref<512x32xf32, #tpu.memory_space<vmem>>) offsets(%arg8 : memref<512xi32, #tpu.memory_space<vmem>>) semaphore(%arg21 : memref<!tpu.dma_semaphore, #tpu.memory_space<semaphore_mem>>)
    %dma_wait3A_133 = arith.constant 0 : i32
    %dma_wait3A_134 = arith.constant 0 : i32
    %dma_wait3A_135 = tpu.memref_slice %arg15[%dma_wait3A_133, %dma_wait3A_134] : memref<10112x32xf32, #tpu.memory_space<vmem_shared>> -> memref<10112x32xf32, #tpu.memory_space<vmem_shared>>
    tpu.wait_indirect_dma semaphore(%arg20 : memref<!tpu.dma_semaphore, #tpu.memory_space<semaphore_mem>>) src(%dma_wait3A_135 : memref<10112x32xf32, #tpu.memory_space<vmem_shared>>) dst(%arg11 : memref<512x32xf32, #tpu.memory_space<vmem>>)
    %dma_wait3A_136 = tpu.memref_slice %arg3[%mul3A_30] : memref<163840xi32, #tpu.memory_space<hbm>> -> memref<512xi32, #tpu.memory_space<hbm>>
    %dma_wait3A_137 = tpu.memref_slice %arg3[%mul3A_30] : memref<163840xi32, #tpu.memory_space<hbm>> -> memref<512xi32, #tpu.memory_space<hbm>>
    tpu.wait_dma2 semaphore(%arg18 : memref<!tpu.dma_semaphore, #tpu.memory_space<semaphore_mem>>) src(%dma_wait3A_137 : memref<512xi32, #tpu.memory_space<hbm>>) dst(%arg9 : memref<512xi32, #tpu.memory_space<vmem>>)
    %dma_start3A_138 = arith.constant 0 : i32
    %dma_start3A_139 = arith.constant 0 : i32
    %dma_start3A_140 = tpu.memref_slice %arg15[%dma_start3A_138, %dma_start3A_139] : memref<10112x32xf32, #tpu.memory_space<vmem_shared>> -> memref<10112x32xf32, #tpu.memory_space<vmem_shared>>
    tpu.enqueue_indirect_dma source(%dma_start3A_140 : memref<10112x32xf32, #tpu.memory_space<vmem_shared>>) target(%arg13 : memref<512x32xf32, #tpu.memory_space<vmem>>) offsets(%arg9 : memref<512xi32, #tpu.memory_space<vmem>>) semaphore(%arg22 : memref<!tpu.dma_semaphore, #tpu.memory_space<semaphore_mem>>)
    %dma_start3A_141 = arith.constant 0 : i32
    %dma_start3A_142 = arith.constant 0 : i32
    %dma_start3A_143 = tpu.memref_slice %arg11[%dma_start3A_141, %dma_start3A_142] : memref<512x32xf32, #tpu.memory_space<vmem>> -> memref<128x32xf32, #tpu.memory_space<vmem>>
    %dma_start3A_144 = arith.constant 0 : i32
    %dma_start3A_145 = tpu.memref_slice %arg5[%mul3A_22, %dma_start3A_144] : memref<40960x128xf32, #tpu.memory_space<hbm>> -> memref<128x32xf32, #tpu.memory_space<hbm>>
    %dma_start3A_146 = arith.constant 0 : i32
    %dma_start3A_147 = tpu.memref_slice %arg5[%mul3A_22, %dma_start3A_146] : memref<40960x128xf32, #tpu.memory_space<hbm>> -> memref<128x32xf32, #tpu.memory_space<hbm>>
    %dma_start3A_148 = arith.constant 0 : i32
    %dma_start3A_149 = arith.constant 0 : i32
    %dma_start3A_150 = tpu.memref_slice %arg11[%dma_start3A_148, %dma_start3A_149] : memref<512x32xf32, #tpu.memory_space<vmem>> -> memref<128x32xf32, #tpu.memory_space<vmem>>
    tpu.enqueue_dma source(%dma_start3A_150 : memref<128x32xf32, #tpu.memory_space<vmem>>) target(%dma_start3A_147 : memref<128x32xf32, #tpu.memory_space<hbm>>) target_semaphore(%arg24 : memref<!tpu.dma_semaphore, #tpu.memory_space<semaphore_mem>>)
    %dma_start3A_151 = arith.constant 128 : i32
    %dma_start3A_152 = arith.constant 0 : i32
    %dma_start3A_153 = tpu.memref_slice %arg11[%dma_start3A_151, %dma_start3A_152] : memref<512x32xf32, #tpu.memory_space<vmem>> -> memref<128x32xf32, #tpu.memory_space<vmem>>
    %dma_start3A_154 = arith.constant 32 : i32
    %dma_start3A_155 = tpu.memref_slice %arg5[%mul3A_22, %dma_start3A_154] : memref<40960x128xf32, #tpu.memory_space<hbm>> -> memref<128x32xf32, #tpu.memory_space<hbm>>
    %dma_start3A_156 = arith.constant 32 : i32
    %dma_start3A_157 = tpu.memref_slice %arg5[%mul3A_22, %dma_start3A_156] : memref<40960x128xf32, #tpu.memory_space<hbm>> -> memref<128x32xf32, #tpu.memory_space<hbm>>
    %dma_start3A_158 = arith.constant 128 : i32
    %dma_start3A_159 = arith.constant 0 : i32
    %dma_start3A_160 = tpu.memref_slice %arg11[%dma_start3A_158, %dma_start3A_159] : memref<512x32xf32, #tpu.memory_space<vmem>> -> memref<128x32xf32, #tpu.memory_space<vmem>>
    tpu.enqueue_dma source(%dma_start3A_160 : memref<128x32xf32, #tpu.memory_space<vmem>>) target(%dma_start3A_157 : memref<128x32xf32, #tpu.memory_space<hbm>>) target_semaphore(%arg24 : memref<!tpu.dma_semaphore, #tpu.memory_space<semaphore_mem>>)
    %dma_start3A_161 = arith.constant 256 : i32
    %dma_start3A_162 = arith.constant 0 : i32
    %dma_start3A_163 = tpu.memref_slice %arg11[%dma_start3A_161, %dma_start3A_162] : memref<512x32xf32, #tpu.memory_space<vmem>> -> memref<128x32xf32, #tpu.memory_space<vmem>>
    %dma_start3A_164 = arith.constant 64 : i32
    %dma_start3A_165 = tpu.memref_slice %arg5[%mul3A_22, %dma_start3A_164] : memref<40960x128xf32, #tpu.memory_space<hbm>> -> memref<128x32xf32, #tpu.memory_space<hbm>>
    %dma_start3A_166 = arith.constant 64 : i32
    %dma_start3A_167 = tpu.memref_slice %arg5[%mul3A_22, %dma_start3A_166] : memref<40960x128xf32, #tpu.memory_space<hbm>> -> memref<128x32xf32, #tpu.memory_space<hbm>>
    %dma_start3A_168 = arith.constant 256 : i32
    %dma_start3A_169 = arith.constant 0 : i32
    %dma_start3A_170 = tpu.memref_slice %arg11[%dma_start3A_168, %dma_start3A_169] : memref<512x32xf32, #tpu.memory_space<vmem>> -> memref<128x32xf32, #tpu.memory_space<vmem>>
    tpu.enqueue_dma source(%dma_start3A_170 : memref<128x32xf32, #tpu.memory_space<vmem>>) target(%dma_start3A_167 : memref<128x32xf32, #tpu.memory_space<hbm>>) target_semaphore(%arg24 : memref<!tpu.dma_semaphore, #tpu.memory_space<semaphore_mem>>)
    %dma_start3A_171 = arith.constant 384 : i32
    %dma_start3A_172 = arith.constant 0 : i32
    %dma_start3A_173 = tpu.memref_slice %arg11[%dma_start3A_171, %dma_start3A_172] : memref<512x32xf32, #tpu.memory_space<vmem>> -> memref<128x32xf32, #tpu.memory_space<vmem>>
    %dma_start3A_174 = arith.constant 96 : i32
    %dma_start3A_175 = tpu.memref_slice %arg5[%mul3A_22, %dma_start3A_174] : memref<40960x128xf32, #tpu.memory_space<hbm>> -> memref<128x32xf32, #tpu.memory_space<hbm>>
    %dma_start3A_176 = arith.constant 96 : i32
    %dma_start3A_177 = tpu.memref_slice %arg5[%mul3A_22, %dma_start3A_176] : memref<40960x128xf32, #tpu.memory_space<hbm>> -> memref<128x32xf32, #tpu.memory_space<hbm>>
    %dma_start3A_178 = arith.constant 384 : i32
    %dma_start3A_179 = arith.constant 0 : i32
    %dma_start3A_180 = tpu.memref_slice %arg11[%dma_start3A_178, %dma_start3A_179] : memref<512x32xf32, #tpu.memory_space<vmem>> -> memref<128x32xf32, #tpu.memory_space<vmem>>
    tpu.enqueue_dma source(%dma_start3A_180 : memref<128x32xf32, #tpu.memory_space<vmem>>) target(%dma_start3A_177 : memref<128x32xf32, #tpu.memory_space<hbm>>) target_semaphore(%arg24 : memref<!tpu.dma_semaphore, #tpu.memory_space<semaphore_mem>>)
    %dma_start3A_181 = tpu.memref_slice %arg3[%mul3A_40] : memref<163840xi32, #tpu.memory_space<hbm>> -> memref<512xi32, #tpu.memory_space<hbm>>
    %dma_start3A_182 = tpu.memref_slice %arg3[%mul3A_40] : memref<163840xi32, #tpu.memory_space<hbm>> -> memref<512xi32, #tpu.memory_space<hbm>>
    tpu.enqueue_dma source(%dma_start3A_182 : memref<512xi32, #tpu.memory_space<hbm>>) target(%arg7 : memref<512xi32, #tpu.memory_space<vmem>>) target_semaphore(%arg16 : memref<!tpu.dma_semaphore, #tpu.memory_space<semaphore_mem>>)
    %dma_wait3A_183 = arith.constant 0 : i32
    %dma_wait3A_184 = arith.constant 0 : i32
    %dma_wait3A_185 = tpu.memref_slice %arg15[%dma_wait3A_183, %dma_wait3A_184] : memref<10112x32xf32, #tpu.memory_space<vmem_shared>> -> memref<10112x32xf32, #tpu.memory_space<vmem_shared>>
    tpu.wait_indirect_dma semaphore(%arg21 : memref<!tpu.dma_semaphore, #tpu.memory_space<semaphore_mem>>) src(%dma_wait3A_185 : memref<10112x32xf32, #tpu.memory_space<vmem_shared>>) dst(%arg12 : memref<512x32xf32, #tpu.memory_space<vmem>>)
    %dma_wait3A_186 = tpu.memref_slice %arg4[%mul3A_34] : memref<163840xi32, #tpu.memory_space<hbm>> -> memref<512xi32, #tpu.memory_space<hbm>>
    %dma_wait3A_187 = tpu.memref_slice %arg4[%mul3A_34] : memref<163840xi32, #tpu.memory_space<hbm>> -> memref<512xi32, #tpu.memory_space<hbm>>
    tpu.wait_dma2 semaphore(%arg19 : memref<!tpu.dma_semaphore, #tpu.memory_space<semaphore_mem>>) src(%dma_wait3A_187 : memref<512xi32, #tpu.memory_space<hbm>>) dst(%arg10 : memref<512xi32, #tpu.memory_space<vmem>>)
    %dma_start3A_188 = arith.constant 0 : i32
    %dma_start3A_189 = arith.constant 0 : i32
    %dma_start3A_190 = tpu.memref_slice %arg15[%dma_start3A_188, %dma_start3A_189] : memref<10112x32xf32, #tpu.memory_space<vmem_shared>> -> memref<10112x32xf32, #tpu.memory_space<vmem_shared>>
    tpu.enqueue_indirect_dma source(%dma_start3A_190 : memref<10112x32xf32, #tpu.memory_space<vmem_shared>>) target(%arg14 : memref<512x32xf32, #tpu.memory_space<vmem>>) offsets(%arg10 : memref<512xi32, #tpu.memory_space<vmem>>) semaphore(%arg23 : memref<!tpu.dma_semaphore, #tpu.memory_space<semaphore_mem>>)
    %dma_start3A_191 = arith.constant 0 : i32
    %dma_start3A_192 = arith.constant 0 : i32
    %dma_start3A_193 = tpu.memref_slice %arg12[%dma_start3A_191, %dma_start3A_192] : memref<512x32xf32, #tpu.memory_space<vmem>> -> memref<128x32xf32, #tpu.memory_space<vmem>>
    %dma_start3A_194 = arith.constant 0 : i32
    %dma_start3A_195 = tpu.memref_slice %arg6[%mul3A_26, %dma_start3A_194] : memref<40960x128xf32, #tpu.memory_space<hbm>> -> memref<128x32xf32, #tpu.memory_space<hbm>>
    %dma_start3A_196 = arith.constant 0 : i32
    %dma_start3A_197 = tpu.memref_slice %arg6[%mul3A_26, %dma_start3A_196] : memref<40960x128xf32, #tpu.memory_space<hbm>> -> memref<128x32xf32, #tpu.memory_space<hbm>>
    %dma_start3A_198 = arith.constant 0 : i32
    %dma_start3A_199 = arith.constant 0 : i32
    %dma_start3A_200 = tpu.memref_slice %arg12[%dma_start3A_198, %dma_start3A_199] : memref<512x32xf32, #tpu.memory_space<vmem>> -> memref<128x32xf32, #tpu.memory_space<vmem>>
    tpu.enqueue_dma source(%dma_start3A_200 : memref<128x32xf32, #tpu.memory_space<vmem>>) target(%dma_start3A_197 : memref<128x32xf32, #tpu.memory_space<hbm>>) target_semaphore(%arg25 : memref<!tpu.dma_semaphore, #tpu.memory_space<semaphore_mem>>)
    %dma_start3A_201 = arith.constant 128 : i32
    %dma_start3A_202 = arith.constant 0 : i32
    %dma_start3A_203 = tpu.memref_slice %arg12[%dma_start3A_201, %dma_start3A_202] : memref<512x32xf32, #tpu.memory_space<vmem>> -> memref<128x32xf32, #tpu.memory_space<vmem>>
    %dma_start3A_204 = arith.constant 32 : i32
    %dma_start3A_205 = tpu.memref_slice %arg6[%mul3A_26, %dma_start3A_204] : memref<40960x128xf32, #tpu.memory_space<hbm>> -> memref<128x32xf32, #tpu.memory_space<hbm>>
    %dma_start3A_206 = arith.constant 32 : i32
    %dma_start3A_207 = tpu.memref_slice %arg6[%mul3A_26, %dma_start3A_206] : memref<40960x128xf32, #tpu.memory_space<hbm>> -> memref<128x32xf32, #tpu.memory_space<hbm>>
    %dma_start3A_208 = arith.constant 128 : i32
    %dma_start3A_209 = arith.constant 0 : i32
    %dma_start3A_210 = tpu.memref_slice %arg12[%dma_start3A_208, %dma_start3A_209] : memref<512x32xf32, #tpu.memory_space<vmem>> -> memref<128x32xf32, #tpu.memory_space<vmem>>
    tpu.enqueue_dma source(%dma_start3A_210 : memref<128x32xf32, #tpu.memory_space<vmem>>) target(%dma_start3A_207 : memref<128x32xf32, #tpu.memory_space<hbm>>) target_semaphore(%arg25 : memref<!tpu.dma_semaphore, #tpu.memory_space<semaphore_mem>>)
    %dma_start3A_211 = arith.constant 256 : i32
    %dma_start3A_212 = arith.constant 0 : i32
    %dma_start3A_213 = tpu.memref_slice %arg12[%dma_start3A_211, %dma_start3A_212] : memref<512x32xf32, #tpu.memory_space<vmem>> -> memref<128x32xf32, #tpu.memory_space<vmem>>
    %dma_start3A_214 = arith.constant 64 : i32
    %dma_start3A_215 = tpu.memref_slice %arg6[%mul3A_26, %dma_start3A_214] : memref<40960x128xf32, #tpu.memory_space<hbm>> -> memref<128x32xf32, #tpu.memory_space<hbm>>
    %dma_start3A_216 = arith.constant 64 : i32
    %dma_start3A_217 = tpu.memref_slice %arg6[%mul3A_26, %dma_start3A_216] : memref<40960x128xf32, #tpu.memory_space<hbm>> -> memref<128x32xf32, #tpu.memory_space<hbm>>
    %dma_start3A_218 = arith.constant 256 : i32
    %dma_start3A_219 = arith.constant 0 : i32
    %dma_start3A_220 = tpu.memref_slice %arg12[%dma_start3A_218, %dma_start3A_219] : memref<512x32xf32, #tpu.memory_space<vmem>> -> memref<128x32xf32, #tpu.memory_space<vmem>>
    tpu.enqueue_dma source(%dma_start3A_220 : memref<128x32xf32, #tpu.memory_space<vmem>>) target(%dma_start3A_217 : memref<128x32xf32, #tpu.memory_space<hbm>>) target_semaphore(%arg25 : memref<!tpu.dma_semaphore, #tpu.memory_space<semaphore_mem>>)
    %dma_start3A_221 = arith.constant 384 : i32
    %dma_start3A_222 = arith.constant 0 : i32
    %dma_start3A_223 = tpu.memref_slice %arg12[%dma_start3A_221, %dma_start3A_222] : memref<512x32xf32, #tpu.memory_space<vmem>> -> memref<128x32xf32, #tpu.memory_space<vmem>>
    %dma_start3A_224 = arith.constant 96 : i32
    %dma_start3A_225 = tpu.memref_slice %arg6[%mul3A_26, %dma_start3A_224] : memref<40960x128xf32, #tpu.memory_space<hbm>> -> memref<128x32xf32, #tpu.memory_space<hbm>>
    %dma_start3A_226 = arith.constant 96 : i32
    %dma_start3A_227 = tpu.memref_slice %arg6[%mul3A_26, %dma_start3A_226] : memref<40960x128xf32, #tpu.memory_space<hbm>> -> memref<128x32xf32, #tpu.memory_space<hbm>>
    %dma_start3A_228 = arith.constant 384 : i32
    %dma_start3A_229 = arith.constant 0 : i32
    %dma_start3A_230 = tpu.memref_slice %arg12[%dma_start3A_228, %dma_start3A_229] : memref<512x32xf32, #tpu.memory_space<vmem>> -> memref<128x32xf32, #tpu.memory_space<vmem>>
    tpu.enqueue_dma source(%dma_start3A_230 : memref<128x32xf32, #tpu.memory_space<vmem>>) target(%dma_start3A_227 : memref<128x32xf32, #tpu.memory_space<hbm>>) target_semaphore(%arg25 : memref<!tpu.dma_semaphore, #tpu.memory_space<semaphore_mem>>)
    %dma_start3A_231 = tpu.memref_slice %arg4[%mul3A_44] : memref<163840xi32, #tpu.memory_space<hbm>> -> memref<512xi32, #tpu.memory_space<hbm>>
    %dma_start3A_232 = tpu.memref_slice %arg4[%mul3A_44] : memref<163840xi32, #tpu.memory_space<hbm>> -> memref<512xi32, #tpu.memory_space<hbm>>
    tpu.enqueue_dma source(%dma_start3A_232 : memref<512xi32, #tpu.memory_space<hbm>>) target(%arg8 : memref<512xi32, #tpu.memory_space<vmem>>) target_semaphore(%arg17 : memref<!tpu.dma_semaphore, #tpu.memory_space<semaphore_mem>>)
    %dma_wait3A_233 = arith.constant 0 : i32
    %dma_wait3A_234 = arith.constant 0 : i32
    %dma_wait3A_235 = tpu.memref_slice %arg15[%dma_wait3A_233, %dma_wait3A_234] : memref<10112x32xf32, #tpu.memory_space<vmem_shared>> -> memref<10112x32xf32, #tpu.memory_space<vmem_shared>>
    tpu.wait_indirect_dma semaphore(%arg22 : memref<!tpu.dma_semaphore, #tpu.memory_space<semaphore_mem>>) src(%dma_wait3A_235 : memref<10112x32xf32, #tpu.memory_space<vmem_shared>>) dst(%arg13 : memref<512x32xf32, #tpu.memory_space<vmem>>)
    %dma_wait3A_236 = tpu.memref_slice %arg3[%mul3A_40] : memref<163840xi32, #tpu.memory_space<hbm>> -> memref<512xi32, #tpu.memory_space<hbm>>
    %dma_wait3A_237 = tpu.memref_slice %arg3[%mul3A_40] : memref<163840xi32, #tpu.memory_space<hbm>> -> memref<512xi32, #tpu.memory_space<hbm>>
    tpu.wait_dma2 semaphore(%arg16 : memref<!tpu.dma_semaphore, #tpu.memory_space<semaphore_mem>>) src(%dma_wait3A_237 : memref<512xi32, #tpu.memory_space<hbm>>) dst(%arg7 : memref<512xi32, #tpu.memory_space<vmem>>)
    %dma_wait3A_238 = arith.constant 0 : i32
    %dma_wait3A_239 = arith.constant 0 : i32
    %dma_wait3A_240 = tpu.memref_slice %arg11[%dma_wait3A_238, %dma_wait3A_239] : memref<512x32xf32, #tpu.memory_space<vmem>> -> memref<128x32xf32, #tpu.memory_space<vmem>>
    %dma_wait3A_241 = arith.constant 0 : i32
    %dma_wait3A_242 = tpu.memref_slice %arg5[%mul3A_22, %dma_wait3A_241] : memref<40960x128xf32, #tpu.memory_space<hbm>> -> memref<128x32xf32, #tpu.memory_space<hbm>>
    %dma_wait3A_243 = arith.constant 0 : i32
    %dma_wait3A_244 = tpu.memref_slice %arg5[%mul3A_22, %dma_wait3A_243] : memref<40960x128xf32, #tpu.memory_space<hbm>> -> memref<128x32xf32, #tpu.memory_space<hbm>>
    %dma_wait3A_245 = arith.constant 0 : i32
    %dma_wait3A_246 = arith.constant 0 : i32
    %dma_wait3A_247 = tpu.memref_slice %arg11[%dma_wait3A_245, %dma_wait3A_246] : memref<512x32xf32, #tpu.memory_space<vmem>> -> memref<128x32xf32, #tpu.memory_space<vmem>>
    tpu.wait_dma2 semaphore(%arg24 : memref<!tpu.dma_semaphore, #tpu.memory_space<semaphore_mem>>) src(%dma_wait3A_247 : memref<128x32xf32, #tpu.memory_space<vmem>>) dst(%dma_wait3A_244 : memref<128x32xf32, #tpu.memory_space<hbm>>)
    %dma_wait3A_248 = arith.constant 128 : i32
    %dma_wait3A_249 = arith.constant 0 : i32
    %dma_wait3A_250 = tpu.memref_slice %arg11[%dma_wait3A_248, %dma_wait3A_249] : memref<512x32xf32, #tpu.memory_space<vmem>> -> memref<128x32xf32, #tpu.memory_space<vmem>>
    %dma_wait3A_251 = arith.constant 32 : i32
    %dma_wait3A_252 = tpu.memref_slice %arg5[%mul3A_22, %dma_wait3A_251] : memref<40960x128xf32, #tpu.memory_space<hbm>> -> memref<128x32xf32, #tpu.memory_space<hbm>>
    %dma_wait3A_253 = arith.constant 32 : i32
    %dma_wait3A_254 = tpu.memref_slice %arg5[%mul3A_22, %dma_wait3A_253] : memref<40960x128xf32, #tpu.memory_space<hbm>> -> memref<128x32xf32, #tpu.memory_space<hbm>>
    %dma_wait3A_255 = arith.constant 128 : i32
    %dma_wait3A_256 = arith.constant 0 : i32
    %dma_wait3A_257 = tpu.memref_slice %arg11[%dma_wait3A_255, %dma_wait3A_256] : memref<512x32xf32, #tpu.memory_space<vmem>> -> memref<128x32xf32, #tpu.memory_space<vmem>>
    tpu.wait_dma2 semaphore(%arg24 : memref<!tpu.dma_semaphore, #tpu.memory_space<semaphore_mem>>) src(%dma_wait3A_257 : memref<128x32xf32, #tpu.memory_space<vmem>>) dst(%dma_wait3A_254 : memref<128x32xf32, #tpu.memory_space<hbm>>)
    %dma_wait3A_258 = arith.constant 256 : i32
    %dma_wait3A_259 = arith.constant 0 : i32
    %dma_wait3A_260 = tpu.memref_slice %arg11[%dma_wait3A_258, %dma_wait3A_259] : memref<512x32xf32, #tpu.memory_space<vmem>> -> memref<128x32xf32, #tpu.memory_space<vmem>>
    %dma_wait3A_261 = arith.constant 64 : i32
    %dma_wait3A_262 = tpu.memref_slice %arg5[%mul3A_22, %dma_wait3A_261] : memref<40960x128xf32, #tpu.memory_space<hbm>> -> memref<128x32xf32, #tpu.memory_space<hbm>>
    %dma_wait3A_263 = arith.constant 64 : i32
    %dma_wait3A_264 = tpu.memref_slice %arg5[%mul3A_22, %dma_wait3A_263] : memref<40960x128xf32, #tpu.memory_space<hbm>> -> memref<128x32xf32, #tpu.memory_space<hbm>>
    %dma_wait3A_265 = arith.constant 256 : i32
    %dma_wait3A_266 = arith.constant 0 : i32
    %dma_wait3A_267 = tpu.memref_slice %arg11[%dma_wait3A_265, %dma_wait3A_266] : memref<512x32xf32, #tpu.memory_space<vmem>> -> memref<128x32xf32, #tpu.memory_space<vmem>>
    tpu.wait_dma2 semaphore(%arg24 : memref<!tpu.dma_semaphore, #tpu.memory_space<semaphore_mem>>) src(%dma_wait3A_267 : memref<128x32xf32, #tpu.memory_space<vmem>>) dst(%dma_wait3A_264 : memref<128x32xf32, #tpu.memory_space<hbm>>)
    %dma_wait3A_268 = arith.constant 384 : i32
    %dma_wait3A_269 = arith.constant 0 : i32
    %dma_wait3A_270 = tpu.memref_slice %arg11[%dma_wait3A_268, %dma_wait3A_269] : memref<512x32xf32, #tpu.memory_space<vmem>> -> memref<128x32xf32, #tpu.memory_space<vmem>>
    %dma_wait3A_271 = arith.constant 96 : i32
    %dma_wait3A_272 = tpu.memref_slice %arg5[%mul3A_22, %dma_wait3A_271] : memref<40960x128xf32, #tpu.memory_space<hbm>> -> memref<128x32xf32, #tpu.memory_space<hbm>>
    %dma_wait3A_273 = arith.constant 96 : i32
    %dma_wait3A_274 = tpu.memref_slice %arg5[%mul3A_22, %dma_wait3A_273] : memref<40960x128xf32, #tpu.memory_space<hbm>> -> memref<128x32xf32, #tpu.memory_space<hbm>>
    %dma_wait3A_275 = arith.constant 384 : i32
    %dma_wait3A_276 = arith.constant 0 : i32
    %dma_wait3A_277 = tpu.memref_slice %arg11[%dma_wait3A_275, %dma_wait3A_276] : memref<512x32xf32, #tpu.memory_space<vmem>> -> memref<128x32xf32, #tpu.memory_space<vmem>>
    tpu.wait_dma2 semaphore(%arg24 : memref<!tpu.dma_semaphore, #tpu.memory_space<semaphore_mem>>) src(%dma_wait3A_277 : memref<128x32xf32, #tpu.memory_space<vmem>>) dst(%dma_wait3A_274 : memref<128x32xf32, #tpu.memory_space<hbm>>)
    %dma_start3A_278 = arith.constant 0 : i32
    %dma_start3A_279 = arith.constant 0 : i32
    %dma_start3A_280 = tpu.memref_slice %arg15[%dma_start3A_278, %dma_start3A_279] : memref<10112x32xf32, #tpu.memory_space<vmem_shared>> -> memref<10112x32xf32, #tpu.memory_space<vmem_shared>>
    tpu.enqueue_indirect_dma source(%dma_start3A_280 : memref<10112x32xf32, #tpu.memory_space<vmem_shared>>) target(%arg11 : memref<512x32xf32, #tpu.memory_space<vmem>>) offsets(%arg7 : memref<512xi32, #tpu.memory_space<vmem>>) semaphore(%arg20 : memref<!tpu.dma_semaphore, #tpu.memory_space<semaphore_mem>>)
    %dma_start3A_281 = arith.constant 0 : i32
    %dma_start3A_282 = arith.constant 0 : i32
    %dma_start3A_283 = tpu.memref_slice %arg13[%dma_start3A_281, %dma_start3A_282] : memref<512x32xf32, #tpu.memory_space<vmem>> -> memref<128x32xf32, #tpu.memory_space<vmem>>
    %dma_start3A_284 = arith.constant 0 : i32
    %dma_start3A_285 = tpu.memref_slice %arg5[%mul3A_32, %dma_start3A_284] : memref<40960x128xf32, #tpu.memory_space<hbm>> -> memref<128x32xf32, #tpu.memory_space<hbm>>
    %dma_start3A_286 = arith.constant 0 : i32
    %dma_start3A_287 = tpu.memref_slice %arg5[%mul3A_32, %dma_start3A_286] : memref<40960x128xf32, #tpu.memory_space<hbm>> -> memref<128x32xf32, #tpu.memory_space<hbm>>
    %dma_start3A_288 = arith.constant 0 : i32
    %dma_start3A_289 = arith.constant 0 : i32
    %dma_start3A_290 = tpu.memref_slice %arg13[%dma_start3A_288, %dma_start3A_289] : memref<512x32xf32, #tpu.memory_space<vmem>> -> memref<128x32xf32, #tpu.memory_space<vmem>>
    tpu.enqueue_dma source(%dma_start3A_290 : memref<128x32xf32, #tpu.memory_space<vmem>>) target(%dma_start3A_287 : memref<128x32xf32, #tpu.memory_space<hbm>>) target_semaphore(%arg26 : memref<!tpu.dma_semaphore, #tpu.memory_space<semaphore_mem>>)
    %dma_start3A_291 = arith.constant 128 : i32
    %dma_start3A_292 = arith.constant 0 : i32
    %dma_start3A_293 = tpu.memref_slice %arg13[%dma_start3A_291, %dma_start3A_292] : memref<512x32xf32, #tpu.memory_space<vmem>> -> memref<128x32xf32, #tpu.memory_space<vmem>>
    %dma_start3A_294 = arith.constant 32 : i32
    %dma_start3A_295 = tpu.memref_slice %arg5[%mul3A_32, %dma_start3A_294] : memref<40960x128xf32, #tpu.memory_space<hbm>> -> memref<128x32xf32, #tpu.memory_space<hbm>>
    %dma_start3A_296 = arith.constant 32 : i32
    %dma_start3A_297 = tpu.memref_slice %arg5[%mul3A_32, %dma_start3A_296] : memref<40960x128xf32, #tpu.memory_space<hbm>> -> memref<128x32xf32, #tpu.memory_space<hbm>>
    %dma_start3A_298 = arith.constant 128 : i32
    %dma_start3A_299 = arith.constant 0 : i32
    %dma_start3A_300 = tpu.memref_slice %arg13[%dma_start3A_298, %dma_start3A_299] : memref<512x32xf32, #tpu.memory_space<vmem>> -> memref<128x32xf32, #tpu.memory_space<vmem>>
    tpu.enqueue_dma source(%dma_start3A_300 : memref<128x32xf32, #tpu.memory_space<vmem>>) target(%dma_start3A_297 : memref<128x32xf32, #tpu.memory_space<hbm>>) target_semaphore(%arg26 : memref<!tpu.dma_semaphore, #tpu.memory_space<semaphore_mem>>)
    %dma_start3A_301 = arith.constant 256 : i32
    %dma_start3A_302 = arith.constant 0 : i32
    %dma_start3A_303 = tpu.memref_slice %arg13[%dma_start3A_301, %dma_start3A_302] : memref<512x32xf32, #tpu.memory_space<vmem>> -> memref<128x32xf32, #tpu.memory_space<vmem>>
    %dma_start3A_304 = arith.constant 64 : i32
    %dma_start3A_305 = tpu.memref_slice %arg5[%mul3A_32, %dma_start3A_304] : memref<40960x128xf32, #tpu.memory_space<hbm>> -> memref<128x32xf32, #tpu.memory_space<hbm>>
    %dma_start3A_306 = arith.constant 64 : i32
    %dma_start3A_307 = tpu.memref_slice %arg5[%mul3A_32, %dma_start3A_306] : memref<40960x128xf32, #tpu.memory_space<hbm>> -> memref<128x32xf32, #tpu.memory_space<hbm>>
    %dma_start3A_308 = arith.constant 256 : i32
    %dma_start3A_309 = arith.constant 0 : i32
    %dma_start3A_310 = tpu.memref_slice %arg13[%dma_start3A_308, %dma_start3A_309] : memref<512x32xf32, #tpu.memory_space<vmem>> -> memref<128x32xf32, #tpu.memory_space<vmem>>
    tpu.enqueue_dma source(%dma_start3A_310 : memref<128x32xf32, #tpu.memory_space<vmem>>) target(%dma_start3A_307 : memref<128x32xf32, #tpu.memory_space<hbm>>) target_semaphore(%arg26 : memref<!tpu.dma_semaphore, #tpu.memory_space<semaphore_mem>>)
    %dma_start3A_311 = arith.constant 384 : i32
    %dma_start3A_312 = arith.constant 0 : i32
    %dma_start3A_313 = tpu.memref_slice %arg13[%dma_start3A_311, %dma_start3A_312] : memref<512x32xf32, #tpu.memory_space<vmem>> -> memref<128x32xf32, #tpu.memory_space<vmem>>
    %dma_start3A_314 = arith.constant 96 : i32
    %dma_start3A_315 = tpu.memref_slice %arg5[%mul3A_32, %dma_start3A_314] : memref<40960x128xf32, #tpu.memory_space<hbm>> -> memref<128x32xf32, #tpu.memory_space<hbm>>
    %dma_start3A_316 = arith.constant 96 : i32
    %dma_start3A_317 = tpu.memref_slice %arg5[%mul3A_32, %dma_start3A_316] : memref<40960x128xf32, #tpu.memory_space<hbm>> -> memref<128x32xf32, #tpu.memory_space<hbm>>
    %dma_start3A_318 = arith.constant 384 : i32
    %dma_start3A_319 = arith.constant 0 : i32
    %dma_start3A_320 = tpu.memref_slice %arg13[%dma_start3A_318, %dma_start3A_319] : memref<512x32xf32, #tpu.memory_space<vmem>> -> memref<128x32xf32, #tpu.memory_space<vmem>>
    tpu.enqueue_dma source(%dma_start3A_320 : memref<128x32xf32, #tpu.memory_space<vmem>>) target(%dma_start3A_317 : memref<128x32xf32, #tpu.memory_space<hbm>>) target_semaphore(%arg26 : memref<!tpu.dma_semaphore, #tpu.memory_space<semaphore_mem>>)
    %dma_start3A_321 = tpu.memref_slice %arg3[%mul3A_50] : memref<163840xi32, #tpu.memory_space<hbm>> -> memref<512xi32, #tpu.memory_space<hbm>>
    %dma_start3A_322 = tpu.memref_slice %arg3[%mul3A_50] : memref<163840xi32, #tpu.memory_space<hbm>> -> memref<512xi32, #tpu.memory_space<hbm>>
    tpu.enqueue_dma source(%dma_start3A_322 : memref<512xi32, #tpu.memory_space<hbm>>) target(%arg9 : memref<512xi32, #tpu.memory_space<vmem>>) target_semaphore(%arg18 : memref<!tpu.dma_semaphore, #tpu.memory_space<semaphore_mem>>)
    %dma_wait3A_323 = arith.constant 0 : i32
    %dma_wait3A_324 = arith.constant 0 : i32
    %dma_wait3A_325 = tpu.memref_slice %arg15[%dma_wait3A_323, %dma_wait3A_324] : memref<10112x32xf32, #tpu.memory_space<vmem_shared>> -> memref<10112x32xf32, #tpu.memory_space<vmem_shared>>
    tpu.wait_indirect_dma semaphore(%arg23 : memref<!tpu.dma_semaphore, #tpu.memory_space<semaphore_mem>>) src(%dma_wait3A_325 : memref<10112x32xf32, #tpu.memory_space<vmem_shared>>) dst(%arg14 : memref<512x32xf32, #tpu.memory_space<vmem>>)
    %dma_wait3A_326 = tpu.memref_slice %arg4[%mul3A_44] : memref<163840xi32, #tpu.memory_space<hbm>> -> memref<512xi32, #tpu.memory_space<hbm>>
    %dma_wait3A_327 = tpu.memref_slice %arg4[%mul3A_44] : memref<163840xi32, #tpu.memory_space<hbm>> -> memref<512xi32, #tpu.memory_space<hbm>>
    tpu.wait_dma2 semaphore(%arg17 : memref<!tpu.dma_semaphore, #tpu.memory_space<semaphore_mem>>) src(%dma_wait3A_327 : memref<512xi32, #tpu.memory_space<hbm>>) dst(%arg8 : memref<512xi32, #tpu.memory_space<vmem>>)
    %dma_wait3A_328 = arith.constant 0 : i32
    %dma_wait3A_329 = arith.constant 0 : i32
    %dma_wait3A_330 = tpu.memref_slice %arg12[%dma_wait3A_328, %dma_wait3A_329] : memref<512x32xf32, #tpu.memory_space<vmem>> -> memref<128x32xf32, #tpu.memory_space<vmem>>
    %dma_wait3A_331 = arith.constant 0 : i32
    %dma_wait3A_332 = tpu.memref_slice %arg6[%mul3A_26, %dma_wait3A_331] : memref<40960x128xf32, #tpu.memory_space<hbm>> -> memref<128x32xf32, #tpu.memory_space<hbm>>
    %dma_wait3A_333 = arith.constant 0 : i32
    %dma_wait3A_334 = tpu.memref_slice %arg6[%mul3A_26, %dma_wait3A_333] : memref<40960x128xf32, #tpu.memory_space<hbm>> -> memref<128x32xf32, #tpu.memory_space<hbm>>
    %dma_wait3A_335 = arith.constant 0 : i32
    %dma_wait3A_336 = arith.constant 0 : i32
    %dma_wait3A_337 = tpu.memref_slice %arg12[%dma_wait3A_335, %dma_wait3A_336] : memref<512x32xf32, #tpu.memory_space<vmem>> -> memref<128x32xf32, #tpu.memory_space<vmem>>
    tpu.wait_dma2 semaphore(%arg25 : memref<!tpu.dma_semaphore, #tpu.memory_space<semaphore_mem>>) src(%dma_wait3A_337 : memref<128x32xf32, #tpu.memory_space<vmem>>) dst(%dma_wait3A_334 : memref<128x32xf32, #tpu.memory_space<hbm>>)
    %dma_wait3A_338 = arith.constant 128 : i32
    %dma_wait3A_339 = arith.constant 0 : i32
    %dma_wait3A_340 = tpu.memref_slice %arg12[%dma_wait3A_338, %dma_wait3A_339] : memref<512x32xf32, #tpu.memory_space<vmem>> -> memref<128x32xf32, #tpu.memory_space<vmem>>
    %dma_wait3A_341 = arith.constant 32 : i32
    %dma_wait3A_342 = tpu.memref_slice %arg6[%mul3A_26, %dma_wait3A_341] : memref<40960x128xf32, #tpu.memory_space<hbm>> -> memref<128x32xf32, #tpu.memory_space<hbm>>
    %dma_wait3A_343 = arith.constant 32 : i32
    %dma_wait3A_344 = tpu.memref_slice %arg6[%mul3A_26, %dma_wait3A_343] : memref<40960x128xf32, #tpu.memory_space<hbm>> -> memref<128x32xf32, #tpu.memory_space<hbm>>
    %dma_wait3A_345 = arith.constant 128 : i32
    %dma_wait3A_346 = arith.constant 0 : i32
    %dma_wait3A_347 = tpu.memref_slice %arg12[%dma_wait3A_345, %dma_wait3A_346] : memref<512x32xf32, #tpu.memory_space<vmem>> -> memref<128x32xf32, #tpu.memory_space<vmem>>
    tpu.wait_dma2 semaphore(%arg25 : memref<!tpu.dma_semaphore, #tpu.memory_space<semaphore_mem>>) src(%dma_wait3A_347 : memref<128x32xf32, #tpu.memory_space<vmem>>) dst(%dma_wait3A_344 : memref<128x32xf32, #tpu.memory_space<hbm>>)
    %dma_wait3A_348 = arith.constant 256 : i32
    %dma_wait3A_349 = arith.constant 0 : i32
    %dma_wait3A_350 = tpu.memref_slice %arg12[%dma_wait3A_348, %dma_wait3A_349] : memref<512x32xf32, #tpu.memory_space<vmem>> -> memref<128x32xf32, #tpu.memory_space<vmem>>
    %dma_wait3A_351 = arith.constant 64 : i32
    %dma_wait3A_352 = tpu.memref_slice %arg6[%mul3A_26, %dma_wait3A_351] : memref<40960x128xf32, #tpu.memory_space<hbm>> -> memref<128x32xf32, #tpu.memory_space<hbm>>
    %dma_wait3A_353 = arith.constant 64 : i32
    %dma_wait3A_354 = tpu.memref_slice %arg6[%mul3A_26, %dma_wait3A_353] : memref<40960x128xf32, #tpu.memory_space<hbm>> -> memref<128x32xf32, #tpu.memory_space<hbm>>
    %dma_wait3A_355 = arith.constant 256 : i32
    %dma_wait3A_356 = arith.constant 0 : i32
    %dma_wait3A_357 = tpu.memref_slice %arg12[%dma_wait3A_355, %dma_wait3A_356] : memref<512x32xf32, #tpu.memory_space<vmem>> -> memref<128x32xf32, #tpu.memory_space<vmem>>
    tpu.wait_dma2 semaphore(%arg25 : memref<!tpu.dma_semaphore, #tpu.memory_space<semaphore_mem>>) src(%dma_wait3A_357 : memref<128x32xf32, #tpu.memory_space<vmem>>) dst(%dma_wait3A_354 : memref<128x32xf32, #tpu.memory_space<hbm>>)
    %dma_wait3A_358 = arith.constant 384 : i32
    %dma_wait3A_359 = arith.constant 0 : i32
    %dma_wait3A_360 = tpu.memref_slice %arg12[%dma_wait3A_358, %dma_wait3A_359] : memref<512x32xf32, #tpu.memory_space<vmem>> -> memref<128x32xf32, #tpu.memory_space<vmem>>
    %dma_wait3A_361 = arith.constant 96 : i32
    %dma_wait3A_362 = tpu.memref_slice %arg6[%mul3A_26, %dma_wait3A_361] : memref<40960x128xf32, #tpu.memory_space<hbm>> -> memref<128x32xf32, #tpu.memory_space<hbm>>
    %dma_wait3A_363 = arith.constant 96 : i32
    %dma_wait3A_364 = tpu.memref_slice %arg6[%mul3A_26, %dma_wait3A_363] : memref<40960x128xf32, #tpu.memory_space<hbm>> -> memref<128x32xf32, #tpu.memory_space<hbm>>
    %dma_wait3A_365 = arith.constant 384 : i32
    %dma_wait3A_366 = arith.constant 0 : i32
    %dma_wait3A_367 = tpu.memref_slice %arg12[%dma_wait3A_365, %dma_wait3A_366] : memref<512x32xf32, #tpu.memory_space<vmem>> -> memref<128x32xf32, #tpu.memory_space<vmem>>
    tpu.wait_dma2 semaphore(%arg25 : memref<!tpu.dma_semaphore, #tpu.memory_space<semaphore_mem>>) src(%dma_wait3A_367 : memref<128x32xf32, #tpu.memory_space<vmem>>) dst(%dma_wait3A_364 : memref<128x32xf32, #tpu.memory_space<hbm>>)
    %dma_start3A_368 = arith.constant 0 : i32
    %dma_start3A_369 = arith.constant 0 : i32
    %dma_start3A_370 = tpu.memref_slice %arg15[%dma_start3A_368, %dma_start3A_369] : memref<10112x32xf32, #tpu.memory_space<vmem_shared>> -> memref<10112x32xf32, #tpu.memory_space<vmem_shared>>
    tpu.enqueue_indirect_dma source(%dma_start3A_370 : memref<10112x32xf32, #tpu.memory_space<vmem_shared>>) target(%arg12 : memref<512x32xf32, #tpu.memory_space<vmem>>) offsets(%arg8 : memref<512xi32, #tpu.memory_space<vmem>>) semaphore(%arg21 : memref<!tpu.dma_semaphore, #tpu.memory_space<semaphore_mem>>)
    %dma_start3A_371 = arith.constant 0 : i32
    %dma_start3A_372 = arith.constant 0 : i32
    %dma_start3A_373 = tpu.memref_slice %arg14[%dma_start3A_371, %dma_start3A_372] : memref<512x32xf32, #tpu.memory_space<vmem>> -> memref<128x32xf32, #tpu.memory_space<vmem>>
    %dma_start3A_374 = arith.constant 0 : i32
    %dma_start3A_375 = tpu.memref_slice %arg6[%mul3A_36, %dma_start3A_374] : memref<40960x128xf32, #tpu.memory_space<hbm>> -> memref<128x32xf32, #tpu.memory_space<hbm>>
    %dma_start3A_376 = arith.constant 0 : i32
    %dma_start3A_377 = tpu.memref_slice %arg6[%mul3A_36, %dma_start3A_376] : memref<40960x128xf32, #tpu.memory_space<hbm>> -> memref<128x32xf32, #tpu.memory_space<hbm>>
    %dma_start3A_378 = arith.constant 0 : i32
    %dma_start3A_379 = arith.constant 0 : i32
    %dma_start3A_380 = tpu.memref_slice %arg14[%dma_start3A_378, %dma_start3A_379] : memref<512x32xf32, #tpu.memory_space<vmem>> -> memref<128x32xf32, #tpu.memory_space<vmem>>
    tpu.enqueue_dma source(%dma_start3A_380 : memref<128x32xf32, #tpu.memory_space<vmem>>) target(%dma_start3A_377 : memref<128x32xf32, #tpu.memory_space<hbm>>) target_semaphore(%arg27 : memref<!tpu.dma_semaphore, #tpu.memory_space<semaphore_mem>>)
    %dma_start3A_381 = arith.constant 128 : i32
    %dma_start3A_382 = arith.constant 0 : i32
    %dma_start3A_383 = tpu.memref_slice %arg14[%dma_start3A_381, %dma_start3A_382] : memref<512x32xf32, #tpu.memory_space<vmem>> -> memref<128x32xf32, #tpu.memory_space<vmem>>
    %dma_start3A_384 = arith.constant 32 : i32
    %dma_start3A_385 = tpu.memref_slice %arg6[%mul3A_36, %dma_start3A_384] : memref<40960x128xf32, #tpu.memory_space<hbm>> -> memref<128x32xf32, #tpu.memory_space<hbm>>
    %dma_start3A_386 = arith.constant 32 : i32
    %dma_start3A_387 = tpu.memref_slice %arg6[%mul3A_36, %dma_start3A_386] : memref<40960x128xf32, #tpu.memory_space<hbm>> -> memref<128x32xf32, #tpu.memory_space<hbm>>
    %dma_start3A_388 = arith.constant 128 : i32
    %dma_start3A_389 = arith.constant 0 : i32
    %dma_start3A_390 = tpu.memref_slice %arg14[%dma_start3A_388, %dma_start3A_389] : memref<512x32xf32, #tpu.memory_space<vmem>> -> memref<128x32xf32, #tpu.memory_space<vmem>>
    tpu.enqueue_dma source(%dma_start3A_390 : memref<128x32xf32, #tpu.memory_space<vmem>>) target(%dma_start3A_387 : memref<128x32xf32, #tpu.memory_space<hbm>>) target_semaphore(%arg27 : memref<!tpu.dma_semaphore, #tpu.memory_space<semaphore_mem>>)
    %dma_start3A_391 = arith.constant 256 : i32
    %dma_start3A_392 = arith.constant 0 : i32
    %dma_start3A_393 = tpu.memref_slice %arg14[%dma_start3A_391, %dma_start3A_392] : memref<512x32xf32, #tpu.memory_space<vmem>> -> memref<128x32xf32, #tpu.memory_space<vmem>>
    %dma_start3A_394 = arith.constant 64 : i32
    %dma_start3A_395 = tpu.memref_slice %arg6[%mul3A_36, %dma_start3A_394] : memref<40960x128xf32, #tpu.memory_space<hbm>> -> memref<128x32xf32, #tpu.memory_space<hbm>>
    %dma_start3A_396 = arith.constant 64 : i32
    %dma_start3A_397 = tpu.memref_slice %arg6[%mul3A_36, %dma_start3A_396] : memref<40960x128xf32, #tpu.memory_space<hbm>> -> memref<128x32xf32, #tpu.memory_space<hbm>>
    %dma_start3A_398 = arith.constant 256 : i32
    %dma_start3A_399 = arith.constant 0 : i32
    %dma_start3A_400 = tpu.memref_slice %arg14[%dma_start3A_398, %dma_start3A_399] : memref<512x32xf32, #tpu.memory_space<vmem>> -> memref<128x32xf32, #tpu.memory_space<vmem>>
    tpu.enqueue_dma source(%dma_start3A_400 : memref<128x32xf32, #tpu.memory_space<vmem>>) target(%dma_start3A_397 : memref<128x32xf32, #tpu.memory_space<hbm>>) target_semaphore(%arg27 : memref<!tpu.dma_semaphore, #tpu.memory_space<semaphore_mem>>)
    %dma_start3A_401 = arith.constant 384 : i32
    %dma_start3A_402 = arith.constant 0 : i32
    %dma_start3A_403 = tpu.memref_slice %arg14[%dma_start3A_401, %dma_start3A_402] : memref<512x32xf32, #tpu.memory_space<vmem>> -> memref<128x32xf32, #tpu.memory_space<vmem>>
    %dma_start3A_404 = arith.constant 96 : i32
    %dma_start3A_405 = tpu.memref_slice %arg6[%mul3A_36, %dma_start3A_404] : memref<40960x128xf32, #tpu.memory_space<hbm>> -> memref<128x32xf32, #tpu.memory_space<hbm>>
    %dma_start3A_406 = arith.constant 96 : i32
    %dma_start3A_407 = tpu.memref_slice %arg6[%mul3A_36, %dma_start3A_406] : memref<40960x128xf32, #tpu.memory_space<hbm>> -> memref<128x32xf32, #tpu.memory_space<hbm>>
    %dma_start3A_408 = arith.constant 384 : i32
    %dma_start3A_409 = arith.constant 0 : i32
    %dma_start3A_410 = tpu.memref_slice %arg14[%dma_start3A_408, %dma_start3A_409] : memref<512x32xf32, #tpu.memory_space<vmem>> -> memref<128x32xf32, #tpu.memory_space<vmem>>
    tpu.enqueue_dma source(%dma_start3A_410 : memref<128x32xf32, #tpu.memory_space<vmem>>) target(%dma_start3A_407 : memref<128x32xf32, #tpu.memory_space<hbm>>) target_semaphore(%arg27 : memref<!tpu.dma_semaphore, #tpu.memory_space<semaphore_mem>>)
    %dma_start3A_411 = tpu.memref_slice %arg4[%mul3A_54] : memref<163840xi32, #tpu.memory_space<hbm>> -> memref<512xi32, #tpu.memory_space<hbm>>
    %dma_start3A_412 = tpu.memref_slice %arg4[%mul3A_54] : memref<163840xi32, #tpu.memory_space<hbm>> -> memref<512xi32, #tpu.memory_space<hbm>>
    tpu.enqueue_dma source(%dma_start3A_412 : memref<512xi32, #tpu.memory_space<hbm>>) target(%arg10 : memref<512xi32, #tpu.memory_space<vmem>>) target_semaphore(%arg19 : memref<!tpu.dma_semaphore, #tpu.memory_space<semaphore_mem>>)
    %dma_wait3A_413 = arith.constant 0 : i32
    %dma_wait3A_414 = arith.constant 0 : i32
    %dma_wait3A_415 = tpu.memref_slice %arg15[%dma_wait3A_413, %dma_wait3A_414] : memref<10112x32xf32, #tpu.memory_space<vmem_shared>> -> memref<10112x32xf32, #tpu.memory_space<vmem_shared>>
    tpu.wait_indirect_dma semaphore(%arg20 : memref<!tpu.dma_semaphore, #tpu.memory_space<semaphore_mem>>) src(%dma_wait3A_415 : memref<10112x32xf32, #tpu.memory_space<vmem_shared>>) dst(%arg11 : memref<512x32xf32, #tpu.memory_space<vmem>>)
    %dma_wait3A_416 = tpu.memref_slice %arg3[%mul3A_50] : memref<163840xi32, #tpu.memory_space<hbm>> -> memref<512xi32, #tpu.memory_space<hbm>>
    %dma_wait3A_417 = tpu.memref_slice %arg3[%mul3A_50] : memref<163840xi32, #tpu.memory_space<hbm>> -> memref<512xi32, #tpu.memory_space<hbm>>
    tpu.wait_dma2 semaphore(%arg18 : memref<!tpu.dma_semaphore, #tpu.memory_space<semaphore_mem>>) src(%dma_wait3A_417 : memref<512xi32, #tpu.memory_space<hbm>>) dst(%arg9 : memref<512xi32, #tpu.memory_space<vmem>>)
    %dma_wait3A_418 = arith.constant 0 : i32
    %dma_wait3A_419 = arith.constant 0 : i32
    %dma_wait3A_420 = tpu.memref_slice %arg13[%dma_wait3A_418, %dma_wait3A_419] : memref<512x32xf32, #tpu.memory_space<vmem>> -> memref<128x32xf32, #tpu.memory_space<vmem>>
    %dma_wait3A_421 = arith.constant 0 : i32
    %dma_wait3A_422 = tpu.memref_slice %arg5[%mul3A_32, %dma_wait3A_421] : memref<40960x128xf32, #tpu.memory_space<hbm>> -> memref<128x32xf32, #tpu.memory_space<hbm>>
    %dma_wait3A_423 = arith.constant 0 : i32
    %dma_wait3A_424 = tpu.memref_slice %arg5[%mul3A_32, %dma_wait3A_423] : memref<40960x128xf32, #tpu.memory_space<hbm>> -> memref<128x32xf32, #tpu.memory_space<hbm>>
    %dma_wait3A_425 = arith.constant 0 : i32
    %dma_wait3A_426 = arith.constant 0 : i32
    %dma_wait3A_427 = tpu.memref_slice %arg13[%dma_wait3A_425, %dma_wait3A_426] : memref<512x32xf32, #tpu.memory_space<vmem>> -> memref<128x32xf32, #tpu.memory_space<vmem>>
    tpu.wait_dma2 semaphore(%arg26 : memref<!tpu.dma_semaphore, #tpu.memory_space<semaphore_mem>>) src(%dma_wait3A_427 : memref<128x32xf32, #tpu.memory_space<vmem>>) dst(%dma_wait3A_424 : memref<128x32xf32, #tpu.memory_space<hbm>>)
    %dma_wait3A_428 = arith.constant 128 : i32
    %dma_wait3A_429 = arith.constant 0 : i32
    %dma_wait3A_430 = tpu.memref_slice %arg13[%dma_wait3A_428, %dma_wait3A_429] : memref<512x32xf32, #tpu.memory_space<vmem>> -> memref<128x32xf32, #tpu.memory_space<vmem>>
    %dma_wait3A_431 = arith.constant 32 : i32
    %dma_wait3A_432 = tpu.memref_slice %arg5[%mul3A_32, %dma_wait3A_431] : memref<40960x128xf32, #tpu.memory_space<hbm>> -> memref<128x32xf32, #tpu.memory_space<hbm>>
    %dma_wait3A_433 = arith.constant 32 : i32
    %dma_wait3A_434 = tpu.memref_slice %arg5[%mul3A_32, %dma_wait3A_433] : memref<40960x128xf32, #tpu.memory_space<hbm>> -> memref<128x32xf32, #tpu.memory_space<hbm>>
    %dma_wait3A_435 = arith.constant 128 : i32
    %dma_wait3A_436 = arith.constant 0 : i32
    %dma_wait3A_437 = tpu.memref_slice %arg13[%dma_wait3A_435, %dma_wait3A_436] : memref<512x32xf32, #tpu.memory_space<vmem>> -> memref<128x32xf32, #tpu.memory_space<vmem>>
    tpu.wait_dma2 semaphore(%arg26 : memref<!tpu.dma_semaphore, #tpu.memory_space<semaphore_mem>>) src(%dma_wait3A_437 : memref<128x32xf32, #tpu.memory_space<vmem>>) dst(%dma_wait3A_434 : memref<128x32xf32, #tpu.memory_space<hbm>>)
    %dma_wait3A_438 = arith.constant 256 : i32
    %dma_wait3A_439 = arith.constant 0 : i32
    %dma_wait3A_440 = tpu.memref_slice %arg13[%dma_wait3A_438, %dma_wait3A_439] : memref<512x32xf32, #tpu.memory_space<vmem>> -> memref<128x32xf32, #tpu.memory_space<vmem>>
    %dma_wait3A_441 = arith.constant 64 : i32
    %dma_wait3A_442 = tpu.memref_slice %arg5[%mul3A_32, %dma_wait3A_441] : memref<40960x128xf32, #tpu.memory_space<hbm>> -> memref<128x32xf32, #tpu.memory_space<hbm>>
    %dma_wait3A_443 = arith.constant 64 : i32
    %dma_wait3A_444 = tpu.memref_slice %arg5[%mul3A_32, %dma_wait3A_443] : memref<40960x128xf32, #tpu.memory_space<hbm>> -> memref<128x32xf32, #tpu.memory_space<hbm>>
    %dma_wait3A_445 = arith.constant 256 : i32
    %dma_wait3A_446 = arith.constant 0 : i32
    %dma_wait3A_447 = tpu.memref_slice %arg13[%dma_wait3A_445, %dma_wait3A_446] : memref<512x32xf32, #tpu.memory_space<vmem>> -> memref<128x32xf32, #tpu.memory_space<vmem>>
    tpu.wait_dma2 semaphore(%arg26 : memref<!tpu.dma_semaphore, #tpu.memory_space<semaphore_mem>>) src(%dma_wait3A_447 : memref<128x32xf32, #tpu.memory_space<vmem>>) dst(%dma_wait3A_444 : memref<128x32xf32, #tpu.memory_space<hbm>>)
    %dma_wait3A_448 = arith.constant 384 : i32
    %dma_wait3A_449 = arith.constant 0 : i32
    %dma_wait3A_450 = tpu.memref_slice %arg13[%dma_wait3A_448, %dma_wait3A_449] : memref<512x32xf32, #tpu.memory_space<vmem>> -> memref<128x32xf32, #tpu.memory_space<vmem>>
    %dma_wait3A_451 = arith.constant 96 : i32
    %dma_wait3A_452 = tpu.memref_slice %arg5[%mul3A_32, %dma_wait3A_451] : memref<40960x128xf32, #tpu.memory_space<hbm>> -> memref<128x32xf32, #tpu.memory_space<hbm>>
    %dma_wait3A_453 = arith.constant 96 : i32
    %dma_wait3A_454 = tpu.memref_slice %arg5[%mul3A_32, %dma_wait3A_453] : memref<40960x128xf32, #tpu.memory_space<hbm>> -> memref<128x32xf32, #tpu.memory_space<hbm>>
    %dma_wait3A_455 = arith.constant 384 : i32
    %dma_wait3A_456 = arith.constant 0 : i32
    %dma_wait3A_457 = tpu.memref_slice %arg13[%dma_wait3A_455, %dma_wait3A_456] : memref<512x32xf32, #tpu.memory_space<vmem>> -> memref<128x32xf32, #tpu.memory_space<vmem>>
    tpu.wait_dma2 semaphore(%arg26 : memref<!tpu.dma_semaphore, #tpu.memory_space<semaphore_mem>>) src(%dma_wait3A_457 : memref<128x32xf32, #tpu.memory_space<vmem>>) dst(%dma_wait3A_454 : memref<128x32xf32, #tpu.memory_space<hbm>>)
    %dma_start3A_458 = arith.constant 0 : i32
    %dma_start3A_459 = arith.constant 0 : i32
    %dma_start3A_460 = tpu.memref_slice %arg15[%dma_start3A_458, %dma_start3A_459] : memref<10112x32xf32, #tpu.memory_space<vmem_shared>> -> memref<10112x32xf32, #tpu.memory_space<vmem_shared>>
    tpu.enqueue_indirect_dma source(%dma_start3A_460 : memref<10112x32xf32, #tpu.memory_space<vmem_shared>>) target(%arg13 : memref<512x32xf32, #tpu.memory_space<vmem>>) offsets(%arg9 : memref<512xi32, #tpu.memory_space<vmem>>) semaphore(%arg22 : memref<!tpu.dma_semaphore, #tpu.memory_space<semaphore_mem>>)
    %dma_start3A_461 = arith.constant 0 : i32
    %dma_start3A_462 = arith.constant 0 : i32
    %dma_start3A_463 = tpu.memref_slice %arg11[%dma_start3A_461, %dma_start3A_462] : memref<512x32xf32, #tpu.memory_space<vmem>> -> memref<128x32xf32, #tpu.memory_space<vmem>>
    %dma_start3A_464 = arith.constant 0 : i32
    %dma_start3A_465 = tpu.memref_slice %arg5[%mul3A_42, %dma_start3A_464] : memref<40960x128xf32, #tpu.memory_space<hbm>> -> memref<128x32xf32, #tpu.memory_space<hbm>>
    %dma_start3A_466 = arith.constant 0 : i32
    %dma_start3A_467 = tpu.memref_slice %arg5[%mul3A_42, %dma_start3A_466] : memref<40960x128xf32, #tpu.memory_space<hbm>> -> memref<128x32xf32, #tpu.memory_space<hbm>>
    %dma_start3A_468 = arith.constant 0 : i32
    %dma_start3A_469 = arith.constant 0 : i32
    %dma_start3A_470 = tpu.memref_slice %arg11[%dma_start3A_468, %dma_start3A_469] : memref<512x32xf32, #tpu.memory_space<vmem>> -> memref<128x32xf32, #tpu.memory_space<vmem>>
    tpu.enqueue_dma source(%dma_start3A_470 : memref<128x32xf32, #tpu.memory_space<vmem>>) target(%dma_start3A_467 : memref<128x32xf32, #tpu.memory_space<hbm>>) target_semaphore(%arg24 : memref<!tpu.dma_semaphore, #tpu.memory_space<semaphore_mem>>)
    %dma_start3A_471 = arith.constant 128 : i32
    %dma_start3A_472 = arith.constant 0 : i32
    %dma_start3A_473 = tpu.memref_slice %arg11[%dma_start3A_471, %dma_start3A_472] : memref<512x32xf32, #tpu.memory_space<vmem>> -> memref<128x32xf32, #tpu.memory_space<vmem>>
    %dma_start3A_474 = arith.constant 32 : i32
    %dma_start3A_475 = tpu.memref_slice %arg5[%mul3A_42, %dma_start3A_474] : memref<40960x128xf32, #tpu.memory_space<hbm>> -> memref<128x32xf32, #tpu.memory_space<hbm>>
    %dma_start3A_476 = arith.constant 32 : i32
    %dma_start3A_477 = tpu.memref_slice %arg5[%mul3A_42, %dma_start3A_476] : memref<40960x128xf32, #tpu.memory_space<hbm>> -> memref<128x32xf32, #tpu.memory_space<hbm>>
    %dma_start3A_478 = arith.constant 128 : i32
    %dma_start3A_479 = arith.constant 0 : i32
    %dma_start3A_480 = tpu.memref_slice %arg11[%dma_start3A_478, %dma_start3A_479] : memref<512x32xf32, #tpu.memory_space<vmem>> -> memref<128x32xf32, #tpu.memory_space<vmem>>
    tpu.enqueue_dma source(%dma_start3A_480 : memref<128x32xf32, #tpu.memory_space<vmem>>) target(%dma_start3A_477 : memref<128x32xf32, #tpu.memory_space<hbm>>) target_semaphore(%arg24 : memref<!tpu.dma_semaphore, #tpu.memory_space<semaphore_mem>>)
    %dma_start3A_481 = arith.constant 256 : i32
    %dma_start3A_482 = arith.constant 0 : i32
    %dma_start3A_483 = tpu.memref_slice %arg11[%dma_start3A_481, %dma_start3A_482] : memref<512x32xf32, #tpu.memory_space<vmem>> -> memref<128x32xf32, #tpu.memory_space<vmem>>
    %dma_start3A_484 = arith.constant 64 : i32
    %dma_start3A_485 = tpu.memref_slice %arg5[%mul3A_42, %dma_start3A_484] : memref<40960x128xf32, #tpu.memory_space<hbm>> -> memref<128x32xf32, #tpu.memory_space<hbm>>
    %dma_start3A_486 = arith.constant 64 : i32
    %dma_start3A_487 = tpu.memref_slice %arg5[%mul3A_42, %dma_start3A_486] : memref<40960x128xf32, #tpu.memory_space<hbm>> -> memref<128x32xf32, #tpu.memory_space<hbm>>
    %dma_start3A_488 = arith.constant 256 : i32
    %dma_start3A_489 = arith.constant 0 : i32
    %dma_start3A_490 = tpu.memref_slice %arg11[%dma_start3A_488, %dma_start3A_489] : memref<512x32xf32, #tpu.memory_space<vmem>> -> memref<128x32xf32, #tpu.memory_space<vmem>>
    tpu.enqueue_dma source(%dma_start3A_490 : memref<128x32xf32, #tpu.memory_space<vmem>>) target(%dma_start3A_487 : memref<128x32xf32, #tpu.memory_space<hbm>>) target_semaphore(%arg24 : memref<!tpu.dma_semaphore, #tpu.memory_space<semaphore_mem>>)
    %dma_start3A_491 = arith.constant 384 : i32
    %dma_start3A_492 = arith.constant 0 : i32
    %dma_start3A_493 = tpu.memref_slice %arg11[%dma_start3A_491, %dma_start3A_492] : memref<512x32xf32, #tpu.memory_space<vmem>> -> memref<128x32xf32, #tpu.memory_space<vmem>>
    %dma_start3A_494 = arith.constant 96 : i32
    %dma_start3A_495 = tpu.memref_slice %arg5[%mul3A_42, %dma_start3A_494] : memref<40960x128xf32, #tpu.memory_space<hbm>> -> memref<128x32xf32, #tpu.memory_space<hbm>>
    %dma_start3A_496 = arith.constant 96 : i32
    %dma_start3A_497 = tpu.memref_slice %arg5[%mul3A_42, %dma_start3A_496] : memref<40960x128xf32, #tpu.memory_space<hbm>> -> memref<128x32xf32, #tpu.memory_space<hbm>>
    %dma_start3A_498 = arith.constant 384 : i32
    %dma_start3A_499 = arith.constant 0 : i32
    %dma_start3A_500 = tpu.memref_slice %arg11[%dma_start3A_498, %dma_start3A_499] : memref<512x32xf32, #tpu.memory_space<vmem>> -> memref<128x32xf32, #tpu.memory_space<vmem>>
    tpu.enqueue_dma source(%dma_start3A_500 : memref<128x32xf32, #tpu.memory_space<vmem>>) target(%dma_start3A_497 : memref<128x32xf32, #tpu.memory_space<hbm>>) target_semaphore(%arg24 : memref<!tpu.dma_semaphore, #tpu.memory_space<semaphore_mem>>)
    %dma_start3A_501 = tpu.memref_slice %arg3[%mul3A_60] : memref<163840xi32, #tpu.memory_space<hbm>> -> memref<512xi32, #tpu.memory_space<hbm>>
    %dma_start3A_502 = tpu.memref_slice %arg3[%mul3A_60] : memref<163840xi32, #tpu.memory_space<hbm>> -> memref<512xi32, #tpu.memory_space<hbm>>
    tpu.enqueue_dma source(%dma_start3A_502 : memref<512xi32, #tpu.memory_space<hbm>>) target(%arg7 : memref<512xi32, #tpu.memory_space<vmem>>) target_semaphore(%arg16 : memref<!tpu.dma_semaphore, #tpu.memory_space<semaphore_mem>>)
    %dma_wait3A_503 = arith.constant 0 : i32
    %dma_wait3A_504 = arith.constant 0 : i32
    %dma_wait3A_505 = tpu.memref_slice %arg15[%dma_wait3A_503, %dma_wait3A_504] : memref<10112x32xf32, #tpu.memory_space<vmem_shared>> -> memref<10112x32xf32, #tpu.memory_space<vmem_shared>>
    tpu.wait_indirect_dma semaphore(%arg21 : memref<!tpu.dma_semaphore, #tpu.memory_space<semaphore_mem>>) src(%dma_wait3A_505 : memref<10112x32xf32, #tpu.memory_space<vmem_shared>>) dst(%arg12 : memref<512x32xf32, #tpu.memory_space<vmem>>)
    %dma_wait3A_506 = tpu.memref_slice %arg4[%mul3A_54] : memref<163840xi32, #tpu.memory_space<hbm>> -> memref<512xi32, #tpu.memory_space<hbm>>
    %dma_wait3A_507 = tpu.memref_slice %arg4[%mul3A_54] : memref<163840xi32, #tpu.memory_space<hbm>> -> memref<512xi32, #tpu.memory_space<hbm>>
    tpu.wait_dma2 semaphore(%arg19 : memref<!tpu.dma_semaphore, #tpu.memory_space<semaphore_mem>>) src(%dma_wait3A_507 : memref<512xi32, #tpu.memory_space<hbm>>) dst(%arg10 : memref<512xi32, #tpu.memory_space<vmem>>)
    %dma_wait3A_508 = arith.constant 0 : i32
    %dma_wait3A_509 = arith.constant 0 : i32
    %dma_wait3A_510 = tpu.memref_slice %arg14[%dma_wait3A_508, %dma_wait3A_509] : memref<512x32xf32, #tpu.memory_space<vmem>> -> memref<128x32xf32, #tpu.memory_space<vmem>>
    %dma_wait3A_511 = arith.constant 0 : i32
    %dma_wait3A_512 = tpu.memref_slice %arg6[%mul3A_36, %dma_wait3A_511] : memref<40960x128xf32, #tpu.memory_space<hbm>> -> memref<128x32xf32, #tpu.memory_space<hbm>>
    %dma_wait3A_513 = arith.constant 0 : i32
    %dma_wait3A_514 = tpu.memref_slice %arg6[%mul3A_36, %dma_wait3A_513] : memref<40960x128xf32, #tpu.memory_space<hbm>> -> memref<128x32xf32, #tpu.memory_space<hbm>>
    %dma_wait3A_515 = arith.constant 0 : i32
    %dma_wait3A_516 = arith.constant 0 : i32
    %dma_wait3A_517 = tpu.memref_slice %arg14[%dma_wait3A_515, %dma_wait3A_516] : memref<512x32xf32, #tpu.memory_space<vmem>> -> memref<128x32xf32, #tpu.memory_space<vmem>>
    tpu.wait_dma2 semaphore(%arg27 : memref<!tpu.dma_semaphore, #tpu.memory_space<semaphore_mem>>) src(%dma_wait3A_517 : memref<128x32xf32, #tpu.memory_space<vmem>>) dst(%dma_wait3A_514 : memref<128x32xf32, #tpu.memory_space<hbm>>)
    %dma_wait3A_518 = arith.constant 128 : i32
    %dma_wait3A_519 = arith.constant 0 : i32
    %dma_wait3A_520 = tpu.memref_slice %arg14[%dma_wait3A_518, %dma_wait3A_519] : memref<512x32xf32, #tpu.memory_space<vmem>> -> memref<128x32xf32, #tpu.memory_space<vmem>>
    %dma_wait3A_521 = arith.constant 32 : i32
    %dma_wait3A_522 = tpu.memref_slice %arg6[%mul3A_36, %dma_wait3A_521] : memref<40960x128xf32, #tpu.memory_space<hbm>> -> memref<128x32xf32, #tpu.memory_space<hbm>>
    %dma_wait3A_523 = arith.constant 32 : i32
    %dma_wait3A_524 = tpu.memref_slice %arg6[%mul3A_36, %dma_wait3A_523] : memref<40960x128xf32, #tpu.memory_space<hbm>> -> memref<128x32xf32, #tpu.memory_space<hbm>>
    %dma_wait3A_525 = arith.constant 128 : i32
    %dma_wait3A_526 = arith.constant 0 : i32
    %dma_wait3A_527 = tpu.memref_slice %arg14[%dma_wait3A_525, %dma_wait3A_526] : memref<512x32xf32, #tpu.memory_space<vmem>> -> memref<128x32xf32, #tpu.memory_space<vmem>>
    tpu.wait_dma2 semaphore(%arg27 : memref<!tpu.dma_semaphore, #tpu.memory_space<semaphore_mem>>) src(%dma_wait3A_527 : memref<128x32xf32, #tpu.memory_space<vmem>>) dst(%dma_wait3A_524 : memref<128x32xf32, #tpu.memory_space<hbm>>)
    %dma_wait3A_528 = arith.constant 256 : i32
    %dma_wait3A_529 = arith.constant 0 : i32
    %dma_wait3A_530 = tpu.memref_slice %arg14[%dma_wait3A_528, %dma_wait3A_529] : memref<512x32xf32, #tpu.memory_space<vmem>> -> memref<128x32xf32, #tpu.memory_space<vmem>>
    %dma_wait3A_531 = arith.constant 64 : i32
    %dma_wait3A_532 = tpu.memref_slice %arg6[%mul3A_36, %dma_wait3A_531] : memref<40960x128xf32, #tpu.memory_space<hbm>> -> memref<128x32xf32, #tpu.memory_space<hbm>>
    %dma_wait3A_533 = arith.constant 64 : i32
    %dma_wait3A_534 = tpu.memref_slice %arg6[%mul3A_36, %dma_wait3A_533] : memref<40960x128xf32, #tpu.memory_space<hbm>> -> memref<128x32xf32, #tpu.memory_space<hbm>>
    %dma_wait3A_535 = arith.constant 256 : i32
    %dma_wait3A_536 = arith.constant 0 : i32
    %dma_wait3A_537 = tpu.memref_slice %arg14[%dma_wait3A_535, %dma_wait3A_536] : memref<512x32xf32, #tpu.memory_space<vmem>> -> memref<128x32xf32, #tpu.memory_space<vmem>>
    tpu.wait_dma2 semaphore(%arg27 : memref<!tpu.dma_semaphore, #tpu.memory_space<semaphore_mem>>) src(%dma_wait3A_537 : memref<128x32xf32, #tpu.memory_space<vmem>>) dst(%dma_wait3A_534 : memref<128x32xf32, #tpu.memory_space<hbm>>)
    %dma_wait3A_538 = arith.constant 384 : i32
    %dma_wait3A_539 = arith.constant 0 : i32
    %dma_wait3A_540 = tpu.memref_slice %arg14[%dma_wait3A_538, %dma_wait3A_539] : memref<512x32xf32, #tpu.memory_space<vmem>> -> memref<128x32xf32, #tpu.memory_space<vmem>>
    %dma_wait3A_541 = arith.constant 96 : i32
    %dma_wait3A_542 = tpu.memref_slice %arg6[%mul3A_36, %dma_wait3A_541] : memref<40960x128xf32, #tpu.memory_space<hbm>> -> memref<128x32xf32, #tpu.memory_space<hbm>>
    %dma_wait3A_543 = arith.constant 96 : i32
    %dma_wait3A_544 = tpu.memref_slice %arg6[%mul3A_36, %dma_wait3A_543] : memref<40960x128xf32, #tpu.memory_space<hbm>> -> memref<128x32xf32, #tpu.memory_space<hbm>>
    %dma_wait3A_545 = arith.constant 384 : i32
    %dma_wait3A_546 = arith.constant 0 : i32
    %dma_wait3A_547 = tpu.memref_slice %arg14[%dma_wait3A_545, %dma_wait3A_546] : memref<512x32xf32, #tpu.memory_space<vmem>> -> memref<128x32xf32, #tpu.memory_space<vmem>>
    tpu.wait_dma2 semaphore(%arg27 : memref<!tpu.dma_semaphore, #tpu.memory_space<semaphore_mem>>) src(%dma_wait3A_547 : memref<128x32xf32, #tpu.memory_space<vmem>>) dst(%dma_wait3A_544 : memref<128x32xf32, #tpu.memory_space<hbm>>)
    %dma_start3A_548 = arith.constant 0 : i32
    %dma_start3A_549 = arith.constant 0 : i32
    %dma_start3A_550 = tpu.memref_slice %arg15[%dma_start3A_548, %dma_start3A_549] : memref<10112x32xf32, #tpu.memory_space<vmem_shared>> -> memref<10112x32xf32, #tpu.memory_space<vmem_shared>>
    tpu.enqueue_indirect_dma source(%dma_start3A_550 : memref<10112x32xf32, #tpu.memory_space<vmem_shared>>) target(%arg14 : memref<512x32xf32, #tpu.memory_space<vmem>>) offsets(%arg10 : memref<512xi32, #tpu.memory_space<vmem>>) semaphore(%arg23 : memref<!tpu.dma_semaphore, #tpu.memory_space<semaphore_mem>>)
    %dma_start3A_551 = arith.constant 0 : i32
    %dma_start3A_552 = arith.constant 0 : i32
    %dma_start3A_553 = tpu.memref_slice %arg12[%dma_start3A_551, %dma_start3A_552] : memref<512x32xf32, #tpu.memory_space<vmem>> -> memref<128x32xf32, #tpu.memory_space<vmem>>
    %dma_start3A_554 = arith.constant 0 : i32
    %dma_start3A_555 = tpu.memref_slice %arg6[%mul3A_46, %dma_start3A_554] : memref<40960x128xf32, #tpu.memory_space<hbm>> -> memref<128x32xf32, #tpu.memory_space<hbm>>
    %dma_start3A_556 = arith.constant 0 : i32
    %dma_start3A_557 = tpu.memref_slice %arg6[%mul3A_46, %dma_start3A_556] : memref<40960x128xf32, #tpu.memory_space<hbm>> -> memref<128x32xf32, #tpu.memory_space<hbm>>
    %dma_start3A_558 = arith.constant 0 : i32
    %dma_start3A_559 = arith.constant 0 : i32
    %dma_start3A_560 = tpu.memref_slice %arg12[%dma_start3A_558, %dma_start3A_559] : memref<512x32xf32, #tpu.memory_space<vmem>> -> memref<128x32xf32, #tpu.memory_space<vmem>>
    tpu.enqueue_dma source(%dma_start3A_560 : memref<128x32xf32, #tpu.memory_space<vmem>>) target(%dma_start3A_557 : memref<128x32xf32, #tpu.memory_space<hbm>>) target_semaphore(%arg25 : memref<!tpu.dma_semaphore, #tpu.memory_space<semaphore_mem>>)
    %dma_start3A_561 = arith.constant 128 : i32
    %dma_start3A_562 = arith.constant 0 : i32
    %dma_start3A_563 = tpu.memref_slice %arg12[%dma_start3A_561, %dma_start3A_562] : memref<512x32xf32, #tpu.memory_space<vmem>> -> memref<128x32xf32, #tpu.memory_space<vmem>>
    %dma_start3A_564 = arith.constant 32 : i32
    %dma_start3A_565 = tpu.memref_slice %arg6[%mul3A_46, %dma_start3A_564] : memref<40960x128xf32, #tpu.memory_space<hbm>> -> memref<128x32xf32, #tpu.memory_space<hbm>>
    %dma_start3A_566 = arith.constant 32 : i32
    %dma_start3A_567 = tpu.memref_slice %arg6[%mul3A_46, %dma_start3A_566] : memref<40960x128xf32, #tpu.memory_space<hbm>> -> memref<128x32xf32, #tpu.memory_space<hbm>>
    %dma_start3A_568 = arith.constant 128 : i32
    %dma_start3A_569 = arith.constant 0 : i32
    %dma_start3A_570 = tpu.memref_slice %arg12[%dma_start3A_568, %dma_start3A_569] : memref<512x32xf32, #tpu.memory_space<vmem>> -> memref<128x32xf32, #tpu.memory_space<vmem>>
    tpu.enqueue_dma source(%dma_start3A_570 : memref<128x32xf32, #tpu.memory_space<vmem>>) target(%dma_start3A_567 : memref<128x32xf32, #tpu.memory_space<hbm>>) target_semaphore(%arg25 : memref<!tpu.dma_semaphore, #tpu.memory_space<semaphore_mem>>)
    %dma_start3A_571 = arith.constant 256 : i32
    %dma_start3A_572 = arith.constant 0 : i32
    %dma_start3A_573 = tpu.memref_slice %arg12[%dma_start3A_571, %dma_start3A_572] : memref<512x32xf32, #tpu.memory_space<vmem>> -> memref<128x32xf32, #tpu.memory_space<vmem>>
    %dma_start3A_574 = arith.constant 64 : i32
    %dma_start3A_575 = tpu.memref_slice %arg6[%mul3A_46, %dma_start3A_574] : memref<40960x128xf32, #tpu.memory_space<hbm>> -> memref<128x32xf32, #tpu.memory_space<hbm>>
    %dma_start3A_576 = arith.constant 64 : i32
    %dma_start3A_577 = tpu.memref_slice %arg6[%mul3A_46, %dma_start3A_576] : memref<40960x128xf32, #tpu.memory_space<hbm>> -> memref<128x32xf32, #tpu.memory_space<hbm>>
    %dma_start3A_578 = arith.constant 256 : i32
    %dma_start3A_579 = arith.constant 0 : i32
    %dma_start3A_580 = tpu.memref_slice %arg12[%dma_start3A_578, %dma_start3A_579] : memref<512x32xf32, #tpu.memory_space<vmem>> -> memref<128x32xf32, #tpu.memory_space<vmem>>
    tpu.enqueue_dma source(%dma_start3A_580 : memref<128x32xf32, #tpu.memory_space<vmem>>) target(%dma_start3A_577 : memref<128x32xf32, #tpu.memory_space<hbm>>) target_semaphore(%arg25 : memref<!tpu.dma_semaphore, #tpu.memory_space<semaphore_mem>>)
    %dma_start3A_581 = arith.constant 384 : i32
    %dma_start3A_582 = arith.constant 0 : i32
    %dma_start3A_583 = tpu.memref_slice %arg12[%dma_start3A_581, %dma_start3A_582] : memref<512x32xf32, #tpu.memory_space<vmem>> -> memref<128x32xf32, #tpu.memory_space<vmem>>
    %dma_start3A_584 = arith.constant 96 : i32
    %dma_start3A_585 = tpu.memref_slice %arg6[%mul3A_46, %dma_start3A_584] : memref<40960x128xf32, #tpu.memory_space<hbm>> -> memref<128x32xf32, #tpu.memory_space<hbm>>
    %dma_start3A_586 = arith.constant 96 : i32
    %dma_start3A_587 = tpu.memref_slice %arg6[%mul3A_46, %dma_start3A_586] : memref<40960x128xf32, #tpu.memory_space<hbm>> -> memref<128x32xf32, #tpu.memory_space<hbm>>
    %dma_start3A_588 = arith.constant 384 : i32
    %dma_start3A_589 = arith.constant 0 : i32
    %dma_start3A_590 = tpu.memref_slice %arg12[%dma_start3A_588, %dma_start3A_589] : memref<512x32xf32, #tpu.memory_space<vmem>> -> memref<128x32xf32, #tpu.memory_space<vmem>>
    tpu.enqueue_dma source(%dma_start3A_590 : memref<128x32xf32, #tpu.memory_space<vmem>>) target(%dma_start3A_587 : memref<128x32xf32, #tpu.memory_space<hbm>>) target_semaphore(%arg25 : memref<!tpu.dma_semaphore, #tpu.memory_space<semaphore_mem>>)
    %dma_start3A_591 = tpu.memref_slice %arg4[%mul3A_64] : memref<163840xi32, #tpu.memory_space<hbm>> -> memref<512xi32, #tpu.memory_space<hbm>>
    %dma_start3A_592 = tpu.memref_slice %arg4[%mul3A_64] : memref<163840xi32, #tpu.memory_space<hbm>> -> memref<512xi32, #tpu.memory_space<hbm>>
    tpu.enqueue_dma source(%dma_start3A_592 : memref<512xi32, #tpu.memory_space<hbm>>) target(%arg8 : memref<512xi32, #tpu.memory_space<vmem>>) target_semaphore(%arg17 : memref<!tpu.dma_semaphore, #tpu.memory_space<semaphore_mem>>)
    %dma_wait3A_593 = arith.constant 0 : i32
    %dma_wait3A_594 = arith.constant 0 : i32
    %dma_wait3A_595 = tpu.memref_slice %arg15[%dma_wait3A_593, %dma_wait3A_594] : memref<10112x32xf32, #tpu.memory_space<vmem_shared>> -> memref<10112x32xf32, #tpu.memory_space<vmem_shared>>
    tpu.wait_indirect_dma semaphore(%arg22 : memref<!tpu.dma_semaphore, #tpu.memory_space<semaphore_mem>>) src(%dma_wait3A_595 : memref<10112x32xf32, #tpu.memory_space<vmem_shared>>) dst(%arg13 : memref<512x32xf32, #tpu.memory_space<vmem>>)
    %dma_wait3A_596 = tpu.memref_slice %arg3[%mul3A_60] : memref<163840xi32, #tpu.memory_space<hbm>> -> memref<512xi32, #tpu.memory_space<hbm>>
    %dma_wait3A_597 = tpu.memref_slice %arg3[%mul3A_60] : memref<163840xi32, #tpu.memory_space<hbm>> -> memref<512xi32, #tpu.memory_space<hbm>>
    tpu.wait_dma2 semaphore(%arg16 : memref<!tpu.dma_semaphore, #tpu.memory_space<semaphore_mem>>) src(%dma_wait3A_597 : memref<512xi32, #tpu.memory_space<hbm>>) dst(%arg7 : memref<512xi32, #tpu.memory_space<vmem>>)
    %dma_wait3A_598 = arith.constant 0 : i32
    %dma_wait3A_599 = arith.constant 0 : i32
    %dma_wait3A_600 = tpu.memref_slice %arg11[%dma_wait3A_598, %dma_wait3A_599] : memref<512x32xf32, #tpu.memory_space<vmem>> -> memref<128x32xf32, #tpu.memory_space<vmem>>
    %dma_wait3A_601 = arith.constant 0 : i32
    %dma_wait3A_602 = tpu.memref_slice %arg5[%mul3A_42, %dma_wait3A_601] : memref<40960x128xf32, #tpu.memory_space<hbm>> -> memref<128x32xf32, #tpu.memory_space<hbm>>
    %dma_wait3A_603 = arith.constant 0 : i32
    %dma_wait3A_604 = tpu.memref_slice %arg5[%mul3A_42, %dma_wait3A_603] : memref<40960x128xf32, #tpu.memory_space<hbm>> -> memref<128x32xf32, #tpu.memory_space<hbm>>
    %dma_wait3A_605 = arith.constant 0 : i32
    %dma_wait3A_606 = arith.constant 0 : i32
    %dma_wait3A_607 = tpu.memref_slice %arg11[%dma_wait3A_605, %dma_wait3A_606] : memref<512x32xf32, #tpu.memory_space<vmem>> -> memref<128x32xf32, #tpu.memory_space<vmem>>
    tpu.wait_dma2 semaphore(%arg24 : memref<!tpu.dma_semaphore, #tpu.memory_space<semaphore_mem>>) src(%dma_wait3A_607 : memref<128x32xf32, #tpu.memory_space<vmem>>) dst(%dma_wait3A_604 : memref<128x32xf32, #tpu.memory_space<hbm>>)
    %dma_wait3A_608 = arith.constant 128 : i32
    %dma_wait3A_609 = arith.constant 0 : i32
    %dma_wait3A_610 = tpu.memref_slice %arg11[%dma_wait3A_608, %dma_wait3A_609] : memref<512x32xf32, #tpu.memory_space<vmem>> -> memref<128x32xf32, #tpu.memory_space<vmem>>
    %dma_wait3A_611 = arith.constant 32 : i32
    %dma_wait3A_612 = tpu.memref_slice %arg5[%mul3A_42, %dma_wait3A_611] : memref<40960x128xf32, #tpu.memory_space<hbm>> -> memref<128x32xf32, #tpu.memory_space<hbm>>
    %dma_wait3A_613 = arith.constant 32 : i32
    %dma_wait3A_614 = tpu.memref_slice %arg5[%mul3A_42, %dma_wait3A_613] : memref<40960x128xf32, #tpu.memory_space<hbm>> -> memref<128x32xf32, #tpu.memory_space<hbm>>
    %dma_wait3A_615 = arith.constant 128 : i32
    %dma_wait3A_616 = arith.constant 0 : i32
    %dma_wait3A_617 = tpu.memref_slice %arg11[%dma_wait3A_615, %dma_wait3A_616] : memref<512x32xf32, #tpu.memory_space<vmem>> -> memref<128x32xf32, #tpu.memory_space<vmem>>
    tpu.wait_dma2 semaphore(%arg24 : memref<!tpu.dma_semaphore, #tpu.memory_space<semaphore_mem>>) src(%dma_wait3A_617 : memref<128x32xf32, #tpu.memory_space<vmem>>) dst(%dma_wait3A_614 : memref<128x32xf32, #tpu.memory_space<hbm>>)
    %dma_wait3A_618 = arith.constant 256 : i32
    %dma_wait3A_619 = arith.constant 0 : i32
    %dma_wait3A_620 = tpu.memref_slice %arg11[%dma_wait3A_618, %dma_wait3A_619] : memref<512x32xf32, #tpu.memory_space<vmem>> -> memref<128x32xf32, #tpu.memory_space<vmem>>
    %dma_wait3A_621 = arith.constant 64 : i32
    %dma_wait3A_622 = tpu.memref_slice %arg5[%mul3A_42, %dma_wait3A_621] : memref<40960x128xf32, #tpu.memory_space<hbm>> -> memref<128x32xf32, #tpu.memory_space<hbm>>
    %dma_wait3A_623 = arith.constant 64 : i32
    %dma_wait3A_624 = tpu.memref_slice %arg5[%mul3A_42, %dma_wait3A_623] : memref<40960x128xf32, #tpu.memory_space<hbm>> -> memref<128x32xf32, #tpu.memory_space<hbm>>
    %dma_wait3A_625 = arith.constant 256 : i32
    %dma_wait3A_626 = arith.constant 0 : i32
    %dma_wait3A_627 = tpu.memref_slice %arg11[%dma_wait3A_625, %dma_wait3A_626] : memref<512x32xf32, #tpu.memory_space<vmem>> -> memref<128x32xf32, #tpu.memory_space<vmem>>
    tpu.wait_dma2 semaphore(%arg24 : memref<!tpu.dma_semaphore, #tpu.memory_space<semaphore_mem>>) src(%dma_wait3A_627 : memref<128x32xf32, #tpu.memory_space<vmem>>) dst(%dma_wait3A_624 : memref<128x32xf32, #tpu.memory_space<hbm>>)
    %dma_wait3A_628 = arith.constant 384 : i32
    %dma_wait3A_629 = arith.constant 0 : i32
    %dma_wait3A_630 = tpu.memref_slice %arg11[%dma_wait3A_628, %dma_wait3A_629] : memref<512x32xf32, #tpu.memory_space<vmem>> -> memref<128x32xf32, #tpu.memory_space<vmem>>
    %dma_wait3A_631 = arith.constant 96 : i32
    %dma_wait3A_632 = tpu.memref_slice %arg5[%mul3A_42, %dma_wait3A_631] : memref<40960x128xf32, #tpu.memory_space<hbm>> -> memref<128x32xf32, #tpu.memory_space<hbm>>
    %dma_wait3A_633 = arith.constant 96 : i32
    %dma_wait3A_634 = tpu.memref_slice %arg5[%mul3A_42, %dma_wait3A_633] : memref<40960x128xf32, #tpu.memory_space<hbm>> -> memref<128x32xf32, #tpu.memory_space<hbm>>
    %dma_wait3A_635 = arith.constant 384 : i32
    %dma_wait3A_636 = arith.constant 0 : i32
    %dma_wait3A_637 = tpu.memref_slice %arg11[%dma_wait3A_635, %dma_wait3A_636] : memref<512x32xf32, #tpu.memory_space<vmem>> -> memref<128x32xf32, #tpu.memory_space<vmem>>
    tpu.wait_dma2 semaphore(%arg24 : memref<!tpu.dma_semaphore, #tpu.memory_space<semaphore_mem>>) src(%dma_wait3A_637 : memref<128x32xf32, #tpu.memory_space<vmem>>) dst(%dma_wait3A_634 : memref<128x32xf32, #tpu.memory_space<hbm>>)
    %dma_start3A_638 = arith.constant 0 : i32
    %dma_start3A_639 = arith.constant 0 : i32
    %dma_start3A_640 = tpu.memref_slice %arg15[%dma_start3A_638, %dma_start3A_639] : memref<10112x32xf32, #tpu.memory_space<vmem_shared>> -> memref<10112x32xf32, #tpu.memory_space<vmem_shared>>
    tpu.enqueue_indirect_dma source(%dma_start3A_640 : memref<10112x32xf32, #tpu.memory_space<vmem_shared>>) target(%arg11 : memref<512x32xf32, #tpu.memory_space<vmem>>) offsets(%arg7 : memref<512xi32, #tpu.memory_space<vmem>>) semaphore(%arg20 : memref<!tpu.dma_semaphore, #tpu.memory_space<semaphore_mem>>)
    %dma_start3A_641 = arith.constant 0 : i32
    %dma_start3A_642 = arith.constant 0 : i32
    %dma_start3A_643 = tpu.memref_slice %arg13[%dma_start3A_641, %dma_start3A_642] : memref<512x32xf32, #tpu.memory_space<vmem>> -> memref<128x32xf32, #tpu.memory_space<vmem>>
    %dma_start3A_644 = arith.constant 0 : i32
    %dma_start3A_645 = tpu.memref_slice %arg5[%mul3A_52, %dma_start3A_644] : memref<40960x128xf32, #tpu.memory_space<hbm>> -> memref<128x32xf32, #tpu.memory_space<hbm>>
    %dma_start3A_646 = arith.constant 0 : i32
    %dma_start3A_647 = tpu.memref_slice %arg5[%mul3A_52, %dma_start3A_646] : memref<40960x128xf32, #tpu.memory_space<hbm>> -> memref<128x32xf32, #tpu.memory_space<hbm>>
    %dma_start3A_648 = arith.constant 0 : i32
    %dma_start3A_649 = arith.constant 0 : i32
    %dma_start3A_650 = tpu.memref_slice %arg13[%dma_start3A_648, %dma_start3A_649] : memref<512x32xf32, #tpu.memory_space<vmem>> -> memref<128x32xf32, #tpu.memory_space<vmem>>
    tpu.enqueue_dma source(%dma_start3A_650 : memref<128x32xf32, #tpu.memory_space<vmem>>) target(%dma_start3A_647 : memref<128x32xf32, #tpu.memory_space<hbm>>) target_semaphore(%arg26 : memref<!tpu.dma_semaphore, #tpu.memory_space<semaphore_mem>>)
    %dma_start3A_651 = arith.constant 128 : i32
    %dma_start3A_652 = arith.constant 0 : i32
    %dma_start3A_653 = tpu.memref_slice %arg13[%dma_start3A_651, %dma_start3A_652] : memref<512x32xf32, #tpu.memory_space<vmem>> -> memref<128x32xf32, #tpu.memory_space<vmem>>
    %dma_start3A_654 = arith.constant 32 : i32
    %dma_start3A_655 = tpu.memref_slice %arg5[%mul3A_52, %dma_start3A_654] : memref<40960x128xf32, #tpu.memory_space<hbm>> -> memref<128x32xf32, #tpu.memory_space<hbm>>
    %dma_start3A_656 = arith.constant 32 : i32
    %dma_start3A_657 = tpu.memref_slice %arg5[%mul3A_52, %dma_start3A_656] : memref<40960x128xf32, #tpu.memory_space<hbm>> -> memref<128x32xf32, #tpu.memory_space<hbm>>
    %dma_start3A_658 = arith.constant 128 : i32
    %dma_start3A_659 = arith.constant 0 : i32
    %dma_start3A_660 = tpu.memref_slice %arg13[%dma_start3A_658, %dma_start3A_659] : memref<512x32xf32, #tpu.memory_space<vmem>> -> memref<128x32xf32, #tpu.memory_space<vmem>>
    tpu.enqueue_dma source(%dma_start3A_660 : memref<128x32xf32, #tpu.memory_space<vmem>>) target(%dma_start3A_657 : memref<128x32xf32, #tpu.memory_space<hbm>>) target_semaphore(%arg26 : memref<!tpu.dma_semaphore, #tpu.memory_space<semaphore_mem>>)
    %dma_start3A_661 = arith.constant 256 : i32
    %dma_start3A_662 = arith.constant 0 : i32
    %dma_start3A_663 = tpu.memref_slice %arg13[%dma_start3A_661, %dma_start3A_662] : memref<512x32xf32, #tpu.memory_space<vmem>> -> memref<128x32xf32, #tpu.memory_space<vmem>>
    %dma_start3A_664 = arith.constant 64 : i32
    %dma_start3A_665 = tpu.memref_slice %arg5[%mul3A_52, %dma_start3A_664] : memref<40960x128xf32, #tpu.memory_space<hbm>> -> memref<128x32xf32, #tpu.memory_space<hbm>>
    %dma_start3A_666 = arith.constant 64 : i32
    %dma_start3A_667 = tpu.memref_slice %arg5[%mul3A_52, %dma_start3A_666] : memref<40960x128xf32, #tpu.memory_space<hbm>> -> memref<128x32xf32, #tpu.memory_space<hbm>>
    %dma_start3A_668 = arith.constant 256 : i32
    %dma_start3A_669 = arith.constant 0 : i32
    %dma_start3A_670 = tpu.memref_slice %arg13[%dma_start3A_668, %dma_start3A_669] : memref<512x32xf32, #tpu.memory_space<vmem>> -> memref<128x32xf32, #tpu.memory_space<vmem>>
    tpu.enqueue_dma source(%dma_start3A_670 : memref<128x32xf32, #tpu.memory_space<vmem>>) target(%dma_start3A_667 : memref<128x32xf32, #tpu.memory_space<hbm>>) target_semaphore(%arg26 : memref<!tpu.dma_semaphore, #tpu.memory_space<semaphore_mem>>)
    %dma_start3A_671 = arith.constant 384 : i32
    %dma_start3A_672 = arith.constant 0 : i32
    %dma_start3A_673 = tpu.memref_slice %arg13[%dma_start3A_671, %dma_start3A_672] : memref<512x32xf32, #tpu.memory_space<vmem>> -> memref<128x32xf32, #tpu.memory_space<vmem>>
    %dma_start3A_674 = arith.constant 96 : i32
    %dma_start3A_675 = tpu.memref_slice %arg5[%mul3A_52, %dma_start3A_674] : memref<40960x128xf32, #tpu.memory_space<hbm>> -> memref<128x32xf32, #tpu.memory_space<hbm>>
    %dma_start3A_676 = arith.constant 96 : i32
    %dma_start3A_677 = tpu.memref_slice %arg5[%mul3A_52, %dma_start3A_676] : memref<40960x128xf32, #tpu.memory_space<hbm>> -> memref<128x32xf32, #tpu.memory_space<hbm>>
    %dma_start3A_678 = arith.constant 384 : i32
    %dma_start3A_679 = arith.constant 0 : i32
    %dma_start3A_680 = tpu.memref_slice %arg13[%dma_start3A_678, %dma_start3A_679] : memref<512x32xf32, #tpu.memory_space<vmem>> -> memref<128x32xf32, #tpu.memory_space<vmem>>
    tpu.enqueue_dma source(%dma_start3A_680 : memref<128x32xf32, #tpu.memory_space<vmem>>) target(%dma_start3A_677 : memref<128x32xf32, #tpu.memory_space<hbm>>) target_semaphore(%arg26 : memref<!tpu.dma_semaphore, #tpu.memory_space<semaphore_mem>>)
    %dma_start3A_681 = tpu.memref_slice %arg3[%mul3A_70] : memref<163840xi32, #tpu.memory_space<hbm>> -> memref<512xi32, #tpu.memory_space<hbm>>
    %dma_start3A_682 = tpu.memref_slice %arg3[%mul3A_70] : memref<163840xi32, #tpu.memory_space<hbm>> -> memref<512xi32, #tpu.memory_space<hbm>>
    tpu.enqueue_dma source(%dma_start3A_682 : memref<512xi32, #tpu.memory_space<hbm>>) target(%arg9 : memref<512xi32, #tpu.memory_space<vmem>>) target_semaphore(%arg18 : memref<!tpu.dma_semaphore, #tpu.memory_space<semaphore_mem>>)
    %dma_wait3A_683 = arith.constant 0 : i32
    %dma_wait3A_684 = arith.constant 0 : i32
    %dma_wait3A_685 = tpu.memref_slice %arg15[%dma_wait3A_683, %dma_wait3A_684] : memref<10112x32xf32, #tpu.memory_space<vmem_shared>> -> memref<10112x32xf32, #tpu.memory_space<vmem_shared>>
    tpu.wait_indirect_dma semaphore(%arg23 : memref<!tpu.dma_semaphore, #tpu.memory_space<semaphore_mem>>) src(%dma_wait3A_685 : memref<10112x32xf32, #tpu.memory_space<vmem_shared>>) dst(%arg14 : memref<512x32xf32, #tpu.memory_space<vmem>>)
    %dma_wait3A_686 = tpu.memref_slice %arg4[%mul3A_64] : memref<163840xi32, #tpu.memory_space<hbm>> -> memref<512xi32, #tpu.memory_space<hbm>>
    %dma_wait3A_687 = tpu.memref_slice %arg4[%mul3A_64] : memref<163840xi32, #tpu.memory_space<hbm>> -> memref<512xi32, #tpu.memory_space<hbm>>
    tpu.wait_dma2 semaphore(%arg17 : memref<!tpu.dma_semaphore, #tpu.memory_space<semaphore_mem>>) src(%dma_wait3A_687 : memref<512xi32, #tpu.memory_space<hbm>>) dst(%arg8 : memref<512xi32, #tpu.memory_space<vmem>>)
    %dma_wait3A_688 = arith.constant 0 : i32
    %dma_wait3A_689 = arith.constant 0 : i32
    %dma_wait3A_690 = tpu.memref_slice %arg12[%dma_wait3A_688, %dma_wait3A_689] : memref<512x32xf32, #tpu.memory_space<vmem>> -> memref<128x32xf32, #tpu.memory_space<vmem>>
    %dma_wait3A_691 = arith.constant 0 : i32
    %dma_wait3A_692 = tpu.memref_slice %arg6[%mul3A_46, %dma_wait3A_691] : memref<40960x128xf32, #tpu.memory_space<hbm>> -> memref<128x32xf32, #tpu.memory_space<hbm>>
    %dma_wait3A_693 = arith.constant 0 : i32
    %dma_wait3A_694 = tpu.memref_slice %arg6[%mul3A_46, %dma_wait3A_693] : memref<40960x128xf32, #tpu.memory_space<hbm>> -> memref<128x32xf32, #tpu.memory_space<hbm>>
    %dma_wait3A_695 = arith.constant 0 : i32
    %dma_wait3A_696 = arith.constant 0 : i32
    %dma_wait3A_697 = tpu.memref_slice %arg12[%dma_wait3A_695, %dma_wait3A_696] : memref<512x32xf32, #tpu.memory_space<vmem>> -> memref<128x32xf32, #tpu.memory_space<vmem>>
    tpu.wait_dma2 semaphore(%arg25 : memref<!tpu.dma_semaphore, #tpu.memory_space<semaphore_mem>>) src(%dma_wait3A_697 : memref<128x32xf32, #tpu.memory_space<vmem>>) dst(%dma_wait3A_694 : memref<128x32xf32, #tpu.memory_space<hbm>>)
    %dma_wait3A_698 = arith.constant 128 : i32
    %dma_wait3A_699 = arith.constant 0 : i32
    %dma_wait3A_700 = tpu.memref_slice %arg12[%dma_wait3A_698, %dma_wait3A_699] : memref<512x32xf32, #tpu.memory_space<vmem>> -> memref<128x32xf32, #tpu.memory_space<vmem>>
    %dma_wait3A_701 = arith.constant 32 : i32
    %dma_wait3A_702 = tpu.memref_slice %arg6[%mul3A_46, %dma_wait3A_701] : memref<40960x128xf32, #tpu.memory_space<hbm>> -> memref<128x32xf32, #tpu.memory_space<hbm>>
    %dma_wait3A_703 = arith.constant 32 : i32
    %dma_wait3A_704 = tpu.memref_slice %arg6[%mul3A_46, %dma_wait3A_703] : memref<40960x128xf32, #tpu.memory_space<hbm>> -> memref<128x32xf32, #tpu.memory_space<hbm>>
    %dma_wait3A_705 = arith.constant 128 : i32
    %dma_wait3A_706 = arith.constant 0 : i32
    %dma_wait3A_707 = tpu.memref_slice %arg12[%dma_wait3A_705, %dma_wait3A_706] : memref<512x32xf32, #tpu.memory_space<vmem>> -> memref<128x32xf32, #tpu.memory_space<vmem>>
    tpu.wait_dma2 semaphore(%arg25 : memref<!tpu.dma_semaphore, #tpu.memory_space<semaphore_mem>>) src(%dma_wait3A_707 : memref<128x32xf32, #tpu.memory_space<vmem>>) dst(%dma_wait3A_704 : memref<128x32xf32, #tpu.memory_space<hbm>>)
    %dma_wait3A_708 = arith.constant 256 : i32
    %dma_wait3A_709 = arith.constant 0 : i32
    %dma_wait3A_710 = tpu.memref_slice %arg12[%dma_wait3A_708, %dma_wait3A_709] : memref<512x32xf32, #tpu.memory_space<vmem>> -> memref<128x32xf32, #tpu.memory_space<vmem>>
    %dma_wait3A_711 = arith.constant 64 : i32
    %dma_wait3A_712 = tpu.memref_slice %arg6[%mul3A_46, %dma_wait3A_711] : memref<40960x128xf32, #tpu.memory_space<hbm>> -> memref<128x32xf32, #tpu.memory_space<hbm>>
    %dma_wait3A_713 = arith.constant 64 : i32
    %dma_wait3A_714 = tpu.memref_slice %arg6[%mul3A_46, %dma_wait3A_713] : memref<40960x128xf32, #tpu.memory_space<hbm>> -> memref<128x32xf32, #tpu.memory_space<hbm>>
    %dma_wait3A_715 = arith.constant 256 : i32
    %dma_wait3A_716 = arith.constant 0 : i32
    %dma_wait3A_717 = tpu.memref_slice %arg12[%dma_wait3A_715, %dma_wait3A_716] : memref<512x32xf32, #tpu.memory_space<vmem>> -> memref<128x32xf32, #tpu.memory_space<vmem>>
    tpu.wait_dma2 semaphore(%arg25 : memref<!tpu.dma_semaphore, #tpu.memory_space<semaphore_mem>>) src(%dma_wait3A_717 : memref<128x32xf32, #tpu.memory_space<vmem>>) dst(%dma_wait3A_714 : memref<128x32xf32, #tpu.memory_space<hbm>>)
    %dma_wait3A_718 = arith.constant 384 : i32
    %dma_wait3A_719 = arith.constant 0 : i32
    %dma_wait3A_720 = tpu.memref_slice %arg12[%dma_wait3A_718, %dma_wait3A_719] : memref<512x32xf32, #tpu.memory_space<vmem>> -> memref<128x32xf32, #tpu.memory_space<vmem>>
    %dma_wait3A_721 = arith.constant 96 : i32
    %dma_wait3A_722 = tpu.memref_slice %arg6[%mul3A_46, %dma_wait3A_721] : memref<40960x128xf32, #tpu.memory_space<hbm>> -> memref<128x32xf32, #tpu.memory_space<hbm>>
    %dma_wait3A_723 = arith.constant 96 : i32
    %dma_wait3A_724 = tpu.memref_slice %arg6[%mul3A_46, %dma_wait3A_723] : memref<40960x128xf32, #tpu.memory_space<hbm>> -> memref<128x32xf32, #tpu.memory_space<hbm>>
    %dma_wait3A_725 = arith.constant 384 : i32
    %dma_wait3A_726 = arith.constant 0 : i32
    %dma_wait3A_727 = tpu.memref_slice %arg12[%dma_wait3A_725, %dma_wait3A_726] : memref<512x32xf32, #tpu.memory_space<vmem>> -> memref<128x32xf32, #tpu.memory_space<vmem>>
    tpu.wait_dma2 semaphore(%arg25 : memref<!tpu.dma_semaphore, #tpu.memory_space<semaphore_mem>>) src(%dma_wait3A_727 : memref<128x32xf32, #tpu.memory_space<vmem>>) dst(%dma_wait3A_724 : memref<128x32xf32, #tpu.memory_space<hbm>>)
    %dma_start3A_728 = arith.constant 0 : i32
    %dma_start3A_729 = arith.constant 0 : i32
    %dma_start3A_730 = tpu.memref_slice %arg15[%dma_start3A_728, %dma_start3A_729] : memref<10112x32xf32, #tpu.memory_space<vmem_shared>> -> memref<10112x32xf32, #tpu.memory_space<vmem_shared>>
    tpu.enqueue_indirect_dma source(%dma_start3A_730 : memref<10112x32xf32, #tpu.memory_space<vmem_shared>>) target(%arg12 : memref<512x32xf32, #tpu.memory_space<vmem>>) offsets(%arg8 : memref<512xi32, #tpu.memory_space<vmem>>) semaphore(%arg21 : memref<!tpu.dma_semaphore, #tpu.memory_space<semaphore_mem>>)
    %dma_start3A_731 = arith.constant 0 : i32
    %dma_start3A_732 = arith.constant 0 : i32
    %dma_start3A_733 = tpu.memref_slice %arg14[%dma_start3A_731, %dma_start3A_732] : memref<512x32xf32, #tpu.memory_space<vmem>> -> memref<128x32xf32, #tpu.memory_space<vmem>>
    %dma_start3A_734 = arith.constant 0 : i32
    %dma_start3A_735 = tpu.memref_slice %arg6[%mul3A_56, %dma_start3A_734] : memref<40960x128xf32, #tpu.memory_space<hbm>> -> memref<128x32xf32, #tpu.memory_space<hbm>>
    %dma_start3A_736 = arith.constant 0 : i32
    %dma_start3A_737 = tpu.memref_slice %arg6[%mul3A_56, %dma_start3A_736] : memref<40960x128xf32, #tpu.memory_space<hbm>> -> memref<128x32xf32, #tpu.memory_space<hbm>>
    %dma_start3A_738 = arith.constant 0 : i32
    %dma_start3A_739 = arith.constant 0 : i32
    %dma_start3A_740 = tpu.memref_slice %arg14[%dma_start3A_738, %dma_start3A_739] : memref<512x32xf32, #tpu.memory_space<vmem>> -> memref<128x32xf32, #tpu.memory_space<vmem>>
    tpu.enqueue_dma source(%dma_start3A_740 : memref<128x32xf32, #tpu.memory_space<vmem>>) target(%dma_start3A_737 : memref<128x32xf32, #tpu.memory_space<hbm>>) target_semaphore(%arg27 : memref<!tpu.dma_semaphore, #tpu.memory_space<semaphore_mem>>)
    %dma_start3A_741 = arith.constant 128 : i32
    %dma_start3A_742 = arith.constant 0 : i32
    %dma_start3A_743 = tpu.memref_slice %arg14[%dma_start3A_741, %dma_start3A_742] : memref<512x32xf32, #tpu.memory_space<vmem>> -> memref<128x32xf32, #tpu.memory_space<vmem>>
    %dma_start3A_744 = arith.constant 32 : i32
    %dma_start3A_745 = tpu.memref_slice %arg6[%mul3A_56, %dma_start3A_744] : memref<40960x128xf32, #tpu.memory_space<hbm>> -> memref<128x32xf32, #tpu.memory_space<hbm>>
    %dma_start3A_746 = arith.constant 32 : i32
    %dma_start3A_747 = tpu.memref_slice %arg6[%mul3A_56, %dma_start3A_746] : memref<40960x128xf32, #tpu.memory_space<hbm>> -> memref<128x32xf32, #tpu.memory_space<hbm>>
    %dma_start3A_748 = arith.constant 128 : i32
    %dma_start3A_749 = arith.constant 0 : i32
    %dma_start3A_750 = tpu.memref_slice %arg14[%dma_start3A_748, %dma_start3A_749] : memref<512x32xf32, #tpu.memory_space<vmem>> -> memref<128x32xf32, #tpu.memory_space<vmem>>
    tpu.enqueue_dma source(%dma_start3A_750 : memref<128x32xf32, #tpu.memory_space<vmem>>) target(%dma_start3A_747 : memref<128x32xf32, #tpu.memory_space<hbm>>) target_semaphore(%arg27 : memref<!tpu.dma_semaphore, #tpu.memory_space<semaphore_mem>>)
    %dma_start3A_751 = arith.constant 256 : i32
    %dma_start3A_752 = arith.constant 0 : i32
    %dma_start3A_753 = tpu.memref_slice %arg14[%dma_start3A_751, %dma_start3A_752] : memref<512x32xf32, #tpu.memory_space<vmem>> -> memref<128x32xf32, #tpu.memory_space<vmem>>
    %dma_start3A_754 = arith.constant 64 : i32
    %dma_start3A_755 = tpu.memref_slice %arg6[%mul3A_56, %dma_start3A_754] : memref<40960x128xf32, #tpu.memory_space<hbm>> -> memref<128x32xf32, #tpu.memory_space<hbm>>
    %dma_start3A_756 = arith.constant 64 : i32
    %dma_start3A_757 = tpu.memref_slice %arg6[%mul3A_56, %dma_start3A_756] : memref<40960x128xf32, #tpu.memory_space<hbm>> -> memref<128x32xf32, #tpu.memory_space<hbm>>
    %dma_start3A_758 = arith.constant 256 : i32
    %dma_start3A_759 = arith.constant 0 : i32
    %dma_start3A_760 = tpu.memref_slice %arg14[%dma_start3A_758, %dma_start3A_759] : memref<512x32xf32, #tpu.memory_space<vmem>> -> memref<128x32xf32, #tpu.memory_space<vmem>>
    tpu.enqueue_dma source(%dma_start3A_760 : memref<128x32xf32, #tpu.memory_space<vmem>>) target(%dma_start3A_757 : memref<128x32xf32, #tpu.memory_space<hbm>>) target_semaphore(%arg27 : memref<!tpu.dma_semaphore, #tpu.memory_space<semaphore_mem>>)
    %dma_start3A_761 = arith.constant 384 : i32
    %dma_start3A_762 = arith.constant 0 : i32
    %dma_start3A_763 = tpu.memref_slice %arg14[%dma_start3A_761, %dma_start3A_762] : memref<512x32xf32, #tpu.memory_space<vmem>> -> memref<128x32xf32, #tpu.memory_space<vmem>>
    %dma_start3A_764 = arith.constant 96 : i32
    %dma_start3A_765 = tpu.memref_slice %arg6[%mul3A_56, %dma_start3A_764] : memref<40960x128xf32, #tpu.memory_space<hbm>> -> memref<128x32xf32, #tpu.memory_space<hbm>>
    %dma_start3A_766 = arith.constant 96 : i32
    %dma_start3A_767 = tpu.memref_slice %arg6[%mul3A_56, %dma_start3A_766] : memref<40960x128xf32, #tpu.memory_space<hbm>> -> memref<128x32xf32, #tpu.memory_space<hbm>>
    %dma_start3A_768 = arith.constant 384 : i32
    %dma_start3A_769 = arith.constant 0 : i32
    %dma_start3A_770 = tpu.memref_slice %arg14[%dma_start3A_768, %dma_start3A_769] : memref<512x32xf32, #tpu.memory_space<vmem>> -> memref<128x32xf32, #tpu.memory_space<vmem>>
    tpu.enqueue_dma source(%dma_start3A_770 : memref<128x32xf32, #tpu.memory_space<vmem>>) target(%dma_start3A_767 : memref<128x32xf32, #tpu.memory_space<hbm>>) target_semaphore(%arg27 : memref<!tpu.dma_semaphore, #tpu.memory_space<semaphore_mem>>)
    %dma_start3A_771 = tpu.memref_slice %arg4[%mul3A_74] : memref<163840xi32, #tpu.memory_space<hbm>> -> memref<512xi32, #tpu.memory_space<hbm>>
    %dma_start3A_772 = tpu.memref_slice %arg4[%mul3A_74] : memref<163840xi32, #tpu.memory_space<hbm>> -> memref<512xi32, #tpu.memory_space<hbm>>
    tpu.enqueue_dma source(%dma_start3A_772 : memref<512xi32, #tpu.memory_space<hbm>>) target(%arg10 : memref<512xi32, #tpu.memory_space<vmem>>) target_semaphore(%arg19 : memref<!tpu.dma_semaphore, #tpu.memory_space<semaphore_mem>>)
    %dma_wait3A_773 = arith.constant 0 : i32
    %dma_wait3A_774 = arith.constant 0 : i32
    %dma_wait3A_775 = tpu.memref_slice %arg15[%dma_wait3A_773, %dma_wait3A_774] : memref<10112x32xf32, #tpu.memory_space<vmem_shared>> -> memref<10112x32xf32, #tpu.memory_space<vmem_shared>>
    tpu.wait_indirect_dma semaphore(%arg20 : memref<!tpu.dma_semaphore, #tpu.memory_space<semaphore_mem>>) src(%dma_wait3A_775 : memref<10112x32xf32, #tpu.memory_space<vmem_shared>>) dst(%arg11 : memref<512x32xf32, #tpu.memory_space<vmem>>)
    %dma_wait3A_776 = tpu.memref_slice %arg3[%mul3A_70] : memref<163840xi32, #tpu.memory_space<hbm>> -> memref<512xi32, #tpu.memory_space<hbm>>
    %dma_wait3A_777 = tpu.memref_slice %arg3[%mul3A_70] : memref<163840xi32, #tpu.memory_space<hbm>> -> memref<512xi32, #tpu.memory_space<hbm>>
    tpu.wait_dma2 semaphore(%arg18 : memref<!tpu.dma_semaphore, #tpu.memory_space<semaphore_mem>>) src(%dma_wait3A_777 : memref<512xi32, #tpu.memory_space<hbm>>) dst(%arg9 : memref<512xi32, #tpu.memory_space<vmem>>)
    %dma_wait3A_778 = arith.constant 0 : i32
    %dma_wait3A_779 = arith.constant 0 : i32
    %dma_wait3A_780 = tpu.memref_slice %arg13[%dma_wait3A_778, %dma_wait3A_779] : memref<512x32xf32, #tpu.memory_space<vmem>> -> memref<128x32xf32, #tpu.memory_space<vmem>>
    %dma_wait3A_781 = arith.constant 0 : i32
    %dma_wait3A_782 = tpu.memref_slice %arg5[%mul3A_52, %dma_wait3A_781] : memref<40960x128xf32, #tpu.memory_space<hbm>> -> memref<128x32xf32, #tpu.memory_space<hbm>>
    %dma_wait3A_783 = arith.constant 0 : i32
    %dma_wait3A_784 = tpu.memref_slice %arg5[%mul3A_52, %dma_wait3A_783] : memref<40960x128xf32, #tpu.memory_space<hbm>> -> memref<128x32xf32, #tpu.memory_space<hbm>>
    %dma_wait3A_785 = arith.constant 0 : i32
    %dma_wait3A_786 = arith.constant 0 : i32
    %dma_wait3A_787 = tpu.memref_slice %arg13[%dma_wait3A_785, %dma_wait3A_786] : memref<512x32xf32, #tpu.memory_space<vmem>> -> memref<128x32xf32, #tpu.memory_space<vmem>>
    tpu.wait_dma2 semaphore(%arg26 : memref<!tpu.dma_semaphore, #tpu.memory_space<semaphore_mem>>) src(%dma_wait3A_787 : memref<128x32xf32, #tpu.memory_space<vmem>>) dst(%dma_wait3A_784 : memref<128x32xf32, #tpu.memory_space<hbm>>)
    %dma_wait3A_788 = arith.constant 128 : i32
    %dma_wait3A_789 = arith.constant 0 : i32
    %dma_wait3A_790 = tpu.memref_slice %arg13[%dma_wait3A_788, %dma_wait3A_789] : memref<512x32xf32, #tpu.memory_space<vmem>> -> memref<128x32xf32, #tpu.memory_space<vmem>>
    %dma_wait3A_791 = arith.constant 32 : i32
    %dma_wait3A_792 = tpu.memref_slice %arg5[%mul3A_52, %dma_wait3A_791] : memref<40960x128xf32, #tpu.memory_space<hbm>> -> memref<128x32xf32, #tpu.memory_space<hbm>>
    %dma_wait3A_793 = arith.constant 32 : i32
    %dma_wait3A_794 = tpu.memref_slice %arg5[%mul3A_52, %dma_wait3A_793] : memref<40960x128xf32, #tpu.memory_space<hbm>> -> memref<128x32xf32, #tpu.memory_space<hbm>>
    %dma_wait3A_795 = arith.constant 128 : i32
    %dma_wait3A_796 = arith.constant 0 : i32
    %dma_wait3A_797 = tpu.memref_slice %arg13[%dma_wait3A_795, %dma_wait3A_796] : memref<512x32xf32, #tpu.memory_space<vmem>> -> memref<128x32xf32, #tpu.memory_space<vmem>>
    tpu.wait_dma2 semaphore(%arg26 : memref<!tpu.dma_semaphore, #tpu.memory_space<semaphore_mem>>) src(%dma_wait3A_797 : memref<128x32xf32, #tpu.memory_space<vmem>>) dst(%dma_wait3A_794 : memref<128x32xf32, #tpu.memory_space<hbm>>)
    %dma_wait3A_798 = arith.constant 256 : i32
    %dma_wait3A_799 = arith.constant 0 : i32
    %dma_wait3A_800 = tpu.memref_slice %arg13[%dma_wait3A_798, %dma_wait3A_799] : memref<512x32xf32, #tpu.memory_space<vmem>> -> memref<128x32xf32, #tpu.memory_space<vmem>>
    %dma_wait3A_801 = arith.constant 64 : i32
    %dma_wait3A_802 = tpu.memref_slice %arg5[%mul3A_52, %dma_wait3A_801] : memref<40960x128xf32, #tpu.memory_space<hbm>> -> memref<128x32xf32, #tpu.memory_space<hbm>>
    %dma_wait3A_803 = arith.constant 64 : i32
    %dma_wait3A_804 = tpu.memref_slice %arg5[%mul3A_52, %dma_wait3A_803] : memref<40960x128xf32, #tpu.memory_space<hbm>> -> memref<128x32xf32, #tpu.memory_space<hbm>>
    %dma_wait3A_805 = arith.constant 256 : i32
    %dma_wait3A_806 = arith.constant 0 : i32
    %dma_wait3A_807 = tpu.memref_slice %arg13[%dma_wait3A_805, %dma_wait3A_806] : memref<512x32xf32, #tpu.memory_space<vmem>> -> memref<128x32xf32, #tpu.memory_space<vmem>>
    tpu.wait_dma2 semaphore(%arg26 : memref<!tpu.dma_semaphore, #tpu.memory_space<semaphore_mem>>) src(%dma_wait3A_807 : memref<128x32xf32, #tpu.memory_space<vmem>>) dst(%dma_wait3A_804 : memref<128x32xf32, #tpu.memory_space<hbm>>)
    %dma_wait3A_808 = arith.constant 384 : i32
    %dma_wait3A_809 = arith.constant 0 : i32
    %dma_wait3A_810 = tpu.memref_slice %arg13[%dma_wait3A_808, %dma_wait3A_809] : memref<512x32xf32, #tpu.memory_space<vmem>> -> memref<128x32xf32, #tpu.memory_space<vmem>>
    %dma_wait3A_811 = arith.constant 96 : i32
    %dma_wait3A_812 = tpu.memref_slice %arg5[%mul3A_52, %dma_wait3A_811] : memref<40960x128xf32, #tpu.memory_space<hbm>> -> memref<128x32xf32, #tpu.memory_space<hbm>>
    %dma_wait3A_813 = arith.constant 96 : i32
    %dma_wait3A_814 = tpu.memref_slice %arg5[%mul3A_52, %dma_wait3A_813] : memref<40960x128xf32, #tpu.memory_space<hbm>> -> memref<128x32xf32, #tpu.memory_space<hbm>>
    %dma_wait3A_815 = arith.constant 384 : i32
    %dma_wait3A_816 = arith.constant 0 : i32
    %dma_wait3A_817 = tpu.memref_slice %arg13[%dma_wait3A_815, %dma_wait3A_816] : memref<512x32xf32, #tpu.memory_space<vmem>> -> memref<128x32xf32, #tpu.memory_space<vmem>>
    tpu.wait_dma2 semaphore(%arg26 : memref<!tpu.dma_semaphore, #tpu.memory_space<semaphore_mem>>) src(%dma_wait3A_817 : memref<128x32xf32, #tpu.memory_space<vmem>>) dst(%dma_wait3A_814 : memref<128x32xf32, #tpu.memory_space<hbm>>)
    %dma_start3A_818 = arith.constant 0 : i32
    %dma_start3A_819 = arith.constant 0 : i32
    %dma_start3A_820 = tpu.memref_slice %arg15[%dma_start3A_818, %dma_start3A_819] : memref<10112x32xf32, #tpu.memory_space<vmem_shared>> -> memref<10112x32xf32, #tpu.memory_space<vmem_shared>>
    tpu.enqueue_indirect_dma source(%dma_start3A_820 : memref<10112x32xf32, #tpu.memory_space<vmem_shared>>) target(%arg13 : memref<512x32xf32, #tpu.memory_space<vmem>>) offsets(%arg9 : memref<512xi32, #tpu.memory_space<vmem>>) semaphore(%arg22 : memref<!tpu.dma_semaphore, #tpu.memory_space<semaphore_mem>>)
    %dma_start3A_821 = arith.constant 0 : i32
    %dma_start3A_822 = arith.constant 0 : i32
    %dma_start3A_823 = tpu.memref_slice %arg11[%dma_start3A_821, %dma_start3A_822] : memref<512x32xf32, #tpu.memory_space<vmem>> -> memref<128x32xf32, #tpu.memory_space<vmem>>
    %dma_start3A_824 = arith.constant 0 : i32
    %dma_start3A_825 = tpu.memref_slice %arg5[%mul3A_62, %dma_start3A_824] : memref<40960x128xf32, #tpu.memory_space<hbm>> -> memref<128x32xf32, #tpu.memory_space<hbm>>
    %dma_start3A_826 = arith.constant 0 : i32
    %dma_start3A_827 = tpu.memref_slice %arg5[%mul3A_62, %dma_start3A_826] : memref<40960x128xf32, #tpu.memory_space<hbm>> -> memref<128x32xf32, #tpu.memory_space<hbm>>
    %dma_start3A_828 = arith.constant 0 : i32
    %dma_start3A_829 = arith.constant 0 : i32
    %dma_start3A_830 = tpu.memref_slice %arg11[%dma_start3A_828, %dma_start3A_829] : memref<512x32xf32, #tpu.memory_space<vmem>> -> memref<128x32xf32, #tpu.memory_space<vmem>>
    tpu.enqueue_dma source(%dma_start3A_830 : memref<128x32xf32, #tpu.memory_space<vmem>>) target(%dma_start3A_827 : memref<128x32xf32, #tpu.memory_space<hbm>>) target_semaphore(%arg24 : memref<!tpu.dma_semaphore, #tpu.memory_space<semaphore_mem>>)
    %dma_start3A_831 = arith.constant 128 : i32
    %dma_start3A_832 = arith.constant 0 : i32
    %dma_start3A_833 = tpu.memref_slice %arg11[%dma_start3A_831, %dma_start3A_832] : memref<512x32xf32, #tpu.memory_space<vmem>> -> memref<128x32xf32, #tpu.memory_space<vmem>>
    %dma_start3A_834 = arith.constant 32 : i32
    %dma_start3A_835 = tpu.memref_slice %arg5[%mul3A_62, %dma_start3A_834] : memref<40960x128xf32, #tpu.memory_space<hbm>> -> memref<128x32xf32, #tpu.memory_space<hbm>>
    %dma_start3A_836 = arith.constant 32 : i32
    %dma_start3A_837 = tpu.memref_slice %arg5[%mul3A_62, %dma_start3A_836] : memref<40960x128xf32, #tpu.memory_space<hbm>> -> memref<128x32xf32, #tpu.memory_space<hbm>>
    %dma_start3A_838 = arith.constant 128 : i32
    %dma_start3A_839 = arith.constant 0 : i32
    %dma_start3A_840 = tpu.memref_slice %arg11[%dma_start3A_838, %dma_start3A_839] : memref<512x32xf32, #tpu.memory_space<vmem>> -> memref<128x32xf32, #tpu.memory_space<vmem>>
    tpu.enqueue_dma source(%dma_start3A_840 : memref<128x32xf32, #tpu.memory_space<vmem>>) target(%dma_start3A_837 : memref<128x32xf32, #tpu.memory_space<hbm>>) target_semaphore(%arg24 : memref<!tpu.dma_semaphore, #tpu.memory_space<semaphore_mem>>)
    %dma_start3A_841 = arith.constant 256 : i32
    %dma_start3A_842 = arith.constant 0 : i32
    %dma_start3A_843 = tpu.memref_slice %arg11[%dma_start3A_841, %dma_start3A_842] : memref<512x32xf32, #tpu.memory_space<vmem>> -> memref<128x32xf32, #tpu.memory_space<vmem>>
    %dma_start3A_844 = arith.constant 64 : i32
    %dma_start3A_845 = tpu.memref_slice %arg5[%mul3A_62, %dma_start3A_844] : memref<40960x128xf32, #tpu.memory_space<hbm>> -> memref<128x32xf32, #tpu.memory_space<hbm>>
    %dma_start3A_846 = arith.constant 64 : i32
    %dma_start3A_847 = tpu.memref_slice %arg5[%mul3A_62, %dma_start3A_846] : memref<40960x128xf32, #tpu.memory_space<hbm>> -> memref<128x32xf32, #tpu.memory_space<hbm>>
    %dma_start3A_848 = arith.constant 256 : i32
    %dma_start3A_849 = arith.constant 0 : i32
    %dma_start3A_850 = tpu.memref_slice %arg11[%dma_start3A_848, %dma_start3A_849] : memref<512x32xf32, #tpu.memory_space<vmem>> -> memref<128x32xf32, #tpu.memory_space<vmem>>
    tpu.enqueue_dma source(%dma_start3A_850 : memref<128x32xf32, #tpu.memory_space<vmem>>) target(%dma_start3A_847 : memref<128x32xf32, #tpu.memory_space<hbm>>) target_semaphore(%arg24 : memref<!tpu.dma_semaphore, #tpu.memory_space<semaphore_mem>>)
    %dma_start3A_851 = arith.constant 384 : i32
    %dma_start3A_852 = arith.constant 0 : i32
    %dma_start3A_853 = tpu.memref_slice %arg11[%dma_start3A_851, %dma_start3A_852] : memref<512x32xf32, #tpu.memory_space<vmem>> -> memref<128x32xf32, #tpu.memory_space<vmem>>
    %dma_start3A_854 = arith.constant 96 : i32
    %dma_start3A_855 = tpu.memref_slice %arg5[%mul3A_62, %dma_start3A_854] : memref<40960x128xf32, #tpu.memory_space<hbm>> -> memref<128x32xf32, #tpu.memory_space<hbm>>
    %dma_start3A_856 = arith.constant 96 : i32
    %dma_start3A_857 = tpu.memref_slice %arg5[%mul3A_62, %dma_start3A_856] : memref<40960x128xf32, #tpu.memory_space<hbm>> -> memref<128x32xf32, #tpu.memory_space<hbm>>
    %dma_start3A_858 = arith.constant 384 : i32
    %dma_start3A_859 = arith.constant 0 : i32
    %dma_start3A_860 = tpu.memref_slice %arg11[%dma_start3A_858, %dma_start3A_859] : memref<512x32xf32, #tpu.memory_space<vmem>> -> memref<128x32xf32, #tpu.memory_space<vmem>>
    tpu.enqueue_dma source(%dma_start3A_860 : memref<128x32xf32, #tpu.memory_space<vmem>>) target(%dma_start3A_857 : memref<128x32xf32, #tpu.memory_space<hbm>>) target_semaphore(%arg24 : memref<!tpu.dma_semaphore, #tpu.memory_space<semaphore_mem>>)
    %dma_start3A_861 = tpu.memref_slice %arg3[%mul3A_80] : memref<163840xi32, #tpu.memory_space<hbm>> -> memref<512xi32, #tpu.memory_space<hbm>>
    %dma_start3A_862 = tpu.memref_slice %arg3[%mul3A_80] : memref<163840xi32, #tpu.memory_space<hbm>> -> memref<512xi32, #tpu.memory_space<hbm>>
    tpu.enqueue_dma source(%dma_start3A_862 : memref<512xi32, #tpu.memory_space<hbm>>) target(%arg7 : memref<512xi32, #tpu.memory_space<vmem>>) target_semaphore(%arg16 : memref<!tpu.dma_semaphore, #tpu.memory_space<semaphore_mem>>)
    %dma_wait3A_863 = arith.constant 0 : i32
    %dma_wait3A_864 = arith.constant 0 : i32
    %dma_wait3A_865 = tpu.memref_slice %arg15[%dma_wait3A_863, %dma_wait3A_864] : memref<10112x32xf32, #tpu.memory_space<vmem_shared>> -> memref<10112x32xf32, #tpu.memory_space<vmem_shared>>
    tpu.wait_indirect_dma semaphore(%arg21 : memref<!tpu.dma_semaphore, #tpu.memory_space<semaphore_mem>>) src(%dma_wait3A_865 : memref<10112x32xf32, #tpu.memory_space<vmem_shared>>) dst(%arg12 : memref<512x32xf32, #tpu.memory_space<vmem>>)
    %dma_wait3A_866 = tpu.memref_slice %arg4[%mul3A_74] : memref<163840xi32, #tpu.memory_space<hbm>> -> memref<512xi32, #tpu.memory_space<hbm>>
    %dma_wait3A_867 = tpu.memref_slice %arg4[%mul3A_74] : memref<163840xi32, #tpu.memory_space<hbm>> -> memref<512xi32, #tpu.memory_space<hbm>>
    tpu.wait_dma2 semaphore(%arg19 : memref<!tpu.dma_semaphore, #tpu.memory_space<semaphore_mem>>) src(%dma_wait3A_867 : memref<512xi32, #tpu.memory_space<hbm>>) dst(%arg10 : memref<512xi32, #tpu.memory_space<vmem>>)
    %dma_wait3A_868 = arith.constant 0 : i32
    %dma_wait3A_869 = arith.constant 0 : i32
    %dma_wait3A_870 = tpu.memref_slice %arg14[%dma_wait3A_868, %dma_wait3A_869] : memref<512x32xf32, #tpu.memory_space<vmem>> -> memref<128x32xf32, #tpu.memory_space<vmem>>
    %dma_wait3A_871 = arith.constant 0 : i32
    %dma_wait3A_872 = tpu.memref_slice %arg6[%mul3A_56, %dma_wait3A_871] : memref<40960x128xf32, #tpu.memory_space<hbm>> -> memref<128x32xf32, #tpu.memory_space<hbm>>
    %dma_wait3A_873 = arith.constant 0 : i32
    %dma_wait3A_874 = tpu.memref_slice %arg6[%mul3A_56, %dma_wait3A_873] : memref<40960x128xf32, #tpu.memory_space<hbm>> -> memref<128x32xf32, #tpu.memory_space<hbm>>
    %dma_wait3A_875 = arith.constant 0 : i32
    %dma_wait3A_876 = arith.constant 0 : i32
    %dma_wait3A_877 = tpu.memref_slice %arg14[%dma_wait3A_875, %dma_wait3A_876] : memref<512x32xf32, #tpu.memory_space<vmem>> -> memref<128x32xf32, #tpu.memory_space<vmem>>
    tpu.wait_dma2 semaphore(%arg27 : memref<!tpu.dma_semaphore, #tpu.memory_space<semaphore_mem>>) src(%dma_wait3A_877 : memref<128x32xf32, #tpu.memory_space<vmem>>) dst(%dma_wait3A_874 : memref<128x32xf32, #tpu.memory_space<hbm>>)
    %dma_wait3A_878 = arith.constant 128 : i32
    %dma_wait3A_879 = arith.constant 0 : i32
    %dma_wait3A_880 = tpu.memref_slice %arg14[%dma_wait3A_878, %dma_wait3A_879] : memref<512x32xf32, #tpu.memory_space<vmem>> -> memref<128x32xf32, #tpu.memory_space<vmem>>
    %dma_wait3A_881 = arith.constant 32 : i32
    %dma_wait3A_882 = tpu.memref_slice %arg6[%mul3A_56, %dma_wait3A_881] : memref<40960x128xf32, #tpu.memory_space<hbm>> -> memref<128x32xf32, #tpu.memory_space<hbm>>
    %dma_wait3A_883 = arith.constant 32 : i32
    %dma_wait3A_884 = tpu.memref_slice %arg6[%mul3A_56, %dma_wait3A_883] : memref<40960x128xf32, #tpu.memory_space<hbm>> -> memref<128x32xf32, #tpu.memory_space<hbm>>
    %dma_wait3A_885 = arith.constant 128 : i32
    %dma_wait3A_886 = arith.constant 0 : i32
    %dma_wait3A_887 = tpu.memref_slice %arg14[%dma_wait3A_885, %dma_wait3A_886] : memref<512x32xf32, #tpu.memory_space<vmem>> -> memref<128x32xf32, #tpu.memory_space<vmem>>
    tpu.wait_dma2 semaphore(%arg27 : memref<!tpu.dma_semaphore, #tpu.memory_space<semaphore_mem>>) src(%dma_wait3A_887 : memref<128x32xf32, #tpu.memory_space<vmem>>) dst(%dma_wait3A_884 : memref<128x32xf32, #tpu.memory_space<hbm>>)
    %dma_wait3A_888 = arith.constant 256 : i32
    %dma_wait3A_889 = arith.constant 0 : i32
    %dma_wait3A_890 = tpu.memref_slice %arg14[%dma_wait3A_888, %dma_wait3A_889] : memref<512x32xf32, #tpu.memory_space<vmem>> -> memref<128x32xf32, #tpu.memory_space<vmem>>
    %dma_wait3A_891 = arith.constant 64 : i32
    %dma_wait3A_892 = tpu.memref_slice %arg6[%mul3A_56, %dma_wait3A_891] : memref<40960x128xf32, #tpu.memory_space<hbm>> -> memref<128x32xf32, #tpu.memory_space<hbm>>
    %dma_wait3A_893 = arith.constant 64 : i32
    %dma_wait3A_894 = tpu.memref_slice %arg6[%mul3A_56, %dma_wait3A_893] : memref<40960x128xf32, #tpu.memory_space<hbm>> -> memref<128x32xf32, #tpu.memory_space<hbm>>
    %dma_wait3A_895 = arith.constant 256 : i32
    %dma_wait3A_896 = arith.constant 0 : i32
    %dma_wait3A_897 = tpu.memref_slice %arg14[%dma_wait3A_895, %dma_wait3A_896] : memref<512x32xf32, #tpu.memory_space<vmem>> -> memref<128x32xf32, #tpu.memory_space<vmem>>
    tpu.wait_dma2 semaphore(%arg27 : memref<!tpu.dma_semaphore, #tpu.memory_space<semaphore_mem>>) src(%dma_wait3A_897 : memref<128x32xf32, #tpu.memory_space<vmem>>) dst(%dma_wait3A_894 : memref<128x32xf32, #tpu.memory_space<hbm>>)
    %dma_wait3A_898 = arith.constant 384 : i32
    %dma_wait3A_899 = arith.constant 0 : i32
    %dma_wait3A_900 = tpu.memref_slice %arg14[%dma_wait3A_898, %dma_wait3A_899] : memref<512x32xf32, #tpu.memory_space<vmem>> -> memref<128x32xf32, #tpu.memory_space<vmem>>
    %dma_wait3A_901 = arith.constant 96 : i32
    %dma_wait3A_902 = tpu.memref_slice %arg6[%mul3A_56, %dma_wait3A_901] : memref<40960x128xf32, #tpu.memory_space<hbm>> -> memref<128x32xf32, #tpu.memory_space<hbm>>
    %dma_wait3A_903 = arith.constant 96 : i32
    %dma_wait3A_904 = tpu.memref_slice %arg6[%mul3A_56, %dma_wait3A_903] : memref<40960x128xf32, #tpu.memory_space<hbm>> -> memref<128x32xf32, #tpu.memory_space<hbm>>
    %dma_wait3A_905 = arith.constant 384 : i32
    %dma_wait3A_906 = arith.constant 0 : i32
    %dma_wait3A_907 = tpu.memref_slice %arg14[%dma_wait3A_905, %dma_wait3A_906] : memref<512x32xf32, #tpu.memory_space<vmem>> -> memref<128x32xf32, #tpu.memory_space<vmem>>
    tpu.wait_dma2 semaphore(%arg27 : memref<!tpu.dma_semaphore, #tpu.memory_space<semaphore_mem>>) src(%dma_wait3A_907 : memref<128x32xf32, #tpu.memory_space<vmem>>) dst(%dma_wait3A_904 : memref<128x32xf32, #tpu.memory_space<hbm>>)
    %dma_start3A_908 = arith.constant 0 : i32
    %dma_start3A_909 = arith.constant 0 : i32
    %dma_start3A_910 = tpu.memref_slice %arg15[%dma_start3A_908, %dma_start3A_909] : memref<10112x32xf32, #tpu.memory_space<vmem_shared>> -> memref<10112x32xf32, #tpu.memory_space<vmem_shared>>
    tpu.enqueue_indirect_dma source(%dma_start3A_910 : memref<10112x32xf32, #tpu.memory_space<vmem_shared>>) target(%arg14 : memref<512x32xf32, #tpu.memory_space<vmem>>) offsets(%arg10 : memref<512xi32, #tpu.memory_space<vmem>>) semaphore(%arg23 : memref<!tpu.dma_semaphore, #tpu.memory_space<semaphore_mem>>)
    %dma_start3A_911 = arith.constant 0 : i32
    %dma_start3A_912 = arith.constant 0 : i32
    %dma_start3A_913 = tpu.memref_slice %arg12[%dma_start3A_911, %dma_start3A_912] : memref<512x32xf32, #tpu.memory_space<vmem>> -> memref<128x32xf32, #tpu.memory_space<vmem>>
    %dma_start3A_914 = arith.constant 0 : i32
    %dma_start3A_915 = tpu.memref_slice %arg6[%mul3A_66, %dma_start3A_914] : memref<40960x128xf32, #tpu.memory_space<hbm>> -> memref<128x32xf32, #tpu.memory_space<hbm>>
    %dma_start3A_916 = arith.constant 0 : i32
    %dma_start3A_917 = tpu.memref_slice %arg6[%mul3A_66, %dma_start3A_916] : memref<40960x128xf32, #tpu.memory_space<hbm>> -> memref<128x32xf32, #tpu.memory_space<hbm>>
    %dma_start3A_918 = arith.constant 0 : i32
    %dma_start3A_919 = arith.constant 0 : i32
    %dma_start3A_920 = tpu.memref_slice %arg12[%dma_start3A_918, %dma_start3A_919] : memref<512x32xf32, #tpu.memory_space<vmem>> -> memref<128x32xf32, #tpu.memory_space<vmem>>
    tpu.enqueue_dma source(%dma_start3A_920 : memref<128x32xf32, #tpu.memory_space<vmem>>) target(%dma_start3A_917 : memref<128x32xf32, #tpu.memory_space<hbm>>) target_semaphore(%arg25 : memref<!tpu.dma_semaphore, #tpu.memory_space<semaphore_mem>>)
    %dma_start3A_921 = arith.constant 128 : i32
    %dma_start3A_922 = arith.constant 0 : i32
    %dma_start3A_923 = tpu.memref_slice %arg12[%dma_start3A_921, %dma_start3A_922] : memref<512x32xf32, #tpu.memory_space<vmem>> -> memref<128x32xf32, #tpu.memory_space<vmem>>
    %dma_start3A_924 = arith.constant 32 : i32
    %dma_start3A_925 = tpu.memref_slice %arg6[%mul3A_66, %dma_start3A_924] : memref<40960x128xf32, #tpu.memory_space<hbm>> -> memref<128x32xf32, #tpu.memory_space<hbm>>
    %dma_start3A_926 = arith.constant 32 : i32
    %dma_start3A_927 = tpu.memref_slice %arg6[%mul3A_66, %dma_start3A_926] : memref<40960x128xf32, #tpu.memory_space<hbm>> -> memref<128x32xf32, #tpu.memory_space<hbm>>
    %dma_start3A_928 = arith.constant 128 : i32
    %dma_start3A_929 = arith.constant 0 : i32
    %dma_start3A_930 = tpu.memref_slice %arg12[%dma_start3A_928, %dma_start3A_929] : memref<512x32xf32, #tpu.memory_space<vmem>> -> memref<128x32xf32, #tpu.memory_space<vmem>>
    tpu.enqueue_dma source(%dma_start3A_930 : memref<128x32xf32, #tpu.memory_space<vmem>>) target(%dma_start3A_927 : memref<128x32xf32, #tpu.memory_space<hbm>>) target_semaphore(%arg25 : memref<!tpu.dma_semaphore, #tpu.memory_space<semaphore_mem>>)
    %dma_start3A_931 = arith.constant 256 : i32
    %dma_start3A_932 = arith.constant 0 : i32
    %dma_start3A_933 = tpu.memref_slice %arg12[%dma_start3A_931, %dma_start3A_932] : memref<512x32xf32, #tpu.memory_space<vmem>> -> memref<128x32xf32, #tpu.memory_space<vmem>>
    %dma_start3A_934 = arith.constant 64 : i32
    %dma_start3A_935 = tpu.memref_slice %arg6[%mul3A_66, %dma_start3A_934] : memref<40960x128xf32, #tpu.memory_space<hbm>> -> memref<128x32xf32, #tpu.memory_space<hbm>>
    %dma_start3A_936 = arith.constant 64 : i32
    %dma_start3A_937 = tpu.memref_slice %arg6[%mul3A_66, %dma_start3A_936] : memref<40960x128xf32, #tpu.memory_space<hbm>> -> memref<128x32xf32, #tpu.memory_space<hbm>>
    %dma_start3A_938 = arith.constant 256 : i32
    %dma_start3A_939 = arith.constant 0 : i32
    %dma_start3A_940 = tpu.memref_slice %arg12[%dma_start3A_938, %dma_start3A_939] : memref<512x32xf32, #tpu.memory_space<vmem>> -> memref<128x32xf32, #tpu.memory_space<vmem>>
    tpu.enqueue_dma source(%dma_start3A_940 : memref<128x32xf32, #tpu.memory_space<vmem>>) target(%dma_start3A_937 : memref<128x32xf32, #tpu.memory_space<hbm>>) target_semaphore(%arg25 : memref<!tpu.dma_semaphore, #tpu.memory_space<semaphore_mem>>)
    %dma_start3A_941 = arith.constant 384 : i32
    %dma_start3A_942 = arith.constant 0 : i32
    %dma_start3A_943 = tpu.memref_slice %arg12[%dma_start3A_941, %dma_start3A_942] : memref<512x32xf32, #tpu.memory_space<vmem>> -> memref<128x32xf32, #tpu.memory_space<vmem>>
    %dma_start3A_944 = arith.constant 96 : i32
    %dma_start3A_945 = tpu.memref_slice %arg6[%mul3A_66, %dma_start3A_944] : memref<40960x128xf32, #tpu.memory_space<hbm>> -> memref<128x32xf32, #tpu.memory_space<hbm>>
    %dma_start3A_946 = arith.constant 96 : i32
    %dma_start3A_947 = tpu.memref_slice %arg6[%mul3A_66, %dma_start3A_946] : memref<40960x128xf32, #tpu.memory_space<hbm>> -> memref<128x32xf32, #tpu.memory_space<hbm>>
    %dma_start3A_948 = arith.constant 384 : i32
    %dma_start3A_949 = arith.constant 0 : i32
    %dma_start3A_950 = tpu.memref_slice %arg12[%dma_start3A_948, %dma_start3A_949] : memref<512x32xf32, #tpu.memory_space<vmem>> -> memref<128x32xf32, #tpu.memory_space<vmem>>
    tpu.enqueue_dma source(%dma_start3A_950 : memref<128x32xf32, #tpu.memory_space<vmem>>) target(%dma_start3A_947 : memref<128x32xf32, #tpu.memory_space<hbm>>) target_semaphore(%arg25 : memref<!tpu.dma_semaphore, #tpu.memory_space<semaphore_mem>>)
    %dma_start3A_951 = tpu.memref_slice %arg4[%mul3A_84] : memref<163840xi32, #tpu.memory_space<hbm>> -> memref<512xi32, #tpu.memory_space<hbm>>
    %dma_start3A_952 = tpu.memref_slice %arg4[%mul3A_84] : memref<163840xi32, #tpu.memory_space<hbm>> -> memref<512xi32, #tpu.memory_space<hbm>>
    tpu.enqueue_dma source(%dma_start3A_952 : memref<512xi32, #tpu.memory_space<hbm>>) target(%arg8 : memref<512xi32, #tpu.memory_space<vmem>>) target_semaphore(%arg17 : memref<!tpu.dma_semaphore, #tpu.memory_space<semaphore_mem>>)
    %dma_wait3A_953 = arith.constant 0 : i32
    %dma_wait3A_954 = arith.constant 0 : i32
    %dma_wait3A_955 = tpu.memref_slice %arg15[%dma_wait3A_953, %dma_wait3A_954] : memref<10112x32xf32, #tpu.memory_space<vmem_shared>> -> memref<10112x32xf32, #tpu.memory_space<vmem_shared>>
    tpu.wait_indirect_dma semaphore(%arg22 : memref<!tpu.dma_semaphore, #tpu.memory_space<semaphore_mem>>) src(%dma_wait3A_955 : memref<10112x32xf32, #tpu.memory_space<vmem_shared>>) dst(%arg13 : memref<512x32xf32, #tpu.memory_space<vmem>>)
    %dma_wait3A_956 = tpu.memref_slice %arg3[%mul3A_80] : memref<163840xi32, #tpu.memory_space<hbm>> -> memref<512xi32, #tpu.memory_space<hbm>>
    %dma_wait3A_957 = tpu.memref_slice %arg3[%mul3A_80] : memref<163840xi32, #tpu.memory_space<hbm>> -> memref<512xi32, #tpu.memory_space<hbm>>
    tpu.wait_dma2 semaphore(%arg16 : memref<!tpu.dma_semaphore, #tpu.memory_space<semaphore_mem>>) src(%dma_wait3A_957 : memref<512xi32, #tpu.memory_space<hbm>>) dst(%arg7 : memref<512xi32, #tpu.memory_space<vmem>>)
    %dma_wait3A_958 = arith.constant 0 : i32
    %dma_wait3A_959 = arith.constant 0 : i32
    %dma_wait3A_960 = tpu.memref_slice %arg11[%dma_wait3A_958, %dma_wait3A_959] : memref<512x32xf32, #tpu.memory_space<vmem>> -> memref<128x32xf32, #tpu.memory_space<vmem>>
    %dma_wait3A_961 = arith.constant 0 : i32
    %dma_wait3A_962 = tpu.memref_slice %arg5[%mul3A_62, %dma_wait3A_961] : memref<40960x128xf32, #tpu.memory_space<hbm>> -> memref<128x32xf32, #tpu.memory_space<hbm>>
    %dma_wait3A_963 = arith.constant 0 : i32
    %dma_wait3A_964 = tpu.memref_slice %arg5[%mul3A_62, %dma_wait3A_963] : memref<40960x128xf32, #tpu.memory_space<hbm>> -> memref<128x32xf32, #tpu.memory_space<hbm>>
    %dma_wait3A_965 = arith.constant 0 : i32
    %dma_wait3A_966 = arith.constant 0 : i32
    %dma_wait3A_967 = tpu.memref_slice %arg11[%dma_wait3A_965, %dma_wait3A_966] : memref<512x32xf32, #tpu.memory_space<vmem>> -> memref<128x32xf32, #tpu.memory_space<vmem>>
    tpu.wait_dma2 semaphore(%arg24 : memref<!tpu.dma_semaphore, #tpu.memory_space<semaphore_mem>>) src(%dma_wait3A_967 : memref<128x32xf32, #tpu.memory_space<vmem>>) dst(%dma_wait3A_964 : memref<128x32xf32, #tpu.memory_space<hbm>>)
    %dma_wait3A_968 = arith.constant 128 : i32
    %dma_wait3A_969 = arith.constant 0 : i32
    %dma_wait3A_970 = tpu.memref_slice %arg11[%dma_wait3A_968, %dma_wait3A_969] : memref<512x32xf32, #tpu.memory_space<vmem>> -> memref<128x32xf32, #tpu.memory_space<vmem>>
    %dma_wait3A_971 = arith.constant 32 : i32
    %dma_wait3A_972 = tpu.memref_slice %arg5[%mul3A_62, %dma_wait3A_971] : memref<40960x128xf32, #tpu.memory_space<hbm>> -> memref<128x32xf32, #tpu.memory_space<hbm>>
    %dma_wait3A_973 = arith.constant 32 : i32
    %dma_wait3A_974 = tpu.memref_slice %arg5[%mul3A_62, %dma_wait3A_973] : memref<40960x128xf32, #tpu.memory_space<hbm>> -> memref<128x32xf32, #tpu.memory_space<hbm>>
    %dma_wait3A_975 = arith.constant 128 : i32
    %dma_wait3A_976 = arith.constant 0 : i32
    %dma_wait3A_977 = tpu.memref_slice %arg11[%dma_wait3A_975, %dma_wait3A_976] : memref<512x32xf32, #tpu.memory_space<vmem>> -> memref<128x32xf32, #tpu.memory_space<vmem>>
    tpu.wait_dma2 semaphore(%arg24 : memref<!tpu.dma_semaphore, #tpu.memory_space<semaphore_mem>>) src(%dma_wait3A_977 : memref<128x32xf32, #tpu.memory_space<vmem>>) dst(%dma_wait3A_974 : memref<128x32xf32, #tpu.memory_space<hbm>>)
    %dma_wait3A_978 = arith.constant 256 : i32
    %dma_wait3A_979 = arith.constant 0 : i32
    %dma_wait3A_980 = tpu.memref_slice %arg11[%dma_wait3A_978, %dma_wait3A_979] : memref<512x32xf32, #tpu.memory_space<vmem>> -> memref<128x32xf32, #tpu.memory_space<vmem>>
    %dma_wait3A_981 = arith.constant 64 : i32
    %dma_wait3A_982 = tpu.memref_slice %arg5[%mul3A_62, %dma_wait3A_981] : memref<40960x128xf32, #tpu.memory_space<hbm>> -> memref<128x32xf32, #tpu.memory_space<hbm>>
    %dma_wait3A_983 = arith.constant 64 : i32
    %dma_wait3A_984 = tpu.memref_slice %arg5[%mul3A_62, %dma_wait3A_983] : memref<40960x128xf32, #tpu.memory_space<hbm>> -> memref<128x32xf32, #tpu.memory_space<hbm>>
    %dma_wait3A_985 = arith.constant 256 : i32
    %dma_wait3A_986 = arith.constant 0 : i32
    %dma_wait3A_987 = tpu.memref_slice %arg11[%dma_wait3A_985, %dma_wait3A_986] : memref<512x32xf32, #tpu.memory_space<vmem>> -> memref<128x32xf32, #tpu.memory_space<vmem>>
    tpu.wait_dma2 semaphore(%arg24 : memref<!tpu.dma_semaphore, #tpu.memory_space<semaphore_mem>>) src(%dma_wait3A_987 : memref<128x32xf32, #tpu.memory_space<vmem>>) dst(%dma_wait3A_984 : memref<128x32xf32, #tpu.memory_space<hbm>>)
    %dma_wait3A_988 = arith.constant 384 : i32
    %dma_wait3A_989 = arith.constant 0 : i32
    %dma_wait3A_990 = tpu.memref_slice %arg11[%dma_wait3A_988, %dma_wait3A_989] : memref<512x32xf32, #tpu.memory_space<vmem>> -> memref<128x32xf32, #tpu.memory_space<vmem>>
    %dma_wait3A_991 = arith.constant 96 : i32
    %dma_wait3A_992 = tpu.memref_slice %arg5[%mul3A_62, %dma_wait3A_991] : memref<40960x128xf32, #tpu.memory_space<hbm>> -> memref<128x32xf32, #tpu.memory_space<hbm>>
    %dma_wait3A_993 = arith.constant 96 : i32
    %dma_wait3A_994 = tpu.memref_slice %arg5[%mul3A_62, %dma_wait3A_993] : memref<40960x128xf32, #tpu.memory_space<hbm>> -> memref<128x32xf32, #tpu.memory_space<hbm>>
    %dma_wait3A_995 = arith.constant 384 : i32
    %dma_wait3A_996 = arith.constant 0 : i32
    %dma_wait3A_997 = tpu.memref_slice %arg11[%dma_wait3A_995, %dma_wait3A_996] : memref<512x32xf32, #tpu.memory_space<vmem>> -> memref<128x32xf32, #tpu.memory_space<vmem>>
    tpu.wait_dma2 semaphore(%arg24 : memref<!tpu.dma_semaphore, #tpu.memory_space<semaphore_mem>>) src(%dma_wait3A_997 : memref<128x32xf32, #tpu.memory_space<vmem>>) dst(%dma_wait3A_994 : memref<128x32xf32, #tpu.memory_space<hbm>>)
    %dma_start3A_998 = arith.constant 0 : i32
    %dma_start3A_999 = arith.constant 0 : i32
    %dma_start3A_1000 = tpu.memref_slice %arg15[%dma_start3A_998, %dma_start3A_999] : memref<10112x32xf32, #tpu.memory_space<vmem_shared>> -> memref<10112x32xf32, #tpu.memory_space<vmem_shared>>
    tpu.enqueue_indirect_dma source(%dma_start3A_1000 : memref<10112x32xf32, #tpu.memory_space<vmem_shared>>) target(%arg11 : memref<512x32xf32, #tpu.memory_space<vmem>>) offsets(%arg7 : memref<512xi32, #tpu.memory_space<vmem>>) semaphore(%arg20 : memref<!tpu.dma_semaphore, #tpu.memory_space<semaphore_mem>>)
    %dma_start3A_1001 = arith.constant 0 : i32
    %dma_start3A_1002 = arith.constant 0 : i32
    %dma_start3A_1003 = tpu.memref_slice %arg13[%dma_start3A_1001, %dma_start3A_1002] : memref<512x32xf32, #tpu.memory_space<vmem>> -> memref<128x32xf32, #tpu.memory_space<vmem>>
    %dma_start3A_1004 = arith.constant 0 : i32
    %dma_start3A_1005 = tpu.memref_slice %arg5[%mul3A_72, %dma_start3A_1004] : memref<40960x128xf32, #tpu.memory_space<hbm>> -> memref<128x32xf32, #tpu.memory_space<hbm>>
    %dma_start3A_1006 = arith.constant 0 : i32
    %dma_start3A_1007 = tpu.memref_slice %arg5[%mul3A_72, %dma_start3A_1006] : memref<40960x128xf32, #tpu.memory_space<hbm>> -> memref<128x32xf32, #tpu.memory_space<hbm>>
    %dma_start3A_1008 = arith.constant 0 : i32
    %dma_start3A_1009 = arith.constant 0 : i32
    %dma_start3A_1010 = tpu.memref_slice %arg13[%dma_start3A_1008, %dma_start3A_1009] : memref<512x32xf32, #tpu.memory_space<vmem>> -> memref<128x32xf32, #tpu.memory_space<vmem>>
    tpu.enqueue_dma source(%dma_start3A_1010 : memref<128x32xf32, #tpu.memory_space<vmem>>) target(%dma_start3A_1007 : memref<128x32xf32, #tpu.memory_space<hbm>>) target_semaphore(%arg26 : memref<!tpu.dma_semaphore, #tpu.memory_space<semaphore_mem>>)
    %dma_start3A_1011 = arith.constant 128 : i32
    %dma_start3A_1012 = arith.constant 0 : i32
    %dma_start3A_1013 = tpu.memref_slice %arg13[%dma_start3A_1011, %dma_start3A_1012] : memref<512x32xf32, #tpu.memory_space<vmem>> -> memref<128x32xf32, #tpu.memory_space<vmem>>
    %dma_start3A_1014 = arith.constant 32 : i32
    %dma_start3A_1015 = tpu.memref_slice %arg5[%mul3A_72, %dma_start3A_1014] : memref<40960x128xf32, #tpu.memory_space<hbm>> -> memref<128x32xf32, #tpu.memory_space<hbm>>
    %dma_start3A_1016 = arith.constant 32 : i32
    %dma_start3A_1017 = tpu.memref_slice %arg5[%mul3A_72, %dma_start3A_1016] : memref<40960x128xf32, #tpu.memory_space<hbm>> -> memref<128x32xf32, #tpu.memory_space<hbm>>
    %dma_start3A_1018 = arith.constant 128 : i32
    %dma_start3A_1019 = arith.constant 0 : i32
    %dma_start3A_1020 = tpu.memref_slice %arg13[%dma_start3A_1018, %dma_start3A_1019] : memref<512x32xf32, #tpu.memory_space<vmem>> -> memref<128x32xf32, #tpu.memory_space<vmem>>
    tpu.enqueue_dma source(%dma_start3A_1020 : memref<128x32xf32, #tpu.memory_space<vmem>>) target(%dma_start3A_1017 : memref<128x32xf32, #tpu.memory_space<hbm>>) target_semaphore(%arg26 : memref<!tpu.dma_semaphore, #tpu.memory_space<semaphore_mem>>)
    %dma_start3A_1021 = arith.constant 256 : i32
    %dma_start3A_1022 = arith.constant 0 : i32
    %dma_start3A_1023 = tpu.memref_slice %arg13[%dma_start3A_1021, %dma_start3A_1022] : memref<512x32xf32, #tpu.memory_space<vmem>> -> memref<128x32xf32, #tpu.memory_space<vmem>>
    %dma_start3A_1024 = arith.constant 64 : i32
    %dma_start3A_1025 = tpu.memref_slice %arg5[%mul3A_72, %dma_start3A_1024] : memref<40960x128xf32, #tpu.memory_space<hbm>> -> memref<128x32xf32, #tpu.memory_space<hbm>>
    %dma_start3A_1026 = arith.constant 64 : i32
    %dma_start3A_1027 = tpu.memref_slice %arg5[%mul3A_72, %dma_start3A_1026] : memref<40960x128xf32, #tpu.memory_space<hbm>> -> memref<128x32xf32, #tpu.memory_space<hbm>>
    %dma_start3A_1028 = arith.constant 256 : i32
    %dma_start3A_1029 = arith.constant 0 : i32
    %dma_start3A_1030 = tpu.memref_slice %arg13[%dma_start3A_1028, %dma_start3A_1029] : memref<512x32xf32, #tpu.memory_space<vmem>> -> memref<128x32xf32, #tpu.memory_space<vmem>>
    tpu.enqueue_dma source(%dma_start3A_1030 : memref<128x32xf32, #tpu.memory_space<vmem>>) target(%dma_start3A_1027 : memref<128x32xf32, #tpu.memory_space<hbm>>) target_semaphore(%arg26 : memref<!tpu.dma_semaphore, #tpu.memory_space<semaphore_mem>>)
    %dma_start3A_1031 = arith.constant 384 : i32
    %dma_start3A_1032 = arith.constant 0 : i32
    %dma_start3A_1033 = tpu.memref_slice %arg13[%dma_start3A_1031, %dma_start3A_1032] : memref<512x32xf32, #tpu.memory_space<vmem>> -> memref<128x32xf32, #tpu.memory_space<vmem>>
    %dma_start3A_1034 = arith.constant 96 : i32
    %dma_start3A_1035 = tpu.memref_slice %arg5[%mul3A_72, %dma_start3A_1034] : memref<40960x128xf32, #tpu.memory_space<hbm>> -> memref<128x32xf32, #tpu.memory_space<hbm>>
    %dma_start3A_1036 = arith.constant 96 : i32
    %dma_start3A_1037 = tpu.memref_slice %arg5[%mul3A_72, %dma_start3A_1036] : memref<40960x128xf32, #tpu.memory_space<hbm>> -> memref<128x32xf32, #tpu.memory_space<hbm>>
    %dma_start3A_1038 = arith.constant 384 : i32
    %dma_start3A_1039 = arith.constant 0 : i32
    %dma_start3A_1040 = tpu.memref_slice %arg13[%dma_start3A_1038, %dma_start3A_1039] : memref<512x32xf32, #tpu.memory_space<vmem>> -> memref<128x32xf32, #tpu.memory_space<vmem>>
    tpu.enqueue_dma source(%dma_start3A_1040 : memref<128x32xf32, #tpu.memory_space<vmem>>) target(%dma_start3A_1037 : memref<128x32xf32, #tpu.memory_space<hbm>>) target_semaphore(%arg26 : memref<!tpu.dma_semaphore, #tpu.memory_space<semaphore_mem>>)
    %dma_start3A_1041 = tpu.memref_slice %arg3[%mul3A_90] : memref<163840xi32, #tpu.memory_space<hbm>> -> memref<512xi32, #tpu.memory_space<hbm>>
    %dma_start3A_1042 = tpu.memref_slice %arg3[%mul3A_90] : memref<163840xi32, #tpu.memory_space<hbm>> -> memref<512xi32, #tpu.memory_space<hbm>>
    tpu.enqueue_dma source(%dma_start3A_1042 : memref<512xi32, #tpu.memory_space<hbm>>) target(%arg9 : memref<512xi32, #tpu.memory_space<vmem>>) target_semaphore(%arg18 : memref<!tpu.dma_semaphore, #tpu.memory_space<semaphore_mem>>)
    %dma_wait3A_1043 = arith.constant 0 : i32
    %dma_wait3A_1044 = arith.constant 0 : i32
    %dma_wait3A_1045 = tpu.memref_slice %arg15[%dma_wait3A_1043, %dma_wait3A_1044] : memref<10112x32xf32, #tpu.memory_space<vmem_shared>> -> memref<10112x32xf32, #tpu.memory_space<vmem_shared>>
    tpu.wait_indirect_dma semaphore(%arg23 : memref<!tpu.dma_semaphore, #tpu.memory_space<semaphore_mem>>) src(%dma_wait3A_1045 : memref<10112x32xf32, #tpu.memory_space<vmem_shared>>) dst(%arg14 : memref<512x32xf32, #tpu.memory_space<vmem>>)
    %dma_wait3A_1046 = tpu.memref_slice %arg4[%mul3A_84] : memref<163840xi32, #tpu.memory_space<hbm>> -> memref<512xi32, #tpu.memory_space<hbm>>
    %dma_wait3A_1047 = tpu.memref_slice %arg4[%mul3A_84] : memref<163840xi32, #tpu.memory_space<hbm>> -> memref<512xi32, #tpu.memory_space<hbm>>
    tpu.wait_dma2 semaphore(%arg17 : memref<!tpu.dma_semaphore, #tpu.memory_space<semaphore_mem>>) src(%dma_wait3A_1047 : memref<512xi32, #tpu.memory_space<hbm>>) dst(%arg8 : memref<512xi32, #tpu.memory_space<vmem>>)
    %dma_wait3A_1048 = arith.constant 0 : i32
    %dma_wait3A_1049 = arith.constant 0 : i32
    %dma_wait3A_1050 = tpu.memref_slice %arg12[%dma_wait3A_1048, %dma_wait3A_1049] : memref<512x32xf32, #tpu.memory_space<vmem>> -> memref<128x32xf32, #tpu.memory_space<vmem>>
    %dma_wait3A_1051 = arith.constant 0 : i32
    %dma_wait3A_1052 = tpu.memref_slice %arg6[%mul3A_66, %dma_wait3A_1051] : memref<40960x128xf32, #tpu.memory_space<hbm>> -> memref<128x32xf32, #tpu.memory_space<hbm>>
    %dma_wait3A_1053 = arith.constant 0 : i32
    %dma_wait3A_1054 = tpu.memref_slice %arg6[%mul3A_66, %dma_wait3A_1053] : memref<40960x128xf32, #tpu.memory_space<hbm>> -> memref<128x32xf32, #tpu.memory_space<hbm>>
    %dma_wait3A_1055 = arith.constant 0 : i32
    %dma_wait3A_1056 = arith.constant 0 : i32
    %dma_wait3A_1057 = tpu.memref_slice %arg12[%dma_wait3A_1055, %dma_wait3A_1056] : memref<512x32xf32, #tpu.memory_space<vmem>> -> memref<128x32xf32, #tpu.memory_space<vmem>>
    tpu.wait_dma2 semaphore(%arg25 : memref<!tpu.dma_semaphore, #tpu.memory_space<semaphore_mem>>) src(%dma_wait3A_1057 : memref<128x32xf32, #tpu.memory_space<vmem>>) dst(%dma_wait3A_1054 : memref<128x32xf32, #tpu.memory_space<hbm>>)
    %dma_wait3A_1058 = arith.constant 128 : i32
    %dma_wait3A_1059 = arith.constant 0 : i32
    %dma_wait3A_1060 = tpu.memref_slice %arg12[%dma_wait3A_1058, %dma_wait3A_1059] : memref<512x32xf32, #tpu.memory_space<vmem>> -> memref<128x32xf32, #tpu.memory_space<vmem>>
    %dma_wait3A_1061 = arith.constant 32 : i32
    %dma_wait3A_1062 = tpu.memref_slice %arg6[%mul3A_66, %dma_wait3A_1061] : memref<40960x128xf32, #tpu.memory_space<hbm>> -> memref<128x32xf32, #tpu.memory_space<hbm>>
    %dma_wait3A_1063 = arith.constant 32 : i32
    %dma_wait3A_1064 = tpu.memref_slice %arg6[%mul3A_66, %dma_wait3A_1063] : memref<40960x128xf32, #tpu.memory_space<hbm>> -> memref<128x32xf32, #tpu.memory_space<hbm>>
    %dma_wait3A_1065 = arith.constant 128 : i32
    %dma_wait3A_1066 = arith.constant 0 : i32
    %dma_wait3A_1067 = tpu.memref_slice %arg12[%dma_wait3A_1065, %dma_wait3A_1066] : memref<512x32xf32, #tpu.memory_space<vmem>> -> memref<128x32xf32, #tpu.memory_space<vmem>>
    tpu.wait_dma2 semaphore(%arg25 : memref<!tpu.dma_semaphore, #tpu.memory_space<semaphore_mem>>) src(%dma_wait3A_1067 : memref<128x32xf32, #tpu.memory_space<vmem>>) dst(%dma_wait3A_1064 : memref<128x32xf32, #tpu.memory_space<hbm>>)
    %dma_wait3A_1068 = arith.constant 256 : i32
    %dma_wait3A_1069 = arith.constant 0 : i32
    %dma_wait3A_1070 = tpu.memref_slice %arg12[%dma_wait3A_1068, %dma_wait3A_1069] : memref<512x32xf32, #tpu.memory_space<vmem>> -> memref<128x32xf32, #tpu.memory_space<vmem>>
    %dma_wait3A_1071 = arith.constant 64 : i32
    %dma_wait3A_1072 = tpu.memref_slice %arg6[%mul3A_66, %dma_wait3A_1071] : memref<40960x128xf32, #tpu.memory_space<hbm>> -> memref<128x32xf32, #tpu.memory_space<hbm>>
    %dma_wait3A_1073 = arith.constant 64 : i32
    %dma_wait3A_1074 = tpu.memref_slice %arg6[%mul3A_66, %dma_wait3A_1073] : memref<40960x128xf32, #tpu.memory_space<hbm>> -> memref<128x32xf32, #tpu.memory_space<hbm>>
    %dma_wait3A_1075 = arith.constant 256 : i32
    %dma_wait3A_1076 = arith.constant 0 : i32
    %dma_wait3A_1077 = tpu.memref_slice %arg12[%dma_wait3A_1075, %dma_wait3A_1076] : memref<512x32xf32, #tpu.memory_space<vmem>> -> memref<128x32xf32, #tpu.memory_space<vmem>>
    tpu.wait_dma2 semaphore(%arg25 : memref<!tpu.dma_semaphore, #tpu.memory_space<semaphore_mem>>) src(%dma_wait3A_1077 : memref<128x32xf32, #tpu.memory_space<vmem>>) dst(%dma_wait3A_1074 : memref<128x32xf32, #tpu.memory_space<hbm>>)
    %dma_wait3A_1078 = arith.constant 384 : i32
    %dma_wait3A_1079 = arith.constant 0 : i32
    %dma_wait3A_1080 = tpu.memref_slice %arg12[%dma_wait3A_1078, %dma_wait3A_1079] : memref<512x32xf32, #tpu.memory_space<vmem>> -> memref<128x32xf32, #tpu.memory_space<vmem>>
    %dma_wait3A_1081 = arith.constant 96 : i32
    %dma_wait3A_1082 = tpu.memref_slice %arg6[%mul3A_66, %dma_wait3A_1081] : memref<40960x128xf32, #tpu.memory_space<hbm>> -> memref<128x32xf32, #tpu.memory_space<hbm>>
    %dma_wait3A_1083 = arith.constant 96 : i32
    %dma_wait3A_1084 = tpu.memref_slice %arg6[%mul3A_66, %dma_wait3A_1083] : memref<40960x128xf32, #tpu.memory_space<hbm>> -> memref<128x32xf32, #tpu.memory_space<hbm>>
    %dma_wait3A_1085 = arith.constant 384 : i32
    %dma_wait3A_1086 = arith.constant 0 : i32
    %dma_wait3A_1087 = tpu.memref_slice %arg12[%dma_wait3A_1085, %dma_wait3A_1086] : memref<512x32xf32, #tpu.memory_space<vmem>> -> memref<128x32xf32, #tpu.memory_space<vmem>>
    tpu.wait_dma2 semaphore(%arg25 : memref<!tpu.dma_semaphore, #tpu.memory_space<semaphore_mem>>) src(%dma_wait3A_1087 : memref<128x32xf32, #tpu.memory_space<vmem>>) dst(%dma_wait3A_1084 : memref<128x32xf32, #tpu.memory_space<hbm>>)
    %dma_start3A_1088 = arith.constant 0 : i32
    %dma_start3A_1089 = arith.constant 0 : i32
    %dma_start3A_1090 = tpu.memref_slice %arg15[%dma_start3A_1088, %dma_start3A_1089] : memref<10112x32xf32, #tpu.memory_space<vmem_shared>> -> memref<10112x32xf32, #tpu.memory_space<vmem_shared>>
    tpu.enqueue_indirect_dma source(%dma_start3A_1090 : memref<10112x32xf32, #tpu.memory_space<vmem_shared>>) target(%arg12 : memref<512x32xf32, #tpu.memory_space<vmem>>) offsets(%arg8 : memref<512xi32, #tpu.memory_space<vmem>>) semaphore(%arg21 : memref<!tpu.dma_semaphore, #tpu.memory_space<semaphore_mem>>)
    %dma_start3A_1091 = arith.constant 0 : i32
    %dma_start3A_1092 = arith.constant 0 : i32
    %dma_start3A_1093 = tpu.memref_slice %arg14[%dma_start3A_1091, %dma_start3A_1092] : memref<512x32xf32, #tpu.memory_space<vmem>> -> memref<128x32xf32, #tpu.memory_space<vmem>>
    %dma_start3A_1094 = arith.constant 0 : i32
    %dma_start3A_1095 = tpu.memref_slice %arg6[%mul3A_76, %dma_start3A_1094] : memref<40960x128xf32, #tpu.memory_space<hbm>> -> memref<128x32xf32, #tpu.memory_space<hbm>>
    %dma_start3A_1096 = arith.constant 0 : i32
    %dma_start3A_1097 = tpu.memref_slice %arg6[%mul3A_76, %dma_start3A_1096] : memref<40960x128xf32, #tpu.memory_space<hbm>> -> memref<128x32xf32, #tpu.memory_space<hbm>>
    %dma_start3A_1098 = arith.constant 0 : i32
    %dma_start3A_1099 = arith.constant 0 : i32
    %dma_start3A_1100 = tpu.memref_slice %arg14[%dma_start3A_1098, %dma_start3A_1099] : memref<512x32xf32, #tpu.memory_space<vmem>> -> memref<128x32xf32, #tpu.memory_space<vmem>>
    tpu.enqueue_dma source(%dma_start3A_1100 : memref<128x32xf32, #tpu.memory_space<vmem>>) target(%dma_start3A_1097 : memref<128x32xf32, #tpu.memory_space<hbm>>) target_semaphore(%arg27 : memref<!tpu.dma_semaphore, #tpu.memory_space<semaphore_mem>>)
    %dma_start3A_1101 = arith.constant 128 : i32
    %dma_start3A_1102 = arith.constant 0 : i32
    %dma_start3A_1103 = tpu.memref_slice %arg14[%dma_start3A_1101, %dma_start3A_1102] : memref<512x32xf32, #tpu.memory_space<vmem>> -> memref<128x32xf32, #tpu.memory_space<vmem>>
    %dma_start3A_1104 = arith.constant 32 : i32
    %dma_start3A_1105 = tpu.memref_slice %arg6[%mul3A_76, %dma_start3A_1104] : memref<40960x128xf32, #tpu.memory_space<hbm>> -> memref<128x32xf32, #tpu.memory_space<hbm>>
    %dma_start3A_1106 = arith.constant 32 : i32
    %dma_start3A_1107 = tpu.memref_slice %arg6[%mul3A_76, %dma_start3A_1106] : memref<40960x128xf32, #tpu.memory_space<hbm>> -> memref<128x32xf32, #tpu.memory_space<hbm>>
    %dma_start3A_1108 = arith.constant 128 : i32
    %dma_start3A_1109 = arith.constant 0 : i32
    %dma_start3A_1110 = tpu.memref_slice %arg14[%dma_start3A_1108, %dma_start3A_1109] : memref<512x32xf32, #tpu.memory_space<vmem>> -> memref<128x32xf32, #tpu.memory_space<vmem>>
    tpu.enqueue_dma source(%dma_start3A_1110 : memref<128x32xf32, #tpu.memory_space<vmem>>) target(%dma_start3A_1107 : memref<128x32xf32, #tpu.memory_space<hbm>>) target_semaphore(%arg27 : memref<!tpu.dma_semaphore, #tpu.memory_space<semaphore_mem>>)
    %dma_start3A_1111 = arith.constant 256 : i32
    %dma_start3A_1112 = arith.constant 0 : i32
    %dma_start3A_1113 = tpu.memref_slice %arg14[%dma_start3A_1111, %dma_start3A_1112] : memref<512x32xf32, #tpu.memory_space<vmem>> -> memref<128x32xf32, #tpu.memory_space<vmem>>
    %dma_start3A_1114 = arith.constant 64 : i32
    %dma_start3A_1115 = tpu.memref_slice %arg6[%mul3A_76, %dma_start3A_1114] : memref<40960x128xf32, #tpu.memory_space<hbm>> -> memref<128x32xf32, #tpu.memory_space<hbm>>
    %dma_start3A_1116 = arith.constant 64 : i32
    %dma_start3A_1117 = tpu.memref_slice %arg6[%mul3A_76, %dma_start3A_1116] : memref<40960x128xf32, #tpu.memory_space<hbm>> -> memref<128x32xf32, #tpu.memory_space<hbm>>
    %dma_start3A_1118 = arith.constant 256 : i32
    %dma_start3A_1119 = arith.constant 0 : i32
    %dma_start3A_1120 = tpu.memref_slice %arg14[%dma_start3A_1118, %dma_start3A_1119] : memref<512x32xf32, #tpu.memory_space<vmem>> -> memref<128x32xf32, #tpu.memory_space<vmem>>
    tpu.enqueue_dma source(%dma_start3A_1120 : memref<128x32xf32, #tpu.memory_space<vmem>>) target(%dma_start3A_1117 : memref<128x32xf32, #tpu.memory_space<hbm>>) target_semaphore(%arg27 : memref<!tpu.dma_semaphore, #tpu.memory_space<semaphore_mem>>)
    %dma_start3A_1121 = arith.constant 384 : i32
    %dma_start3A_1122 = arith.constant 0 : i32
    %dma_start3A_1123 = tpu.memref_slice %arg14[%dma_start3A_1121, %dma_start3A_1122] : memref<512x32xf32, #tpu.memory_space<vmem>> -> memref<128x32xf32, #tpu.memory_space<vmem>>
    %dma_start3A_1124 = arith.constant 96 : i32
    %dma_start3A_1125 = tpu.memref_slice %arg6[%mul3A_76, %dma_start3A_1124] : memref<40960x128xf32, #tpu.memory_space<hbm>> -> memref<128x32xf32, #tpu.memory_space<hbm>>
    %dma_start3A_1126 = arith.constant 96 : i32
    %dma_start3A_1127 = tpu.memref_slice %arg6[%mul3A_76, %dma_start3A_1126] : memref<40960x128xf32, #tpu.memory_space<hbm>> -> memref<128x32xf32, #tpu.memory_space<hbm>>
    %dma_start3A_1128 = arith.constant 384 : i32
    %dma_start3A_1129 = arith.constant 0 : i32
    %dma_start3A_1130 = tpu.memref_slice %arg14[%dma_start3A_1128, %dma_start3A_1129] : memref<512x32xf32, #tpu.memory_space<vmem>> -> memref<128x32xf32, #tpu.memory_space<vmem>>
    tpu.enqueue_dma source(%dma_start3A_1130 : memref<128x32xf32, #tpu.memory_space<vmem>>) target(%dma_start3A_1127 : memref<128x32xf32, #tpu.memory_space<hbm>>) target_semaphore(%arg27 : memref<!tpu.dma_semaphore, #tpu.memory_space<semaphore_mem>>)
    %dma_start3A_1131 = tpu.memref_slice %arg4[%mul3A_94] : memref<163840xi32, #tpu.memory_space<hbm>> -> memref<512xi32, #tpu.memory_space<hbm>>
    %dma_start3A_1132 = tpu.memref_slice %arg4[%mul3A_94] : memref<163840xi32, #tpu.memory_space<hbm>> -> memref<512xi32, #tpu.memory_space<hbm>>
    tpu.enqueue_dma source(%dma_start3A_1132 : memref<512xi32, #tpu.memory_space<hbm>>) target(%arg10 : memref<512xi32, #tpu.memory_space<vmem>>) target_semaphore(%arg19 : memref<!tpu.dma_semaphore, #tpu.memory_space<semaphore_mem>>)
    %dma_wait3A_1133 = arith.constant 0 : i32
    %dma_wait3A_1134 = arith.constant 0 : i32
    %dma_wait3A_1135 = tpu.memref_slice %arg15[%dma_wait3A_1133, %dma_wait3A_1134] : memref<10112x32xf32, #tpu.memory_space<vmem_shared>> -> memref<10112x32xf32, #tpu.memory_space<vmem_shared>>
    tpu.wait_indirect_dma semaphore(%arg20 : memref<!tpu.dma_semaphore, #tpu.memory_space<semaphore_mem>>) src(%dma_wait3A_1135 : memref<10112x32xf32, #tpu.memory_space<vmem_shared>>) dst(%arg11 : memref<512x32xf32, #tpu.memory_space<vmem>>)
    %dma_wait3A_1136 = tpu.memref_slice %arg3[%mul3A_90] : memref<163840xi32, #tpu.memory_space<hbm>> -> memref<512xi32, #tpu.memory_space<hbm>>
    %dma_wait3A_1137 = tpu.memref_slice %arg3[%mul3A_90] : memref<163840xi32, #tpu.memory_space<hbm>> -> memref<512xi32, #tpu.memory_space<hbm>>
    tpu.wait_dma2 semaphore(%arg18 : memref<!tpu.dma_semaphore, #tpu.memory_space<semaphore_mem>>) src(%dma_wait3A_1137 : memref<512xi32, #tpu.memory_space<hbm>>) dst(%arg9 : memref<512xi32, #tpu.memory_space<vmem>>)
    %dma_wait3A_1138 = arith.constant 0 : i32
    %dma_wait3A_1139 = arith.constant 0 : i32
    %dma_wait3A_1140 = tpu.memref_slice %arg13[%dma_wait3A_1138, %dma_wait3A_1139] : memref<512x32xf32, #tpu.memory_space<vmem>> -> memref<128x32xf32, #tpu.memory_space<vmem>>
    %dma_wait3A_1141 = arith.constant 0 : i32
    %dma_wait3A_1142 = tpu.memref_slice %arg5[%mul3A_72, %dma_wait3A_1141] : memref<40960x128xf32, #tpu.memory_space<hbm>> -> memref<128x32xf32, #tpu.memory_space<hbm>>
    %dma_wait3A_1143 = arith.constant 0 : i32
    %dma_wait3A_1144 = tpu.memref_slice %arg5[%mul3A_72, %dma_wait3A_1143] : memref<40960x128xf32, #tpu.memory_space<hbm>> -> memref<128x32xf32, #tpu.memory_space<hbm>>
    %dma_wait3A_1145 = arith.constant 0 : i32
    %dma_wait3A_1146 = arith.constant 0 : i32
    %dma_wait3A_1147 = tpu.memref_slice %arg13[%dma_wait3A_1145, %dma_wait3A_1146] : memref<512x32xf32, #tpu.memory_space<vmem>> -> memref<128x32xf32, #tpu.memory_space<vmem>>
    tpu.wait_dma2 semaphore(%arg26 : memref<!tpu.dma_semaphore, #tpu.memory_space<semaphore_mem>>) src(%dma_wait3A_1147 : memref<128x32xf32, #tpu.memory_space<vmem>>) dst(%dma_wait3A_1144 : memref<128x32xf32, #tpu.memory_space<hbm>>)
    %dma_wait3A_1148 = arith.constant 128 : i32
    %dma_wait3A_1149 = arith.constant 0 : i32
    %dma_wait3A_1150 = tpu.memref_slice %arg13[%dma_wait3A_1148, %dma_wait3A_1149] : memref<512x32xf32, #tpu.memory_space<vmem>> -> memref<128x32xf32, #tpu.memory_space<vmem>>
    %dma_wait3A_1151 = arith.constant 32 : i32
    %dma_wait3A_1152 = tpu.memref_slice %arg5[%mul3A_72, %dma_wait3A_1151] : memref<40960x128xf32, #tpu.memory_space<hbm>> -> memref<128x32xf32, #tpu.memory_space<hbm>>
    %dma_wait3A_1153 = arith.constant 32 : i32
    %dma_wait3A_1154 = tpu.memref_slice %arg5[%mul3A_72, %dma_wait3A_1153] : memref<40960x128xf32, #tpu.memory_space<hbm>> -> memref<128x32xf32, #tpu.memory_space<hbm>>
    %dma_wait3A_1155 = arith.constant 128 : i32
    %dma_wait3A_1156 = arith.constant 0 : i32
    %dma_wait3A_1157 = tpu.memref_slice %arg13[%dma_wait3A_1155, %dma_wait3A_1156] : memref<512x32xf32, #tpu.memory_space<vmem>> -> memref<128x32xf32, #tpu.memory_space<vmem>>
    tpu.wait_dma2 semaphore(%arg26 : memref<!tpu.dma_semaphore, #tpu.memory_space<semaphore_mem>>) src(%dma_wait3A_1157 : memref<128x32xf32, #tpu.memory_space<vmem>>) dst(%dma_wait3A_1154 : memref<128x32xf32, #tpu.memory_space<hbm>>)
    %dma_wait3A_1158 = arith.constant 256 : i32
    %dma_wait3A_1159 = arith.constant 0 : i32
    %dma_wait3A_1160 = tpu.memref_slice %arg13[%dma_wait3A_1158, %dma_wait3A_1159] : memref<512x32xf32, #tpu.memory_space<vmem>> -> memref<128x32xf32, #tpu.memory_space<vmem>>
    %dma_wait3A_1161 = arith.constant 64 : i32
    %dma_wait3A_1162 = tpu.memref_slice %arg5[%mul3A_72, %dma_wait3A_1161] : memref<40960x128xf32, #tpu.memory_space<hbm>> -> memref<128x32xf32, #tpu.memory_space<hbm>>
    %dma_wait3A_1163 = arith.constant 64 : i32
    %dma_wait3A_1164 = tpu.memref_slice %arg5[%mul3A_72, %dma_wait3A_1163] : memref<40960x128xf32, #tpu.memory_space<hbm>> -> memref<128x32xf32, #tpu.memory_space<hbm>>
    %dma_wait3A_1165 = arith.constant 256 : i32
    %dma_wait3A_1166 = arith.constant 0 : i32
    %dma_wait3A_1167 = tpu.memref_slice %arg13[%dma_wait3A_1165, %dma_wait3A_1166] : memref<512x32xf32, #tpu.memory_space<vmem>> -> memref<128x32xf32, #tpu.memory_space<vmem>>
    tpu.wait_dma2 semaphore(%arg26 : memref<!tpu.dma_semaphore, #tpu.memory_space<semaphore_mem>>) src(%dma_wait3A_1167 : memref<128x32xf32, #tpu.memory_space<vmem>>) dst(%dma_wait3A_1164 : memref<128x32xf32, #tpu.memory_space<hbm>>)
    %dma_wait3A_1168 = arith.constant 384 : i32
    %dma_wait3A_1169 = arith.constant 0 : i32
    %dma_wait3A_1170 = tpu.memref_slice %arg13[%dma_wait3A_1168, %dma_wait3A_1169] : memref<512x32xf32, #tpu.memory_space<vmem>> -> memref<128x32xf32, #tpu.memory_space<vmem>>
    %dma_wait3A_1171 = arith.constant 96 : i32
    %dma_wait3A_1172 = tpu.memref_slice %arg5[%mul3A_72, %dma_wait3A_1171] : memref<40960x128xf32, #tpu.memory_space<hbm>> -> memref<128x32xf32, #tpu.memory_space<hbm>>
    %dma_wait3A_1173 = arith.constant 96 : i32
    %dma_wait3A_1174 = tpu.memref_slice %arg5[%mul3A_72, %dma_wait3A_1173] : memref<40960x128xf32, #tpu.memory_space<hbm>> -> memref<128x32xf32, #tpu.memory_space<hbm>>
    %dma_wait3A_1175 = arith.constant 384 : i32
    %dma_wait3A_1176 = arith.constant 0 : i32
    %dma_wait3A_1177 = tpu.memref_slice %arg13[%dma_wait3A_1175, %dma_wait3A_1176] : memref<512x32xf32, #tpu.memory_space<vmem>> -> memref<128x32xf32, #tpu.memory_space<vmem>>
    tpu.wait_dma2 semaphore(%arg26 : memref<!tpu.dma_semaphore, #tpu.memory_space<semaphore_mem>>) src(%dma_wait3A_1177 : memref<128x32xf32, #tpu.memory_space<vmem>>) dst(%dma_wait3A_1174 : memref<128x32xf32, #tpu.memory_space<hbm>>)
    %dma_start3A_1178 = arith.constant 0 : i32
    %dma_start3A_1179 = arith.constant 0 : i32
    %dma_start3A_1180 = tpu.memref_slice %arg15[%dma_start3A_1178, %dma_start3A_1179] : memref<10112x32xf32, #tpu.memory_space<vmem_shared>> -> memref<10112x32xf32, #tpu.memory_space<vmem_shared>>
    tpu.enqueue_indirect_dma source(%dma_start3A_1180 : memref<10112x32xf32, #tpu.memory_space<vmem_shared>>) target(%arg13 : memref<512x32xf32, #tpu.memory_space<vmem>>) offsets(%arg9 : memref<512xi32, #tpu.memory_space<vmem>>) semaphore(%arg22 : memref<!tpu.dma_semaphore, #tpu.memory_space<semaphore_mem>>)
    %dma_start3A_1181 = arith.constant 0 : i32
    %dma_start3A_1182 = arith.constant 0 : i32
    %dma_start3A_1183 = tpu.memref_slice %arg11[%dma_start3A_1181, %dma_start3A_1182] : memref<512x32xf32, #tpu.memory_space<vmem>> -> memref<128x32xf32, #tpu.memory_space<vmem>>
    %dma_start3A_1184 = arith.constant 0 : i32
    %dma_start3A_1185 = tpu.memref_slice %arg5[%mul3A_82, %dma_start3A_1184] : memref<40960x128xf32, #tpu.memory_space<hbm>> -> memref<128x32xf32, #tpu.memory_space<hbm>>
    %dma_start3A_1186 = arith.constant 0 : i32
    %dma_start3A_1187 = tpu.memref_slice %arg5[%mul3A_82, %dma_start3A_1186] : memref<40960x128xf32, #tpu.memory_space<hbm>> -> memref<128x32xf32, #tpu.memory_space<hbm>>
    %dma_start3A_1188 = arith.constant 0 : i32
    %dma_start3A_1189 = arith.constant 0 : i32
    %dma_start3A_1190 = tpu.memref_slice %arg11[%dma_start3A_1188, %dma_start3A_1189] : memref<512x32xf32, #tpu.memory_space<vmem>> -> memref<128x32xf32, #tpu.memory_space<vmem>>
    tpu.enqueue_dma source(%dma_start3A_1190 : memref<128x32xf32, #tpu.memory_space<vmem>>) target(%dma_start3A_1187 : memref<128x32xf32, #tpu.memory_space<hbm>>) target_semaphore(%arg24 : memref<!tpu.dma_semaphore, #tpu.memory_space<semaphore_mem>>)
    %dma_start3A_1191 = arith.constant 128 : i32
    %dma_start3A_1192 = arith.constant 0 : i32
    %dma_start3A_1193 = tpu.memref_slice %arg11[%dma_start3A_1191, %dma_start3A_1192] : memref<512x32xf32, #tpu.memory_space<vmem>> -> memref<128x32xf32, #tpu.memory_space<vmem>>
    %dma_start3A_1194 = arith.constant 32 : i32
    %dma_start3A_1195 = tpu.memref_slice %arg5[%mul3A_82, %dma_start3A_1194] : memref<40960x128xf32, #tpu.memory_space<hbm>> -> memref<128x32xf32, #tpu.memory_space<hbm>>
    %dma_start3A_1196 = arith.constant 32 : i32
    %dma_start3A_1197 = tpu.memref_slice %arg5[%mul3A_82, %dma_start3A_1196] : memref<40960x128xf32, #tpu.memory_space<hbm>> -> memref<128x32xf32, #tpu.memory_space<hbm>>
    %dma_start3A_1198 = arith.constant 128 : i32
    %dma_start3A_1199 = arith.constant 0 : i32
    %dma_start3A_1200 = tpu.memref_slice %arg11[%dma_start3A_1198, %dma_start3A_1199] : memref<512x32xf32, #tpu.memory_space<vmem>> -> memref<128x32xf32, #tpu.memory_space<vmem>>
    tpu.enqueue_dma source(%dma_start3A_1200 : memref<128x32xf32, #tpu.memory_space<vmem>>) target(%dma_start3A_1197 : memref<128x32xf32, #tpu.memory_space<hbm>>) target_semaphore(%arg24 : memref<!tpu.dma_semaphore, #tpu.memory_space<semaphore_mem>>)
    %dma_start3A_1201 = arith.constant 256 : i32
    %dma_start3A_1202 = arith.constant 0 : i32
    %dma_start3A_1203 = tpu.memref_slice %arg11[%dma_start3A_1201, %dma_start3A_1202] : memref<512x32xf32, #tpu.memory_space<vmem>> -> memref<128x32xf32, #tpu.memory_space<vmem>>
    %dma_start3A_1204 = arith.constant 64 : i32
    %dma_start3A_1205 = tpu.memref_slice %arg5[%mul3A_82, %dma_start3A_1204] : memref<40960x128xf32, #tpu.memory_space<hbm>> -> memref<128x32xf32, #tpu.memory_space<hbm>>
    %dma_start3A_1206 = arith.constant 64 : i32
    %dma_start3A_1207 = tpu.memref_slice %arg5[%mul3A_82, %dma_start3A_1206] : memref<40960x128xf32, #tpu.memory_space<hbm>> -> memref<128x32xf32, #tpu.memory_space<hbm>>
    %dma_start3A_1208 = arith.constant 256 : i32
    %dma_start3A_1209 = arith.constant 0 : i32
    %dma_start3A_1210 = tpu.memref_slice %arg11[%dma_start3A_1208, %dma_start3A_1209] : memref<512x32xf32, #tpu.memory_space<vmem>> -> memref<128x32xf32, #tpu.memory_space<vmem>>
    tpu.enqueue_dma source(%dma_start3A_1210 : memref<128x32xf32, #tpu.memory_space<vmem>>) target(%dma_start3A_1207 : memref<128x32xf32, #tpu.memory_space<hbm>>) target_semaphore(%arg24 : memref<!tpu.dma_semaphore, #tpu.memory_space<semaphore_mem>>)
    %dma_start3A_1211 = arith.constant 384 : i32
    %dma_start3A_1212 = arith.constant 0 : i32
    %dma_start3A_1213 = tpu.memref_slice %arg11[%dma_start3A_1211, %dma_start3A_1212] : memref<512x32xf32, #tpu.memory_space<vmem>> -> memref<128x32xf32, #tpu.memory_space<vmem>>
    %dma_start3A_1214 = arith.constant 96 : i32
    %dma_start3A_1215 = tpu.memref_slice %arg5[%mul3A_82, %dma_start3A_1214] : memref<40960x128xf32, #tpu.memory_space<hbm>> -> memref<128x32xf32, #tpu.memory_space<hbm>>
    %dma_start3A_1216 = arith.constant 96 : i32
    %dma_start3A_1217 = tpu.memref_slice %arg5[%mul3A_82, %dma_start3A_1216] : memref<40960x128xf32, #tpu.memory_space<hbm>> -> memref<128x32xf32, #tpu.memory_space<hbm>>
    %dma_start3A_1218 = arith.constant 384 : i32
    %dma_start3A_1219 = arith.constant 0 : i32
    %dma_start3A_1220 = tpu.memref_slice %arg11[%dma_start3A_1218, %dma_start3A_1219] : memref<512x32xf32, #tpu.memory_space<vmem>> -> memref<128x32xf32, #tpu.memory_space<vmem>>
    tpu.enqueue_dma source(%dma_start3A_1220 : memref<128x32xf32, #tpu.memory_space<vmem>>) target(%dma_start3A_1217 : memref<128x32xf32, #tpu.memory_space<hbm>>) target_semaphore(%arg24 : memref<!tpu.dma_semaphore, #tpu.memory_space<semaphore_mem>>)
    %dma_start3A_1221 = tpu.memref_slice %arg3[%mul3A_100] : memref<163840xi32, #tpu.memory_space<hbm>> -> memref<512xi32, #tpu.memory_space<hbm>>
    %dma_start3A_1222 = tpu.memref_slice %arg3[%mul3A_100] : memref<163840xi32, #tpu.memory_space<hbm>> -> memref<512xi32, #tpu.memory_space<hbm>>
    tpu.enqueue_dma source(%dma_start3A_1222 : memref<512xi32, #tpu.memory_space<hbm>>) target(%arg7 : memref<512xi32, #tpu.memory_space<vmem>>) target_semaphore(%arg16 : memref<!tpu.dma_semaphore, #tpu.memory_space<semaphore_mem>>)
    %dma_wait3A_1223 = arith.constant 0 : i32
    %dma_wait3A_1224 = arith.constant 0 : i32
    %dma_wait3A_1225 = tpu.memref_slice %arg15[%dma_wait3A_1223, %dma_wait3A_1224] : memref<10112x32xf32, #tpu.memory_space<vmem_shared>> -> memref<10112x32xf32, #tpu.memory_space<vmem_shared>>
    tpu.wait_indirect_dma semaphore(%arg21 : memref<!tpu.dma_semaphore, #tpu.memory_space<semaphore_mem>>) src(%dma_wait3A_1225 : memref<10112x32xf32, #tpu.memory_space<vmem_shared>>) dst(%arg12 : memref<512x32xf32, #tpu.memory_space<vmem>>)
    %dma_wait3A_1226 = tpu.memref_slice %arg4[%mul3A_94] : memref<163840xi32, #tpu.memory_space<hbm>> -> memref<512xi32, #tpu.memory_space<hbm>>
    %dma_wait3A_1227 = tpu.memref_slice %arg4[%mul3A_94] : memref<163840xi32, #tpu.memory_space<hbm>> -> memref<512xi32, #tpu.memory_space<hbm>>
    tpu.wait_dma2 semaphore(%arg19 : memref<!tpu.dma_semaphore, #tpu.memory_space<semaphore_mem>>) src(%dma_wait3A_1227 : memref<512xi32, #tpu.memory_space<hbm>>) dst(%arg10 : memref<512xi32, #tpu.memory_space<vmem>>)
    %dma_wait3A_1228 = arith.constant 0 : i32
    %dma_wait3A_1229 = arith.constant 0 : i32
    %dma_wait3A_1230 = tpu.memref_slice %arg14[%dma_wait3A_1228, %dma_wait3A_1229] : memref<512x32xf32, #tpu.memory_space<vmem>> -> memref<128x32xf32, #tpu.memory_space<vmem>>
    %dma_wait3A_1231 = arith.constant 0 : i32
    %dma_wait3A_1232 = tpu.memref_slice %arg6[%mul3A_76, %dma_wait3A_1231] : memref<40960x128xf32, #tpu.memory_space<hbm>> -> memref<128x32xf32, #tpu.memory_space<hbm>>
    %dma_wait3A_1233 = arith.constant 0 : i32
    %dma_wait3A_1234 = tpu.memref_slice %arg6[%mul3A_76, %dma_wait3A_1233] : memref<40960x128xf32, #tpu.memory_space<hbm>> -> memref<128x32xf32, #tpu.memory_space<hbm>>
    %dma_wait3A_1235 = arith.constant 0 : i32
    %dma_wait3A_1236 = arith.constant 0 : i32
    %dma_wait3A_1237 = tpu.memref_slice %arg14[%dma_wait3A_1235, %dma_wait3A_1236] : memref<512x32xf32, #tpu.memory_space<vmem>> -> memref<128x32xf32, #tpu.memory_space<vmem>>
    tpu.wait_dma2 semaphore(%arg27 : memref<!tpu.dma_semaphore, #tpu.memory_space<semaphore_mem>>) src(%dma_wait3A_1237 : memref<128x32xf32, #tpu.memory_space<vmem>>) dst(%dma_wait3A_1234 : memref<128x32xf32, #tpu.memory_space<hbm>>)
    %dma_wait3A_1238 = arith.constant 128 : i32
    %dma_wait3A_1239 = arith.constant 0 : i32
    %dma_wait3A_1240 = tpu.memref_slice %arg14[%dma_wait3A_1238, %dma_wait3A_1239] : memref<512x32xf32, #tpu.memory_space<vmem>> -> memref<128x32xf32, #tpu.memory_space<vmem>>
    %dma_wait3A_1241 = arith.constant 32 : i32
    %dma_wait3A_1242 = tpu.memref_slice %arg6[%mul3A_76, %dma_wait3A_1241] : memref<40960x128xf32, #tpu.memory_space<hbm>> -> memref<128x32xf32, #tpu.memory_space<hbm>>
    %dma_wait3A_1243 = arith.constant 32 : i32
    %dma_wait3A_1244 = tpu.memref_slice %arg6[%mul3A_76, %dma_wait3A_1243] : memref<40960x128xf32, #tpu.memory_space<hbm>> -> memref<128x32xf32, #tpu.memory_space<hbm>>
    %dma_wait3A_1245 = arith.constant 128 : i32
    %dma_wait3A_1246 = arith.constant 0 : i32
    %dma_wait3A_1247 = tpu.memref_slice %arg14[%dma_wait3A_1245, %dma_wait3A_1246] : memref<512x32xf32, #tpu.memory_space<vmem>> -> memref<128x32xf32, #tpu.memory_space<vmem>>
    tpu.wait_dma2 semaphore(%arg27 : memref<!tpu.dma_semaphore, #tpu.memory_space<semaphore_mem>>) src(%dma_wait3A_1247 : memref<128x32xf32, #tpu.memory_space<vmem>>) dst(%dma_wait3A_1244 : memref<128x32xf32, #tpu.memory_space<hbm>>)
    %dma_wait3A_1248 = arith.constant 256 : i32
    %dma_wait3A_1249 = arith.constant 0 : i32
    %dma_wait3A_1250 = tpu.memref_slice %arg14[%dma_wait3A_1248, %dma_wait3A_1249] : memref<512x32xf32, #tpu.memory_space<vmem>> -> memref<128x32xf32, #tpu.memory_space<vmem>>
    %dma_wait3A_1251 = arith.constant 64 : i32
    %dma_wait3A_1252 = tpu.memref_slice %arg6[%mul3A_76, %dma_wait3A_1251] : memref<40960x128xf32, #tpu.memory_space<hbm>> -> memref<128x32xf32, #tpu.memory_space<hbm>>
    %dma_wait3A_1253 = arith.constant 64 : i32
    %dma_wait3A_1254 = tpu.memref_slice %arg6[%mul3A_76, %dma_wait3A_1253] : memref<40960x128xf32, #tpu.memory_space<hbm>> -> memref<128x32xf32, #tpu.memory_space<hbm>>
    %dma_wait3A_1255 = arith.constant 256 : i32
    %dma_wait3A_1256 = arith.constant 0 : i32
    %dma_wait3A_1257 = tpu.memref_slice %arg14[%dma_wait3A_1255, %dma_wait3A_1256] : memref<512x32xf32, #tpu.memory_space<vmem>> -> memref<128x32xf32, #tpu.memory_space<vmem>>
    tpu.wait_dma2 semaphore(%arg27 : memref<!tpu.dma_semaphore, #tpu.memory_space<semaphore_mem>>) src(%dma_wait3A_1257 : memref<128x32xf32, #tpu.memory_space<vmem>>) dst(%dma_wait3A_1254 : memref<128x32xf32, #tpu.memory_space<hbm>>)
    %dma_wait3A_1258 = arith.constant 384 : i32
    %dma_wait3A_1259 = arith.constant 0 : i32
    %dma_wait3A_1260 = tpu.memref_slice %arg14[%dma_wait3A_1258, %dma_wait3A_1259] : memref<512x32xf32, #tpu.memory_space<vmem>> -> memref<128x32xf32, #tpu.memory_space<vmem>>
    %dma_wait3A_1261 = arith.constant 96 : i32
    %dma_wait3A_1262 = tpu.memref_slice %arg6[%mul3A_76, %dma_wait3A_1261] : memref<40960x128xf32, #tpu.memory_space<hbm>> -> memref<128x32xf32, #tpu.memory_space<hbm>>
    %dma_wait3A_1263 = arith.constant 96 : i32
    %dma_wait3A_1264 = tpu.memref_slice %arg6[%mul3A_76, %dma_wait3A_1263] : memref<40960x128xf32, #tpu.memory_space<hbm>> -> memref<128x32xf32, #tpu.memory_space<hbm>>
    %dma_wait3A_1265 = arith.constant 384 : i32
    %dma_wait3A_1266 = arith.constant 0 : i32
    %dma_wait3A_1267 = tpu.memref_slice %arg14[%dma_wait3A_1265, %dma_wait3A_1266] : memref<512x32xf32, #tpu.memory_space<vmem>> -> memref<128x32xf32, #tpu.memory_space<vmem>>
    tpu.wait_dma2 semaphore(%arg27 : memref<!tpu.dma_semaphore, #tpu.memory_space<semaphore_mem>>) src(%dma_wait3A_1267 : memref<128x32xf32, #tpu.memory_space<vmem>>) dst(%dma_wait3A_1264 : memref<128x32xf32, #tpu.memory_space<hbm>>)
    %dma_start3A_1268 = arith.constant 0 : i32
    %dma_start3A_1269 = arith.constant 0 : i32
    %dma_start3A_1270 = tpu.memref_slice %arg15[%dma_start3A_1268, %dma_start3A_1269] : memref<10112x32xf32, #tpu.memory_space<vmem_shared>> -> memref<10112x32xf32, #tpu.memory_space<vmem_shared>>
    tpu.enqueue_indirect_dma source(%dma_start3A_1270 : memref<10112x32xf32, #tpu.memory_space<vmem_shared>>) target(%arg14 : memref<512x32xf32, #tpu.memory_space<vmem>>) offsets(%arg10 : memref<512xi32, #tpu.memory_space<vmem>>) semaphore(%arg23 : memref<!tpu.dma_semaphore, #tpu.memory_space<semaphore_mem>>)
    %dma_start3A_1271 = arith.constant 0 : i32
    %dma_start3A_1272 = arith.constant 0 : i32
    %dma_start3A_1273 = tpu.memref_slice %arg12[%dma_start3A_1271, %dma_start3A_1272] : memref<512x32xf32, #tpu.memory_space<vmem>> -> memref<128x32xf32, #tpu.memory_space<vmem>>
    %dma_start3A_1274 = arith.constant 0 : i32
    %dma_start3A_1275 = tpu.memref_slice %arg6[%mul3A_86, %dma_start3A_1274] : memref<40960x128xf32, #tpu.memory_space<hbm>> -> memref<128x32xf32, #tpu.memory_space<hbm>>
    %dma_start3A_1276 = arith.constant 0 : i32
    %dma_start3A_1277 = tpu.memref_slice %arg6[%mul3A_86, %dma_start3A_1276] : memref<40960x128xf32, #tpu.memory_space<hbm>> -> memref<128x32xf32, #tpu.memory_space<hbm>>
    %dma_start3A_1278 = arith.constant 0 : i32
    %dma_start3A_1279 = arith.constant 0 : i32
    %dma_start3A_1280 = tpu.memref_slice %arg12[%dma_start3A_1278, %dma_start3A_1279] : memref<512x32xf32, #tpu.memory_space<vmem>> -> memref<128x32xf32, #tpu.memory_space<vmem>>
    tpu.enqueue_dma source(%dma_start3A_1280 : memref<128x32xf32, #tpu.memory_space<vmem>>) target(%dma_start3A_1277 : memref<128x32xf32, #tpu.memory_space<hbm>>) target_semaphore(%arg25 : memref<!tpu.dma_semaphore, #tpu.memory_space<semaphore_mem>>)
    %dma_start3A_1281 = arith.constant 128 : i32
    %dma_start3A_1282 = arith.constant 0 : i32
    %dma_start3A_1283 = tpu.memref_slice %arg12[%dma_start3A_1281, %dma_start3A_1282] : memref<512x32xf32, #tpu.memory_space<vmem>> -> memref<128x32xf32, #tpu.memory_space<vmem>>
    %dma_start3A_1284 = arith.constant 32 : i32
    %dma_start3A_1285 = tpu.memref_slice %arg6[%mul3A_86, %dma_start3A_1284] : memref<40960x128xf32, #tpu.memory_space<hbm>> -> memref<128x32xf32, #tpu.memory_space<hbm>>
    %dma_start3A_1286 = arith.constant 32 : i32
    %dma_start3A_1287 = tpu.memref_slice %arg6[%mul3A_86, %dma_start3A_1286] : memref<40960x128xf32, #tpu.memory_space<hbm>> -> memref<128x32xf32, #tpu.memory_space<hbm>>
    %dma_start3A_1288 = arith.constant 128 : i32
    %dma_start3A_1289 = arith.constant 0 : i32
    %dma_start3A_1290 = tpu.memref_slice %arg12[%dma_start3A_1288, %dma_start3A_1289] : memref<512x32xf32, #tpu.memory_space<vmem>> -> memref<128x32xf32, #tpu.memory_space<vmem>>
    tpu.enqueue_dma source(%dma_start3A_1290 : memref<128x32xf32, #tpu.memory_space<vmem>>) target(%dma_start3A_1287 : memref<128x32xf32, #tpu.memory_space<hbm>>) target_semaphore(%arg25 : memref<!tpu.dma_semaphore, #tpu.memory_space<semaphore_mem>>)
    %dma_start3A_1291 = arith.constant 256 : i32
    %dma_start3A_1292 = arith.constant 0 : i32
    %dma_start3A_1293 = tpu.memref_slice %arg12[%dma_start3A_1291, %dma_start3A_1292] : memref<512x32xf32, #tpu.memory_space<vmem>> -> memref<128x32xf32, #tpu.memory_space<vmem>>
    %dma_start3A_1294 = arith.constant 64 : i32
    %dma_start3A_1295 = tpu.memref_slice %arg6[%mul3A_86, %dma_start3A_1294] : memref<40960x128xf32, #tpu.memory_space<hbm>> -> memref<128x32xf32, #tpu.memory_space<hbm>>
    %dma_start3A_1296 = arith.constant 64 : i32
    %dma_start3A_1297 = tpu.memref_slice %arg6[%mul3A_86, %dma_start3A_1296] : memref<40960x128xf32, #tpu.memory_space<hbm>> -> memref<128x32xf32, #tpu.memory_space<hbm>>
    %dma_start3A_1298 = arith.constant 256 : i32
    %dma_start3A_1299 = arith.constant 0 : i32
    %dma_start3A_1300 = tpu.memref_slice %arg12[%dma_start3A_1298, %dma_start3A_1299] : memref<512x32xf32, #tpu.memory_space<vmem>> -> memref<128x32xf32, #tpu.memory_space<vmem>>
    tpu.enqueue_dma source(%dma_start3A_1300 : memref<128x32xf32, #tpu.memory_space<vmem>>) target(%dma_start3A_1297 : memref<128x32xf32, #tpu.memory_space<hbm>>) target_semaphore(%arg25 : memref<!tpu.dma_semaphore, #tpu.memory_space<semaphore_mem>>)
    %dma_start3A_1301 = arith.constant 384 : i32
    %dma_start3A_1302 = arith.constant 0 : i32
    %dma_start3A_1303 = tpu.memref_slice %arg12[%dma_start3A_1301, %dma_start3A_1302] : memref<512x32xf32, #tpu.memory_space<vmem>> -> memref<128x32xf32, #tpu.memory_space<vmem>>
    %dma_start3A_1304 = arith.constant 96 : i32
    %dma_start3A_1305 = tpu.memref_slice %arg6[%mul3A_86, %dma_start3A_1304] : memref<40960x128xf32, #tpu.memory_space<hbm>> -> memref<128x32xf32, #tpu.memory_space<hbm>>
    %dma_start3A_1306 = arith.constant 96 : i32
    %dma_start3A_1307 = tpu.memref_slice %arg6[%mul3A_86, %dma_start3A_1306] : memref<40960x128xf32, #tpu.memory_space<hbm>> -> memref<128x32xf32, #tpu.memory_space<hbm>>
    %dma_start3A_1308 = arith.constant 384 : i32
    %dma_start3A_1309 = arith.constant 0 : i32
    %dma_start3A_1310 = tpu.memref_slice %arg12[%dma_start3A_1308, %dma_start3A_1309] : memref<512x32xf32, #tpu.memory_space<vmem>> -> memref<128x32xf32, #tpu.memory_space<vmem>>
    tpu.enqueue_dma source(%dma_start3A_1310 : memref<128x32xf32, #tpu.memory_space<vmem>>) target(%dma_start3A_1307 : memref<128x32xf32, #tpu.memory_space<hbm>>) target_semaphore(%arg25 : memref<!tpu.dma_semaphore, #tpu.memory_space<semaphore_mem>>)
    %dma_start3A_1311 = tpu.memref_slice %arg4[%mul3A_104] : memref<163840xi32, #tpu.memory_space<hbm>> -> memref<512xi32, #tpu.memory_space<hbm>>
    %dma_start3A_1312 = tpu.memref_slice %arg4[%mul3A_104] : memref<163840xi32, #tpu.memory_space<hbm>> -> memref<512xi32, #tpu.memory_space<hbm>>
    tpu.enqueue_dma source(%dma_start3A_1312 : memref<512xi32, #tpu.memory_space<hbm>>) target(%arg8 : memref<512xi32, #tpu.memory_space<vmem>>) target_semaphore(%arg17 : memref<!tpu.dma_semaphore, #tpu.memory_space<semaphore_mem>>)
    %dma_wait3A_1313 = arith.constant 0 : i32
    %dma_wait3A_1314 = arith.constant 0 : i32
    %dma_wait3A_1315 = tpu.memref_slice %arg15[%dma_wait3A_1313, %dma_wait3A_1314] : memref<10112x32xf32, #tpu.memory_space<vmem_shared>> -> memref<10112x32xf32, #tpu.memory_space<vmem_shared>>
    tpu.wait_indirect_dma semaphore(%arg22 : memref<!tpu.dma_semaphore, #tpu.memory_space<semaphore_mem>>) src(%dma_wait3A_1315 : memref<10112x32xf32, #tpu.memory_space<vmem_shared>>) dst(%arg13 : memref<512x32xf32, #tpu.memory_space<vmem>>)
    %dma_wait3A_1316 = tpu.memref_slice %arg3[%mul3A_100] : memref<163840xi32, #tpu.memory_space<hbm>> -> memref<512xi32, #tpu.memory_space<hbm>>
    %dma_wait3A_1317 = tpu.memref_slice %arg3[%mul3A_100] : memref<163840xi32, #tpu.memory_space<hbm>> -> memref<512xi32, #tpu.memory_space<hbm>>
    tpu.wait_dma2 semaphore(%arg16 : memref<!tpu.dma_semaphore, #tpu.memory_space<semaphore_mem>>) src(%dma_wait3A_1317 : memref<512xi32, #tpu.memory_space<hbm>>) dst(%arg7 : memref<512xi32, #tpu.memory_space<vmem>>)
    %dma_wait3A_1318 = arith.constant 0 : i32
    %dma_wait3A_1319 = arith.constant 0 : i32
    %dma_wait3A_1320 = tpu.memref_slice %arg11[%dma_wait3A_1318, %dma_wait3A_1319] : memref<512x32xf32, #tpu.memory_space<vmem>> -> memref<128x32xf32, #tpu.memory_space<vmem>>
    %dma_wait3A_1321 = arith.constant 0 : i32
    %dma_wait3A_1322 = tpu.memref_slice %arg5[%mul3A_82, %dma_wait3A_1321] : memref<40960x128xf32, #tpu.memory_space<hbm>> -> memref<128x32xf32, #tpu.memory_space<hbm>>
    %dma_wait3A_1323 = arith.constant 0 : i32
    %dma_wait3A_1324 = tpu.memref_slice %arg5[%mul3A_82, %dma_wait3A_1323] : memref<40960x128xf32, #tpu.memory_space<hbm>> -> memref<128x32xf32, #tpu.memory_space<hbm>>
    %dma_wait3A_1325 = arith.constant 0 : i32
    %dma_wait3A_1326 = arith.constant 0 : i32
    %dma_wait3A_1327 = tpu.memref_slice %arg11[%dma_wait3A_1325, %dma_wait3A_1326] : memref<512x32xf32, #tpu.memory_space<vmem>> -> memref<128x32xf32, #tpu.memory_space<vmem>>
    tpu.wait_dma2 semaphore(%arg24 : memref<!tpu.dma_semaphore, #tpu.memory_space<semaphore_mem>>) src(%dma_wait3A_1327 : memref<128x32xf32, #tpu.memory_space<vmem>>) dst(%dma_wait3A_1324 : memref<128x32xf32, #tpu.memory_space<hbm>>)
    %dma_wait3A_1328 = arith.constant 128 : i32
    %dma_wait3A_1329 = arith.constant 0 : i32
    %dma_wait3A_1330 = tpu.memref_slice %arg11[%dma_wait3A_1328, %dma_wait3A_1329] : memref<512x32xf32, #tpu.memory_space<vmem>> -> memref<128x32xf32, #tpu.memory_space<vmem>>
    %dma_wait3A_1331 = arith.constant 32 : i32
    %dma_wait3A_1332 = tpu.memref_slice %arg5[%mul3A_82, %dma_wait3A_1331] : memref<40960x128xf32, #tpu.memory_space<hbm>> -> memref<128x32xf32, #tpu.memory_space<hbm>>
    %dma_wait3A_1333 = arith.constant 32 : i32
    %dma_wait3A_1334 = tpu.memref_slice %arg5[%mul3A_82, %dma_wait3A_1333] : memref<40960x128xf32, #tpu.memory_space<hbm>> -> memref<128x32xf32, #tpu.memory_space<hbm>>
    %dma_wait3A_1335 = arith.constant 128 : i32
    %dma_wait3A_1336 = arith.constant 0 : i32
    %dma_wait3A_1337 = tpu.memref_slice %arg11[%dma_wait3A_1335, %dma_wait3A_1336] : memref<512x32xf32, #tpu.memory_space<vmem>> -> memref<128x32xf32, #tpu.memory_space<vmem>>
    tpu.wait_dma2 semaphore(%arg24 : memref<!tpu.dma_semaphore, #tpu.memory_space<semaphore_mem>>) src(%dma_wait3A_1337 : memref<128x32xf32, #tpu.memory_space<vmem>>) dst(%dma_wait3A_1334 : memref<128x32xf32, #tpu.memory_space<hbm>>)
    %dma_wait3A_1338 = arith.constant 256 : i32
    %dma_wait3A_1339 = arith.constant 0 : i32
    %dma_wait3A_1340 = tpu.memref_slice %arg11[%dma_wait3A_1338, %dma_wait3A_1339] : memref<512x32xf32, #tpu.memory_space<vmem>> -> memref<128x32xf32, #tpu.memory_space<vmem>>
    %dma_wait3A_1341 = arith.constant 64 : i32
    %dma_wait3A_1342 = tpu.memref_slice %arg5[%mul3A_82, %dma_wait3A_1341] : memref<40960x128xf32, #tpu.memory_space<hbm>> -> memref<128x32xf32, #tpu.memory_space<hbm>>
    %dma_wait3A_1343 = arith.constant 64 : i32
    %dma_wait3A_1344 = tpu.memref_slice %arg5[%mul3A_82, %dma_wait3A_1343] : memref<40960x128xf32, #tpu.memory_space<hbm>> -> memref<128x32xf32, #tpu.memory_space<hbm>>
    %dma_wait3A_1345 = arith.constant 256 : i32
    %dma_wait3A_1346 = arith.constant 0 : i32
    %dma_wait3A_1347 = tpu.memref_slice %arg11[%dma_wait3A_1345, %dma_wait3A_1346] : memref<512x32xf32, #tpu.memory_space<vmem>> -> memref<128x32xf32, #tpu.memory_space<vmem>>
    tpu.wait_dma2 semaphore(%arg24 : memref<!tpu.dma_semaphore, #tpu.memory_space<semaphore_mem>>) src(%dma_wait3A_1347 : memref<128x32xf32, #tpu.memory_space<vmem>>) dst(%dma_wait3A_1344 : memref<128x32xf32, #tpu.memory_space<hbm>>)
    %dma_wait3A_1348 = arith.constant 384 : i32
    %dma_wait3A_1349 = arith.constant 0 : i32
    %dma_wait3A_1350 = tpu.memref_slice %arg11[%dma_wait3A_1348, %dma_wait3A_1349] : memref<512x32xf32, #tpu.memory_space<vmem>> -> memref<128x32xf32, #tpu.memory_space<vmem>>
    %dma_wait3A_1351 = arith.constant 96 : i32
    %dma_wait3A_1352 = tpu.memref_slice %arg5[%mul3A_82, %dma_wait3A_1351] : memref<40960x128xf32, #tpu.memory_space<hbm>> -> memref<128x32xf32, #tpu.memory_space<hbm>>
    %dma_wait3A_1353 = arith.constant 96 : i32
    %dma_wait3A_1354 = tpu.memref_slice %arg5[%mul3A_82, %dma_wait3A_1353] : memref<40960x128xf32, #tpu.memory_space<hbm>> -> memref<128x32xf32, #tpu.memory_space<hbm>>
    %dma_wait3A_1355 = arith.constant 384 : i32
    %dma_wait3A_1356 = arith.constant 0 : i32
    %dma_wait3A_1357 = tpu.memref_slice %arg11[%dma_wait3A_1355, %dma_wait3A_1356] : memref<512x32xf32, #tpu.memory_space<vmem>> -> memref<128x32xf32, #tpu.memory_space<vmem>>
    tpu.wait_dma2 semaphore(%arg24 : memref<!tpu.dma_semaphore, #tpu.memory_space<semaphore_mem>>) src(%dma_wait3A_1357 : memref<128x32xf32, #tpu.memory_space<vmem>>) dst(%dma_wait3A_1354 : memref<128x32xf32, #tpu.memory_space<hbm>>)
    %dma_start3A_1358 = arith.constant 0 : i32
    %dma_start3A_1359 = arith.constant 0 : i32
    %dma_start3A_1360 = tpu.memref_slice %arg15[%dma_start3A_1358, %dma_start3A_1359] : memref<10112x32xf32, #tpu.memory_space<vmem_shared>> -> memref<10112x32xf32, #tpu.memory_space<vmem_shared>>
    tpu.enqueue_indirect_dma source(%dma_start3A_1360 : memref<10112x32xf32, #tpu.memory_space<vmem_shared>>) target(%arg11 : memref<512x32xf32, #tpu.memory_space<vmem>>) offsets(%arg7 : memref<512xi32, #tpu.memory_space<vmem>>) semaphore(%arg20 : memref<!tpu.dma_semaphore, #tpu.memory_space<semaphore_mem>>)
    %dma_start3A_1361 = arith.constant 0 : i32
    %dma_start3A_1362 = arith.constant 0 : i32
    %dma_start3A_1363 = tpu.memref_slice %arg13[%dma_start3A_1361, %dma_start3A_1362] : memref<512x32xf32, #tpu.memory_space<vmem>> -> memref<128x32xf32, #tpu.memory_space<vmem>>
    %dma_start3A_1364 = arith.constant 0 : i32
    %dma_start3A_1365 = tpu.memref_slice %arg5[%mul3A_92, %dma_start3A_1364] : memref<40960x128xf32, #tpu.memory_space<hbm>> -> memref<128x32xf32, #tpu.memory_space<hbm>>
    %dma_start3A_1366 = arith.constant 0 : i32
    %dma_start3A_1367 = tpu.memref_slice %arg5[%mul3A_92, %dma_start3A_1366] : memref<40960x128xf32, #tpu.memory_space<hbm>> -> memref<128x32xf32, #tpu.memory_space<hbm>>
    %dma_start3A_1368 = arith.constant 0 : i32
    %dma_start3A_1369 = arith.constant 0 : i32
    %dma_start3A_1370 = tpu.memref_slice %arg13[%dma_start3A_1368, %dma_start3A_1369] : memref<512x32xf32, #tpu.memory_space<vmem>> -> memref<128x32xf32, #tpu.memory_space<vmem>>
    tpu.enqueue_dma source(%dma_start3A_1370 : memref<128x32xf32, #tpu.memory_space<vmem>>) target(%dma_start3A_1367 : memref<128x32xf32, #tpu.memory_space<hbm>>) target_semaphore(%arg26 : memref<!tpu.dma_semaphore, #tpu.memory_space<semaphore_mem>>)
    %dma_start3A_1371 = arith.constant 128 : i32
    %dma_start3A_1372 = arith.constant 0 : i32
    %dma_start3A_1373 = tpu.memref_slice %arg13[%dma_start3A_1371, %dma_start3A_1372] : memref<512x32xf32, #tpu.memory_space<vmem>> -> memref<128x32xf32, #tpu.memory_space<vmem>>
    %dma_start3A_1374 = arith.constant 32 : i32
    %dma_start3A_1375 = tpu.memref_slice %arg5[%mul3A_92, %dma_start3A_1374] : memref<40960x128xf32, #tpu.memory_space<hbm>> -> memref<128x32xf32, #tpu.memory_space<hbm>>
    %dma_start3A_1376 = arith.constant 32 : i32
    %dma_start3A_1377 = tpu.memref_slice %arg5[%mul3A_92, %dma_start3A_1376] : memref<40960x128xf32, #tpu.memory_space<hbm>> -> memref<128x32xf32, #tpu.memory_space<hbm>>
    %dma_start3A_1378 = arith.constant 128 : i32
    %dma_start3A_1379 = arith.constant 0 : i32
    %dma_start3A_1380 = tpu.memref_slice %arg13[%dma_start3A_1378, %dma_start3A_1379] : memref<512x32xf32, #tpu.memory_space<vmem>> -> memref<128x32xf32, #tpu.memory_space<vmem>>
    tpu.enqueue_dma source(%dma_start3A_1380 : memref<128x32xf32, #tpu.memory_space<vmem>>) target(%dma_start3A_1377 : memref<128x32xf32, #tpu.memory_space<hbm>>) target_semaphore(%arg26 : memref<!tpu.dma_semaphore, #tpu.memory_space<semaphore_mem>>)
    %dma_start3A_1381 = arith.constant 256 : i32
    %dma_start3A_1382 = arith.constant 0 : i32
    %dma_start3A_1383 = tpu.memref_slice %arg13[%dma_start3A_1381, %dma_start3A_1382] : memref<512x32xf32, #tpu.memory_space<vmem>> -> memref<128x32xf32, #tpu.memory_space<vmem>>
    %dma_start3A_1384 = arith.constant 64 : i32
    %dma_start3A_1385 = tpu.memref_slice %arg5[%mul3A_92, %dma_start3A_1384] : memref<40960x128xf32, #tpu.memory_space<hbm>> -> memref<128x32xf32, #tpu.memory_space<hbm>>
    %dma_start3A_1386 = arith.constant 64 : i32
    %dma_start3A_1387 = tpu.memref_slice %arg5[%mul3A_92, %dma_start3A_1386] : memref<40960x128xf32, #tpu.memory_space<hbm>> -> memref<128x32xf32, #tpu.memory_space<hbm>>
    %dma_start3A_1388 = arith.constant 256 : i32
    %dma_start3A_1389 = arith.constant 0 : i32
    %dma_start3A_1390 = tpu.memref_slice %arg13[%dma_start3A_1388, %dma_start3A_1389] : memref<512x32xf32, #tpu.memory_space<vmem>> -> memref<128x32xf32, #tpu.memory_space<vmem>>
    tpu.enqueue_dma source(%dma_start3A_1390 : memref<128x32xf32, #tpu.memory_space<vmem>>) target(%dma_start3A_1387 : memref<128x32xf32, #tpu.memory_space<hbm>>) target_semaphore(%arg26 : memref<!tpu.dma_semaphore, #tpu.memory_space<semaphore_mem>>)
    %dma_start3A_1391 = arith.constant 384 : i32
    %dma_start3A_1392 = arith.constant 0 : i32
    %dma_start3A_1393 = tpu.memref_slice %arg13[%dma_start3A_1391, %dma_start3A_1392] : memref<512x32xf32, #tpu.memory_space<vmem>> -> memref<128x32xf32, #tpu.memory_space<vmem>>
    %dma_start3A_1394 = arith.constant 96 : i32
    %dma_start3A_1395 = tpu.memref_slice %arg5[%mul3A_92, %dma_start3A_1394] : memref<40960x128xf32, #tpu.memory_space<hbm>> -> memref<128x32xf32, #tpu.memory_space<hbm>>
    %dma_start3A_1396 = arith.constant 96 : i32
    %dma_start3A_1397 = tpu.memref_slice %arg5[%mul3A_92, %dma_start3A_1396] : memref<40960x128xf32, #tpu.memory_space<hbm>> -> memref<128x32xf32, #tpu.memory_space<hbm>>
    %dma_start3A_1398 = arith.constant 384 : i32
    %dma_start3A_1399 = arith.constant 0 : i32
    %dma_start3A_1400 = tpu.memref_slice %arg13[%dma_start3A_1398, %dma_start3A_1399] : memref<512x32xf32, #tpu.memory_space<vmem>> -> memref<128x32xf32, #tpu.memory_space<vmem>>
    tpu.enqueue_dma source(%dma_start3A_1400 : memref<128x32xf32, #tpu.memory_space<vmem>>) target(%dma_start3A_1397 : memref<128x32xf32, #tpu.memory_space<hbm>>) target_semaphore(%arg26 : memref<!tpu.dma_semaphore, #tpu.memory_space<semaphore_mem>>)
    %dma_start3A_1401 = tpu.memref_slice %arg3[%mul3A_110] : memref<163840xi32, #tpu.memory_space<hbm>> -> memref<512xi32, #tpu.memory_space<hbm>>
    %dma_start3A_1402 = tpu.memref_slice %arg3[%mul3A_110] : memref<163840xi32, #tpu.memory_space<hbm>> -> memref<512xi32, #tpu.memory_space<hbm>>
    tpu.enqueue_dma source(%dma_start3A_1402 : memref<512xi32, #tpu.memory_space<hbm>>) target(%arg9 : memref<512xi32, #tpu.memory_space<vmem>>) target_semaphore(%arg18 : memref<!tpu.dma_semaphore, #tpu.memory_space<semaphore_mem>>)
    %dma_wait3A_1403 = arith.constant 0 : i32
    %dma_wait3A_1404 = arith.constant 0 : i32
    %dma_wait3A_1405 = tpu.memref_slice %arg15[%dma_wait3A_1403, %dma_wait3A_1404] : memref<10112x32xf32, #tpu.memory_space<vmem_shared>> -> memref<10112x32xf32, #tpu.memory_space<vmem_shared>>
    tpu.wait_indirect_dma semaphore(%arg23 : memref<!tpu.dma_semaphore, #tpu.memory_space<semaphore_mem>>) src(%dma_wait3A_1405 : memref<10112x32xf32, #tpu.memory_space<vmem_shared>>) dst(%arg14 : memref<512x32xf32, #tpu.memory_space<vmem>>)
    %dma_wait3A_1406 = tpu.memref_slice %arg4[%mul3A_104] : memref<163840xi32, #tpu.memory_space<hbm>> -> memref<512xi32, #tpu.memory_space<hbm>>
    %dma_wait3A_1407 = tpu.memref_slice %arg4[%mul3A_104] : memref<163840xi32, #tpu.memory_space<hbm>> -> memref<512xi32, #tpu.memory_space<hbm>>
    tpu.wait_dma2 semaphore(%arg17 : memref<!tpu.dma_semaphore, #tpu.memory_space<semaphore_mem>>) src(%dma_wait3A_1407 : memref<512xi32, #tpu.memory_space<hbm>>) dst(%arg8 : memref<512xi32, #tpu.memory_space<vmem>>)
    %dma_wait3A_1408 = arith.constant 0 : i32
    %dma_wait3A_1409 = arith.constant 0 : i32
    %dma_wait3A_1410 = tpu.memref_slice %arg12[%dma_wait3A_1408, %dma_wait3A_1409] : memref<512x32xf32, #tpu.memory_space<vmem>> -> memref<128x32xf32, #tpu.memory_space<vmem>>
    %dma_wait3A_1411 = arith.constant 0 : i32
    %dma_wait3A_1412 = tpu.memref_slice %arg6[%mul3A_86, %dma_wait3A_1411] : memref<40960x128xf32, #tpu.memory_space<hbm>> -> memref<128x32xf32, #tpu.memory_space<hbm>>
    %dma_wait3A_1413 = arith.constant 0 : i32
    %dma_wait3A_1414 = tpu.memref_slice %arg6[%mul3A_86, %dma_wait3A_1413] : memref<40960x128xf32, #tpu.memory_space<hbm>> -> memref<128x32xf32, #tpu.memory_space<hbm>>
    %dma_wait3A_1415 = arith.constant 0 : i32
    %dma_wait3A_1416 = arith.constant 0 : i32
    %dma_wait3A_1417 = tpu.memref_slice %arg12[%dma_wait3A_1415, %dma_wait3A_1416] : memref<512x32xf32, #tpu.memory_space<vmem>> -> memref<128x32xf32, #tpu.memory_space<vmem>>
    tpu.wait_dma2 semaphore(%arg25 : memref<!tpu.dma_semaphore, #tpu.memory_space<semaphore_mem>>) src(%dma_wait3A_1417 : memref<128x32xf32, #tpu.memory_space<vmem>>) dst(%dma_wait3A_1414 : memref<128x32xf32, #tpu.memory_space<hbm>>)
    %dma_wait3A_1418 = arith.constant 128 : i32
    %dma_wait3A_1419 = arith.constant 0 : i32
    %dma_wait3A_1420 = tpu.memref_slice %arg12[%dma_wait3A_1418, %dma_wait3A_1419] : memref<512x32xf32, #tpu.memory_space<vmem>> -> memref<128x32xf32, #tpu.memory_space<vmem>>
    %dma_wait3A_1421 = arith.constant 32 : i32
    %dma_wait3A_1422 = tpu.memref_slice %arg6[%mul3A_86, %dma_wait3A_1421] : memref<40960x128xf32, #tpu.memory_space<hbm>> -> memref<128x32xf32, #tpu.memory_space<hbm>>
    %dma_wait3A_1423 = arith.constant 32 : i32
    %dma_wait3A_1424 = tpu.memref_slice %arg6[%mul3A_86, %dma_wait3A_1423] : memref<40960x128xf32, #tpu.memory_space<hbm>> -> memref<128x32xf32, #tpu.memory_space<hbm>>
    %dma_wait3A_1425 = arith.constant 128 : i32
    %dma_wait3A_1426 = arith.constant 0 : i32
    %dma_wait3A_1427 = tpu.memref_slice %arg12[%dma_wait3A_1425, %dma_wait3A_1426] : memref<512x32xf32, #tpu.memory_space<vmem>> -> memref<128x32xf32, #tpu.memory_space<vmem>>
    tpu.wait_dma2 semaphore(%arg25 : memref<!tpu.dma_semaphore, #tpu.memory_space<semaphore_mem>>) src(%dma_wait3A_1427 : memref<128x32xf32, #tpu.memory_space<vmem>>) dst(%dma_wait3A_1424 : memref<128x32xf32, #tpu.memory_space<hbm>>)
    %dma_wait3A_1428 = arith.constant 256 : i32
    %dma_wait3A_1429 = arith.constant 0 : i32
    %dma_wait3A_1430 = tpu.memref_slice %arg12[%dma_wait3A_1428, %dma_wait3A_1429] : memref<512x32xf32, #tpu.memory_space<vmem>> -> memref<128x32xf32, #tpu.memory_space<vmem>>
    %dma_wait3A_1431 = arith.constant 64 : i32
    %dma_wait3A_1432 = tpu.memref_slice %arg6[%mul3A_86, %dma_wait3A_1431] : memref<40960x128xf32, #tpu.memory_space<hbm>> -> memref<128x32xf32, #tpu.memory_space<hbm>>
    %dma_wait3A_1433 = arith.constant 64 : i32
    %dma_wait3A_1434 = tpu.memref_slice %arg6[%mul3A_86, %dma_wait3A_1433] : memref<40960x128xf32, #tpu.memory_space<hbm>> -> memref<128x32xf32, #tpu.memory_space<hbm>>
    %dma_wait3A_1435 = arith.constant 256 : i32
    %dma_wait3A_1436 = arith.constant 0 : i32
    %dma_wait3A_1437 = tpu.memref_slice %arg12[%dma_wait3A_1435, %dma_wait3A_1436] : memref<512x32xf32, #tpu.memory_space<vmem>> -> memref<128x32xf32, #tpu.memory_space<vmem>>
    tpu.wait_dma2 semaphore(%arg25 : memref<!tpu.dma_semaphore, #tpu.memory_space<semaphore_mem>>) src(%dma_wait3A_1437 : memref<128x32xf32, #tpu.memory_space<vmem>>) dst(%dma_wait3A_1434 : memref<128x32xf32, #tpu.memory_space<hbm>>)
    %dma_wait3A_1438 = arith.constant 384 : i32
    %dma_wait3A_1439 = arith.constant 0 : i32
    %dma_wait3A_1440 = tpu.memref_slice %arg12[%dma_wait3A_1438, %dma_wait3A_1439] : memref<512x32xf32, #tpu.memory_space<vmem>> -> memref<128x32xf32, #tpu.memory_space<vmem>>
    %dma_wait3A_1441 = arith.constant 96 : i32
    %dma_wait3A_1442 = tpu.memref_slice %arg6[%mul3A_86, %dma_wait3A_1441] : memref<40960x128xf32, #tpu.memory_space<hbm>> -> memref<128x32xf32, #tpu.memory_space<hbm>>
    %dma_wait3A_1443 = arith.constant 96 : i32
    %dma_wait3A_1444 = tpu.memref_slice %arg6[%mul3A_86, %dma_wait3A_1443] : memref<40960x128xf32, #tpu.memory_space<hbm>> -> memref<128x32xf32, #tpu.memory_space<hbm>>
    %dma_wait3A_1445 = arith.constant 384 : i32
    %dma_wait3A_1446 = arith.constant 0 : i32
    %dma_wait3A_1447 = tpu.memref_slice %arg12[%dma_wait3A_1445, %dma_wait3A_1446] : memref<512x32xf32, #tpu.memory_space<vmem>> -> memref<128x32xf32, #tpu.memory_space<vmem>>
    tpu.wait_dma2 semaphore(%arg25 : memref<!tpu.dma_semaphore, #tpu.memory_space<semaphore_mem>>) src(%dma_wait3A_1447 : memref<128x32xf32, #tpu.memory_space<vmem>>) dst(%dma_wait3A_1444 : memref<128x32xf32, #tpu.memory_space<hbm>>)
    %dma_start3A_1448 = arith.constant 0 : i32
    %dma_start3A_1449 = arith.constant 0 : i32
    %dma_start3A_1450 = tpu.memref_slice %arg15[%dma_start3A_1448, %dma_start3A_1449] : memref<10112x32xf32, #tpu.memory_space<vmem_shared>> -> memref<10112x32xf32, #tpu.memory_space<vmem_shared>>
    tpu.enqueue_indirect_dma source(%dma_start3A_1450 : memref<10112x32xf32, #tpu.memory_space<vmem_shared>>) target(%arg12 : memref<512x32xf32, #tpu.memory_space<vmem>>) offsets(%arg8 : memref<512xi32, #tpu.memory_space<vmem>>) semaphore(%arg21 : memref<!tpu.dma_semaphore, #tpu.memory_space<semaphore_mem>>)
    %dma_start3A_1451 = arith.constant 0 : i32
    %dma_start3A_1452 = arith.constant 0 : i32
    %dma_start3A_1453 = tpu.memref_slice %arg14[%dma_start3A_1451, %dma_start3A_1452] : memref<512x32xf32, #tpu.memory_space<vmem>> -> memref<128x32xf32, #tpu.memory_space<vmem>>
    %dma_start3A_1454 = arith.constant 0 : i32
    %dma_start3A_1455 = tpu.memref_slice %arg6[%mul3A_96, %dma_start3A_1454] : memref<40960x128xf32, #tpu.memory_space<hbm>> -> memref<128x32xf32, #tpu.memory_space<hbm>>
    %dma_start3A_1456 = arith.constant 0 : i32
    %dma_start3A_1457 = tpu.memref_slice %arg6[%mul3A_96, %dma_start3A_1456] : memref<40960x128xf32, #tpu.memory_space<hbm>> -> memref<128x32xf32, #tpu.memory_space<hbm>>
    %dma_start3A_1458 = arith.constant 0 : i32
    %dma_start3A_1459 = arith.constant 0 : i32
    %dma_start3A_1460 = tpu.memref_slice %arg14[%dma_start3A_1458, %dma_start3A_1459] : memref<512x32xf32, #tpu.memory_space<vmem>> -> memref<128x32xf32, #tpu.memory_space<vmem>>
    tpu.enqueue_dma source(%dma_start3A_1460 : memref<128x32xf32, #tpu.memory_space<vmem>>) target(%dma_start3A_1457 : memref<128x32xf32, #tpu.memory_space<hbm>>) target_semaphore(%arg27 : memref<!tpu.dma_semaphore, #tpu.memory_space<semaphore_mem>>)
    %dma_start3A_1461 = arith.constant 128 : i32
    %dma_start3A_1462 = arith.constant 0 : i32
    %dma_start3A_1463 = tpu.memref_slice %arg14[%dma_start3A_1461, %dma_start3A_1462] : memref<512x32xf32, #tpu.memory_space<vmem>> -> memref<128x32xf32, #tpu.memory_space<vmem>>
    %dma_start3A_1464 = arith.constant 32 : i32
    %dma_start3A_1465 = tpu.memref_slice %arg6[%mul3A_96, %dma_start3A_1464] : memref<40960x128xf32, #tpu.memory_space<hbm>> -> memref<128x32xf32, #tpu.memory_space<hbm>>
    %dma_start3A_1466 = arith.constant 32 : i32
    %dma_start3A_1467 = tpu.memref_slice %arg6[%mul3A_96, %dma_start3A_1466] : memref<40960x128xf32, #tpu.memory_space<hbm>> -> memref<128x32xf32, #tpu.memory_space<hbm>>
    %dma_start3A_1468 = arith.constant 128 : i32
    %dma_start3A_1469 = arith.constant 0 : i32
    %dma_start3A_1470 = tpu.memref_slice %arg14[%dma_start3A_1468, %dma_start3A_1469] : memref<512x32xf32, #tpu.memory_space<vmem>> -> memref<128x32xf32, #tpu.memory_space<vmem>>
    tpu.enqueue_dma source(%dma_start3A_1470 : memref<128x32xf32, #tpu.memory_space<vmem>>) target(%dma_start3A_1467 : memref<128x32xf32, #tpu.memory_space<hbm>>) target_semaphore(%arg27 : memref<!tpu.dma_semaphore, #tpu.memory_space<semaphore_mem>>)
    %dma_start3A_1471 = arith.constant 256 : i32
    %dma_start3A_1472 = arith.constant 0 : i32
    %dma_start3A_1473 = tpu.memref_slice %arg14[%dma_start3A_1471, %dma_start3A_1472] : memref<512x32xf32, #tpu.memory_space<vmem>> -> memref<128x32xf32, #tpu.memory_space<vmem>>
    %dma_start3A_1474 = arith.constant 64 : i32
    %dma_start3A_1475 = tpu.memref_slice %arg6[%mul3A_96, %dma_start3A_1474] : memref<40960x128xf32, #tpu.memory_space<hbm>> -> memref<128x32xf32, #tpu.memory_space<hbm>>
    %dma_start3A_1476 = arith.constant 64 : i32
    %dma_start3A_1477 = tpu.memref_slice %arg6[%mul3A_96, %dma_start3A_1476] : memref<40960x128xf32, #tpu.memory_space<hbm>> -> memref<128x32xf32, #tpu.memory_space<hbm>>
    %dma_start3A_1478 = arith.constant 256 : i32
    %dma_start3A_1479 = arith.constant 0 : i32
    %dma_start3A_1480 = tpu.memref_slice %arg14[%dma_start3A_1478, %dma_start3A_1479] : memref<512x32xf32, #tpu.memory_space<vmem>> -> memref<128x32xf32, #tpu.memory_space<vmem>>
    tpu.enqueue_dma source(%dma_start3A_1480 : memref<128x32xf32, #tpu.memory_space<vmem>>) target(%dma_start3A_1477 : memref<128x32xf32, #tpu.memory_space<hbm>>) target_semaphore(%arg27 : memref<!tpu.dma_semaphore, #tpu.memory_space<semaphore_mem>>)
    %dma_start3A_1481 = arith.constant 384 : i32
    %dma_start3A_1482 = arith.constant 0 : i32
    %dma_start3A_1483 = tpu.memref_slice %arg14[%dma_start3A_1481, %dma_start3A_1482] : memref<512x32xf32, #tpu.memory_space<vmem>> -> memref<128x32xf32, #tpu.memory_space<vmem>>
    %dma_start3A_1484 = arith.constant 96 : i32
    %dma_start3A_1485 = tpu.memref_slice %arg6[%mul3A_96, %dma_start3A_1484] : memref<40960x128xf32, #tpu.memory_space<hbm>> -> memref<128x32xf32, #tpu.memory_space<hbm>>
    %dma_start3A_1486 = arith.constant 96 : i32
    %dma_start3A_1487 = tpu.memref_slice %arg6[%mul3A_96, %dma_start3A_1486] : memref<40960x128xf32, #tpu.memory_space<hbm>> -> memref<128x32xf32, #tpu.memory_space<hbm>>
    %dma_start3A_1488 = arith.constant 384 : i32
    %dma_start3A_1489 = arith.constant 0 : i32
    %dma_start3A_1490 = tpu.memref_slice %arg14[%dma_start3A_1488, %dma_start3A_1489] : memref<512x32xf32, #tpu.memory_space<vmem>> -> memref<128x32xf32, #tpu.memory_space<vmem>>
    tpu.enqueue_dma source(%dma_start3A_1490 : memref<128x32xf32, #tpu.memory_space<vmem>>) target(%dma_start3A_1487 : memref<128x32xf32, #tpu.memory_space<hbm>>) target_semaphore(%arg27 : memref<!tpu.dma_semaphore, #tpu.memory_space<semaphore_mem>>)
    %dma_start3A_1491 = tpu.memref_slice %arg4[%mul3A_114] : memref<163840xi32, #tpu.memory_space<hbm>> -> memref<512xi32, #tpu.memory_space<hbm>>
    %dma_start3A_1492 = tpu.memref_slice %arg4[%mul3A_114] : memref<163840xi32, #tpu.memory_space<hbm>> -> memref<512xi32, #tpu.memory_space<hbm>>
    tpu.enqueue_dma source(%dma_start3A_1492 : memref<512xi32, #tpu.memory_space<hbm>>) target(%arg10 : memref<512xi32, #tpu.memory_space<vmem>>) target_semaphore(%arg19 : memref<!tpu.dma_semaphore, #tpu.memory_space<semaphore_mem>>)
    %dma_wait3A_1493 = arith.constant 0 : i32
    %dma_wait3A_1494 = arith.constant 0 : i32
    %dma_wait3A_1495 = tpu.memref_slice %arg15[%dma_wait3A_1493, %dma_wait3A_1494] : memref<10112x32xf32, #tpu.memory_space<vmem_shared>> -> memref<10112x32xf32, #tpu.memory_space<vmem_shared>>
    tpu.wait_indirect_dma semaphore(%arg20 : memref<!tpu.dma_semaphore, #tpu.memory_space<semaphore_mem>>) src(%dma_wait3A_1495 : memref<10112x32xf32, #tpu.memory_space<vmem_shared>>) dst(%arg11 : memref<512x32xf32, #tpu.memory_space<vmem>>)
    %dma_wait3A_1496 = tpu.memref_slice %arg3[%mul3A_110] : memref<163840xi32, #tpu.memory_space<hbm>> -> memref<512xi32, #tpu.memory_space<hbm>>
    %dma_wait3A_1497 = tpu.memref_slice %arg3[%mul3A_110] : memref<163840xi32, #tpu.memory_space<hbm>> -> memref<512xi32, #tpu.memory_space<hbm>>
    tpu.wait_dma2 semaphore(%arg18 : memref<!tpu.dma_semaphore, #tpu.memory_space<semaphore_mem>>) src(%dma_wait3A_1497 : memref<512xi32, #tpu.memory_space<hbm>>) dst(%arg9 : memref<512xi32, #tpu.memory_space<vmem>>)
    %dma_wait3A_1498 = arith.constant 0 : i32
    %dma_wait3A_1499 = arith.constant 0 : i32
    %dma_wait3A_1500 = tpu.memref_slice %arg13[%dma_wait3A_1498, %dma_wait3A_1499] : memref<512x32xf32, #tpu.memory_space<vmem>> -> memref<128x32xf32, #tpu.memory_space<vmem>>
    %dma_wait3A_1501 = arith.constant 0 : i32
    %dma_wait3A_1502 = tpu.memref_slice %arg5[%mul3A_92, %dma_wait3A_1501] : memref<40960x128xf32, #tpu.memory_space<hbm>> -> memref<128x32xf32, #tpu.memory_space<hbm>>
    %dma_wait3A_1503 = arith.constant 0 : i32
    %dma_wait3A_1504 = tpu.memref_slice %arg5[%mul3A_92, %dma_wait3A_1503] : memref<40960x128xf32, #tpu.memory_space<hbm>> -> memref<128x32xf32, #tpu.memory_space<hbm>>
    %dma_wait3A_1505 = arith.constant 0 : i32
    %dma_wait3A_1506 = arith.constant 0 : i32
    %dma_wait3A_1507 = tpu.memref_slice %arg13[%dma_wait3A_1505, %dma_wait3A_1506] : memref<512x32xf32, #tpu.memory_space<vmem>> -> memref<128x32xf32, #tpu.memory_space<vmem>>
    tpu.wait_dma2 semaphore(%arg26 : memref<!tpu.dma_semaphore, #tpu.memory_space<semaphore_mem>>) src(%dma_wait3A_1507 : memref<128x32xf32, #tpu.memory_space<vmem>>) dst(%dma_wait3A_1504 : memref<128x32xf32, #tpu.memory_space<hbm>>)
    %dma_wait3A_1508 = arith.constant 128 : i32
    %dma_wait3A_1509 = arith.constant 0 : i32
    %dma_wait3A_1510 = tpu.memref_slice %arg13[%dma_wait3A_1508, %dma_wait3A_1509] : memref<512x32xf32, #tpu.memory_space<vmem>> -> memref<128x32xf32, #tpu.memory_space<vmem>>
    %dma_wait3A_1511 = arith.constant 32 : i32
    %dma_wait3A_1512 = tpu.memref_slice %arg5[%mul3A_92, %dma_wait3A_1511] : memref<40960x128xf32, #tpu.memory_space<hbm>> -> memref<128x32xf32, #tpu.memory_space<hbm>>
    %dma_wait3A_1513 = arith.constant 32 : i32
    %dma_wait3A_1514 = tpu.memref_slice %arg5[%mul3A_92, %dma_wait3A_1513] : memref<40960x128xf32, #tpu.memory_space<hbm>> -> memref<128x32xf32, #tpu.memory_space<hbm>>
    %dma_wait3A_1515 = arith.constant 128 : i32
    %dma_wait3A_1516 = arith.constant 0 : i32
    %dma_wait3A_1517 = tpu.memref_slice %arg13[%dma_wait3A_1515, %dma_wait3A_1516] : memref<512x32xf32, #tpu.memory_space<vmem>> -> memref<128x32xf32, #tpu.memory_space<vmem>>
    tpu.wait_dma2 semaphore(%arg26 : memref<!tpu.dma_semaphore, #tpu.memory_space<semaphore_mem>>) src(%dma_wait3A_1517 : memref<128x32xf32, #tpu.memory_space<vmem>>) dst(%dma_wait3A_1514 : memref<128x32xf32, #tpu.memory_space<hbm>>)
    %dma_wait3A_1518 = arith.constant 256 : i32
    %dma_wait3A_1519 = arith.constant 0 : i32
    %dma_wait3A_1520 = tpu.memref_slice %arg13[%dma_wait3A_1518, %dma_wait3A_1519] : memref<512x32xf32, #tpu.memory_space<vmem>> -> memref<128x32xf32, #tpu.memory_space<vmem>>
    %dma_wait3A_1521 = arith.constant 64 : i32
    %dma_wait3A_1522 = tpu.memref_slice %arg5[%mul3A_92, %dma_wait3A_1521] : memref<40960x128xf32, #tpu.memory_space<hbm>> -> memref<128x32xf32, #tpu.memory_space<hbm>>
    %dma_wait3A_1523 = arith.constant 64 : i32
    %dma_wait3A_1524 = tpu.memref_slice %arg5[%mul3A_92, %dma_wait3A_1523] : memref<40960x128xf32, #tpu.memory_space<hbm>> -> memref<128x32xf32, #tpu.memory_space<hbm>>
    %dma_wait3A_1525 = arith.constant 256 : i32
    %dma_wait3A_1526 = arith.constant 0 : i32
    %dma_wait3A_1527 = tpu.memref_slice %arg13[%dma_wait3A_1525, %dma_wait3A_1526] : memref<512x32xf32, #tpu.memory_space<vmem>> -> memref<128x32xf32, #tpu.memory_space<vmem>>
    tpu.wait_dma2 semaphore(%arg26 : memref<!tpu.dma_semaphore, #tpu.memory_space<semaphore_mem>>) src(%dma_wait3A_1527 : memref<128x32xf32, #tpu.memory_space<vmem>>) dst(%dma_wait3A_1524 : memref<128x32xf32, #tpu.memory_space<hbm>>)
    %dma_wait3A_1528 = arith.constant 384 : i32
    %dma_wait3A_1529 = arith.constant 0 : i32
    %dma_wait3A_1530 = tpu.memref_slice %arg13[%dma_wait3A_1528, %dma_wait3A_1529] : memref<512x32xf32, #tpu.memory_space<vmem>> -> memref<128x32xf32, #tpu.memory_space<vmem>>
    %dma_wait3A_1531 = arith.constant 96 : i32
    %dma_wait3A_1532 = tpu.memref_slice %arg5[%mul3A_92, %dma_wait3A_1531] : memref<40960x128xf32, #tpu.memory_space<hbm>> -> memref<128x32xf32, #tpu.memory_space<hbm>>
    %dma_wait3A_1533 = arith.constant 96 : i32
    %dma_wait3A_1534 = tpu.memref_slice %arg5[%mul3A_92, %dma_wait3A_1533] : memref<40960x128xf32, #tpu.memory_space<hbm>> -> memref<128x32xf32, #tpu.memory_space<hbm>>
    %dma_wait3A_1535 = arith.constant 384 : i32
    %dma_wait3A_1536 = arith.constant 0 : i32
    %dma_wait3A_1537 = tpu.memref_slice %arg13[%dma_wait3A_1535, %dma_wait3A_1536] : memref<512x32xf32, #tpu.memory_space<vmem>> -> memref<128x32xf32, #tpu.memory_space<vmem>>
    tpu.wait_dma2 semaphore(%arg26 : memref<!tpu.dma_semaphore, #tpu.memory_space<semaphore_mem>>) src(%dma_wait3A_1537 : memref<128x32xf32, #tpu.memory_space<vmem>>) dst(%dma_wait3A_1534 : memref<128x32xf32, #tpu.memory_space<hbm>>)
    %dma_start3A_1538 = arith.constant 0 : i32
    %dma_start3A_1539 = arith.constant 0 : i32
    %dma_start3A_1540 = tpu.memref_slice %arg15[%dma_start3A_1538, %dma_start3A_1539] : memref<10112x32xf32, #tpu.memory_space<vmem_shared>> -> memref<10112x32xf32, #tpu.memory_space<vmem_shared>>
    tpu.enqueue_indirect_dma source(%dma_start3A_1540 : memref<10112x32xf32, #tpu.memory_space<vmem_shared>>) target(%arg13 : memref<512x32xf32, #tpu.memory_space<vmem>>) offsets(%arg9 : memref<512xi32, #tpu.memory_space<vmem>>) semaphore(%arg22 : memref<!tpu.dma_semaphore, #tpu.memory_space<semaphore_mem>>)
    %dma_start3A_1541 = arith.constant 0 : i32
    %dma_start3A_1542 = arith.constant 0 : i32
    %dma_start3A_1543 = tpu.memref_slice %arg11[%dma_start3A_1541, %dma_start3A_1542] : memref<512x32xf32, #tpu.memory_space<vmem>> -> memref<128x32xf32, #tpu.memory_space<vmem>>
    %dma_start3A_1544 = arith.constant 0 : i32
    %dma_start3A_1545 = tpu.memref_slice %arg5[%mul3A_102, %dma_start3A_1544] : memref<40960x128xf32, #tpu.memory_space<hbm>> -> memref<128x32xf32, #tpu.memory_space<hbm>>
    %dma_start3A_1546 = arith.constant 0 : i32
    %dma_start3A_1547 = tpu.memref_slice %arg5[%mul3A_102, %dma_start3A_1546] : memref<40960x128xf32, #tpu.memory_space<hbm>> -> memref<128x32xf32, #tpu.memory_space<hbm>>
    %dma_start3A_1548 = arith.constant 0 : i32
    %dma_start3A_1549 = arith.constant 0 : i32
    %dma_start3A_1550 = tpu.memref_slice %arg11[%dma_start3A_1548, %dma_start3A_1549] : memref<512x32xf32, #tpu.memory_space<vmem>> -> memref<128x32xf32, #tpu.memory_space<vmem>>
    tpu.enqueue_dma source(%dma_start3A_1550 : memref<128x32xf32, #tpu.memory_space<vmem>>) target(%dma_start3A_1547 : memref<128x32xf32, #tpu.memory_space<hbm>>) target_semaphore(%arg24 : memref<!tpu.dma_semaphore, #tpu.memory_space<semaphore_mem>>)
    %dma_start3A_1551 = arith.constant 128 : i32
    %dma_start3A_1552 = arith.constant 0 : i32
    %dma_start3A_1553 = tpu.memref_slice %arg11[%dma_start3A_1551, %dma_start3A_1552] : memref<512x32xf32, #tpu.memory_space<vmem>> -> memref<128x32xf32, #tpu.memory_space<vmem>>
    %dma_start3A_1554 = arith.constant 32 : i32
    %dma_start3A_1555 = tpu.memref_slice %arg5[%mul3A_102, %dma_start3A_1554] : memref<40960x128xf32, #tpu.memory_space<hbm>> -> memref<128x32xf32, #tpu.memory_space<hbm>>
    %dma_start3A_1556 = arith.constant 32 : i32
    %dma_start3A_1557 = tpu.memref_slice %arg5[%mul3A_102, %dma_start3A_1556] : memref<40960x128xf32, #tpu.memory_space<hbm>> -> memref<128x32xf32, #tpu.memory_space<hbm>>
    %dma_start3A_1558 = arith.constant 128 : i32
    %dma_start3A_1559 = arith.constant 0 : i32
    %dma_start3A_1560 = tpu.memref_slice %arg11[%dma_start3A_1558, %dma_start3A_1559] : memref<512x32xf32, #tpu.memory_space<vmem>> -> memref<128x32xf32, #tpu.memory_space<vmem>>
    tpu.enqueue_dma source(%dma_start3A_1560 : memref<128x32xf32, #tpu.memory_space<vmem>>) target(%dma_start3A_1557 : memref<128x32xf32, #tpu.memory_space<hbm>>) target_semaphore(%arg24 : memref<!tpu.dma_semaphore, #tpu.memory_space<semaphore_mem>>)
    %dma_start3A_1561 = arith.constant 256 : i32
    %dma_start3A_1562 = arith.constant 0 : i32
    %dma_start3A_1563 = tpu.memref_slice %arg11[%dma_start3A_1561, %dma_start3A_1562] : memref<512x32xf32, #tpu.memory_space<vmem>> -> memref<128x32xf32, #tpu.memory_space<vmem>>
    %dma_start3A_1564 = arith.constant 64 : i32
    %dma_start3A_1565 = tpu.memref_slice %arg5[%mul3A_102, %dma_start3A_1564] : memref<40960x128xf32, #tpu.memory_space<hbm>> -> memref<128x32xf32, #tpu.memory_space<hbm>>
    %dma_start3A_1566 = arith.constant 64 : i32
    %dma_start3A_1567 = tpu.memref_slice %arg5[%mul3A_102, %dma_start3A_1566] : memref<40960x128xf32, #tpu.memory_space<hbm>> -> memref<128x32xf32, #tpu.memory_space<hbm>>
    %dma_start3A_1568 = arith.constant 256 : i32
    %dma_start3A_1569 = arith.constant 0 : i32
    %dma_start3A_1570 = tpu.memref_slice %arg11[%dma_start3A_1568, %dma_start3A_1569] : memref<512x32xf32, #tpu.memory_space<vmem>> -> memref<128x32xf32, #tpu.memory_space<vmem>>
    tpu.enqueue_dma source(%dma_start3A_1570 : memref<128x32xf32, #tpu.memory_space<vmem>>) target(%dma_start3A_1567 : memref<128x32xf32, #tpu.memory_space<hbm>>) target_semaphore(%arg24 : memref<!tpu.dma_semaphore, #tpu.memory_space<semaphore_mem>>)
    %dma_start3A_1571 = arith.constant 384 : i32
    %dma_start3A_1572 = arith.constant 0 : i32
    %dma_start3A_1573 = tpu.memref_slice %arg11[%dma_start3A_1571, %dma_start3A_1572] : memref<512x32xf32, #tpu.memory_space<vmem>> -> memref<128x32xf32, #tpu.memory_space<vmem>>
    %dma_start3A_1574 = arith.constant 96 : i32
    %dma_start3A_1575 = tpu.memref_slice %arg5[%mul3A_102, %dma_start3A_1574] : memref<40960x128xf32, #tpu.memory_space<hbm>> -> memref<128x32xf32, #tpu.memory_space<hbm>>
    %dma_start3A_1576 = arith.constant 96 : i32
    %dma_start3A_1577 = tpu.memref_slice %arg5[%mul3A_102, %dma_start3A_1576] : memref<40960x128xf32, #tpu.memory_space<hbm>> -> memref<128x32xf32, #tpu.memory_space<hbm>>
    %dma_start3A_1578 = arith.constant 384 : i32
    %dma_start3A_1579 = arith.constant 0 : i32
    %dma_start3A_1580 = tpu.memref_slice %arg11[%dma_start3A_1578, %dma_start3A_1579] : memref<512x32xf32, #tpu.memory_space<vmem>> -> memref<128x32xf32, #tpu.memory_space<vmem>>
    tpu.enqueue_dma source(%dma_start3A_1580 : memref<128x32xf32, #tpu.memory_space<vmem>>) target(%dma_start3A_1577 : memref<128x32xf32, #tpu.memory_space<hbm>>) target_semaphore(%arg24 : memref<!tpu.dma_semaphore, #tpu.memory_space<semaphore_mem>>)
    %dma_wait3A_1581 = arith.constant 0 : i32
    %dma_wait3A_1582 = arith.constant 0 : i32
    %dma_wait3A_1583 = tpu.memref_slice %arg15[%dma_wait3A_1581, %dma_wait3A_1582] : memref<10112x32xf32, #tpu.memory_space<vmem_shared>> -> memref<10112x32xf32, #tpu.memory_space<vmem_shared>>
    tpu.wait_indirect_dma semaphore(%arg21 : memref<!tpu.dma_semaphore, #tpu.memory_space<semaphore_mem>>) src(%dma_wait3A_1583 : memref<10112x32xf32, #tpu.memory_space<vmem_shared>>) dst(%arg12 : memref<512x32xf32, #tpu.memory_space<vmem>>)
    %dma_wait3A_1584 = tpu.memref_slice %arg4[%mul3A_114] : memref<163840xi32, #tpu.memory_space<hbm>> -> memref<512xi32, #tpu.memory_space<hbm>>
    %dma_wait3A_1585 = tpu.memref_slice %arg4[%mul3A_114] : memref<163840xi32, #tpu.memory_space<hbm>> -> memref<512xi32, #tpu.memory_space<hbm>>
    tpu.wait_dma2 semaphore(%arg19 : memref<!tpu.dma_semaphore, #tpu.memory_space<semaphore_mem>>) src(%dma_wait3A_1585 : memref<512xi32, #tpu.memory_space<hbm>>) dst(%arg10 : memref<512xi32, #tpu.memory_space<vmem>>)
    %dma_wait3A_1586 = arith.constant 0 : i32
    %dma_wait3A_1587 = arith.constant 0 : i32
    %dma_wait3A_1588 = tpu.memref_slice %arg14[%dma_wait3A_1586, %dma_wait3A_1587] : memref<512x32xf32, #tpu.memory_space<vmem>> -> memref<128x32xf32, #tpu.memory_space<vmem>>
    %dma_wait3A_1589 = arith.constant 0 : i32
    %dma_wait3A_1590 = tpu.memref_slice %arg6[%mul3A_96, %dma_wait3A_1589] : memref<40960x128xf32, #tpu.memory_space<hbm>> -> memref<128x32xf32, #tpu.memory_space<hbm>>
    %dma_wait3A_1591 = arith.constant 0 : i32
    %dma_wait3A_1592 = tpu.memref_slice %arg6[%mul3A_96, %dma_wait3A_1591] : memref<40960x128xf32, #tpu.memory_space<hbm>> -> memref<128x32xf32, #tpu.memory_space<hbm>>
    %dma_wait3A_1593 = arith.constant 0 : i32
    %dma_wait3A_1594 = arith.constant 0 : i32
    %dma_wait3A_1595 = tpu.memref_slice %arg14[%dma_wait3A_1593, %dma_wait3A_1594] : memref<512x32xf32, #tpu.memory_space<vmem>> -> memref<128x32xf32, #tpu.memory_space<vmem>>
    tpu.wait_dma2 semaphore(%arg27 : memref<!tpu.dma_semaphore, #tpu.memory_space<semaphore_mem>>) src(%dma_wait3A_1595 : memref<128x32xf32, #tpu.memory_space<vmem>>) dst(%dma_wait3A_1592 : memref<128x32xf32, #tpu.memory_space<hbm>>)
    %dma_wait3A_1596 = arith.constant 128 : i32
    %dma_wait3A_1597 = arith.constant 0 : i32
    %dma_wait3A_1598 = tpu.memref_slice %arg14[%dma_wait3A_1596, %dma_wait3A_1597] : memref<512x32xf32, #tpu.memory_space<vmem>> -> memref<128x32xf32, #tpu.memory_space<vmem>>
    %dma_wait3A_1599 = arith.constant 32 : i32
    %dma_wait3A_1600 = tpu.memref_slice %arg6[%mul3A_96, %dma_wait3A_1599] : memref<40960x128xf32, #tpu.memory_space<hbm>> -> memref<128x32xf32, #tpu.memory_space<hbm>>
    %dma_wait3A_1601 = arith.constant 32 : i32
    %dma_wait3A_1602 = tpu.memref_slice %arg6[%mul3A_96, %dma_wait3A_1601] : memref<40960x128xf32, #tpu.memory_space<hbm>> -> memref<128x32xf32, #tpu.memory_space<hbm>>
    %dma_wait3A_1603 = arith.constant 128 : i32
    %dma_wait3A_1604 = arith.constant 0 : i32
    %dma_wait3A_1605 = tpu.memref_slice %arg14[%dma_wait3A_1603, %dma_wait3A_1604] : memref<512x32xf32, #tpu.memory_space<vmem>> -> memref<128x32xf32, #tpu.memory_space<vmem>>
    tpu.wait_dma2 semaphore(%arg27 : memref<!tpu.dma_semaphore, #tpu.memory_space<semaphore_mem>>) src(%dma_wait3A_1605 : memref<128x32xf32, #tpu.memory_space<vmem>>) dst(%dma_wait3A_1602 : memref<128x32xf32, #tpu.memory_space<hbm>>)
    %dma_wait3A_1606 = arith.constant 256 : i32
    %dma_wait3A_1607 = arith.constant 0 : i32
    %dma_wait3A_1608 = tpu.memref_slice %arg14[%dma_wait3A_1606, %dma_wait3A_1607] : memref<512x32xf32, #tpu.memory_space<vmem>> -> memref<128x32xf32, #tpu.memory_space<vmem>>
    %dma_wait3A_1609 = arith.constant 64 : i32
    %dma_wait3A_1610 = tpu.memref_slice %arg6[%mul3A_96, %dma_wait3A_1609] : memref<40960x128xf32, #tpu.memory_space<hbm>> -> memref<128x32xf32, #tpu.memory_space<hbm>>
    %dma_wait3A_1611 = arith.constant 64 : i32
    %dma_wait3A_1612 = tpu.memref_slice %arg6[%mul3A_96, %dma_wait3A_1611] : memref<40960x128xf32, #tpu.memory_space<hbm>> -> memref<128x32xf32, #tpu.memory_space<hbm>>
    %dma_wait3A_1613 = arith.constant 256 : i32
    %dma_wait3A_1614 = arith.constant 0 : i32
    %dma_wait3A_1615 = tpu.memref_slice %arg14[%dma_wait3A_1613, %dma_wait3A_1614] : memref<512x32xf32, #tpu.memory_space<vmem>> -> memref<128x32xf32, #tpu.memory_space<vmem>>
    tpu.wait_dma2 semaphore(%arg27 : memref<!tpu.dma_semaphore, #tpu.memory_space<semaphore_mem>>) src(%dma_wait3A_1615 : memref<128x32xf32, #tpu.memory_space<vmem>>) dst(%dma_wait3A_1612 : memref<128x32xf32, #tpu.memory_space<hbm>>)
    %dma_wait3A_1616 = arith.constant 384 : i32
    %dma_wait3A_1617 = arith.constant 0 : i32
    %dma_wait3A_1618 = tpu.memref_slice %arg14[%dma_wait3A_1616, %dma_wait3A_1617] : memref<512x32xf32, #tpu.memory_space<vmem>> -> memref<128x32xf32, #tpu.memory_space<vmem>>
    %dma_wait3A_1619 = arith.constant 96 : i32
    %dma_wait3A_1620 = tpu.memref_slice %arg6[%mul3A_96, %dma_wait3A_1619] : memref<40960x128xf32, #tpu.memory_space<hbm>> -> memref<128x32xf32, #tpu.memory_space<hbm>>
    %dma_wait3A_1621 = arith.constant 96 : i32
    %dma_wait3A_1622 = tpu.memref_slice %arg6[%mul3A_96, %dma_wait3A_1621] : memref<40960x128xf32, #tpu.memory_space<hbm>> -> memref<128x32xf32, #tpu.memory_space<hbm>>
    %dma_wait3A_1623 = arith.constant 384 : i32
    %dma_wait3A_1624 = arith.constant 0 : i32
    %dma_wait3A_1625 = tpu.memref_slice %arg14[%dma_wait3A_1623, %dma_wait3A_1624] : memref<512x32xf32, #tpu.memory_space<vmem>> -> memref<128x32xf32, #tpu.memory_space<vmem>>
    tpu.wait_dma2 semaphore(%arg27 : memref<!tpu.dma_semaphore, #tpu.memory_space<semaphore_mem>>) src(%dma_wait3A_1625 : memref<128x32xf32, #tpu.memory_space<vmem>>) dst(%dma_wait3A_1622 : memref<128x32xf32, #tpu.memory_space<hbm>>)
    %dma_start3A_1626 = arith.constant 0 : i32
    %dma_start3A_1627 = arith.constant 0 : i32
    %dma_start3A_1628 = tpu.memref_slice %arg15[%dma_start3A_1626, %dma_start3A_1627] : memref<10112x32xf32, #tpu.memory_space<vmem_shared>> -> memref<10112x32xf32, #tpu.memory_space<vmem_shared>>
    tpu.enqueue_indirect_dma source(%dma_start3A_1628 : memref<10112x32xf32, #tpu.memory_space<vmem_shared>>) target(%arg14 : memref<512x32xf32, #tpu.memory_space<vmem>>) offsets(%arg10 : memref<512xi32, #tpu.memory_space<vmem>>) semaphore(%arg23 : memref<!tpu.dma_semaphore, #tpu.memory_space<semaphore_mem>>)
    %dma_start3A_1629 = arith.constant 0 : i32
    %dma_start3A_1630 = arith.constant 0 : i32
    %dma_start3A_1631 = tpu.memref_slice %arg12[%dma_start3A_1629, %dma_start3A_1630] : memref<512x32xf32, #tpu.memory_space<vmem>> -> memref<128x32xf32, #tpu.memory_space<vmem>>
    %dma_start3A_1632 = arith.constant 0 : i32
    %dma_start3A_1633 = tpu.memref_slice %arg6[%mul3A_106, %dma_start3A_1632] : memref<40960x128xf32, #tpu.memory_space<hbm>> -> memref<128x32xf32, #tpu.memory_space<hbm>>
    %dma_start3A_1634 = arith.constant 0 : i32
    %dma_start3A_1635 = tpu.memref_slice %arg6[%mul3A_106, %dma_start3A_1634] : memref<40960x128xf32, #tpu.memory_space<hbm>> -> memref<128x32xf32, #tpu.memory_space<hbm>>
    %dma_start3A_1636 = arith.constant 0 : i32
    %dma_start3A_1637 = arith.constant 0 : i32
    %dma_start3A_1638 = tpu.memref_slice %arg12[%dma_start3A_1636, %dma_start3A_1637] : memref<512x32xf32, #tpu.memory_space<vmem>> -> memref<128x32xf32, #tpu.memory_space<vmem>>
    tpu.enqueue_dma source(%dma_start3A_1638 : memref<128x32xf32, #tpu.memory_space<vmem>>) target(%dma_start3A_1635 : memref<128x32xf32, #tpu.memory_space<hbm>>) target_semaphore(%arg25 : memref<!tpu.dma_semaphore, #tpu.memory_space<semaphore_mem>>)
    %dma_start3A_1639 = arith.constant 128 : i32
    %dma_start3A_1640 = arith.constant 0 : i32
    %dma_start3A_1641 = tpu.memref_slice %arg12[%dma_start3A_1639, %dma_start3A_1640] : memref<512x32xf32, #tpu.memory_space<vmem>> -> memref<128x32xf32, #tpu.memory_space<vmem>>
    %dma_start3A_1642 = arith.constant 32 : i32
    %dma_start3A_1643 = tpu.memref_slice %arg6[%mul3A_106, %dma_start3A_1642] : memref<40960x128xf32, #tpu.memory_space<hbm>> -> memref<128x32xf32, #tpu.memory_space<hbm>>
    %dma_start3A_1644 = arith.constant 32 : i32
    %dma_start3A_1645 = tpu.memref_slice %arg6[%mul3A_106, %dma_start3A_1644] : memref<40960x128xf32, #tpu.memory_space<hbm>> -> memref<128x32xf32, #tpu.memory_space<hbm>>
    %dma_start3A_1646 = arith.constant 128 : i32
    %dma_start3A_1647 = arith.constant 0 : i32
    %dma_start3A_1648 = tpu.memref_slice %arg12[%dma_start3A_1646, %dma_start3A_1647] : memref<512x32xf32, #tpu.memory_space<vmem>> -> memref<128x32xf32, #tpu.memory_space<vmem>>
    tpu.enqueue_dma source(%dma_start3A_1648 : memref<128x32xf32, #tpu.memory_space<vmem>>) target(%dma_start3A_1645 : memref<128x32xf32, #tpu.memory_space<hbm>>) target_semaphore(%arg25 : memref<!tpu.dma_semaphore, #tpu.memory_space<semaphore_mem>>)
    %dma_start3A_1649 = arith.constant 256 : i32
    %dma_start3A_1650 = arith.constant 0 : i32
    %dma_start3A_1651 = tpu.memref_slice %arg12[%dma_start3A_1649, %dma_start3A_1650] : memref<512x32xf32, #tpu.memory_space<vmem>> -> memref<128x32xf32, #tpu.memory_space<vmem>>
    %dma_start3A_1652 = arith.constant 64 : i32
    %dma_start3A_1653 = tpu.memref_slice %arg6[%mul3A_106, %dma_start3A_1652] : memref<40960x128xf32, #tpu.memory_space<hbm>> -> memref<128x32xf32, #tpu.memory_space<hbm>>
    %dma_start3A_1654 = arith.constant 64 : i32
    %dma_start3A_1655 = tpu.memref_slice %arg6[%mul3A_106, %dma_start3A_1654] : memref<40960x128xf32, #tpu.memory_space<hbm>> -> memref<128x32xf32, #tpu.memory_space<hbm>>
    %dma_start3A_1656 = arith.constant 256 : i32
    %dma_start3A_1657 = arith.constant 0 : i32
    %dma_start3A_1658 = tpu.memref_slice %arg12[%dma_start3A_1656, %dma_start3A_1657] : memref<512x32xf32, #tpu.memory_space<vmem>> -> memref<128x32xf32, #tpu.memory_space<vmem>>
    tpu.enqueue_dma source(%dma_start3A_1658 : memref<128x32xf32, #tpu.memory_space<vmem>>) target(%dma_start3A_1655 : memref<128x32xf32, #tpu.memory_space<hbm>>) target_semaphore(%arg25 : memref<!tpu.dma_semaphore, #tpu.memory_space<semaphore_mem>>)
    %dma_start3A_1659 = arith.constant 384 : i32
    %dma_start3A_1660 = arith.constant 0 : i32
    %dma_start3A_1661 = tpu.memref_slice %arg12[%dma_start3A_1659, %dma_start3A_1660] : memref<512x32xf32, #tpu.memory_space<vmem>> -> memref<128x32xf32, #tpu.memory_space<vmem>>
    %dma_start3A_1662 = arith.constant 96 : i32
    %dma_start3A_1663 = tpu.memref_slice %arg6[%mul3A_106, %dma_start3A_1662] : memref<40960x128xf32, #tpu.memory_space<hbm>> -> memref<128x32xf32, #tpu.memory_space<hbm>>
    %dma_start3A_1664 = arith.constant 96 : i32
    %dma_start3A_1665 = tpu.memref_slice %arg6[%mul3A_106, %dma_start3A_1664] : memref<40960x128xf32, #tpu.memory_space<hbm>> -> memref<128x32xf32, #tpu.memory_space<hbm>>
    %dma_start3A_1666 = arith.constant 384 : i32
    %dma_start3A_1667 = arith.constant 0 : i32
    %dma_start3A_1668 = tpu.memref_slice %arg12[%dma_start3A_1666, %dma_start3A_1667] : memref<512x32xf32, #tpu.memory_space<vmem>> -> memref<128x32xf32, #tpu.memory_space<vmem>>
    tpu.enqueue_dma source(%dma_start3A_1668 : memref<128x32xf32, #tpu.memory_space<vmem>>) target(%dma_start3A_1665 : memref<128x32xf32, #tpu.memory_space<hbm>>) target_semaphore(%arg25 : memref<!tpu.dma_semaphore, #tpu.memory_space<semaphore_mem>>)
    %dma_wait3A_1669 = arith.constant 0 : i32
    %dma_wait3A_1670 = arith.constant 0 : i32
    %dma_wait3A_1671 = tpu.memref_slice %arg15[%dma_wait3A_1669, %dma_wait3A_1670] : memref<10112x32xf32, #tpu.memory_space<vmem_shared>> -> memref<10112x32xf32, #tpu.memory_space<vmem_shared>>
    tpu.wait_indirect_dma semaphore(%arg22 : memref<!tpu.dma_semaphore, #tpu.memory_space<semaphore_mem>>) src(%dma_wait3A_1671 : memref<10112x32xf32, #tpu.memory_space<vmem_shared>>) dst(%arg13 : memref<512x32xf32, #tpu.memory_space<vmem>>)
    %dma_start3A_1672 = arith.constant 0 : i32
    %dma_start3A_1673 = arith.constant 0 : i32
    %dma_start3A_1674 = tpu.memref_slice %arg13[%dma_start3A_1672, %dma_start3A_1673] : memref<512x32xf32, #tpu.memory_space<vmem>> -> memref<128x32xf32, #tpu.memory_space<vmem>>
    %dma_start3A_1675 = arith.constant 0 : i32
    %dma_start3A_1676 = tpu.memref_slice %arg5[%mul3A_112, %dma_start3A_1675] : memref<40960x128xf32, #tpu.memory_space<hbm>> -> memref<128x32xf32, #tpu.memory_space<hbm>>
    %dma_start3A_1677 = arith.constant 0 : i32
    %dma_start3A_1678 = tpu.memref_slice %arg5[%mul3A_112, %dma_start3A_1677] : memref<40960x128xf32, #tpu.memory_space<hbm>> -> memref<128x32xf32, #tpu.memory_space<hbm>>
    %dma_start3A_1679 = arith.constant 0 : i32
    %dma_start3A_1680 = arith.constant 0 : i32
    %dma_start3A_1681 = tpu.memref_slice %arg13[%dma_start3A_1679, %dma_start3A_1680] : memref<512x32xf32, #tpu.memory_space<vmem>> -> memref<128x32xf32, #tpu.memory_space<vmem>>
    tpu.enqueue_dma source(%dma_start3A_1681 : memref<128x32xf32, #tpu.memory_space<vmem>>) target(%dma_start3A_1678 : memref<128x32xf32, #tpu.memory_space<hbm>>) target_semaphore(%arg26 : memref<!tpu.dma_semaphore, #tpu.memory_space<semaphore_mem>>)
    %dma_start3A_1682 = arith.constant 128 : i32
    %dma_start3A_1683 = arith.constant 0 : i32
    %dma_start3A_1684 = tpu.memref_slice %arg13[%dma_start3A_1682, %dma_start3A_1683] : memref<512x32xf32, #tpu.memory_space<vmem>> -> memref<128x32xf32, #tpu.memory_space<vmem>>
    %dma_start3A_1685 = arith.constant 32 : i32
    %dma_start3A_1686 = tpu.memref_slice %arg5[%mul3A_112, %dma_start3A_1685] : memref<40960x128xf32, #tpu.memory_space<hbm>> -> memref<128x32xf32, #tpu.memory_space<hbm>>
    %dma_start3A_1687 = arith.constant 32 : i32
    %dma_start3A_1688 = tpu.memref_slice %arg5[%mul3A_112, %dma_start3A_1687] : memref<40960x128xf32, #tpu.memory_space<hbm>> -> memref<128x32xf32, #tpu.memory_space<hbm>>
    %dma_start3A_1689 = arith.constant 128 : i32
    %dma_start3A_1690 = arith.constant 0 : i32
    %dma_start3A_1691 = tpu.memref_slice %arg13[%dma_start3A_1689, %dma_start3A_1690] : memref<512x32xf32, #tpu.memory_space<vmem>> -> memref<128x32xf32, #tpu.memory_space<vmem>>
    tpu.enqueue_dma source(%dma_start3A_1691 : memref<128x32xf32, #tpu.memory_space<vmem>>) target(%dma_start3A_1688 : memref<128x32xf32, #tpu.memory_space<hbm>>) target_semaphore(%arg26 : memref<!tpu.dma_semaphore, #tpu.memory_space<semaphore_mem>>)
    %dma_start3A_1692 = arith.constant 256 : i32
    %dma_start3A_1693 = arith.constant 0 : i32
    %dma_start3A_1694 = tpu.memref_slice %arg13[%dma_start3A_1692, %dma_start3A_1693] : memref<512x32xf32, #tpu.memory_space<vmem>> -> memref<128x32xf32, #tpu.memory_space<vmem>>
    %dma_start3A_1695 = arith.constant 64 : i32
    %dma_start3A_1696 = tpu.memref_slice %arg5[%mul3A_112, %dma_start3A_1695] : memref<40960x128xf32, #tpu.memory_space<hbm>> -> memref<128x32xf32, #tpu.memory_space<hbm>>
    %dma_start3A_1697 = arith.constant 64 : i32
    %dma_start3A_1698 = tpu.memref_slice %arg5[%mul3A_112, %dma_start3A_1697] : memref<40960x128xf32, #tpu.memory_space<hbm>> -> memref<128x32xf32, #tpu.memory_space<hbm>>
    %dma_start3A_1699 = arith.constant 256 : i32
    %dma_start3A_1700 = arith.constant 0 : i32
    %dma_start3A_1701 = tpu.memref_slice %arg13[%dma_start3A_1699, %dma_start3A_1700] : memref<512x32xf32, #tpu.memory_space<vmem>> -> memref<128x32xf32, #tpu.memory_space<vmem>>
    tpu.enqueue_dma source(%dma_start3A_1701 : memref<128x32xf32, #tpu.memory_space<vmem>>) target(%dma_start3A_1698 : memref<128x32xf32, #tpu.memory_space<hbm>>) target_semaphore(%arg26 : memref<!tpu.dma_semaphore, #tpu.memory_space<semaphore_mem>>)
    %dma_start3A_1702 = arith.constant 384 : i32
    %dma_start3A_1703 = arith.constant 0 : i32
    %dma_start3A_1704 = tpu.memref_slice %arg13[%dma_start3A_1702, %dma_start3A_1703] : memref<512x32xf32, #tpu.memory_space<vmem>> -> memref<128x32xf32, #tpu.memory_space<vmem>>
    %dma_start3A_1705 = arith.constant 96 : i32
    %dma_start3A_1706 = tpu.memref_slice %arg5[%mul3A_112, %dma_start3A_1705] : memref<40960x128xf32, #tpu.memory_space<hbm>> -> memref<128x32xf32, #tpu.memory_space<hbm>>
    %dma_start3A_1707 = arith.constant 96 : i32
    %dma_start3A_1708 = tpu.memref_slice %arg5[%mul3A_112, %dma_start3A_1707] : memref<40960x128xf32, #tpu.memory_space<hbm>> -> memref<128x32xf32, #tpu.memory_space<hbm>>
    %dma_start3A_1709 = arith.constant 384 : i32
    %dma_start3A_1710 = arith.constant 0 : i32
    %dma_start3A_1711 = tpu.memref_slice %arg13[%dma_start3A_1709, %dma_start3A_1710] : memref<512x32xf32, #tpu.memory_space<vmem>> -> memref<128x32xf32, #tpu.memory_space<vmem>>
    tpu.enqueue_dma source(%dma_start3A_1711 : memref<128x32xf32, #tpu.memory_space<vmem>>) target(%dma_start3A_1708 : memref<128x32xf32, #tpu.memory_space<hbm>>) target_semaphore(%arg26 : memref<!tpu.dma_semaphore, #tpu.memory_space<semaphore_mem>>)
    %dma_wait3A_1712 = arith.constant 0 : i32
    %dma_wait3A_1713 = arith.constant 0 : i32
    %dma_wait3A_1714 = tpu.memref_slice %arg15[%dma_wait3A_1712, %dma_wait3A_1713] : memref<10112x32xf32, #tpu.memory_space<vmem_shared>> -> memref<10112x32xf32, #tpu.memory_space<vmem_shared>>
    tpu.wait_indirect_dma semaphore(%arg23 : memref<!tpu.dma_semaphore, #tpu.memory_space<semaphore_mem>>) src(%dma_wait3A_1714 : memref<10112x32xf32, #tpu.memory_space<vmem_shared>>) dst(%arg14 : memref<512x32xf32, #tpu.memory_space<vmem>>)
    %dma_start3A_1715 = arith.constant 0 : i32
    %dma_start3A_1716 = arith.constant 0 : i32
    %dma_start3A_1717 = tpu.memref_slice %arg14[%dma_start3A_1715, %dma_start3A_1716] : memref<512x32xf32, #tpu.memory_space<vmem>> -> memref<128x32xf32, #tpu.memory_space<vmem>>
    %dma_start3A_1718 = arith.constant 0 : i32
    %dma_start3A_1719 = tpu.memref_slice %arg6[%mul3A_116, %dma_start3A_1718] : memref<40960x128xf32, #tpu.memory_space<hbm>> -> memref<128x32xf32, #tpu.memory_space<hbm>>
    %dma_start3A_1720 = arith.constant 0 : i32
    %dma_start3A_1721 = tpu.memref_slice %arg6[%mul3A_116, %dma_start3A_1720] : memref<40960x128xf32, #tpu.memory_space<hbm>> -> memref<128x32xf32, #tpu.memory_space<hbm>>
    %dma_start3A_1722 = arith.constant 0 : i32
    %dma_start3A_1723 = arith.constant 0 : i32
    %dma_start3A_1724 = tpu.memref_slice %arg14[%dma_start3A_1722, %dma_start3A_1723] : memref<512x32xf32, #tpu.memory_space<vmem>> -> memref<128x32xf32, #tpu.memory_space<vmem>>
    tpu.enqueue_dma source(%dma_start3A_1724 : memref<128x32xf32, #tpu.memory_space<vmem>>) target(%dma_start3A_1721 : memref<128x32xf32, #tpu.memory_space<hbm>>) target_semaphore(%arg27 : memref<!tpu.dma_semaphore, #tpu.memory_space<semaphore_mem>>)
    %dma_start3A_1725 = arith.constant 128 : i32
    %dma_start3A_1726 = arith.constant 0 : i32
    %dma_start3A_1727 = tpu.memref_slice %arg14[%dma_start3A_1725, %dma_start3A_1726] : memref<512x32xf32, #tpu.memory_space<vmem>> -> memref<128x32xf32, #tpu.memory_space<vmem>>
    %dma_start3A_1728 = arith.constant 32 : i32
    %dma_start3A_1729 = tpu.memref_slice %arg6[%mul3A_116, %dma_start3A_1728] : memref<40960x128xf32, #tpu.memory_space<hbm>> -> memref<128x32xf32, #tpu.memory_space<hbm>>
    %dma_start3A_1730 = arith.constant 32 : i32
    %dma_start3A_1731 = tpu.memref_slice %arg6[%mul3A_116, %dma_start3A_1730] : memref<40960x128xf32, #tpu.memory_space<hbm>> -> memref<128x32xf32, #tpu.memory_space<hbm>>
    %dma_start3A_1732 = arith.constant 128 : i32
    %dma_start3A_1733 = arith.constant 0 : i32
    %dma_start3A_1734 = tpu.memref_slice %arg14[%dma_start3A_1732, %dma_start3A_1733] : memref<512x32xf32, #tpu.memory_space<vmem>> -> memref<128x32xf32, #tpu.memory_space<vmem>>
    tpu.enqueue_dma source(%dma_start3A_1734 : memref<128x32xf32, #tpu.memory_space<vmem>>) target(%dma_start3A_1731 : memref<128x32xf32, #tpu.memory_space<hbm>>) target_semaphore(%arg27 : memref<!tpu.dma_semaphore, #tpu.memory_space<semaphore_mem>>)
    %dma_start3A_1735 = arith.constant 256 : i32
    %dma_start3A_1736 = arith.constant 0 : i32
    %dma_start3A_1737 = tpu.memref_slice %arg14[%dma_start3A_1735, %dma_start3A_1736] : memref<512x32xf32, #tpu.memory_space<vmem>> -> memref<128x32xf32, #tpu.memory_space<vmem>>
    %dma_start3A_1738 = arith.constant 64 : i32
    %dma_start3A_1739 = tpu.memref_slice %arg6[%mul3A_116, %dma_start3A_1738] : memref<40960x128xf32, #tpu.memory_space<hbm>> -> memref<128x32xf32, #tpu.memory_space<hbm>>
    %dma_start3A_1740 = arith.constant 64 : i32
    %dma_start3A_1741 = tpu.memref_slice %arg6[%mul3A_116, %dma_start3A_1740] : memref<40960x128xf32, #tpu.memory_space<hbm>> -> memref<128x32xf32, #tpu.memory_space<hbm>>
    %dma_start3A_1742 = arith.constant 256 : i32
    %dma_start3A_1743 = arith.constant 0 : i32
    %dma_start3A_1744 = tpu.memref_slice %arg14[%dma_start3A_1742, %dma_start3A_1743] : memref<512x32xf32, #tpu.memory_space<vmem>> -> memref<128x32xf32, #tpu.memory_space<vmem>>
    tpu.enqueue_dma source(%dma_start3A_1744 : memref<128x32xf32, #tpu.memory_space<vmem>>) target(%dma_start3A_1741 : memref<128x32xf32, #tpu.memory_space<hbm>>) target_semaphore(%arg27 : memref<!tpu.dma_semaphore, #tpu.memory_space<semaphore_mem>>)
    %dma_start3A_1745 = arith.constant 384 : i32
    %dma_start3A_1746 = arith.constant 0 : i32
    %dma_start3A_1747 = tpu.memref_slice %arg14[%dma_start3A_1745, %dma_start3A_1746] : memref<512x32xf32, #tpu.memory_space<vmem>> -> memref<128x32xf32, #tpu.memory_space<vmem>>
    %dma_start3A_1748 = arith.constant 96 : i32
    %dma_start3A_1749 = tpu.memref_slice %arg6[%mul3A_116, %dma_start3A_1748] : memref<40960x128xf32, #tpu.memory_space<hbm>> -> memref<128x32xf32, #tpu.memory_space<hbm>>
    %dma_start3A_1750 = arith.constant 96 : i32
    %dma_start3A_1751 = tpu.memref_slice %arg6[%mul3A_116, %dma_start3A_1750] : memref<40960x128xf32, #tpu.memory_space<hbm>> -> memref<128x32xf32, #tpu.memory_space<hbm>>
    %dma_start3A_1752 = arith.constant 384 : i32
    %dma_start3A_1753 = arith.constant 0 : i32
    %dma_start3A_1754 = tpu.memref_slice %arg14[%dma_start3A_1752, %dma_start3A_1753] : memref<512x32xf32, #tpu.memory_space<vmem>> -> memref<128x32xf32, #tpu.memory_space<vmem>>
    tpu.enqueue_dma source(%dma_start3A_1754 : memref<128x32xf32, #tpu.memory_space<vmem>>) target(%dma_start3A_1751 : memref<128x32xf32, #tpu.memory_space<hbm>>) target_semaphore(%arg27 : memref<!tpu.dma_semaphore, #tpu.memory_space<semaphore_mem>>)
    %dma_wait3A_1755 = arith.constant 0 : i32
    %dma_wait3A_1756 = arith.constant 0 : i32
    %dma_wait3A_1757 = tpu.memref_slice %arg11[%dma_wait3A_1755, %dma_wait3A_1756] : memref<512x32xf32, #tpu.memory_space<vmem>> -> memref<128x32xf32, #tpu.memory_space<vmem>>
    %dma_wait3A_1758 = arith.constant 0 : i32
    %dma_wait3A_1759 = tpu.memref_slice %arg5[%mul3A_102, %dma_wait3A_1758] : memref<40960x128xf32, #tpu.memory_space<hbm>> -> memref<128x32xf32, #tpu.memory_space<hbm>>
    %dma_wait3A_1760 = arith.constant 0 : i32
    %dma_wait3A_1761 = tpu.memref_slice %arg5[%mul3A_102, %dma_wait3A_1760] : memref<40960x128xf32, #tpu.memory_space<hbm>> -> memref<128x32xf32, #tpu.memory_space<hbm>>
    %dma_wait3A_1762 = arith.constant 0 : i32
    %dma_wait3A_1763 = arith.constant 0 : i32
    %dma_wait3A_1764 = tpu.memref_slice %arg11[%dma_wait3A_1762, %dma_wait3A_1763] : memref<512x32xf32, #tpu.memory_space<vmem>> -> memref<128x32xf32, #tpu.memory_space<vmem>>
    tpu.wait_dma2 semaphore(%arg24 : memref<!tpu.dma_semaphore, #tpu.memory_space<semaphore_mem>>) src(%dma_wait3A_1764 : memref<128x32xf32, #tpu.memory_space<vmem>>) dst(%dma_wait3A_1761 : memref<128x32xf32, #tpu.memory_space<hbm>>)
    %dma_wait3A_1765 = arith.constant 128 : i32
    %dma_wait3A_1766 = arith.constant 0 : i32
    %dma_wait3A_1767 = tpu.memref_slice %arg11[%dma_wait3A_1765, %dma_wait3A_1766] : memref<512x32xf32, #tpu.memory_space<vmem>> -> memref<128x32xf32, #tpu.memory_space<vmem>>
    %dma_wait3A_1768 = arith.constant 32 : i32
    %dma_wait3A_1769 = tpu.memref_slice %arg5[%mul3A_102, %dma_wait3A_1768] : memref<40960x128xf32, #tpu.memory_space<hbm>> -> memref<128x32xf32, #tpu.memory_space<hbm>>
    %dma_wait3A_1770 = arith.constant 32 : i32
    %dma_wait3A_1771 = tpu.memref_slice %arg5[%mul3A_102, %dma_wait3A_1770] : memref<40960x128xf32, #tpu.memory_space<hbm>> -> memref<128x32xf32, #tpu.memory_space<hbm>>
    %dma_wait3A_1772 = arith.constant 128 : i32
    %dma_wait3A_1773 = arith.constant 0 : i32
    %dma_wait3A_1774 = tpu.memref_slice %arg11[%dma_wait3A_1772, %dma_wait3A_1773] : memref<512x32xf32, #tpu.memory_space<vmem>> -> memref<128x32xf32, #tpu.memory_space<vmem>>
    tpu.wait_dma2 semaphore(%arg24 : memref<!tpu.dma_semaphore, #tpu.memory_space<semaphore_mem>>) src(%dma_wait3A_1774 : memref<128x32xf32, #tpu.memory_space<vmem>>) dst(%dma_wait3A_1771 : memref<128x32xf32, #tpu.memory_space<hbm>>)
    %dma_wait3A_1775 = arith.constant 256 : i32
    %dma_wait3A_1776 = arith.constant 0 : i32
    %dma_wait3A_1777 = tpu.memref_slice %arg11[%dma_wait3A_1775, %dma_wait3A_1776] : memref<512x32xf32, #tpu.memory_space<vmem>> -> memref<128x32xf32, #tpu.memory_space<vmem>>
    %dma_wait3A_1778 = arith.constant 64 : i32
    %dma_wait3A_1779 = tpu.memref_slice %arg5[%mul3A_102, %dma_wait3A_1778] : memref<40960x128xf32, #tpu.memory_space<hbm>> -> memref<128x32xf32, #tpu.memory_space<hbm>>
    %dma_wait3A_1780 = arith.constant 64 : i32
    %dma_wait3A_1781 = tpu.memref_slice %arg5[%mul3A_102, %dma_wait3A_1780] : memref<40960x128xf32, #tpu.memory_space<hbm>> -> memref<128x32xf32, #tpu.memory_space<hbm>>
    %dma_wait3A_1782 = arith.constant 256 : i32
    %dma_wait3A_1783 = arith.constant 0 : i32
    %dma_wait3A_1784 = tpu.memref_slice %arg11[%dma_wait3A_1782, %dma_wait3A_1783] : memref<512x32xf32, #tpu.memory_space<vmem>> -> memref<128x32xf32, #tpu.memory_space<vmem>>
    tpu.wait_dma2 semaphore(%arg24 : memref<!tpu.dma_semaphore, #tpu.memory_space<semaphore_mem>>) src(%dma_wait3A_1784 : memref<128x32xf32, #tpu.memory_space<vmem>>) dst(%dma_wait3A_1781 : memref<128x32xf32, #tpu.memory_space<hbm>>)
    %dma_wait3A_1785 = arith.constant 384 : i32
    %dma_wait3A_1786 = arith.constant 0 : i32
    %dma_wait3A_1787 = tpu.memref_slice %arg11[%dma_wait3A_1785, %dma_wait3A_1786] : memref<512x32xf32, #tpu.memory_space<vmem>> -> memref<128x32xf32, #tpu.memory_space<vmem>>
    %dma_wait3A_1788 = arith.constant 96 : i32
    %dma_wait3A_1789 = tpu.memref_slice %arg5[%mul3A_102, %dma_wait3A_1788] : memref<40960x128xf32, #tpu.memory_space<hbm>> -> memref<128x32xf32, #tpu.memory_space<hbm>>
    %dma_wait3A_1790 = arith.constant 96 : i32
    %dma_wait3A_1791 = tpu.memref_slice %arg5[%mul3A_102, %dma_wait3A_1790] : memref<40960x128xf32, #tpu.memory_space<hbm>> -> memref<128x32xf32, #tpu.memory_space<hbm>>
    %dma_wait3A_1792 = arith.constant 384 : i32
    %dma_wait3A_1793 = arith.constant 0 : i32
    %dma_wait3A_1794 = tpu.memref_slice %arg11[%dma_wait3A_1792, %dma_wait3A_1793] : memref<512x32xf32, #tpu.memory_space<vmem>> -> memref<128x32xf32, #tpu.memory_space<vmem>>
    tpu.wait_dma2 semaphore(%arg24 : memref<!tpu.dma_semaphore, #tpu.memory_space<semaphore_mem>>) src(%dma_wait3A_1794 : memref<128x32xf32, #tpu.memory_space<vmem>>) dst(%dma_wait3A_1791 : memref<128x32xf32, #tpu.memory_space<hbm>>)
    %dma_wait3A_1795 = arith.constant 0 : i32
    %dma_wait3A_1796 = arith.constant 0 : i32
    %dma_wait3A_1797 = tpu.memref_slice %arg12[%dma_wait3A_1795, %dma_wait3A_1796] : memref<512x32xf32, #tpu.memory_space<vmem>> -> memref<128x32xf32, #tpu.memory_space<vmem>>
    %dma_wait3A_1798 = arith.constant 0 : i32
    %dma_wait3A_1799 = tpu.memref_slice %arg6[%mul3A_106, %dma_wait3A_1798] : memref<40960x128xf32, #tpu.memory_space<hbm>> -> memref<128x32xf32, #tpu.memory_space<hbm>>
    %dma_wait3A_1800 = arith.constant 0 : i32
    %dma_wait3A_1801 = tpu.memref_slice %arg6[%mul3A_106, %dma_wait3A_1800] : memref<40960x128xf32, #tpu.memory_space<hbm>> -> memref<128x32xf32, #tpu.memory_space<hbm>>
    %dma_wait3A_1802 = arith.constant 0 : i32
    %dma_wait3A_1803 = arith.constant 0 : i32
    %dma_wait3A_1804 = tpu.memref_slice %arg12[%dma_wait3A_1802, %dma_wait3A_1803] : memref<512x32xf32, #tpu.memory_space<vmem>> -> memref<128x32xf32, #tpu.memory_space<vmem>>
    tpu.wait_dma2 semaphore(%arg25 : memref<!tpu.dma_semaphore, #tpu.memory_space<semaphore_mem>>) src(%dma_wait3A_1804 : memref<128x32xf32, #tpu.memory_space<vmem>>) dst(%dma_wait3A_1801 : memref<128x32xf32, #tpu.memory_space<hbm>>)
    %dma_wait3A_1805 = arith.constant 128 : i32
    %dma_wait3A_1806 = arith.constant 0 : i32
    %dma_wait3A_1807 = tpu.memref_slice %arg12[%dma_wait3A_1805, %dma_wait3A_1806] : memref<512x32xf32, #tpu.memory_space<vmem>> -> memref<128x32xf32, #tpu.memory_space<vmem>>
    %dma_wait3A_1808 = arith.constant 32 : i32
    %dma_wait3A_1809 = tpu.memref_slice %arg6[%mul3A_106, %dma_wait3A_1808] : memref<40960x128xf32, #tpu.memory_space<hbm>> -> memref<128x32xf32, #tpu.memory_space<hbm>>
    %dma_wait3A_1810 = arith.constant 32 : i32
    %dma_wait3A_1811 = tpu.memref_slice %arg6[%mul3A_106, %dma_wait3A_1810] : memref<40960x128xf32, #tpu.memory_space<hbm>> -> memref<128x32xf32, #tpu.memory_space<hbm>>
    %dma_wait3A_1812 = arith.constant 128 : i32
    %dma_wait3A_1813 = arith.constant 0 : i32
    %dma_wait3A_1814 = tpu.memref_slice %arg12[%dma_wait3A_1812, %dma_wait3A_1813] : memref<512x32xf32, #tpu.memory_space<vmem>> -> memref<128x32xf32, #tpu.memory_space<vmem>>
    tpu.wait_dma2 semaphore(%arg25 : memref<!tpu.dma_semaphore, #tpu.memory_space<semaphore_mem>>) src(%dma_wait3A_1814 : memref<128x32xf32, #tpu.memory_space<vmem>>) dst(%dma_wait3A_1811 : memref<128x32xf32, #tpu.memory_space<hbm>>)
    %dma_wait3A_1815 = arith.constant 256 : i32
    %dma_wait3A_1816 = arith.constant 0 : i32
    %dma_wait3A_1817 = tpu.memref_slice %arg12[%dma_wait3A_1815, %dma_wait3A_1816] : memref<512x32xf32, #tpu.memory_space<vmem>> -> memref<128x32xf32, #tpu.memory_space<vmem>>
    %dma_wait3A_1818 = arith.constant 64 : i32
    %dma_wait3A_1819 = tpu.memref_slice %arg6[%mul3A_106, %dma_wait3A_1818] : memref<40960x128xf32, #tpu.memory_space<hbm>> -> memref<128x32xf32, #tpu.memory_space<hbm>>
    %dma_wait3A_1820 = arith.constant 64 : i32
    %dma_wait3A_1821 = tpu.memref_slice %arg6[%mul3A_106, %dma_wait3A_1820] : memref<40960x128xf32, #tpu.memory_space<hbm>> -> memref<128x32xf32, #tpu.memory_space<hbm>>
    %dma_wait3A_1822 = arith.constant 256 : i32
    %dma_wait3A_1823 = arith.constant 0 : i32
    %dma_wait3A_1824 = tpu.memref_slice %arg12[%dma_wait3A_1822, %dma_wait3A_1823] : memref<512x32xf32, #tpu.memory_space<vmem>> -> memref<128x32xf32, #tpu.memory_space<vmem>>
    tpu.wait_dma2 semaphore(%arg25 : memref<!tpu.dma_semaphore, #tpu.memory_space<semaphore_mem>>) src(%dma_wait3A_1824 : memref<128x32xf32, #tpu.memory_space<vmem>>) dst(%dma_wait3A_1821 : memref<128x32xf32, #tpu.memory_space<hbm>>)
    %dma_wait3A_1825 = arith.constant 384 : i32
    %dma_wait3A_1826 = arith.constant 0 : i32
    %dma_wait3A_1827 = tpu.memref_slice %arg12[%dma_wait3A_1825, %dma_wait3A_1826] : memref<512x32xf32, #tpu.memory_space<vmem>> -> memref<128x32xf32, #tpu.memory_space<vmem>>
    %dma_wait3A_1828 = arith.constant 96 : i32
    %dma_wait3A_1829 = tpu.memref_slice %arg6[%mul3A_106, %dma_wait3A_1828] : memref<40960x128xf32, #tpu.memory_space<hbm>> -> memref<128x32xf32, #tpu.memory_space<hbm>>
    %dma_wait3A_1830 = arith.constant 96 : i32
    %dma_wait3A_1831 = tpu.memref_slice %arg6[%mul3A_106, %dma_wait3A_1830] : memref<40960x128xf32, #tpu.memory_space<hbm>> -> memref<128x32xf32, #tpu.memory_space<hbm>>
    %dma_wait3A_1832 = arith.constant 384 : i32
    %dma_wait3A_1833 = arith.constant 0 : i32
    %dma_wait3A_1834 = tpu.memref_slice %arg12[%dma_wait3A_1832, %dma_wait3A_1833] : memref<512x32xf32, #tpu.memory_space<vmem>> -> memref<128x32xf32, #tpu.memory_space<vmem>>
    tpu.wait_dma2 semaphore(%arg25 : memref<!tpu.dma_semaphore, #tpu.memory_space<semaphore_mem>>) src(%dma_wait3A_1834 : memref<128x32xf32, #tpu.memory_space<vmem>>) dst(%dma_wait3A_1831 : memref<128x32xf32, #tpu.memory_space<hbm>>)
    %dma_wait3A_1835 = arith.constant 0 : i32
    %dma_wait3A_1836 = arith.constant 0 : i32
    %dma_wait3A_1837 = tpu.memref_slice %arg13[%dma_wait3A_1835, %dma_wait3A_1836] : memref<512x32xf32, #tpu.memory_space<vmem>> -> memref<128x32xf32, #tpu.memory_space<vmem>>
    %dma_wait3A_1838 = arith.constant 0 : i32
    %dma_wait3A_1839 = tpu.memref_slice %arg5[%mul3A_112, %dma_wait3A_1838] : memref<40960x128xf32, #tpu.memory_space<hbm>> -> memref<128x32xf32, #tpu.memory_space<hbm>>
    %dma_wait3A_1840 = arith.constant 0 : i32
    %dma_wait3A_1841 = tpu.memref_slice %arg5[%mul3A_112, %dma_wait3A_1840] : memref<40960x128xf32, #tpu.memory_space<hbm>> -> memref<128x32xf32, #tpu.memory_space<hbm>>
    %dma_wait3A_1842 = arith.constant 0 : i32
    %dma_wait3A_1843 = arith.constant 0 : i32
    %dma_wait3A_1844 = tpu.memref_slice %arg13[%dma_wait3A_1842, %dma_wait3A_1843] : memref<512x32xf32, #tpu.memory_space<vmem>> -> memref<128x32xf32, #tpu.memory_space<vmem>>
    tpu.wait_dma2 semaphore(%arg26 : memref<!tpu.dma_semaphore, #tpu.memory_space<semaphore_mem>>) src(%dma_wait3A_1844 : memref<128x32xf32, #tpu.memory_space<vmem>>) dst(%dma_wait3A_1841 : memref<128x32xf32, #tpu.memory_space<hbm>>)
    %dma_wait3A_1845 = arith.constant 128 : i32
    %dma_wait3A_1846 = arith.constant 0 : i32
    %dma_wait3A_1847 = tpu.memref_slice %arg13[%dma_wait3A_1845, %dma_wait3A_1846] : memref<512x32xf32, #tpu.memory_space<vmem>> -> memref<128x32xf32, #tpu.memory_space<vmem>>
    %dma_wait3A_1848 = arith.constant 32 : i32
    %dma_wait3A_1849 = tpu.memref_slice %arg5[%mul3A_112, %dma_wait3A_1848] : memref<40960x128xf32, #tpu.memory_space<hbm>> -> memref<128x32xf32, #tpu.memory_space<hbm>>
    %dma_wait3A_1850 = arith.constant 32 : i32
    %dma_wait3A_1851 = tpu.memref_slice %arg5[%mul3A_112, %dma_wait3A_1850] : memref<40960x128xf32, #tpu.memory_space<hbm>> -> memref<128x32xf32, #tpu.memory_space<hbm>>
    %dma_wait3A_1852 = arith.constant 128 : i32
    %dma_wait3A_1853 = arith.constant 0 : i32
    %dma_wait3A_1854 = tpu.memref_slice %arg13[%dma_wait3A_1852, %dma_wait3A_1853] : memref<512x32xf32, #tpu.memory_space<vmem>> -> memref<128x32xf32, #tpu.memory_space<vmem>>
    tpu.wait_dma2 semaphore(%arg26 : memref<!tpu.dma_semaphore, #tpu.memory_space<semaphore_mem>>) src(%dma_wait3A_1854 : memref<128x32xf32, #tpu.memory_space<vmem>>) dst(%dma_wait3A_1851 : memref<128x32xf32, #tpu.memory_space<hbm>>)
    %dma_wait3A_1855 = arith.constant 256 : i32
    %dma_wait3A_1856 = arith.constant 0 : i32
    %dma_wait3A_1857 = tpu.memref_slice %arg13[%dma_wait3A_1855, %dma_wait3A_1856] : memref<512x32xf32, #tpu.memory_space<vmem>> -> memref<128x32xf32, #tpu.memory_space<vmem>>
    %dma_wait3A_1858 = arith.constant 64 : i32
    %dma_wait3A_1859 = tpu.memref_slice %arg5[%mul3A_112, %dma_wait3A_1858] : memref<40960x128xf32, #tpu.memory_space<hbm>> -> memref<128x32xf32, #tpu.memory_space<hbm>>
    %dma_wait3A_1860 = arith.constant 64 : i32
    %dma_wait3A_1861 = tpu.memref_slice %arg5[%mul3A_112, %dma_wait3A_1860] : memref<40960x128xf32, #tpu.memory_space<hbm>> -> memref<128x32xf32, #tpu.memory_space<hbm>>
    %dma_wait3A_1862 = arith.constant 256 : i32
    %dma_wait3A_1863 = arith.constant 0 : i32
    %dma_wait3A_1864 = tpu.memref_slice %arg13[%dma_wait3A_1862, %dma_wait3A_1863] : memref<512x32xf32, #tpu.memory_space<vmem>> -> memref<128x32xf32, #tpu.memory_space<vmem>>
    tpu.wait_dma2 semaphore(%arg26 : memref<!tpu.dma_semaphore, #tpu.memory_space<semaphore_mem>>) src(%dma_wait3A_1864 : memref<128x32xf32, #tpu.memory_space<vmem>>) dst(%dma_wait3A_1861 : memref<128x32xf32, #tpu.memory_space<hbm>>)
    %dma_wait3A_1865 = arith.constant 384 : i32
    %dma_wait3A_1866 = arith.constant 0 : i32
    %dma_wait3A_1867 = tpu.memref_slice %arg13[%dma_wait3A_1865, %dma_wait3A_1866] : memref<512x32xf32, #tpu.memory_space<vmem>> -> memref<128x32xf32, #tpu.memory_space<vmem>>
    %dma_wait3A_1868 = arith.constant 96 : i32
    %dma_wait3A_1869 = tpu.memref_slice %arg5[%mul3A_112, %dma_wait3A_1868] : memref<40960x128xf32, #tpu.memory_space<hbm>> -> memref<128x32xf32, #tpu.memory_space<hbm>>
    %dma_wait3A_1870 = arith.constant 96 : i32
    %dma_wait3A_1871 = tpu.memref_slice %arg5[%mul3A_112, %dma_wait3A_1870] : memref<40960x128xf32, #tpu.memory_space<hbm>> -> memref<128x32xf32, #tpu.memory_space<hbm>>
    %dma_wait3A_1872 = arith.constant 384 : i32
    %dma_wait3A_1873 = arith.constant 0 : i32
    %dma_wait3A_1874 = tpu.memref_slice %arg13[%dma_wait3A_1872, %dma_wait3A_1873] : memref<512x32xf32, #tpu.memory_space<vmem>> -> memref<128x32xf32, #tpu.memory_space<vmem>>
    tpu.wait_dma2 semaphore(%arg26 : memref<!tpu.dma_semaphore, #tpu.memory_space<semaphore_mem>>) src(%dma_wait3A_1874 : memref<128x32xf32, #tpu.memory_space<vmem>>) dst(%dma_wait3A_1871 : memref<128x32xf32, #tpu.memory_space<hbm>>)
    %dma_wait3A_1875 = arith.constant 0 : i32
    %dma_wait3A_1876 = arith.constant 0 : i32
    %dma_wait3A_1877 = tpu.memref_slice %arg14[%dma_wait3A_1875, %dma_wait3A_1876] : memref<512x32xf32, #tpu.memory_space<vmem>> -> memref<128x32xf32, #tpu.memory_space<vmem>>
    %dma_wait3A_1878 = arith.constant 0 : i32
    %dma_wait3A_1879 = tpu.memref_slice %arg6[%mul3A_116, %dma_wait3A_1878] : memref<40960x128xf32, #tpu.memory_space<hbm>> -> memref<128x32xf32, #tpu.memory_space<hbm>>
    %dma_wait3A_1880 = arith.constant 0 : i32
    %dma_wait3A_1881 = tpu.memref_slice %arg6[%mul3A_116, %dma_wait3A_1880] : memref<40960x128xf32, #tpu.memory_space<hbm>> -> memref<128x32xf32, #tpu.memory_space<hbm>>
    %dma_wait3A_1882 = arith.constant 0 : i32
    %dma_wait3A_1883 = arith.constant 0 : i32
    %dma_wait3A_1884 = tpu.memref_slice %arg14[%dma_wait3A_1882, %dma_wait3A_1883] : memref<512x32xf32, #tpu.memory_space<vmem>> -> memref<128x32xf32, #tpu.memory_space<vmem>>
    tpu.wait_dma2 semaphore(%arg27 : memref<!tpu.dma_semaphore, #tpu.memory_space<semaphore_mem>>) src(%dma_wait3A_1884 : memref<128x32xf32, #tpu.memory_space<vmem>>) dst(%dma_wait3A_1881 : memref<128x32xf32, #tpu.memory_space<hbm>>)
    %dma_wait3A_1885 = arith.constant 128 : i32
    %dma_wait3A_1886 = arith.constant 0 : i32
    %dma_wait3A_1887 = tpu.memref_slice %arg14[%dma_wait3A_1885, %dma_wait3A_1886] : memref<512x32xf32, #tpu.memory_space<vmem>> -> memref<128x32xf32, #tpu.memory_space<vmem>>
    %dma_wait3A_1888 = arith.constant 32 : i32
    %dma_wait3A_1889 = tpu.memref_slice %arg6[%mul3A_116, %dma_wait3A_1888] : memref<40960x128xf32, #tpu.memory_space<hbm>> -> memref<128x32xf32, #tpu.memory_space<hbm>>
    %dma_wait3A_1890 = arith.constant 32 : i32
    %dma_wait3A_1891 = tpu.memref_slice %arg6[%mul3A_116, %dma_wait3A_1890] : memref<40960x128xf32, #tpu.memory_space<hbm>> -> memref<128x32xf32, #tpu.memory_space<hbm>>
    %dma_wait3A_1892 = arith.constant 128 : i32
    %dma_wait3A_1893 = arith.constant 0 : i32
    %dma_wait3A_1894 = tpu.memref_slice %arg14[%dma_wait3A_1892, %dma_wait3A_1893] : memref<512x32xf32, #tpu.memory_space<vmem>> -> memref<128x32xf32, #tpu.memory_space<vmem>>
    tpu.wait_dma2 semaphore(%arg27 : memref<!tpu.dma_semaphore, #tpu.memory_space<semaphore_mem>>) src(%dma_wait3A_1894 : memref<128x32xf32, #tpu.memory_space<vmem>>) dst(%dma_wait3A_1891 : memref<128x32xf32, #tpu.memory_space<hbm>>)
    %dma_wait3A_1895 = arith.constant 256 : i32
    %dma_wait3A_1896 = arith.constant 0 : i32
    %dma_wait3A_1897 = tpu.memref_slice %arg14[%dma_wait3A_1895, %dma_wait3A_1896] : memref<512x32xf32, #tpu.memory_space<vmem>> -> memref<128x32xf32, #tpu.memory_space<vmem>>
    %dma_wait3A_1898 = arith.constant 64 : i32
    %dma_wait3A_1899 = tpu.memref_slice %arg6[%mul3A_116, %dma_wait3A_1898] : memref<40960x128xf32, #tpu.memory_space<hbm>> -> memref<128x32xf32, #tpu.memory_space<hbm>>
    %dma_wait3A_1900 = arith.constant 64 : i32
    %dma_wait3A_1901 = tpu.memref_slice %arg6[%mul3A_116, %dma_wait3A_1900] : memref<40960x128xf32, #tpu.memory_space<hbm>> -> memref<128x32xf32, #tpu.memory_space<hbm>>
    %dma_wait3A_1902 = arith.constant 256 : i32
    %dma_wait3A_1903 = arith.constant 0 : i32
    %dma_wait3A_1904 = tpu.memref_slice %arg14[%dma_wait3A_1902, %dma_wait3A_1903] : memref<512x32xf32, #tpu.memory_space<vmem>> -> memref<128x32xf32, #tpu.memory_space<vmem>>
    tpu.wait_dma2 semaphore(%arg27 : memref<!tpu.dma_semaphore, #tpu.memory_space<semaphore_mem>>) src(%dma_wait3A_1904 : memref<128x32xf32, #tpu.memory_space<vmem>>) dst(%dma_wait3A_1901 : memref<128x32xf32, #tpu.memory_space<hbm>>)
    %dma_wait3A_1905 = arith.constant 384 : i32
    %dma_wait3A_1906 = arith.constant 0 : i32
    %dma_wait3A_1907 = tpu.memref_slice %arg14[%dma_wait3A_1905, %dma_wait3A_1906] : memref<512x32xf32, #tpu.memory_space<vmem>> -> memref<128x32xf32, #tpu.memory_space<vmem>>
    %dma_wait3A_1908 = arith.constant 96 : i32
    %dma_wait3A_1909 = tpu.memref_slice %arg6[%mul3A_116, %dma_wait3A_1908] : memref<40960x128xf32, #tpu.memory_space<hbm>> -> memref<128x32xf32, #tpu.memory_space<hbm>>
    %dma_wait3A_1910 = arith.constant 96 : i32
    %dma_wait3A_1911 = tpu.memref_slice %arg6[%mul3A_116, %dma_wait3A_1910] : memref<40960x128xf32, #tpu.memory_space<hbm>> -> memref<128x32xf32, #tpu.memory_space<hbm>>
    %dma_wait3A_1912 = arith.constant 384 : i32
    %dma_wait3A_1913 = arith.constant 0 : i32
    %dma_wait3A_1914 = tpu.memref_slice %arg14[%dma_wait3A_1912, %dma_wait3A_1913] : memref<512x32xf32, #tpu.memory_space<vmem>> -> memref<128x32xf32, #tpu.memory_space<vmem>>
    tpu.wait_dma2 semaphore(%arg27 : memref<!tpu.dma_semaphore, #tpu.memory_space<semaphore_mem>>) src(%dma_wait3A_1914 : memref<128x32xf32, #tpu.memory_space<vmem>>) dst(%dma_wait3A_1911 : memref<128x32xf32, #tpu.memory_space<hbm>>)
    return
  }
}

module attributes {stable_mosaic.version = 14 : i64} {
  func.func @_stage1_body(%arg0: i32, %arg1: memref<2000x256xf32, #tpu.memory_space<vmem>>, %arg2: memref<256x32xf32, #tpu.memory_space<vmem>>, %arg3: memref<1x32xf32, #tpu.memory_space<vmem>>, %arg4: memref<256x256xf32, #tpu.memory_space<vmem>>, %arg5: memref<1x256xf32, #tpu.memory_space<vmem>>, %arg6: memref<2000x32xf32, #tpu.memory_space<vmem>>, %arg7: memref<32x256xf32, #tpu.memory_space<vmem>>, %arg8: memref<32x32xf32, #tpu.memory_space<vmem>>) attributes {dimension_semantics = [#tpu.dimension_semantics<arbitrary>], iteration_bounds = array<i64: 5>, scalar_prefetch = 0 : i64, scratch_operands = 0 : i64, tpu.core_type = #tpu.core_type<tc>, window_params = [{transform_indices = @transform_0, window_bounds = array<i64: 2000, 256>}, {pipeline_mode = #tpu.pipeline_mode<synchronous>, transform_indices = @transform_1, window_bounds = array<i64: 256, 32>}, {pipeline_mode = #tpu.pipeline_mode<synchronous>, transform_indices = @transform_2, window_bounds = array<i64: 1, 32>}, {pipeline_mode = #tpu.pipeline_mode<synchronous>, transform_indices = @transform_3, window_bounds = array<i64: 256, 256>}, {pipeline_mode = #tpu.pipeline_mode<synchronous>, transform_indices = @transform_4, window_bounds = array<i64: 1, 256>}, {transform_indices = @transform_5, window_bounds = array<i64: 2000, 32>}, {pipeline_mode = #tpu.pipeline_mode<synchronous>, transform_indices = @transform_6, window_bounds = array<i64: 32, 256>}, {pipeline_mode = #tpu.pipeline_mode<synchronous>, transform_indices = @transform_7, window_bounds = array<i64: 32, 32>}]} {
    %get3A = arith.constant 0 : index
    %get3A_0 = arith.constant 0 : index
    %get3A_1 = vector.load %arg1[%get3A, %get3A_0] : memref<2000x256xf32, #tpu.memory_space<vmem>>, vector<2000x256xf32>
    %get3A_2 = arith.constant 0 : index
    %get3A_3 = arith.constant 0 : index
    %get3A_4 = vector.load %arg2[%get3A_2, %get3A_3] : memref<256x32xf32, #tpu.memory_space<vmem>>, vector<256x32xf32>
    %dot_general3A = arith.constant dense<0.000000e+00> : vector<2000x32xf32>
    %dot_general3A_5 = tpu.matmul %get3A_1, %get3A_4, %dot_general3A {dimension_numbers = #tpu.dot_dimension_numbers<[1], [0], [0], [1], [0, 0, 1, 1], [], []>, transpose_lhs_hint = false} : vector<2000x256xf32>, vector<256x32xf32>, vector<2000x32xf32> -> vector<2000x32xf32>
    %get3A_6 = arith.constant 0 : index
    %get3A_7 = arith.constant 0 : index
    %get3A_8 = vector.load %arg3[%get3A_6, %get3A_7] : memref<1x32xf32, #tpu.memory_space<vmem>>, vector<1x32xf32>
    %add3A = vector.broadcast %get3A_8 : vector<1x32xf32> to vector<2000x32xf32>
    %add3A_9 = arith.addf %dot_general3A_5, %add3A : vector<2000x32xf32>
    %iota3A = tpu.iota {dimensions = array<i32: 1>} : vector<2000x32xi32>
    %lt3A = arith.constant 30 : i32
    %lt3A_10 = vector.broadcast %lt3A : i32 to vector<2000x32xi32>
    %lt3A_11 = arith.cmpi slt, %iota3A, %lt3A_10 : vector<2000x32xi32>
    %jit3A = arith.constant -1.000000e+30 : f32
    %broadcast_in_dim3A = vector.broadcast %jit3A : f32 to vector<2000x32xf32>
    %select_n3A = arith.select %lt3A_11, %add3A_9, %broadcast_in_dim3A : vector<2000x32xi1>, vector<2000x32xf32>
    %reduce_max3A = arith.constant dense<0xFF800000> : vector<2000xf32>
    %reduce_max3A_12 = vector.multi_reduction <maximumf>, %select_n3A, %reduce_max3A [1] : vector<2000x32xf32> to vector<2000xf32>
    %broadcast_in_dim3A_13 = vector.shape_cast %reduce_max3A_12 : vector<2000xf32> to vector<2000x1xf32>
    %sub3A = vector.broadcast %broadcast_in_dim3A_13 : vector<2000x1xf32> to vector<2000x32xf32>
    %sub3A_14 = arith.subf %select_n3A, %sub3A : vector<2000x32xf32>
    %exp3A = math.exp %sub3A_14 : vector<2000x32xf32>
    %reduce_sum3A = arith.constant dense<0.000000e+00> : vector<2000xf32>
    %reduce_sum3A_15 = vector.multi_reduction <add>, %exp3A, %reduce_sum3A [1] : vector<2000x32xf32> to vector<2000xf32>
    %broadcast_in_dim3A_16 = vector.shape_cast %reduce_sum3A_15 : vector<2000xf32> to vector<2000x1xf32>
    %div3A = vector.broadcast %broadcast_in_dim3A_16 : vector<2000x1xf32> to vector<2000x32xf32>
    %div3A_17 = arith.divf %exp3A, %div3A : vector<2000x32xf32>
    %swap3A = arith.constant 0 : index
    %swap3A_18 = arith.constant 0 : index
    %swap3A_19 = vector.load %arg6[%swap3A, %swap3A_18] : memref<2000x32xf32, #tpu.memory_space<vmem>>, vector<2000x32xf32>
    tpu.vector_store %arg6[%swap3A, %swap3A_18], %div3A_17 {strides = array<i32>} : memref<2000x32xf32, #tpu.memory_space<vmem>>, vector<2000x32xf32>,
    %get3A_20 = arith.constant 0 : index
    %get3A_21 = arith.constant 0 : index
    %get3A_22 = vector.load %arg4[%get3A_20, %get3A_21] : memref<256x256xf32, #tpu.memory_space<vmem>>, vector<256x256xf32>
    %dot_general3A_23 = arith.constant dense<0.000000e+00> : vector<2000x256xf32>
    %dot_general3A_24 = tpu.matmul %get3A_1, %get3A_22, %dot_general3A_23 {dimension_numbers = #tpu.dot_dimension_numbers<[1], [0], [0], [1], [0, 0, 1, 1], [], []>, transpose_lhs_hint = false} : vector<2000x256xf32>, vector<256x256xf32>, vector<2000x256xf32> -> vector<2000x256xf32>
    %get3A_25 = arith.constant 0 : index
    %get3A_26 = arith.constant 0 : index
    %get3A_27 = vector.load %arg5[%get3A_25, %get3A_26] : memref<1x256xf32, #tpu.memory_space<vmem>>, vector<1x256xf32>
    %add3A_28 = vector.broadcast %get3A_27 : vector<1x256xf32> to vector<2000x256xf32>
    %add3A_29 = arith.addf %dot_general3A_24, %add3A_28 : vector<2000x256xf32>
    %dot_general3A_30 = arith.constant dense<0.000000e+00> : vector<32x256xf32>
    %dot_general3A_31 = tpu.matmul %div3A_17, %add3A_29, %dot_general3A_30 {dimension_numbers = #tpu.dot_dimension_numbers<[0], [0], [1], [1], [0, 1, 1, 1], [], []>, transpose_lhs_hint = false} : vector<2000x32xf32>, vector<2000x256xf32>, vector<32x256xf32> -> vector<32x256xf32>
    %dot_general3A_32 = arith.constant dense<0.000000e+00> : vector<32x32xf32>
    %dot_general3A_33 = tpu.matmul %div3A_17, %div3A_17, %dot_general3A_32 {dimension_numbers = #tpu.dot_dimension_numbers<[0], [0], [1], [1], [0, 1, 1, 1], [], []>, transpose_lhs_hint = false} : vector<2000x32xf32>, vector<2000x32xf32>, vector<32x32xf32> -> vector<32x32xf32>
    %eq3A = arith.constant 0 : i32
    %eq3A_34 = arith.cmpi eq, %arg0, %eq3A : i32
    %convert_element_type3A = arith.extui %eq3A_34 : i1 to i32
    %cond3A = arith.constant 0 : i32
    %cond3A_35 = arith.cmpi ne, %convert_element_type3A, %cond3A : i32
    scf.if %cond3A_35 {
      %swap3A_40 = arith.constant 0 : index
      %swap3A_41 = arith.constant 0 : index
      %swap3A_42 = vector.load %arg7[%swap3A_40, %swap3A_41] : memref<32x256xf32, #tpu.memory_space<vmem>>, vector<32x256xf32>
      tpu.vector_store %arg7[%swap3A_40, %swap3A_41], %dot_general3A_31 {strides = array<i32>} : memref<32x256xf32, #tpu.memory_space<vmem>>, vector<32x256xf32>,
      %swap3A_43 = arith.constant 0 : index
      %swap3A_44 = arith.constant 0 : index
      %swap3A_45 = vector.load %arg8[%swap3A_43, %swap3A_44] : memref<32x32xf32, #tpu.memory_space<vmem>>, vector<32x32xf32>
      tpu.vector_store %arg8[%swap3A_43, %swap3A_44], %dot_general3A_33 {strides = array<i32>} : memref<32x32xf32, #tpu.memory_space<vmem>>, vector<32x32xf32>,
    } else {
    }
    %ne3A = arith.constant 0 : i32
    %ne3A_36 = arith.cmpi ne, %arg0, %ne3A : i32
    %convert_element_type3A_37 = arith.extui %ne3A_36 : i1 to i32
    %cond3A_38 = arith.constant 0 : i32
    %cond3A_39 = arith.cmpi ne, %convert_element_type3A_37, %cond3A_38 : i32
    scf.if %cond3A_39 {
      %get3A_40 = arith.constant 0 : index
      %get3A_41 = arith.constant 0 : index
      %get3A_42 = vector.load %arg7[%get3A_40, %get3A_41] : memref<32x256xf32, #tpu.memory_space<vmem>>, vector<32x256xf32>
      %add3A_43 = arith.addf %get3A_42, %dot_general3A_31 : vector<32x256xf32>
      %swap3A_44 = arith.constant 0 : index
      %swap3A_45 = arith.constant 0 : index
      %swap3A_46 = vector.load %arg7[%swap3A_44, %swap3A_45] : memref<32x256xf32, #tpu.memory_space<vmem>>, vector<32x256xf32>
      tpu.vector_store %arg7[%swap3A_44, %swap3A_45], %add3A_43 {strides = array<i32>} : memref<32x256xf32, #tpu.memory_space<vmem>>, vector<32x256xf32>,
      %get3A_47 = arith.constant 0 : index
      %get3A_48 = arith.constant 0 : index
      %get3A_49 = vector.load %arg8[%get3A_47, %get3A_48] : memref<32x32xf32, #tpu.memory_space<vmem>>, vector<32x32xf32>
      %add3A_50 = arith.addf %get3A_49, %dot_general3A_33 : vector<32x32xf32>
      %swap3A_51 = arith.constant 0 : index
      %swap3A_52 = arith.constant 0 : index
      %swap3A_53 = vector.load %arg8[%swap3A_51, %swap3A_52] : memref<32x32xf32, #tpu.memory_space<vmem>>, vector<32x32xf32>
      tpu.vector_store %arg8[%swap3A_51, %swap3A_52], %add3A_50 {strides = array<i32>} : memref<32x32xf32, #tpu.memory_space<vmem>>, vector<32x32xf32>,
    } else {
    }
    return
  }
  func.func @transform_0(%arg0: i32) -> (i32, i32) {
    %c0_i32 = arith.constant 0 : i32
    %c0_i32_0 = arith.constant 0 : i32
    return %arg0, %c0_i32 : i32, i32
  }
  func.func @transform_1(%arg0: i32) -> (i32, i32) {
    %c0_i32 = arith.constant 0 : i32
    %c0_i32_0 = arith.constant 0 : i32
    %c0_i32_1 = arith.constant 0 : i32
    return %c0_i32, %c0_i32_0 : i32, i32
  }
  func.func @transform_2(%arg0: i32) -> (i32, i32) {
    %c0_i32 = arith.constant 0 : i32
    %c0_i32_0 = arith.constant 0 : i32
    %c0_i32_1 = arith.constant 0 : i32
    return %c0_i32, %c0_i32_0 : i32, i32
  }
  func.func @transform_3(%arg0: i32) -> (i32, i32) {
    %c0_i32 = arith.constant 0 : i32
    %c0_i32_0 = arith.constant 0 : i32
    %c0_i32_1 = arith.constant 0 : i32
    return %c0_i32, %c0_i32_0 : i32, i32
  }
  func.func @transform_4(%arg0: i32) -> (i32, i32) {
    %c0_i32 = arith.constant 0 : i32
    %c0_i32_0 = arith.constant 0 : i32
    %c0_i32_1 = arith.constant 0 : i32
    return %c0_i32, %c0_i32_0 : i32, i32
  }
  func.func @transform_5(%arg0: i32) -> (i32, i32) {
    %c0_i32 = arith.constant 0 : i32
    %c0_i32_0 = arith.constant 0 : i32
    return %arg0, %c0_i32 : i32, i32
  }
  func.func @transform_6(%arg0: i32) -> (i32, i32) {
    %c0_i32 = arith.constant 0 : i32
    %c0_i32_0 = arith.constant 0 : i32
    %c0_i32_1 = arith.constant 0 : i32
    return %c0_i32, %c0_i32_0 : i32, i32
  }
  func.func @transform_7(%arg0: i32) -> (i32, i32) {
    %c0_i32 = arith.constant 0 : i32
    %c0_i32_0 = arith.constant 0 : i32
    %c0_i32_1 = arith.constant 0 : i32
    return %c0_i32, %c0_i32_0 : i32, i32
  }
}

module attributes {stable_mosaic.version = 14 : i64} {
  func.func @_stage3_body(%arg0: i32, %arg1: memref<2048x128xf32, #tpu.memory_space<vmem>>, %arg2: memref<2048x128xf32, #tpu.memory_space<vmem>>, %arg3: memref<32x256xf32, #tpu.memory_space<vmem>>, %arg4: memref<32x32xf32, #tpu.memory_space<vmem>>, %arg5: memref<256x64xf32, #tpu.memory_space<vmem>>, %arg6: memref<256x64xf32, #tpu.memory_space<vmem>>, %arg7: memref<1x64xf32, #tpu.memory_space<vmem>>, %arg8: memref<64x1xf32, #tpu.memory_space<vmem>>, %arg9: memref<1x1xf32, #tpu.memory_space<vmem>>, %arg10: memref<256x256xf32, #tpu.memory_space<vmem>>, %arg11: memref<256x64xf32, #tpu.memory_space<vmem>>, %arg12: memref<256x64xf32, #tpu.memory_space<vmem>>, %arg13: memref<1x64xf32, #tpu.memory_space<vmem>>, %arg14: memref<64x1xf32, #tpu.memory_space<vmem>>, %arg15: memref<1x1xf32, #tpu.memory_space<vmem>>, %arg16: memref<256x256xf32, #tpu.memory_space<vmem>>, %arg17: memref<256x128xf32, #tpu.memory_space<vmem>>, %arg18: memref<1x128xf32, #tpu.memory_space<vmem>>, %arg19: memref<30x128xf32, #tpu.memory_space<vmem>>, %arg20: memref<1x1xf32, #tpu.memory_space<vmem>>, %arg21: memref<1x1xf32, #tpu.memory_space<vmem>>, %arg22: memref<32x32xf32, #tpu.memory_space<vmem>>, %arg23: memref<1x1xf32, #tpu.memory_space<smem>>) attributes {dimension_semantics = [#tpu.dimension_semantics<arbitrary>], iteration_bounds = array<i64: 20>, scalar_prefetch = 0 : i64, scratch_operands = 2 : i64, tpu.core_type = #tpu.core_type<tc>, window_params = [{transform_indices = @transform_0, window_bounds = array<i64: 2048, 128>}, {transform_indices = @transform_1, window_bounds = array<i64: 2048, 128>}, {pipeline_mode = #tpu.pipeline_mode<synchronous>, transform_indices = @transform_2, window_bounds = array<i64: 32, 256>}, {pipeline_mode = #tpu.pipeline_mode<synchronous>, transform_indices = @transform_3, window_bounds = array<i64: 32, 32>}, {pipeline_mode = #tpu.pipeline_mode<synchronous>, transform_indices = @transform_4, window_bounds = array<i64: 256, 64>}, {pipeline_mode = #tpu.pipeline_mode<synchronous>, transform_indices = @transform_5, window_bounds = array<i64: 256, 64>}, {pipeline_mode = #tpu.pipeline_mode<synchronous>, transform_indices = @transform_6, window_bounds = array<i64: 1, 64>}, {pipeline_mode = #tpu.pipeline_mode<synchronous>, transform_indices = @transform_7, window_bounds = array<i64: 64, 1>}, {pipeline_mode = #tpu.pipeline_mode<synchronous>, transform_indices = @transform_8, window_bounds = array<i64: 1, 1>}, {pipeline_mode = #tpu.pipeline_mode<synchronous>, transform_indices = @transform_9, window_bounds = array<i64: 256, 256>}, {pipeline_mode = #tpu.pipeline_mode<synchronous>, transform_indices = @transform_10, window_bounds = array<i64: 256, 64>}, {pipeline_mode = #tpu.pipeline_mode<synchronous>, transform_indices = @transform_11, window_bounds = array<i64: 256, 64>}, {pipeline_mode = #tpu.pipeline_mode<synchronous>, transform_indices = @transform_12, window_bounds = array<i64: 1, 64>}, {pipeline_mode = #tpu.pipeline_mode<synchronous>, transform_indices = @transform_13, window_bounds = array<i64: 64, 1>}, {pipeline_mode = #tpu.pipeline_mode<synchronous>, transform_indices = @transform_14, window_bounds = array<i64: 1, 1>}, {pipeline_mode = #tpu.pipeline_mode<synchronous>, transform_indices = @transform_15, window_bounds = array<i64: 256, 256>}, {pipeline_mode = #tpu.pipeline_mode<synchronous>, transform_indices = @transform_16, window_bounds = array<i64: 256, 128>}, {pipeline_mode = #tpu.pipeline_mode<synchronous>, transform_indices = @transform_17, window_bounds = array<i64: 1, 128>}, {pipeline_mode = #tpu.pipeline_mode<synchronous>, transform_indices = @transform_18, window_bounds = array<i64: 30, 128>}, {pipeline_mode = #tpu.pipeline_mode<synchronous>, transform_indices = @transform_19, window_bounds = array<i64: 1, 1>}, {pipeline_mode = #tpu.pipeline_mode<synchronous>, transform_indices = @transform_20, window_bounds = array<i64: 1, 1>}]} {
    %get3A = arith.constant 0 : index
    %get3A_0 = arith.constant 0 : index
    %get3A_1 = vector.load %arg1[%get3A, %get3A_0] : memref<2048x128xf32, #tpu.memory_space<vmem>>, vector<2048x128xf32>
    %get3A_2 = arith.constant 0 : index
    %get3A_3 = arith.constant 0 : index
    %get3A_4 = vector.load %arg2[%get3A_2, %get3A_3] : memref<2048x128xf32, #tpu.memory_space<vmem>>, vector<2048x128xf32>
    %slice3A = vector.extract_strided_slice %get3A_1 {offsets = [0, 0], sizes = [2048, 32], strides = [1, 1]} : vector<2048x128xf32> to vector<2048x32xf32>
    %slice3A_5 = vector.extract_strided_slice %get3A_4 {offsets = [0, 0], sizes = [2048, 32], strides = [1, 1]} : vector<2048x128xf32> to vector<2048x32xf32>
    %dot_general3A = arith.constant dense<0.000000e+00> : vector<32x32xf32>
    %dot_general3A_6 = tpu.matmul %slice3A, %slice3A_5, %dot_general3A {dimension_numbers = #tpu.dot_dimension_numbers<[0], [0], [1], [1], [0, 1, 1, 1], [], []>, transpose_lhs_hint = false} : vector<2048x32xf32>, vector<2048x32xf32>, vector<32x32xf32> -> vector<32x32xf32>
    %slice3A_7 = vector.extract_strided_slice %get3A_1 {offsets = [0, 32], sizes = [2048, 32], strides = [1, 1]} : vector<2048x128xf32> to vector<2048x32xf32>
    %slice3A_8 = vector.extract_strided_slice %get3A_4 {offsets = [0, 32], sizes = [2048, 32], strides = [1, 1]} : vector<2048x128xf32> to vector<2048x32xf32>
    %dot_general3A_9 = arith.constant dense<0.000000e+00> : vector<32x32xf32>
    %dot_general3A_10 = tpu.matmul %slice3A_7, %slice3A_8, %dot_general3A_9 {dimension_numbers = #tpu.dot_dimension_numbers<[0], [0], [1], [1], [0, 1, 1, 1], [], []>, transpose_lhs_hint = false} : vector<2048x32xf32>, vector<2048x32xf32>, vector<32x32xf32> -> vector<32x32xf32>
    %add3A = arith.addf %dot_general3A_6, %dot_general3A_10 : vector<32x32xf32>
    %slice3A_11 = vector.extract_strided_slice %get3A_1 {offsets = [0, 64], sizes = [2048, 32], strides = [1, 1]} : vector<2048x128xf32> to vector<2048x32xf32>
    %slice3A_12 = vector.extract_strided_slice %get3A_4 {offsets = [0, 64], sizes = [2048, 32], strides = [1, 1]} : vector<2048x128xf32> to vector<2048x32xf32>
    %dot_general3A_13 = arith.constant dense<0.000000e+00> : vector<32x32xf32>
    %dot_general3A_14 = tpu.matmul %slice3A_11, %slice3A_12, %dot_general3A_13 {dimension_numbers = #tpu.dot_dimension_numbers<[0], [0], [1], [1], [0, 1, 1, 1], [], []>, transpose_lhs_hint = false} : vector<2048x32xf32>, vector<2048x32xf32>, vector<32x32xf32> -> vector<32x32xf32>
    %add3A_15 = arith.addf %add3A, %dot_general3A_14 : vector<32x32xf32>
    %slice3A_16 = vector.extract_strided_slice %get3A_1 {offsets = [0, 96], sizes = [2048, 32], strides = [1, 1]} : vector<2048x128xf32> to vector<2048x32xf32>
    %slice3A_17 = vector.extract_strided_slice %get3A_4 {offsets = [0, 96], sizes = [2048, 32], strides = [1, 1]} : vector<2048x128xf32> to vector<2048x32xf32>
    %dot_general3A_18 = arith.constant dense<0.000000e+00> : vector<32x32xf32>
    %dot_general3A_19 = tpu.matmul %slice3A_16, %slice3A_17, %dot_general3A_18 {dimension_numbers = #tpu.dot_dimension_numbers<[0], [0], [1], [1], [0, 1, 1, 1], [], []>, transpose_lhs_hint = false} : vector<2048x32xf32>, vector<2048x32xf32>, vector<32x32xf32> -> vector<32x32xf32>
    %add3A_20 = arith.addf %add3A_15, %dot_general3A_19 : vector<32x32xf32>
    %eq3A = arith.constant 0 : i32
    %eq3A_21 = arith.cmpi eq, %arg0, %eq3A : i32
    %convert_element_type3A = arith.extui %eq3A_21 : i1 to i32
    %cond3A = arith.constant 0 : i32
    %cond3A_22 = arith.cmpi ne, %convert_element_type3A, %cond3A : i32
    scf.if %cond3A_22 {
      %swap3A = arith.constant 0 : index
      %swap3A_32 = arith.constant 0 : index
      %swap3A_33 = vector.load %arg22[%swap3A, %swap3A_32] : memref<32x32xf32, #tpu.memory_space<vmem>>, vector<32x32xf32>
      tpu.vector_store %arg22[%swap3A, %swap3A_32], %add3A_20 {strides = array<i32>} : memref<32x32xf32, #tpu.memory_space<vmem>>, vector<32x32xf32>,
      %reduce_sum3A = vector.shape_cast %get3A_1 : vector<2048x128xf32> to vector<1x2048x128xf32>
      %reduce_sum3A_34 = arith.constant dense<0.000000e+00> : vector<1xf32>
      %reduce_sum3A_35 = vector.multi_reduction <add>, %reduce_sum3A, %reduce_sum3A_34 [1, 2] : vector<1x2048x128xf32> to vector<1xf32>
      %reduce_sum3A_36 = vector.shape_cast %reduce_sum3A_35 : vector<1xf32> to vector<1x1x1xf32>
      %reduce_sum3A_37 = vector.extract %reduce_sum3A_36[0, 0, 0] : f32 from vector<1x1x1xf32>
      %swap3A_38 = arith.constant 0 : index
      %swap3A_39 = arith.constant 0 : index
      %swap3A_40 = memref.load %arg23[%swap3A_38, %swap3A_39] : memref<1x1xf32, #tpu.memory_space<smem>>
      memref.store %reduce_sum3A_37, %arg23[%swap3A_38, %swap3A_39] : memref<1x1xf32, #tpu.memory_space<smem>>
    } else {
    }
    %ne3A = arith.constant 0 : i32
    %ne3A_23 = arith.cmpi ne, %arg0, %ne3A : i32
    %convert_element_type3A_24 = arith.extui %ne3A_23 : i1 to i32
    %cond3A_25 = arith.constant 0 : i32
    %cond3A_26 = arith.cmpi ne, %convert_element_type3A_24, %cond3A_25 : i32
    scf.if %cond3A_26 {
      %get3A_32 = arith.constant 0 : index
      %get3A_33 = arith.constant 0 : index
      %get3A_34 = vector.load %arg22[%get3A_32, %get3A_33] : memref<32x32xf32, #tpu.memory_space<vmem>>, vector<32x32xf32>
      %add3A_35 = arith.addf %get3A_34, %add3A_20 : vector<32x32xf32>
      %swap3A = arith.constant 0 : index
      %swap3A_36 = arith.constant 0 : index
      %swap3A_37 = vector.load %arg22[%swap3A, %swap3A_36] : memref<32x32xf32, #tpu.memory_space<vmem>>, vector<32x32xf32>
      tpu.vector_store %arg22[%swap3A, %swap3A_36], %add3A_35 {strides = array<i32>} : memref<32x32xf32, #tpu.memory_space<vmem>>, vector<32x32xf32>,
      %get3A_38 = arith.constant 0 : index
      %get3A_39 = arith.constant 0 : index
      %get3A_40 = memref.load %arg23[%get3A_38, %get3A_39] : memref<1x1xf32, #tpu.memory_space<smem>>
      %reduce_sum3A = vector.shape_cast %get3A_1 : vector<2048x128xf32> to vector<1x2048x128xf32>
      %reduce_sum3A_41 = arith.constant dense<0.000000e+00> : vector<1xf32>
      %reduce_sum3A_42 = vector.multi_reduction <add>, %reduce_sum3A, %reduce_sum3A_41 [1, 2] : vector<1x2048x128xf32> to vector<1xf32>
      %reduce_sum3A_43 = vector.shape_cast %reduce_sum3A_42 : vector<1xf32> to vector<1x1x1xf32>
      %reduce_sum3A_44 = vector.extract %reduce_sum3A_43[0, 0, 0] : f32 from vector<1x1x1xf32>
      %add3A_45 = arith.addf %get3A_40, %reduce_sum3A_44 : f32
      %swap3A_46 = arith.constant 0 : index
      %swap3A_47 = arith.constant 0 : index
      %swap3A_48 = memref.load %arg23[%swap3A_46, %swap3A_47] : memref<1x1xf32, #tpu.memory_space<smem>>
      memref.store %add3A_45, %arg23[%swap3A_46, %swap3A_47] : memref<1x1xf32, #tpu.memory_space<smem>>
    } else {
    }
    %eq3A_27 = arith.constant 19 : i32
    %eq3A_28 = arith.cmpi eq, %arg0, %eq3A_27 : i32
    %convert_element_type3A_29 = arith.extui %eq3A_28 : i1 to i32
    %cond3A_30 = arith.constant 0 : i32
    %cond3A_31 = arith.cmpi ne, %convert_element_type3A_29, %cond3A_30 : i32
    scf.if %cond3A_31 {
      %get3A_32 = arith.constant 0 : index
      %get3A_33 = arith.constant 0 : index
      %get3A_34 = vector.load %arg22[%get3A_32, %get3A_33] : memref<32x32xf32, #tpu.memory_space<vmem>>, vector<32x32xf32>
      %get3A_35 = arith.constant 0 : index
      %get3A_36 = arith.constant 0 : index
      %get3A_37 = memref.load %arg23[%get3A_35, %get3A_36] : memref<1x1xf32, #tpu.memory_space<smem>>
      %iota3A = tpu.iota {dimensions = array<i32: 0>} : vector<32x32xi32>
      %iota3A_38 = tpu.iota {dimensions = array<i32: 1>} : vector<32x32xi32>
      %eq3A_39 = arith.cmpi eq, %iota3A, %iota3A_38 : vector<32x32xi32>
      %lt3A = arith.constant 30 : i32
      %lt3A_40 = vector.broadcast %lt3A : i32 to vector<32x32xi32>
      %lt3A_41 = arith.cmpi slt, %iota3A, %lt3A_40 : vector<32x32xi32>
      %and3A = arith.andi %eq3A_39, %lt3A_41 : vector<32x32xi1>
      %jit3A = arith.constant 1.000000e+00 : f32
      %jit3A_42 = arith.constant 0.000000e+00 : f32
      %broadcast_in_dim3A = vector.broadcast %jit3A : f32 to vector<32x32xf32>
      %broadcast_in_dim3A_43 = vector.broadcast %jit3A_42 : f32 to vector<32x32xf32>
      %select_n3A = arith.select %and3A, %broadcast_in_dim3A, %broadcast_in_dim3A_43 : vector<32x32xi1>, vector<32x32xf32>
      %mul3A = arith.mulf %get3A_34, %select_n3A : vector<32x32xf32>
      %reduce_sum3A = vector.shape_cast %mul3A : vector<32x32xf32> to vector<1x32x32xf32>
      %reduce_sum3A_44 = arith.constant dense<0.000000e+00> : vector<1xf32>
      %reduce_sum3A_45 = vector.multi_reduction <add>, %reduce_sum3A, %reduce_sum3A_44 [1, 2] : vector<1x32x32xf32> to vector<1xf32>
      %reduce_sum3A_46 = vector.shape_cast %reduce_sum3A_45 : vector<1xf32> to vector<1x1x1xf32>
      %reduce_sum3A_47 = vector.extract %reduce_sum3A_46[0, 0, 0] : f32 from vector<1x1x1xf32>
      %neg3A = arith.constant 0.000000e+00 : f32
      %neg3A_48 = arith.subf %neg3A, %reduce_sum3A_47 : f32
      %add3A_49 = arith.constant 9.99999971E-10 : f32
      %add3A_50 = arith.addf %get3A_37, %add3A_49 : f32
      %div3A = arith.divf %neg3A_48, %add3A_50 : f32
      %broadcast_in_dim3A_51 = vector.broadcast %div3A : f32 to vector<1x1xf32>
      %swap3A = arith.constant 0 : index
      %swap3A_52 = arith.constant 0 : index
      %swap3A_53 = vector.load %arg20[%swap3A, %swap3A_52] : memref<1x1xf32, #tpu.memory_space<vmem>>, vector<1x1xf32>
      tpu.vector_store %arg20[%swap3A, %swap3A_52], %broadcast_in_dim3A_51 {strides = array<i32>} : memref<1x1xf32, #tpu.memory_space<vmem>>, vector<1x1xf32>,
      %get3A_54 = arith.constant 0 : index
      %get3A_55 = arith.constant 0 : index
      %get3A_56 = vector.load %arg4[%get3A_54, %get3A_55] : memref<32x32xf32, #tpu.memory_space<vmem>>, vector<32x32xf32>
      %sub3A = arith.subf %get3A_56, %select_n3A : vector<32x32xf32>
      %mul3A_57 = arith.mulf %sub3A, %sub3A : vector<32x32xf32>
      %reduce_sum3A_58 = vector.shape_cast %mul3A_57 : vector<32x32xf32> to vector<1x32x32xf32>
      %reduce_sum3A_59 = arith.constant dense<0.000000e+00> : vector<1xf32>
      %reduce_sum3A_60 = vector.multi_reduction <add>, %reduce_sum3A_58, %reduce_sum3A_59 [1, 2] : vector<1x32x32xf32> to vector<1xf32>
      %reduce_sum3A_61 = vector.shape_cast %reduce_sum3A_60 : vector<1xf32> to vector<1x1x1xf32>
      %reduce_sum3A_62 = vector.extract %reduce_sum3A_61[0, 0, 0] : f32 from vector<1x1x1xf32>
      %sqrt3A = math.sqrt %reduce_sum3A_62 : f32
      %broadcast_in_dim3A_63 = vector.broadcast %sqrt3A : f32 to vector<1x1xf32>
      %swap3A_64 = arith.constant 0 : index
      %swap3A_65 = arith.constant 0 : index
      %swap3A_66 = vector.load %arg21[%swap3A_64, %swap3A_65] : memref<1x1xf32, #tpu.memory_space<vmem>>, vector<1x1xf32>
      tpu.vector_store %arg21[%swap3A_64, %swap3A_65], %broadcast_in_dim3A_63 {strides = array<i32>} : memref<1x1xf32, #tpu.memory_space<vmem>>, vector<1x1xf32>,
      %gt3A = arith.constant 0.000000e+00 : f32
      %gt3A_67 = vector.broadcast %gt3A : f32 to vector<32x32xf32>
      %gt3A_68 = arith.cmpf ogt, %get3A_34, %gt3A_67 : vector<32x32xf32>
      %convert_element_type3A_69 = arith.extui %gt3A_68 : vector<32x32xi1> to vector<32x32xi32>
      %convert_element_type3A_70 = arith.sitofp %convert_element_type3A_69 : vector<32x32xi32> to vector<32x32xf32>
      %iota3A_71 = tpu.iota {dimensions = array<i32: 0>} : vector<1024x32xi32>
      %iota3A_72 = tpu.iota {dimensions = array<i32: 1>} : vector<1024x32xi32>
      %jit3A_73 = arith.constant 32 : i32
      %div3A_74 = vector.broadcast %jit3A_73 : i32 to vector<1024x32xi32>
      %div3A_75 = arith.divsi %iota3A_71, %div3A_74 : vector<1024x32xi32>
      %sign3A = arith.constant 0 : i32
      %sign3A_76 = vector.broadcast %sign3A : i32 to vector<1024x32xi32>
      %sign3A_77 = arith.cmpi sgt, %iota3A_71, %sign3A_76 : vector<1024x32xi32>
      %sign3A_78 = arith.extui %sign3A_77 : vector<1024x32xi1> to vector<1024x32xi32>
      %sign3A_79 = arith.constant 0 : i32
      %sign3A_80 = vector.broadcast %sign3A_79 : i32 to vector<1024x32xi32>
      %sign3A_81 = arith.cmpi slt, %iota3A_71, %sign3A_80 : vector<1024x32xi32>
      %sign3A_82 = arith.extui %sign3A_81 : vector<1024x32xi1> to vector<1024x32xi32>
      %sign3A_83 = arith.subi %sign3A_78, %sign3A_82 : vector<1024x32xi32>
      %sign3A_84 = arith.constant 0 : i32
      %sign3A_85 = arith.cmpi sgt, %jit3A_73, %sign3A_84 : i32
      %sign3A_86 = arith.extui %sign3A_85 : i1 to i32
      %sign3A_87 = arith.constant 0 : i32
      %sign3A_88 = arith.cmpi slt, %jit3A_73, %sign3A_87 : i32
      %sign3A_89 = arith.extui %sign3A_88 : i1 to i32
      %sign3A_90 = arith.subi %sign3A_86, %sign3A_89 : i32
      %ne3A_91 = vector.broadcast %sign3A_90 : i32 to vector<1024x32xi32>
      %ne3A_92 = arith.cmpi ne, %sign3A_83, %ne3A_91 : vector<1024x32xi32>
      %rem3A = vector.broadcast %jit3A_73 : i32 to vector<1024x32xi32>
      %rem3A_93 = arith.remsi %iota3A_71, %rem3A : vector<1024x32xi32>
      %ne3A_94 = arith.constant 0 : i32
      %ne3A_95 = vector.broadcast %ne3A_94 : i32 to vector<1024x32xi32>
      %ne3A_96 = arith.cmpi ne, %rem3A_93, %ne3A_95 : vector<1024x32xi32>
      %and3A_97 = arith.andi %ne3A_92, %ne3A_96 : vector<1024x32xi1>
      %sub3A_98 = arith.constant 1 : i32
      %sub3A_99 = vector.broadcast %sub3A_98 : i32 to vector<1024x32xi32>
      %sub3A_100 = arith.subi %div3A_75, %sub3A_99 : vector<1024x32xi32>
      %select_n3A_101 = arith.select %and3A_97, %sub3A_100, %div3A_75 : vector<1024x32xi1>, vector<1024x32xi32>
      %eq3A_102 = arith.cmpi eq, %select_n3A_101, %iota3A_72 : vector<1024x32xi32>
      %convert_element_type3A_103 = arith.extui %eq3A_102 : vector<1024x32xi1> to vector<1024x32xi32>
      %convert_element_type3A_104 = arith.sitofp %convert_element_type3A_103 : vector<1024x32xi32> to vector<1024x32xf32>
      %jit3A_105 = arith.constant 32 : i32
      %eq3A_106 = arith.constant 0 : i32
      %eq3A_107 = arith.cmpi eq, %jit3A_105, %eq3A_106 : i32
      %jit3A_108 = arith.constant 1 : i32
      %select_n3A_109 = arith.select %eq3A_107, %jit3A_108, %jit3A_105 : i32
      %rem3A_110 = vector.broadcast %select_n3A_109 : i32 to vector<1024x32xi32>
      %rem3A_111 = arith.remsi %iota3A_71, %rem3A_110 : vector<1024x32xi32>
      %ne3A_112 = arith.constant 0 : i32
      %ne3A_113 = vector.broadcast %ne3A_112 : i32 to vector<1024x32xi32>
      %ne3A_114 = arith.cmpi ne, %rem3A_111, %ne3A_113 : vector<1024x32xi32>
      %lt3A_115 = arith.constant 0 : i32
      %lt3A_116 = vector.broadcast %lt3A_115 : i32 to vector<1024x32xi32>
      %lt3A_117 = arith.cmpi slt, %rem3A_111, %lt3A_116 : vector<1024x32xi32>
      %lt3A_118 = arith.constant 0 : i32
      %lt3A_119 = arith.cmpi slt, %select_n3A_109, %lt3A_118 : i32
      %ne3A_120 = vector.broadcast %lt3A_119 : i1 to vector<1024x32xi1>
      %ne3A_121 = vector.broadcast %ne3A_120 : vector<1024x32xi1> to vector<1024x32xi1>
      %ne3A_122 = arith.xori %lt3A_117, %ne3A_121 : vector<1024x32xi1>
      %and3A_123 = arith.andi %ne3A_122, %ne3A_114 : vector<1024x32xi1>
      %add3A_124 = vector.broadcast %select_n3A_109 : i32 to vector<1024x32xi32>
      %add3A_125 = arith.addi %rem3A_111, %add3A_124 : vector<1024x32xi32>
      %select_n3A_126 = arith.select %and3A_123, %add3A_125, %rem3A_111 : vector<1024x32xi1>, vector<1024x32xi32>
      %eq3A_127 = arith.cmpi eq, %select_n3A_126, %iota3A_72 : vector<1024x32xi32>
      %convert_element_type3A_128 = arith.extui %eq3A_127 : vector<1024x32xi1> to vector<1024x32xi32>
      %convert_element_type3A_129 = arith.sitofp %convert_element_type3A_128 : vector<1024x32xi32> to vector<1024x32xf32>
      %dot_general3A_130 = arith.constant dense<0.000000e+00> : vector<1024x32xf32>
      %dot_general3A_131 = tpu.matmul %convert_element_type3A_104, %convert_element_type3A_70, %dot_general3A_130 {dimension_numbers = #tpu.dot_dimension_numbers<[1], [0], [0], [1], [0, 0, 1, 1], [], []>, transpose_lhs_hint = false} : vector<1024x32xf32>, vector<32x32xf32>, vector<1024x32xf32> -> vector<1024x32xf32>
      %mul3A_132 = arith.mulf %dot_general3A_131, %convert_element_type3A_129 : vector<1024x32xf32>
      %reduce_sum3A_133 = arith.constant dense<0.000000e+00> : vector<1024xf32>
      %reduce_sum3A_134 = vector.multi_reduction <add>, %mul3A_132, %reduce_sum3A_133 [1] : vector<1024x32xf32> to vector<1024xf32>
      %broadcast_in_dim3A_135 = vector.shape_cast %reduce_sum3A_134 : vector<1024xf32> to vector<1024x1xf32>
      %get3A_136 = arith.constant 0 : index
      %get3A_137 = arith.constant 0 : index
      %get3A_138 = vector.load %arg3[%get3A_136, %get3A_137] : memref<32x256xf32, #tpu.memory_space<vmem>>, vector<32x256xf32>
      %get3A_139 = arith.constant 0 : index
      %get3A_140 = arith.constant 0 : index
      %get3A_141 = vector.load %arg5[%get3A_139, %get3A_140] : memref<256x64xf32, #tpu.memory_space<vmem>>, vector<256x64xf32>
      %get3A_142 = arith.constant 0 : index
      %get3A_143 = arith.constant 0 : index
      %get3A_144 = vector.load %arg6[%get3A_142, %get3A_143] : memref<256x64xf32, #tpu.memory_space<vmem>>, vector<256x64xf32>
      %get3A_145 = arith.constant 0 : index
      %get3A_146 = arith.constant 0 : index
      %get3A_147 = vector.load %arg7[%get3A_145, %get3A_146] : memref<1x64xf32, #tpu.memory_space<vmem>>, vector<1x64xf32>
      %get3A_148 = arith.constant 0 : index
      %get3A_149 = arith.constant 0 : index
      %get3A_150 = vector.load %arg8[%get3A_148, %get3A_149] : memref<64x1xf32, #tpu.memory_space<vmem>>, vector<64x1xf32>
      %get3A_151 = arith.constant 0 : index
      %get3A_152 = arith.constant 0 : index
      %get3A_153 = vector.load %arg9[%get3A_151, %get3A_152] : memref<1x1xf32, #tpu.memory_space<vmem>>, vector<1x1xf32>
      %get3A_154 = arith.constant 0 : index
      %get3A_155 = arith.constant 0 : index
      %get3A_156 = vector.load %arg10[%get3A_154, %get3A_155] : memref<256x256xf32, #tpu.memory_space<vmem>>, vector<256x256xf32>
      %dot_general3A_157 = arith.constant dense<0.000000e+00> : vector<32x64xf32>
      %dot_general3A_158 = tpu.matmul %get3A_138, %get3A_141, %dot_general3A_157 {dimension_numbers = #tpu.dot_dimension_numbers<[1], [0], [0], [1], [0, 0, 1, 1], [], []>, transpose_lhs_hint = false} : vector<32x256xf32>, vector<256x64xf32>, vector<32x64xf32> -> vector<32x64xf32>
      %dot_general3A_159 = arith.constant dense<0.000000e+00> : vector<32x64xf32>
      %dot_general3A_160 = tpu.matmul %get3A_138, %get3A_144, %dot_general3A_159 {dimension_numbers = #tpu.dot_dimension_numbers<[1], [0], [0], [1], [0, 0, 1, 1], [], []>, transpose_lhs_hint = false} : vector<32x256xf32>, vector<256x64xf32>, vector<32x64xf32> -> vector<32x64xf32>
      %dot_general3A_161 = arith.constant dense<0.000000e+00> : vector<1024x64xf32>
      %dot_general3A_162 = tpu.matmul %convert_element_type3A_104, %dot_general3A_158, %dot_general3A_161 {dimension_numbers = #tpu.dot_dimension_numbers<[1], [0], [0], [1], [0, 0, 1, 1], [], []>, transpose_lhs_hint = false} : vector<1024x32xf32>, vector<32x64xf32>, vector<1024x64xf32> -> vector<1024x64xf32>
      %dot_general3A_163 = arith.constant dense<0.000000e+00> : vector<1024x64xf32>
      %dot_general3A_164 = tpu.matmul %convert_element_type3A_129, %dot_general3A_160, %dot_general3A_163 {dimension_numbers = #tpu.dot_dimension_numbers<[1], [0], [0], [1], [0, 0, 1, 1], [], []>, transpose_lhs_hint = false} : vector<1024x32xf32>, vector<32x64xf32>, vector<1024x64xf32> -> vector<1024x64xf32>
      %add3A_165 = arith.addf %dot_general3A_162, %dot_general3A_164 : vector<1024x64xf32>
      %add3A_166 = vector.broadcast %get3A_147 : vector<1x64xf32> to vector<1024x64xf32>
      %add3A_167 = arith.addf %add3A_165, %add3A_166 : vector<1024x64xf32>
      %max3A = arith.constant 0.000000e+00 : f32
      %max3A_168 = vector.broadcast %max3A : f32 to vector<1024x64xf32>
      %max3A_169 = arith.maximumf %add3A_167, %max3A_168 : vector<1024x64xf32>
      %dot_general3A_170 = arith.constant dense<0.000000e+00> : vector<1024x1xf32>
      %dot_general3A_171 = tpu.matmul %max3A_169, %get3A_150, %dot_general3A_170 {dimension_numbers = #tpu.dot_dimension_numbers<[1], [0], [0], [1], [0, 0, 1, 1], [], []>, transpose_lhs_hint = false} : vector<1024x64xf32>, vector<64x1xf32>, vector<1024x1xf32> -> vector<1024x1xf32>
      %add3A_172 = vector.broadcast %get3A_153 : vector<1x1xf32> to vector<1024x1xf32>
      %add3A_173 = arith.addf %dot_general3A_171, %add3A_172 : vector<1024x1xf32>
      %logistic3A = arith.negf %add3A_173 : vector<1024x1xf32>
      %logistic3A_174 = math.exp %logistic3A : vector<1024x1xf32>
      %logistic3A_175 = arith.constant 1.000000e+00 : f32
      %logistic3A_176 = vector.broadcast %logistic3A_175 : f32 to vector<1024x1xf32>
      %logistic3A_177 = arith.addf %logistic3A_176, %logistic3A_174 : vector<1024x1xf32>
      %logistic3A_178 = arith.divf %logistic3A_176, %logistic3A_177 : vector<1024x1xf32>
      %mul3A_179 = arith.mulf %logistic3A_178, %broadcast_in_dim3A_135 : vector<1024x1xf32>
      %dot_general3A_180 = arith.constant dense<0.000000e+00> : vector<1024x256xf32>
      %dot_general3A_181 = tpu.matmul %convert_element_type3A_129, %get3A_138, %dot_general3A_180 {dimension_numbers = #tpu.dot_dimension_numbers<[1], [0], [0], [1], [0, 0, 1, 1], [], []>, transpose_lhs_hint = false} : vector<1024x32xf32>, vector<32x256xf32>, vector<1024x256xf32> -> vector<1024x256xf32>
      %mul3A_182 = vector.broadcast %mul3A_179 : vector<1024x1xf32> to vector<1024x256xf32>
      %mul3A_183 = arith.mulf %dot_general3A_181, %mul3A_182 : vector<1024x256xf32>
      %dot_general3A_184 = arith.constant dense<0.000000e+00> : vector<32x256xf32>
      %dot_general3A_185 = tpu.matmul %convert_element_type3A_104, %mul3A_183, %dot_general3A_184 {dimension_numbers = #tpu.dot_dimension_numbers<[0], [0], [1], [1], [0, 1, 1, 1], [], []>, transpose_lhs_hint = false} : vector<1024x32xf32>, vector<1024x256xf32>, vector<32x256xf32> -> vector<32x256xf32>
      %dot_general3A_186 = arith.constant dense<0.000000e+00> : vector<32x1xf32>
      %dot_general3A_187 = tpu.matmul %convert_element_type3A_104, %mul3A_179, %dot_general3A_186 {dimension_numbers = #tpu.dot_dimension_numbers<[0], [0], [1], [1], [0, 1, 1, 1], [], []>, transpose_lhs_hint = false} : vector<1024x32xf32>, vector<1024x1xf32>, vector<32x1xf32> -> vector<32x1xf32>
      %add3A_188 = arith.constant 9.99999971E-10 : f32
      %add3A_189 = vector.broadcast %add3A_188 : f32 to vector<32x1xf32>
      %add3A_190 = arith.addf %dot_general3A_187, %add3A_189 : vector<32x1xf32>
      %div3A_191 = vector.broadcast %add3A_190 : vector<32x1xf32> to vector<32x256xf32>
      %div3A_192 = arith.divf %dot_general3A_185, %div3A_191 : vector<32x256xf32>
      %add3A_193 = arith.addf %div3A_192, %get3A_138 : vector<32x256xf32>
      %dot_general3A_194 = arith.constant dense<0.000000e+00> : vector<32x256xf32>
      %dot_general3A_195 = tpu.matmul %add3A_193, %get3A_156, %dot_general3A_194 {dimension_numbers = #tpu.dot_dimension_numbers<[1], [0], [0], [1], [0, 0, 1, 1], [], []>, transpose_lhs_hint = false} : vector<32x256xf32>, vector<256x256xf32>, vector<32x256xf32> -> vector<32x256xf32>
      %max3A_196 = arith.constant 0.000000e+00 : f32
      %max3A_197 = vector.broadcast %max3A_196 : f32 to vector<32x256xf32>
      %max3A_198 = arith.maximumf %dot_general3A_195, %max3A_197 : vector<32x256xf32>
      %get3A_199 = arith.constant 0 : index
      %get3A_200 = arith.constant 0 : index
      %get3A_201 = vector.load %arg11[%get3A_199, %get3A_200] : memref<256x64xf32, #tpu.memory_space<vmem>>, vector<256x64xf32>
      %get3A_202 = arith.constant 0 : index
      %get3A_203 = arith.constant 0 : index
      %get3A_204 = vector.load %arg12[%get3A_202, %get3A_203] : memref<256x64xf32, #tpu.memory_space<vmem>>, vector<256x64xf32>
      %get3A_205 = arith.constant 0 : index
      %get3A_206 = arith.constant 0 : index
      %get3A_207 = vector.load %arg13[%get3A_205, %get3A_206] : memref<1x64xf32, #tpu.memory_space<vmem>>, vector<1x64xf32>
      %get3A_208 = arith.constant 0 : index
      %get3A_209 = arith.constant 0 : index
      %get3A_210 = vector.load %arg14[%get3A_208, %get3A_209] : memref<64x1xf32, #tpu.memory_space<vmem>>, vector<64x1xf32>
      %get3A_211 = arith.constant 0 : index
      %get3A_212 = arith.constant 0 : index
      %get3A_213 = vector.load %arg15[%get3A_211, %get3A_212] : memref<1x1xf32, #tpu.memory_space<vmem>>, vector<1x1xf32>
      %get3A_214 = arith.constant 0 : index
      %get3A_215 = arith.constant 0 : index
      %get3A_216 = vector.load %arg16[%get3A_214, %get3A_215] : memref<256x256xf32, #tpu.memory_space<vmem>>, vector<256x256xf32>
      %dot_general3A_217 = arith.constant dense<0.000000e+00> : vector<32x64xf32>
      %dot_general3A_218 = tpu.matmul %max3A_198, %get3A_201, %dot_general3A_217 {dimension_numbers = #tpu.dot_dimension_numbers<[1], [0], [0], [1], [0, 0, 1, 1], [], []>, transpose_lhs_hint = false} : vector<32x256xf32>, vector<256x64xf32>, vector<32x64xf32> -> vector<32x64xf32>
      %dot_general3A_219 = arith.constant dense<0.000000e+00> : vector<32x64xf32>
      %dot_general3A_220 = tpu.matmul %max3A_198, %get3A_204, %dot_general3A_219 {dimension_numbers = #tpu.dot_dimension_numbers<[1], [0], [0], [1], [0, 0, 1, 1], [], []>, transpose_lhs_hint = false} : vector<32x256xf32>, vector<256x64xf32>, vector<32x64xf32> -> vector<32x64xf32>
      %dot_general3A_221 = arith.constant dense<0.000000e+00> : vector<1024x64xf32>
      %dot_general3A_222 = tpu.matmul %convert_element_type3A_104, %dot_general3A_218, %dot_general3A_221 {dimension_numbers = #tpu.dot_dimension_numbers<[1], [0], [0], [1], [0, 0, 1, 1], [], []>, transpose_lhs_hint = false} : vector<1024x32xf32>, vector<32x64xf32>, vector<1024x64xf32> -> vector<1024x64xf32>
      %dot_general3A_223 = arith.constant dense<0.000000e+00> : vector<1024x64xf32>
      %dot_general3A_224 = tpu.matmul %convert_element_type3A_129, %dot_general3A_220, %dot_general3A_223 {dimension_numbers = #tpu.dot_dimension_numbers<[1], [0], [0], [1], [0, 0, 1, 1], [], []>, transpose_lhs_hint = false} : vector<1024x32xf32>, vector<32x64xf32>, vector<1024x64xf32> -> vector<1024x64xf32>
      %add3A_225 = arith.addf %dot_general3A_222, %dot_general3A_224 : vector<1024x64xf32>
      %add3A_226 = vector.broadcast %get3A_207 : vector<1x64xf32> to vector<1024x64xf32>
      %add3A_227 = arith.addf %add3A_225, %add3A_226 : vector<1024x64xf32>
      %max3A_228 = arith.constant 0.000000e+00 : f32
      %max3A_229 = vector.broadcast %max3A_228 : f32 to vector<1024x64xf32>
      %max3A_230 = arith.maximumf %add3A_227, %max3A_229 : vector<1024x64xf32>
      %dot_general3A_231 = arith.constant dense<0.000000e+00> : vector<1024x1xf32>
      %dot_general3A_232 = tpu.matmul %max3A_230, %get3A_210, %dot_general3A_231 {dimension_numbers = #tpu.dot_dimension_numbers<[1], [0], [0], [1], [0, 0, 1, 1], [], []>, transpose_lhs_hint = false} : vector<1024x64xf32>, vector<64x1xf32>, vector<1024x1xf32> -> vector<1024x1xf32>
      %add3A_233 = vector.broadcast %get3A_213 : vector<1x1xf32> to vector<1024x1xf32>
      %add3A_234 = arith.addf %dot_general3A_232, %add3A_233 : vector<1024x1xf32>
      %logistic3A_235 = arith.negf %add3A_234 : vector<1024x1xf32>
      %logistic3A_236 = math.exp %logistic3A_235 : vector<1024x1xf32>
      %logistic3A_237 = arith.constant 1.000000e+00 : f32
      %logistic3A_238 = vector.broadcast %logistic3A_237 : f32 to vector<1024x1xf32>
      %logistic3A_239 = arith.addf %logistic3A_238, %logistic3A_236 : vector<1024x1xf32>
      %logistic3A_240 = arith.divf %logistic3A_238, %logistic3A_239 : vector<1024x1xf32>
      %mul3A_241 = arith.mulf %logistic3A_240, %broadcast_in_dim3A_135 : vector<1024x1xf32>
      %dot_general3A_242 = arith.constant dense<0.000000e+00> : vector<1024x256xf32>
      %dot_general3A_243 = tpu.matmul %convert_element_type3A_129, %max3A_198, %dot_general3A_242 {dimension_numbers = #tpu.dot_dimension_numbers<[1], [0], [0], [1], [0, 0, 1, 1], [], []>, transpose_lhs_hint = false} : vector<1024x32xf32>, vector<32x256xf32>, vector<1024x256xf32> -> vector<1024x256xf32>
      %mul3A_244 = vector.broadcast %mul3A_241 : vector<1024x1xf32> to vector<1024x256xf32>
      %mul3A_245 = arith.mulf %dot_general3A_243, %mul3A_244 : vector<1024x256xf32>
      %dot_general3A_246 = arith.constant dense<0.000000e+00> : vector<32x256xf32>
      %dot_general3A_247 = tpu.matmul %convert_element_type3A_104, %mul3A_245, %dot_general3A_246 {dimension_numbers = #tpu.dot_dimension_numbers<[0], [0], [1], [1], [0, 1, 1, 1], [], []>, transpose_lhs_hint = false} : vector<1024x32xf32>, vector<1024x256xf32>, vector<32x256xf32> -> vector<32x256xf32>
      %dot_general3A_248 = arith.constant dense<0.000000e+00> : vector<32x1xf32>
      %dot_general3A_249 = tpu.matmul %convert_element_type3A_104, %mul3A_241, %dot_general3A_248 {dimension_numbers = #tpu.dot_dimension_numbers<[0], [0], [1], [1], [0, 1, 1, 1], [], []>, transpose_lhs_hint = false} : vector<1024x32xf32>, vector<1024x1xf32>, vector<32x1xf32> -> vector<32x1xf32>
      %add3A_250 = arith.constant 9.99999971E-10 : f32
      %add3A_251 = vector.broadcast %add3A_250 : f32 to vector<32x1xf32>
      %add3A_252 = arith.addf %dot_general3A_249, %add3A_251 : vector<32x1xf32>
      %div3A_253 = vector.broadcast %add3A_252 : vector<32x1xf32> to vector<32x256xf32>
      %div3A_254 = arith.divf %dot_general3A_247, %div3A_253 : vector<32x256xf32>
      %add3A_255 = arith.addf %div3A_254, %max3A_198 : vector<32x256xf32>
      %dot_general3A_256 = arith.constant dense<0.000000e+00> : vector<32x256xf32>
      %dot_general3A_257 = tpu.matmul %add3A_255, %get3A_216, %dot_general3A_256 {dimension_numbers = #tpu.dot_dimension_numbers<[1], [0], [0], [1], [0, 0, 1, 1], [], []>, transpose_lhs_hint = false} : vector<32x256xf32>, vector<256x256xf32>, vector<32x256xf32> -> vector<32x256xf32>
      %max3A_258 = arith.constant 0.000000e+00 : f32
      %max3A_259 = vector.broadcast %max3A_258 : f32 to vector<32x256xf32>
      %max3A_260 = arith.maximumf %dot_general3A_257, %max3A_259 : vector<32x256xf32>
      %get3A_261 = arith.constant 0 : index
      %get3A_262 = arith.constant 0 : index
      %get3A_263 = vector.load %arg17[%get3A_261, %get3A_262] : memref<256x128xf32, #tpu.memory_space<vmem>>, vector<256x128xf32>
      %dot_general3A_264 = arith.constant dense<0.000000e+00> : vector<32x128xf32>
      %dot_general3A_265 = tpu.matmul %max3A_260, %get3A_263, %dot_general3A_264 {dimension_numbers = #tpu.dot_dimension_numbers<[1], [0], [0], [1], [0, 0, 1, 1], [], []>, transpose_lhs_hint = false} : vector<32x256xf32>, vector<256x128xf32>, vector<32x128xf32> -> vector<32x128xf32>
      %get3A_266 = arith.constant 0 : index
      %get3A_267 = arith.constant 0 : index
      %get3A_268 = vector.load %arg18[%get3A_266, %get3A_267] : memref<1x128xf32, #tpu.memory_space<vmem>>, vector<1x128xf32>
      %add3A_269 = vector.broadcast %get3A_268 : vector<1x128xf32> to vector<32x128xf32>
      %add3A_270 = arith.addf %dot_general3A_265, %add3A_269 : vector<32x128xf32>
      %slice3A_271 = vector.extract_strided_slice %add3A_270 {offsets = [0, 0], sizes = [30, 128], strides = [1, 1]} : vector<32x128xf32> to vector<30x128xf32>
      %swap3A_272 = arith.constant 0 : index
      %swap3A_273 = arith.constant 0 : index
      %swap3A_274 = vector.load %arg19[%swap3A_272, %swap3A_273] : memref<30x128xf32, #tpu.memory_space<vmem>>, vector<30x128xf32>
      tpu.vector_store %arg19[%swap3A_272, %swap3A_273], %slice3A_271 {strides = array<i32>} : memref<30x128xf32, #tpu.memory_space<vmem>>, vector<30x128xf32>,
    } else {
    }
    return
  }
  func.func @transform_0(%arg0: i32) -> (i32, i32) {
    %c0_i32 = arith.constant 0 : i32
    %c0_i32_0 = arith.constant 0 : i32
    return %arg0, %c0_i32 : i32, i32
  }
  func.func @transform_1(%arg0: i32) -> (i32, i32) {
    %c0_i32 = arith.constant 0 : i32
    %c0_i32_0 = arith.constant 0 : i32
    return %arg0, %c0_i32 : i32, i32
  }
  func.func @transform_2(%arg0: i32) -> (i32, i32) {
    %c0_i32 = arith.constant 0 : i32
    %c0_i32_0 = arith.constant 0 : i32
    %c0_i32_1 = arith.constant 0 : i32
    return %c0_i32, %c0_i32_0 : i32, i32
  }
  func.func @transform_3(%arg0: i32) -> (i32, i32) {
    %c0_i32 = arith.constant 0 : i32
    %c0_i32_0 = arith.constant 0 : i32
    %c0_i32_1 = arith.constant 0 : i32
    return %c0_i32, %c0_i32_0 : i32, i32
  }
  func.func @transform_4(%arg0: i32) -> (i32, i32) {
    %c0_i32 = arith.constant 0 : i32
    %c0_i32_0 = arith.constant 0 : i32
    %c0_i32_1 = arith.constant 0 : i32
    return %c0_i32, %c0_i32_0 : i32, i32
  }
  func.func @transform_5(%arg0: i32) -> (i32, i32) {
    %c0_i32 = arith.constant 0 : i32
    %c0_i32_0 = arith.constant 0 : i32
    %c0_i32_1 = arith.constant 0 : i32
    return %c0_i32, %c0_i32_0 : i32, i32
  }
  func.func @transform_6(%arg0: i32) -> (i32, i32) {
    %c0_i32 = arith.constant 0 : i32
    %c0_i32_0 = arith.constant 0 : i32
    %c0_i32_1 = arith.constant 0 : i32
    return %c0_i32, %c0_i32_0 : i32, i32
  }
  func.func @transform_7(%arg0: i32) -> (i32, i32) {
    %c0_i32 = arith.constant 0 : i32
    %c0_i32_0 = arith.constant 0 : i32
    %c0_i32_1 = arith.constant 0 : i32
    return %c0_i32, %c0_i32_0 : i32, i32
  }
  func.func @transform_8(%arg0: i32) -> (i32, i32) {
    %c0_i32 = arith.constant 0 : i32
    %c0_i32_0 = arith.constant 0 : i32
    %c0_i32_1 = arith.constant 0 : i32
    return %c0_i32, %c0_i32_0 : i32, i32
  }
  func.func @transform_9(%arg0: i32) -> (i32, i32) {
    %c0_i32 = arith.constant 0 : i32
    %c0_i32_0 = arith.constant 0 : i32
    %c0_i32_1 = arith.constant 0 : i32
    return %c0_i32, %c0_i32_0 : i32, i32
  }
  func.func @transform_10(%arg0: i32) -> (i32, i32) {
    %c0_i32 = arith.constant 0 : i32
    %c0_i32_0 = arith.constant 0 : i32
    %c0_i32_1 = arith.constant 0 : i32
    return %c0_i32, %c0_i32_0 : i32, i32
  }
  func.func @transform_11(%arg0: i32) -> (i32, i32) {
    %c0_i32 = arith.constant 0 : i32
    %c0_i32_0 = arith.constant 0 : i32
    %c0_i32_1 = arith.constant 0 : i32
    return %c0_i32, %c0_i32_0 : i32, i32
  }
  func.func @transform_12(%arg0: i32) -> (i32, i32) {
    %c0_i32 = arith.constant 0 : i32
    %c0_i32_0 = arith.constant 0 : i32
    %c0_i32_1 = arith.constant 0 : i32
    return %c0_i32, %c0_i32_0 : i32, i32
  }
  func.func @transform_13(%arg0: i32) -> (i32, i32) {
    %c0_i32 = arith.constant 0 : i32
    %c0_i32_0 = arith.constant 0 : i32
    %c0_i32_1 = arith.constant 0 : i32
    return %c0_i32, %c0_i32_0 : i32, i32
  }
  func.func @transform_14(%arg0: i32) -> (i32, i32) {
    %c0_i32 = arith.constant 0 : i32
    %c0_i32_0 = arith.constant 0 : i32
    %c0_i32_1 = arith.constant 0 : i32
    return %c0_i32, %c0_i32_0 : i32, i32
  }
  func.func @transform_15(%arg0: i32) -> (i32, i32) {
    %c0_i32 = arith.constant 0 : i32
    %c0_i32_0 = arith.constant 0 : i32
    %c0_i32_1 = arith.constant 0 : i32
    return %c0_i32, %c0_i32_0 : i32, i32
  }
  func.func @transform_16(%arg0: i32) -> (i32, i32) {
    %c0_i32 = arith.constant 0 : i32
    %c0_i32_0 = arith.constant 0 : i32
    %c0_i32_1 = arith.constant 0 : i32
    return %c0_i32, %c0_i32_0 : i32, i32
  }
  func.func @transform_17(%arg0: i32) -> (i32, i32) {
    %c0_i32 = arith.constant 0 : i32
    %c0_i32_0 = arith.constant 0 : i32
    %c0_i32_1 = arith.constant 0 : i32
    return %c0_i32, %c0_i32_0 : i32, i32
  }
  func.func @transform_18(%arg0: i32) -> (i32, i32) {
    %c0_i32 = arith.constant 0 : i32
    %c0_i32_0 = arith.constant 0 : i32
    %c0_i32_1 = arith.constant 0 : i32
    return %c0_i32, %c0_i32_0 : i32, i32
  }
  func.func @transform_19(%arg0: i32) -> (i32, i32) {
    %c0_i32 = arith.constant 0 : i32
    %c0_i32_0 = arith.constant 0 : i32
    %c0_i32_1 = arith.constant 0 : i32
    return %c0_i32, %c0_i32_0 : i32, i32
  }
  func.func @transform_20(%arg0: i32) -> (i32, i32) {
    %c0_i32 = arith.constant 0 : i32
    %c0_i32_0 = arith.constant 0 : i32
    %c0_i32_1 = arith.constant 0 : i32
    return %c0_i32, %c0_i32_0 : i32, i32
  }
}

</mosaic_0001>

<sc_bundles>
// kernel: kernel.5.cloned.1.call-start
scs
__scs_entry_jumppad:
0x0: {  	(pc) =	sbr.rel $0x88, $3  }
0x1: {  	(tag) =	ssettag $0x0;
	lr =	simm.s32 $0x1  }
0x2: {  	[smem:$0x3F8F] =	sst lr;
	_ =	strace $0xD0000000  }
0x3: {  	_ = 	snop  }
0x4: {  	_ = 	snop  }
0x5: {  	_ = 	snop  }
0x6: {  	_ = 	snop  }
0x7: {  	_ = 	snop  }
__scs_overlays_trampoline_lowered:
0x8: {  	[smem:$0x3F9E] =	sst s0  }
0x9: {  	[smem:$0x3F9F] =	sst s1  }
0xa: {  	[smem:$0x3FA0] =	sst s2  }
0xb: {  	[smem:$0x3FA1] =	sst s3  }
0xc: {  	[smem:$0x3FA2] =	sst s4  }
0xd: {  	[smem:$0x3FA3] =	sst s5  }
0xe: {  	[smem:$0x3FA4] =	sst s6  }
0xf: {  	[smem:$0x3FA5] =	sst s7  }
0x10: {  	[smem:$0x3FA6] =	sst s8  }
0x11: {  	[smem:$0x3FA7] =	sst s9;
	s0 =	simm.s32 @!p0 $0x0  }
0x12: {  	s1 =	sld [smem:$0x3F8D];
	s0 =	simm.s32 @p0 $0x1  }
0x13: {  	[smem:$0x3FA8] =	sst s0;
	s0 =	simm.s32 @!p1 $0x0  }
0x14: {  	s2 =	sld [smem:$0x3F8C];
	s0 =	simm.s32 @p1 $0x1  }
0x15: {  	[smem:$0x3FA9] =	sst s0;
	s0 =	simm.s32 @!p2 $0x0  }
0x16: {  	s3 =	sld [smem:$0x3FDB];
	s0 =	simm.s32 @p2 $0x1  }
0x17: {  	s4 =	simm.s32 $0x1BF5;
	[smem:$0x3FAB] =	sst s0  }
0x18: {  	s0 =	sld [smem:$0x3F8E];
	_ =	swait.ge [sflag:s4], $0x0  }
0x19: {  	s7 =	sld [smem:$0x3F8F]  }
0x1a: {  	s8 =	sadd.s32 $0xFFFFE003, lr  }
0x1b: {  	s9 =	sadd.s32 $0xFFFFFEF7, lr;
	s5 =	simm.s32 $0xFFFFFFFF;
	p2 =	slt.u32 s8, $0xFFFFF086  }
0x1c: {  	p1 =	slt.u32 s9, $0xF7A;
	s5 =	simm.s32 @!p2 $0x0  }
0x1d: {  	s5 =	simm.s32 @p1 $0x1;
	p0 =	seq.s32 s7, s2  }
0x1e: {  	s7 =	smul.u32 @!p0 $0xF7A, s2;
	p2 =	seq.s32 @!p0 s5, $0x0  }
0x1f: {  	s9 =	smul.u32 $0xF7A, s1;
	s8 =	simm.s32 @!p0 $0x1BF5;
	p2 =	por !p2, p0  }
0x20: {  	[sflag:s8] =	ssyncset.s32 @!p0 $0xFFFFF086;
	s6 =	sadd.s32 @!p0 s3, s7;
	s7 =	simm.s32 @!p0 $0x108  }
0x21: {  	s3 =	sadd.s32 s3, s9;
	s6 =	sadd.s32 @!p0 $0x88, s6;
	s7 =	simm.s32 @p2 $0x1082  }
0x22: {  	[simem:s7], [sflag:s8] =	dma.local @!p0 [hbm:s6], $0xF7A  }
0x23: {  	s9 =	sor.u32 $0xD0000000, s2;
	s6 =	simm.s32 $0x108;
	_ =	swait.ge @!p0 [sflag:s8], $0x0  }
0x24: {  	s3 =	sadd.s32 $0x88, s3;
	s6 =	simm.s32 @!p1 $0x1082;
	[sflag:s4] =	ssyncset.s32 $0xFFFFF086  }
0x25: {  	[simem:s6], [sflag:s4] =	dma.local [hbm:s3], $0xF7A  }
0x26: {  	[smem:$0x3F8F] =	sst s1;
	(tag) =	ssettag s2;
	_ =	strace s9  }
0x27: {  	s1 =	sld [smem:$0x3F9F]  }
0x28: {  	s2 =	sld [smem:$0x3FA0]  }
0x29: {  	s4 =	sld [smem:$0x3FA2]  }
0x2a: {  	p0 =	seq.s32 s5, $0x0;
	s5 =	sld [smem:$0x3FA3]  }
0x2b: {  	s6 =	sld [smem:$0x3FA4]  }
0x2c: {  	s7 =	sld [smem:$0x3FA5]  }
0x2d: {  	s3 =	simm.s32 $0x108;
	s8 =	sld [smem:$0x3FA6]  }
0x2e: {  	s3 =	simm.s32 @!p0 $0x1082;
	s9 =	sld [smem:$0x3FA7]  }
0x2f: {  	lr =	sadd.s32 s0, s3;
	s0 =	sld [smem:$0x3F9E]  }
0x30: {  	s3 =	sld [smem:$0x3FA1]  }
0x31: {  	[smem:$0x3FAA] =	sst s10  }
0x32: {  	s10 =	sld [smem:$0x3FA8];
	_ =	sdelay $0x3  }
0x33: {  	p0 =	seq.s32 s10, $0x1;
	s10 =	sld [smem:$0x3FAA];
	_ =	sdelay $0x3  }
0x34: {  	[smem:$0x3FAA] =	sst s10  }
0x35: {  	s10 =	sld [smem:$0x3FA9];
	_ =	sdelay $0x3  }
0x36: {  	p1 =	seq.s32 s10, $0x1;
	s10 =	sld [smem:$0x3FAA];
	_ =	sdelay $0x3  }
0x37: {  	[smem:$0x3FAA] =	sst s10  }
0x38: {  	s10 =	sld [smem:$0x3FAB]  }
0x39: {  	_ = 	snop;
	(pc) =	sbr.ind lr, $3  }
0x3a: {  	_ = 	snop  }
0x3b: {  	_ = 	snop  }
0x3c: {  	p2 =	seq.s32 s10, $0x1;
	s10 =	sld [smem:$0x3FAA]  }
0x3d: {  	_ =	shalt  }
0x3e: {  	_ =	shalt  }
0x3f: {  	_ =	shalt  }
0x40: {  	_ =	shalt  }
0x41: {  	_ =	shalt  }
0x42: {  	_ =	shalt  }
0x43: {  	_ =	shalt  }
0x44: {  	_ =	shalt  }
0x45: {  	_ =	shalt  }
0x46: {  	_ =	shalt  }
0x47: {  	_ =	shalt  }
0x48: {  	_ =	shalt  }
0x49: {  	_ =	shalt  }
0x4a: {  	_ =	shalt  }
0x4b: {  	_ =	shalt  }
0x4c: {  	_ =	shalt  }
0x4d: {  	_ =	shalt  }
0x4e: {  	_ =	shalt  }
0x4f: {  	_ =	shalt  }
0x50: {  	_ =	shalt  }
0x51: {  	_ =	shalt  }
0x52: {  	_ =	shalt  }
0x53: {  	_ =	shalt  }
0x54: {  	_ =	shalt  }
0x55: {  	_ =	shalt  }
0x56: {  	_ =	shalt  }
0x57: {  	_ =	shalt  }
0x58: {  	_ =	shalt  }
0x59: {  	_ =	shalt  }
0x5a: {  	_ =	shalt  }
0x5b: {  	_ =	shalt  }
0x5c: {  	_ =	shalt  }
0x5d: {  	_ =	shalt  }
0x5e: {  	_ =	shalt  }
0x5f: {  	_ =	shalt  }
0x60: {  	_ =	shalt  }
0x61: {  	_ =	shalt  }
0x62: {  	_ =	shalt  }
0x63: {  	_ =	shalt  }
0x64: {  	_ =	shalt  }
0x65: {  	_ =	shalt  }
0x66: {  	_ =	shalt  }
0x67: {  	_ =	shalt  }
0x68: {  	_ =	shalt  }
0x69: {  	_ =	shalt  }
0x6a: {  	_ =	shalt  }
0x6b: {  	_ =	shalt  }
0x6c: {  	_ =	shalt  }
0x6d: {  	_ =	shalt  }
0x6e: {  	_ =	shalt  }
0x6f: {  	_ =	shalt  }
0x70: {  	_ =	shalt  }
0x71: {  	_ =	shalt  }
0x72: {  	_ =	shalt  }
0x73: {  	_ =	shalt  }
0x74: {  	_ =	shalt  }
0x75: {  	_ =	shalt  }
0x76: {  	_ =	shalt  }
0x77: {  	_ =	shalt  }
0x78: {  	_ =	shalt  }
0x79: {  	_ =	shalt  }
0x7a: {  	_ =	shalt  }
0x7b: {  	_ =	shalt  }
0x7c: {  	_ =	shalt  }
0x7d: {  	_ =	shalt  }
0x7e: {  	_ =	shalt  }
0x7f: {  	_ =	shalt  }
0x80: {  	_ =	shalt  }
0x81: {  	_ =	shalt  }
0x82: {  	_ =	shalt  }
0x83: {  	_ =	shalt  }
0x84: {  	_ =	shalt  }
0x85: {  	_ =	shalt  }
0x86: {  	_ =	shalt  }
0x87: {  	_ =	shalt  }
.Lfunc_end0:
.L_simem_size_0:
called_computation_lowered:
.L_overlay_start_0:
0x88: {  	s2 =	sld [smem:$0x3FD9]  }
0x89: {  	s3 =	sld [smem:$0x3FFE];
	_ =	sdelay $0x1  }
0x8a: {  	s1 =	srdreg.scid  }
0x8b: {  	s0 =	sand.u32 $0x1, s1  }
0x8c: {  	s16 =	sshll.u32 s0, $0xA;
	s2 =	sadd.s32 s3, s2  }
0x8d: {  	s2 =	sadd.s32 s2, s16  }
0x8e: {  	[smem:$0x3FB6] =	sst s2  }
0x8f: {  	_ = 	snop  }
0x90: {  	(tm) =	ssettm $0x1  }
0x91: {  	s17 =	sld [smem:$0x3FFB];
	_ =	sdelay $0x3  }
0x92: {  	_ =	strace s17  }
0x93: {  	s2 =	sld [smem:$0x3FFC];
	_ =	sdelay $0x3  }
0x94: {  	_ =	strace s2  }
0x95: {  	s2 =	sld [smem:$0x3FFD];
	_ =	sdelay $0x3  }
0x96: {  	_ =	strace s2  }
0x97: {  	_ =	strace $0x8FFFFFFF  }
0x98: {  	s18 =	sld [smem:$0x3FDB];
	_ =	sdelay $0x1  }
0x99: {  	s19 =	simm.s32 $_scs_section_size  }
0x9a: {  	s4 =	simm.s32 $_size__tile_overlayer_lowered;
	s5 =	simm.s32 $_tile_overlayer_lowered  }
0x9b: {  	s22 =	simm.s32 $0x1BFF;
	s21 =	sshll.u32 s5, $0x1;
	s2 =	sadd.s32 s19, s18  }
0x9c: {  	s6 =	simm.s32 $0x0;
	s20 =	sshll.u32 s4, $0x1;
	s4 =	sadd.s32 s21, s2  }
0x9d: {  	[timem:s6], [sflag:s22] =	dma.local [hbm:s4], s20  }
0x9e: {  	_ =	swait.ge [sflag:s22], s20  }
0x9f: {  	s3 =	ssub.s32 $0x0, s20;
	[sflag:s22] =	ssyncset.done $0x0  }
0xa0: {  	[sflag:s22] =	ssyncadd.s32 s3;
	_ =	sdelay $0x1  }
0xa1: {  	s23 =	simm.s32 $0x1B8B  }
0xa2: {  	_ =	swait.ge [sflag:s23], $0x1  }
0xa3: {  	[sflag:s23] =	ssyncset.done $0x0  }
0xa4: {  	s25 =	simm.s32 $0x1B8E;
	s24 =	sld [smem:$0x3FFE];
	[sflag:s23] =	ssyncadd.s32 $0xFFFFFFFF  }
0xa5: {  	s26 =	simm.s32 $execute0_lowered;
	[smem:$0x3FD2] =	sst s25  }
0xa6: {  	s4 =	sshll.u32 s26, $0x1;
	_ =	strace $0x80000046;
	[dreg:$0x1] =	wrdreg $0xFFFFFFFF  }
0xa7: {  	s28 =	simm.s32 $_size_execute0_lowered;
	s2 =	sadd.s32 s2, s4;
	[dreg:$0x0] =	wrdreg $0x0  }
0xa8: {  	s4 =	sshll.u32 s28, $0x1;
	[dreg:$0x2] =	wrdreg s2  }
0xa9: {  	[dreg:$0x3] =	wrdreg s4  }
0xaa: {  	[dreg:$0x4] =	wrdreg $0xC0  }
0xab: {  	_ =	task [dreg:s6], $0x5FFFF  }
0xac: {  	[dreg:$0x1] =	wrdreg $0xFFFFFFFF  }
0xad: {  	[dreg:$0x0] =	wrdreg $0x60  }
0xae: {  	[dreg:$0x2] =	wrdreg s24  }
0xaf: {  	[dreg:$0x3] =	wrdreg $0x108000  }
0xb0: {  	[dreg:$0x4] =	wrdreg $0x9  }
0xb1: {  	_ =	task.clear_ibuf [dreg:s6], $0x5FFFF;
	_ =	strace $0x90000046  }
0xb2: {  	s29 =	simm.s32 $0x9;
	_ =	strace $0x80000048  }
0xb3: {  	_ =	swait.ge [sflag:s29], $0x1  }
0xb4: {  	[sflag:s29] =	ssyncadd.s32 $0xFFFFFFFF  }
0xb5: {  	_ =	strace $0x90000048  }
0xb6: {  	_ =	sfence  }
0xb7: {  	s30 =	sld [smem:$0x0];
	_ =	sdelay $0x2  }
0xb8: {  	s31 =	sshll.u32 s1, $0xD;
	s1 =	sshrl.u32 s1, $0x2  }
0xb9: {  	s3 =	sand.u32 $0x4000, s31;
	s1 =	sadd.s32 s1, s30  }
0xba: {  	s0 =	sor.u32 s3, s0;
	s1 =	sshll.u32 s1, $0x11  }
0xbb: {  	s0 =	sor.u32 s1, s0  }
0xbc: {  	s0 =	sadd.s32 $0x8F2B, s0  }
0xbd: {  	[sflag:s0] =	ssyncadd.remote.s32 $0x1  }
0xbe: {  	_ =	sfence.sel $0xFFFF  }
0xbf: {  	[dreg:$0x0] =	wrdreg $0xFFFFFFFF;
	(pc) =	sbr.abs _section_cstart, $3  }
0xc0: {  	[dreg:$0x1] =	wrdreg $0xFFFFFFFF  }
0xc1: {  	_ =	task.clear_ibuf [dreg:s6], $0x2FFFF;
	_ =	strace $0x9FFFFFFF  }
0xc2: {  	(tm) =	ssettm $0x7FFFFFFF  }
0xc3: {  	_ =	shalt  }
tec
execute0_lowered:
.L_overlay_start_1:
0x0: {  	(tag) =	ssettag $0x1  }
0x1: {  	s4 =	rddreg [dreg:$0x0]  }
0x2: {  	s2 =	rddreg [dreg:$0x1];
	s3 =	simm.s32 $0x0;
	s10 =	stileid.u32  }
0x3: {  	s0 =	srdreg.scid;
	[smem:$0x7FF] =	sst s3;
	s8 =	sadd.s32 $0xC600, s4  }
0x4: {  	s7 =	smul.u32 $0x4F00, s10;
	s6 =	sadd.s32 $0x7600, s4;
	s5 =	sadd.s32 $0x2600, s4  }
0x5: {  	s0 =	sand.u32 $0x1, s0;
	s10 =	sshll.u32 s10, $0x1;
	_ =	strace $0x80000047  }
0x6: {  	s9 =	sshrl.u32 s7, $0x3;
	s11 =	sadd.s32 $0x4000, s7;
	s22 =	sadd.s32 s7, s2  }
0x7: {  	s7 =	sor.u32 s0, s10;
	s9 =	sadd.s32 s8, s9;
	[dreg:$0x4] =	wrdreg s22  }
0x8: {  	s12 =	sshrl.u32 s11, $0x3;
	s23 =	sadd.s32 s11, s2;
	[dreg:$0x3] =	wrdreg s9  }
0x9: {  	s24 =	sshll.u32 s7, $0x6;
	s8 =	sadd.s32 s8, s12;
	[dreg:$0x6] =	wrdreg s23  }
0xa: {  	s1 =	sadd.s32 $0x16400, s4;
	s25 =	sadd.s32 s6, s24;
	[dreg:$0x5] =	wrdreg s8  }
0xb: {  	s9 =	sadd.s32 s5, s24;
	s12 =	sshll.u32 s7, $0xB;
	[dreg:$0x7] =	wrdreg s25  }
0xc: {  	s4 =	sadd.s32 $0xB6400, s4;
	[dreg:$0x8] =	wrdreg s9;
	s15 =	sadd.s32 s1, s12  }
0xd: {  	s16 =	sor.u32 $0x4, s12;
	s21 =	sadd.s32 s4, s12;
	[dreg:$0xb] =	wrdreg s15  }
0xe: {  	s13 =	sor.u32 $0x8, s12;
	s17 =	sadd.s32 s1, s16;
	[dreg:$0x10] =	wrdreg s21  }
0xf: {  	s14 =	sor.u32 $0xC, s12;
	s18 =	sadd.s32 s1, s13;
	[dreg:$0xc] =	wrdreg s17  }
0x10: {  	s19 =	sadd.s32 s1, s14;
	[dreg:$0xd] =	wrdreg s18  }
0x11: {  	s22 =	sadd.s32 s4, s16;
	[dreg:$0xe] =	wrdreg s19  }
0x12: {  	s8 =	sor.u32 $0x20, s7;
	s23 =	sadd.s32 s4, s13;
	[dreg:$0x11] =	wrdreg s22  }
0x13: {  	s26 =	sshll.u32 s8, $0x6;
	s24 =	sadd.s32 s4, s14;
	[dreg:$0x12] =	wrdreg s23  }
0x14: {  	s11 =	sor.u32 $0x40, s7;
	s31 =	sadd.s32 s6, s26;
	[dreg:$0x13] =	wrdreg s24  }
0x15: {  	s15 =	sshll.u32 s11, $0x6;
	s10 =	sadd.s32 s5, s26;
	[dreg:$0x9] =	wrdreg s31  }
0x16: {  	s20 =	sadd.s32 s6, s15;
	[dreg:$0xa] =	wrdreg s10  }
0x17: {  	s8 =	sshll.u32 s8, $0xB;
	s25 =	sadd.s32 s5, s15;
	[dreg:$0xf] =	wrdreg s20  }
0x18: {  	s11 =	sshll.u32 s11, $0xB;
	s26 =	sadd.s32 s1, s8;
	[dreg:$0x14] =	wrdreg s25  }
0x19: {  	s14 =	sor.u32 $0x8, s8;
	s24 =	sadd.s32 s1, s11;
	[dreg:$0x15] =	wrdreg s26  }
0x1a: {  	s16 =	sor.u32 $0xC, s8;
	s15 =	sadd.s32 s1, s14;
	[dreg:$0x1f] =	wrdreg s24  }
0x1b: {  	s17 =	sadd.s32 s1, s16;
	[dreg:$0x17] =	wrdreg s15  }
0x1c: {  	s31 =	sor.u32 $0x4, s8;
	s8 =	sadd.s32 s4, s8;
	[dreg:$0x18] =	wrdreg s17  }
0x1d: {  	s21 =	sadd.s32 s4, s14;
	[dreg:$0x1a] =	wrdreg s8  }
0x1e: {  	s22 =	sadd.s32 s4, s16;
	[dreg:$0x1c] =	wrdreg s21  }
0x1f: {  	s10 =	sor.u32 $0x60, s7;
	s13 =	sadd.s32 s1, s31;
	[dreg:$0x1d] =	wrdreg s22  }
0x20: {  	s25 =	sor.u32 $0x4, s11;
	s20 =	sadd.s32 s4, s31;
	[dreg:$0x16] =	wrdreg s13  }
0x21: {  	s18 =	sshll.u32 s10, $0x6;
	s26 =	sadd.s32 s1, s25;
	[dreg:$0x1b] =	wrdreg s20  }
0x22: {  	s9 =	sor.u32 $0x80, s7;
	s19 =	sadd.s32 s6, s18;
	[smem:$0x7B3] =	sst s26  }
0x23: {  	s31 =	sor.u32 $0x8, s11;
	s23 =	sadd.s32 s5, s18;
	[dreg:$0x19] =	wrdreg s19  }
0x24: {  	s15 =	sor.u32 $0xC, s11;
	s14 =	sadd.s32 s1, s31;
	[dreg:$0x1e] =	wrdreg s23  }
0x25: {  	s17 =	sshll.u32 s9, $0x6;
	s16 =	sadd.s32 s1, s15;
	[smem:$0x7B4] =	sst s14  }
0x26: {  	s18 =	sadd.s32 s6, s17;
	[smem:$0x7B5] =	sst s16  }
0x27: {  	s20 =	sadd.s32 s4, s25;
	[smem:$0x7B6] =	sst s18  }
0x28: {  	s21 =	sadd.s32 s4, s31;
	[smem:$0x7B8] =	sst s20  }
0x29: {  	s10 =	sshll.u32 s10, $0xB;
	s22 =	sadd.s32 s4, s15;
	[smem:$0x7B9] =	sst s21  }
0x2a: {  	s24 =	sadd.s32 s1, s10;
	[smem:$0x7BA] =	sst s22  }
0x2b: {  	s19 =	sadd.s32 s4, s11;
	[smem:$0x7BC] =	sst s24  }
0x2c: {  	s25 =	sor.u32 $0x4, s10;
	s23 =	sadd.s32 s5, s17;
	[smem:$0x7B7] =	sst s19  }
0x2d: {  	s31 =	sor.u32 $0x8, s10;
	s26 =	sadd.s32 s1, s25;
	[smem:$0x7BB] =	sst s23  }
0x2e: {  	s15 =	sor.u32 $0xC, s10;
	s14 =	sadd.s32 s1, s31;
	[smem:$0x7BD] =	sst s26  }
0x2f: {  	s16 =	sadd.s32 s1, s15;
	[smem:$0x7BE] =	sst s14  }
0x30: {  	s20 =	sadd.s32 s4, s25;
	[smem:$0x7BF] =	sst s16  }
0x31: {  	s21 =	sadd.s32 s4, s31;
	[smem:$0x7C2] =	sst s20  }
0x32: {  	s9 =	sshll.u32 s9, $0xB;
	s22 =	sadd.s32 s4, s15;
	[smem:$0x7C3] =	sst s21  }
0x33: {  	s24 =	sadd.s32 s1, s9;
	[smem:$0x7C4] =	sst s22  }
0x34: {  	s25 =	sor.u32 $0x4, s9;
	s19 =	sadd.s32 s4, s10;
	[smem:$0x7C6] =	sst s24  }
0x35: {  	s31 =	sor.u32 $0x8, s9;
	s26 =	sadd.s32 s1, s25;
	[smem:$0x7C1] =	sst s19  }
0x36: {  	s15 =	sor.u32 $0xC, s9;
	s14 =	sadd.s32 s1, s31;
	[smem:$0x7C7] =	sst s26  }
0x37: {  	s16 =	sadd.s32 s1, s15;
	[smem:$0x7C8] =	sst s14  }
0x38: {  	s20 =	sadd.s32 s4, s25;
	[smem:$0x7C9] =	sst s16  }
0x39: {  	s11 =	sor.u32 $0xA0, s7;
	s21 =	sadd.s32 s4, s31;
	[smem:$0x7CC] =	sst s20  }
0x3a: {  	s17 =	sshll.u32 s11, $0x6;
	s22 =	sadd.s32 s4, s15;
	[smem:$0x7CD] =	sst s21  }
0x3b: {  	s18 =	sadd.s32 s6, s17;
	[smem:$0x7CE] =	sst s22  }
0x3c: {  	s10 =	sor.u32 $0xC0, s7;
	s23 =	sadd.s32 s5, s17;
	[smem:$0x7C0] =	sst s18  }
0x3d: {  	s11 =	sshll.u32 s11, $0xB;
	s19 =	sadd.s32 s4, s9;
	[smem:$0x7C5] =	sst s23  }
0x3e: {  	s17 =	sshll.u32 s10, $0x6;
	s24 =	sadd.s32 s1, s11;
	[smem:$0x7CB] =	sst s19  }
0x3f: {  	s18 =	sadd.s32 s6, s17;
	[smem:$0x7D0] =	sst s24  }
0x40: {  	s25 =	sor.u32 $0x4, s11;
	s23 =	sadd.s32 s5, s17;
	[smem:$0x7CA] =	sst s18  }
0x41: {  	s31 =	sor.u32 $0x8, s11;
	s26 =	sadd.s32 s1, s25;
	[smem:$0x7CF] =	sst s23  }
0x42: {  	s15 =	sor.u32 $0xC, s11;
	s14 =	sadd.s32 s1, s31;
	[smem:$0x7D1] =	sst s26  }
0x43: {  	s28 =	simm.s32 $0x400;
	s16 =	sadd.s32 s1, s15;
	[smem:$0x7D2] =	sst s14  }
0x44: {  	s30 =	simm.s32 $0x6;
	s19 =	sadd.s32 s4, s11;
	[smem:$0x7D3] =	sst s16  }
0x45: {  	s29 =	simm.s32 $0x4;
	s20 =	sadd.s32 s4, s25;
	[smem:$0x7D5] =	sst s19  }
0x46: {  	s9 =	sor.u32 $0xE0, s7;
	s21 =	sadd.s32 s4, s31;
	[smem:$0x7D6] =	sst s20  }
0x47: {  	s10 =	sshll.u32 s10, $0xB;
	s22 =	sadd.s32 s4, s15;
	[smem:$0x7D7] =	sst s21  }
0x48: {  	s17 =	sshll.u32 s9, $0x6;
	s24 =	sadd.s32 s1, s10;
	[smem:$0x7D8] =	sst s22  }
0x49: {  	p0 =	por $0x0, $0x0;
	s18 =	sadd.s32 s6, s17;
	[smem:$0x7DA] =	sst s24  }
0x4a: {  	s25 =	sor.u32 $0x4, s10;
	s23 =	sadd.s32 s5, s17;
	[smem:$0x7D4] =	sst s18  }
0x4b: {  	s31 =	sor.u32 $0x8, s10;
	s26 =	sadd.s32 s1, s25;
	[smem:$0x7D9] =	sst s23  }
0x4c: {  	s15 =	sor.u32 $0xC, s10;
	s14 =	sadd.s32 s1, s31;
	[smem:$0x7DB] =	sst s26  }
0x4d: {  	s0 =	ssub.s32 $0x2, s0;
	s16 =	sadd.s32 s1, s15;
	[smem:$0x7DC] =	sst s14  }
0x4e: {  	s8 =	simm.s32 $0x80;
	s19 =	sadd.s32 s4, s10;
	[smem:$0x7DD] =	sst s16  }
0x4f: {  	s11 =	sor.u32 $0x100, s7;
	s20 =	sadd.s32 s4, s25;
	[smem:$0x7DF] =	sst s19  }
0x50: {  	s7 =	sor.u32 $0x120, s7;
	s21 =	sadd.s32 s4, s31;
	[smem:$0x7E0] =	sst s20  }
0x51: {  	s9 =	sshll.u32 s9, $0xB;
	s22 =	sadd.s32 s4, s15;
	[smem:$0x7E1] =	sst s21  }
0x52: {  	s17 =	sshll.u32 s11, $0x6;
	s24 =	sadd.s32 s1, s9;
	[smem:$0x7E2] =	sst s22  }
0x53: {  	s25 =	sor.u32 $0x4, s9;
	s18 =	sadd.s32 s6, s17;
	[smem:$0x7E4] =	sst s24  }
0x54: {  	s31 =	sor.u32 $0x8, s9;
	s23 =	sadd.s32 s5, s17;
	[smem:$0x7DE] =	sst s18  }
0x55: {  	s10 =	simm.s32 $0x4800;
	s26 =	sadd.s32 s1, s25;
	[smem:$0x7E3] =	sst s23  }
0x56: {  	s13 =	sadd.s32 s1, s31;
	s14 =	sor.u32 $0xC, s9;
	[smem:$0x7E5] =	sst s26  }
0x57: {  	s16 =	sshll.u32 s7, $0x6;
	s17 =	sadd.s32 s4, s9;
	[smem:$0x7E6] =	sst s13  }
0x58: {  	s19 =	sadd.s32 s4, s31;
	s21 =	sshll.u32 s11, $0xB;
	[smem:$0x7E9] =	sst s17  }
0x59: {  	s9 =	simm.s32 $0x9;
	s15 =	sadd.s32 s1, s14;
	[smem:$0x7EB] =	sst s19  }
0x5a: {  	s6 =	sadd.s32 s6, s16;
	s18 =	sadd.s32 s4, s25;
	[smem:$0x7E7] =	sst s15  }
0x5b: {  	s20 =	sadd.s32 s4, s14;
	s5 =	sadd.s32 s5, s16;
	[smem:$0x7E8] =	sst s6  }
0x5c: {  	s22 =	sadd.s32 s1, s21;
	s23 =	sor.u32 $0x4, s21;
	[smem:$0x7EA] =	sst s18  }
0x5d: {  	s25 =	sor.u32 $0x8, s21;
	s31 =	sor.u32 $0xC, s21;
	[smem:$0x7EC] =	sst s20  }
0x5e: {  	s12 =	sadd.s32 s4, s21;
	s16 =	sshll.u32 s7, $0xB;
	[smem:$0x7ED] =	sst s5  }
0x5f: {  	[smem:$0x7EE] =	sst s22;
	s24 =	sadd.s32 s1, s23;
	s26 =	sadd.s32 s1, s25  }
0x60: {  	s11 =	sadd.s32 s1, s31;
	[smem:$0x7F2] =	sst s12;
	s13 =	sadd.s32 s4, s23  }
0x61: {  	s14 =	sadd.s32 s4, s25;
	s15 =	sadd.s32 s4, s31;
	[smem:$0x7EF] =	sst s24  }
0x62: {  	s17 =	sadd.s32 s1, s16;
	s7 =	sor.u32 $0x4, s16;
	[smem:$0x7F0] =	sst s26  }
0x63: {  	s19 =	sor.u32 $0x8, s16;
	s21 =	sor.u32 $0xC, s16;
	[smem:$0x7F1] =	sst s11  }
0x64: {  	s22 =	sadd.s32 s4, s16;
	s25 =	sshrl.u32 s0, $0x1;
	[smem:$0x7F3] =	sst s13  }
0x65: {  	s16 =	simm.s32 $0x5;
	s12 =	simm.s32 $0x3;
	[smem:$0x7F4] =	sst s14  }
0x66: {  	s6 =	simm.s32 $0xA;
	s5 =	simm.s32 $0xB;
	[smem:$0x7F5] =	sst s15  }
0x67: {  	[smem:$0x7F6] =	sst s17;
	s18 =	sadd.s32 s1, s7;
	s20 =	sadd.s32 s1, s19  }
0x68: {  	s1 =	sadd.s32 s1, s21;
	[smem:$0x7FA] =	sst s22;
	s23 =	sadd.s32 s4, s7  }
0x69: {  	s24 =	sadd.s32 s4, s19;
	s26 =	sadd.s32 s4, s21;
	s0 =	ssub.s32 s0, s25  }
0x6a: {  	s15 =	simm.s32 $0xD;
	s14 =	simm.s32 $0x200;
	s22 =	rddreg [dreg:$0x3]  }
0x6b: {  	s13 =	simm.s32 $0x600;
	s25 =	simm.s32 $0x1;
	[smem:$0x7F7] =	sst s18  }
0x6c: {  	s17 =	simm.s32 $0x2;
	[smem:$0x7F8] =	sst s20;
	s31 =	smax.u32 s0, $0x1  }
0x6d: {  	s11 =	simm.s32 $0x8800;
	[smem:$0x7F9] =	sst s1;
	p1 =	sne.s32 s31, $0x1  }
.Ltmp0:
0x6e: {  	s7 =	simm.s32 $0x20;
	[smem:$0x7FB] =	sst s23;
	(pc) =	sbr.rel @!p1 .LBB2_5-.Ltmp0, $4  }
0x6f: {  	s19 =	simm.s32 $0x9800;
	s4 =	simm.s32 $0xC;
	[smem:$0x7FC] =	sst s24  }
0x70: {  	[smem:$0x7FD] =	sst s26;
	s26 =	simm.s32 $0x800;
	s20 =	simm.s32 $0xC800  }
0x71: {  	s0 =	simm.s32 $0x5800;
	s1 =	simm.s32 $0x6800;
	s24 =	simm.s32 $0x7800  }
0x72: {  	s23 =	simm.s32 $0x7;
	s18 =	simm.s32 $0x8;
	s21 =	sadd.s32 $0xFFFFFFFF, s31  }
0x73: {  	[tilespmem:s26], [sflag:$0xD] =	stream.linear.gather [hbm4b:s22+s3], $0x4000, $0x38;
	[tilespmem:$0x15700] =	vst v63  }
0x74: {  	_ =	swait.ge [sflag:s15], $0x4000  }
0x75: {  	[sflag:s15] =	ssyncset.done $0x0  }
0x76: {  	s18 =	rddreg [dreg:$0x4];
	[sflag:s15] =	ssyncadd.s32 $0xFFFFC000  }
0x77: {  	[spmem:s18] =	stream.linear.scatter [tilespmem:s26], [sflag:$0xD], $0x4000, $0x38;
	[tilespmem:$0x15700] =	vst v63  }
0x78: {  	_ =	swait.ge [sflag:s15], $0x4000  }
0x79: {  	[sflag:s15] =	ssyncset.done $0x0  }
0x7a: {  	s31 =	rddreg [dreg:$0x5];
	[sflag:s15] =	ssyncadd.s32 $0xFFFFC000  }
0x7b: {  	[tilespmem:s26], [sflag:$0xD] =	stream.linear.gather [hbm4b:s31+s3], $0xF00, $0x38;
	[tilespmem:$0x15700] =	vst v63  }
0x7c: {  	_ =	swait.ge [sflag:s15], $0xF00  }
0x7d: {  	[sflag:s15] =	ssyncset.done $0x0  }
0x7e: {  	s18 =	rddreg [dreg:$0x6];
	[sflag:s15] =	ssyncadd.s32 $0xFFFFF100  }
0x7f: {  	[spmem:s18] =	stream.linear.scatter [tilespmem:s26], [sflag:$0xD], $0xF00, $0x38;
	[tilespmem:$0x15700] =	vst v63  }
0x80: {  	_ =	swait.ge [sflag:s15], $0xF00  }
0x81: {  	[sflag:s15] =	ssyncset.done $0x0  }
0x82: {  	[sflag:s15] =	ssyncadd.s32 $0xFFFFF100  }
0x83: {  	[bflag:$0x0] =	sbarrier.arrive $0xFFFF  }
0x84: {  	s31 =	rddreg [dreg:$0x7]  }
0x85: {  	[smem:$0x7B2] =	sst s21  }
0x86: {  	[tilespmem:s3], [sflag:$0x1] =	stream.linear.gather [hbm4b:s31+s3], $0x200, $0x38;
	[tilespmem:$0x15700] =	vst v63  }
0x87: {  	s15 =	rddreg [dreg:$0x8]  }
0x88: {  	[tilespmem:s14], [sflag:$0x2] =	stream.linear.gather [hbm4b:s15+s3], $0x200, $0x38;
	[tilespmem:$0x15700] =	vst v63  }
0x89: {  	s18 =	rddreg [dreg:$0x9]  }
0x8a: {  	[tilespmem:s28], [sflag:$0x3] =	stream.linear.gather [hbm4b:s18+s3], $0x200, $0x38;
	[tilespmem:$0x15700] =	vst v63  }
0x8b: {  	s31 =	rddreg [dreg:$0xa]  }
0x8c: {  	[tilespmem:s13], [sflag:$0x4] =	stream.linear.gather [hbm4b:s31+s3], $0x200, $0x38;
	[tilespmem:$0x15700] =	vst v63  }
0x8d: {  	_ =	swait.ge [sflag:s25], $0x200  }
0x8e: {  	[sflag:s25] =	ssyncset.done $0x0  }
0x8f: {  	[sflag:s25] =	ssyncadd.s32 $0xFFFFFE00  }
0x90: {  	[tilespmem:s26], [sflag:$0x5] =	stream.indirect.gather [spmem:s2], $0x20, s3, s14, $0xb8;
	[tilespmem:$0x15700] =	vst v63  }
0x91: {  	_ =	swait.ge [sflag:s17], $0x200  }
0x92: {  	[sflag:s17] =	ssyncset.done $0x0  }
0x93: {  	[sflag:s17] =	ssyncadd.s32 $0xFFFFFE00  }
0x94: {  	[tilespmem:s10], [sflag:$0x6] =	stream.indirect.gather [spmem:s2], $0x20, s14, s14, $0xb8;
	[tilespmem:$0x15700] =	vst v63  }
0x95: {  	_ =	swait.ge [sflag:s16], $0x4000  }
0x96: {  	[sflag:s16] =	ssyncset.done $0x0  }
0x97: {  	[sflag:s16] =	ssyncadd.s32 $0xFFFFC000  }
0x98: {  	_ =	swait.ge [sflag:s12], $0x200  }
0x99: {  	[sflag:s12] =	ssyncset.done $0x0  }
0x9a: {  	[sflag:s12] =	ssyncadd.s32 $0xFFFFFE00  }
0x9b: {  	[tilespmem:s11], [sflag:$0x7] =	stream.indirect.gather [spmem:s2], $0x20, s28, s14, $0xb8;
	[tilespmem:$0x15700] =	vst v63  }
0x9c: {  	s12 =	rddreg [dreg:$0xb]  }
0x9d: {  	[hbm4b:s12+s7] =	stream.strided.scatter [tilespmem:s26], [sflag:$0x9], $0x1000, s8, s7, $0x38;
	[tilespmem:$0x15700] =	vst v63  }
0x9e: {  	s18 =	simm.s32 $0x1800;
	s15 =	rddreg [dreg:$0xc]  }
0x9f: {  	[hbm4b:s15+s7] =	stream.strided.scatter [tilespmem:s18], [sflag:$0x9], $0x1000, s8, s7, $0x38;
	[tilespmem:$0x15700] =	vst v63  }
0xa0: {  	s16 =	rddreg [dreg:$0xd];
	s15 =	simm.s32 $0x2800  }
0xa1: {  	[hbm4b:s16+s7] =	stream.strided.scatter [tilespmem:s15], [sflag:$0x9], $0x1000, s8, s7, $0x38;
	[tilespmem:$0x15700] =	vst v63  }
0xa2: {  	s31 =	rddreg [dreg:$0xe];
	s18 =	simm.s32 $0x3800  }
0xa3: {  	[hbm4b:s31+s7] =	stream.strided.scatter [tilespmem:s18], [sflag:$0x9], $0x1000, s8, s7, $0x38;
	[tilespmem:$0x15700] =	vst v63  }
0xa4: {  	s16 =	rddreg [dreg:$0xf]  }
0xa5: {  	[tilespmem:s3], [sflag:$0x1] =	stream.linear.gather [hbm4b:s16+s3], $0x200, $0x38;
	[tilespmem:$0x15700] =	vst v63  }
0xa6: {  	_ =	swait.ge [sflag:s30], $0x4000  }
0xa7: {  	[sflag:s30] =	ssyncset.done $0x0  }
0xa8: {  	[sflag:s30] =	ssyncadd.s32 $0xFFFFC000  }
0xa9: {  	_ =	swait.ge [sflag:s29], $0x200  }
0xaa: {  	[sflag:s29] =	ssyncset.done $0x0  }
0xab: {  	[sflag:s29] =	ssyncadd.s32 $0xFFFFFE00  }
0xac: {  	[tilespmem:s20], [sflag:$0x8] =	stream.indirect.gather [spmem:s2], $0x20, s13, s14, $0xb8;
	[tilespmem:$0x15700] =	vst v63  }
0xad: {  	s30 =	rddreg [dreg:$0x10]  }
0xae: {  	[hbm4b:s30+s7] =	stream.strided.scatter [tilespmem:s10], [sflag:$0xA], $0x1000, s8, s7, $0x38;
	[tilespmem:$0x15700] =	vst v63  }
0xaf: {  	s31 =	rddreg [dreg:$0x11]  }
0xb0: {  	[hbm4b:s31+s7] =	stream.strided.scatter [tilespmem:s0], [sflag:$0xA], $0x1000, s8, s7, $0x38;
	[tilespmem:$0x15700] =	vst v63  }
0xb1: {  	s10 =	rddreg [dreg:$0x12]  }
0xb2: {  	[hbm4b:s10+s7] =	stream.strided.scatter [tilespmem:s1], [sflag:$0xA], $0x1000, s8, s7, $0x38;
	[tilespmem:$0x15700] =	vst v63  }
0xb3: {  	s12 =	rddreg [dreg:$0x13]  }
0xb4: {  	[hbm4b:s12+s7] =	stream.strided.scatter [tilespmem:s24], [sflag:$0xA], $0x1000, s8, s7, $0x38;
	[tilespmem:$0x15700] =	vst v63  }
0xb5: {  	s13 =	rddreg [dreg:$0x14]  }
0xb6: {  	[tilespmem:s14], [sflag:$0x2] =	stream.linear.gather [hbm4b:s13+s3], $0x200, $0x38;
	[tilespmem:$0x15700] =	vst v63  }
0xb7: {  	_ =	swait.ge [sflag:s23], $0x4000  }
0xb8: {  	[sflag:s23] =	ssyncset.done $0x0  }
0xb9: {  	[sflag:s23] =	ssyncadd.s32 $0xFFFFC000  }
0xba: {  	_ =	swait.ge [sflag:s25], $0x200  }
0xbb: {  	[sflag:s25] =	ssyncset.done $0x0  }
0xbc: {  	[sflag:s25] =	ssyncadd.s32 $0xFFFFFE00  }
0xbd: {  	_ =	swait.ge [sflag:s9], $0x1000  }
0xbe: {  	[sflag:s9] =	ssyncset.done $0x0  }
0xbf: {  	[sflag:s9] =	ssyncadd.s32 $0xFFFFF000  }
0xc0: {  	_ =	swait.ge [sflag:s9], $0x1000  }
0xc1: {  	[sflag:s9] =	ssyncset.done $0x0  }
0xc2: {  	[sflag:s9] =	ssyncadd.s32 $0xFFFFF000  }
0xc3: {  	_ =	swait.ge [sflag:s9], $0x1000  }
0xc4: {  	[sflag:s9] =	ssyncset.done $0x0  }
0xc5: {  	[sflag:s9] =	ssyncadd.s32 $0xFFFFF000  }
0xc6: {  	_ =	swait.ge [sflag:s9], $0x1000  }
0xc7: {  	[sflag:s9] =	ssyncset.done $0x0  }
0xc8: {  	[sflag:s9] =	ssyncadd.s32 $0xFFFFF000  }
0xc9: {  	[tilespmem:s26], [sflag:$0x5] =	stream.indirect.gather [spmem:s2], $0x20, s3, s14, $0xb8;
	[tilespmem:$0x15700] =	vst v63  }
0xca: {  	s15 =	rddreg [dreg:$0x15]  }
0xcb: {  	[hbm4b:s15+s7] =	stream.strided.scatter [tilespmem:s11], [sflag:$0xB], $0x1000, s8, s7, $0x38;
	[tilespmem:$0x15700] =	vst v63  }
0xcc: {  	s16 =	rddreg [dreg:$0x16]  }
0xcd: {  	[hbm4b:s16+s7] =	stream.strided.scatter [tilespmem:s19], [sflag:$0xB], $0x1000, s8, s7, $0x38;
	[tilespmem:$0x15700] =	vst v63  }
0xce: {  	s25 =	simm.s32 $0xA800;
	s18 =	rddreg [dreg:$0x17]  }
0xcf: {  	[hbm4b:s18+s7] =	stream.strided.scatter [tilespmem:s25], [sflag:$0xB], $0x1000, s8, s7, $0x38;
	[tilespmem:$0x15700] =	vst v63  }
0xd0: {  	s31 =	simm.s32 $0xB800;
	s19 =	rddreg [dreg:$0x18]  }
0xd1: {  	[hbm4b:s19+s7] =	stream.strided.scatter [tilespmem:s31], [sflag:$0xB], $0x1000, s8, s7, $0x38;
	[tilespmem:$0x15700] =	vst v63  }
0xd2: {  	s23 =	simm.s32 $0x8;
	s30 =	rddreg [dreg:$0x19];
	s26 =	simm.s32 $0x400  }
0xd3: {  	[tilespmem:s26], [sflag:$0x3] =	stream.linear.gather [hbm4b:s30+s3], $0x200, $0x38;
	[tilespmem:$0x15700] =	vst v63  }
0xd4: {  	_ =	swait.ge [sflag:s23], $0x4000  }
0xd5: {  	[sflag:s23] =	ssyncset.done $0x0  }
0xd6: {  	[sflag:s23] =	ssyncadd.s32 $0xFFFFC000  }
0xd7: {  	_ =	swait.ge [sflag:s17], $0x200  }
0xd8: {  	[sflag:s17] =	ssyncset.done $0x0  }
0xd9: {  	[sflag:s17] =	ssyncadd.s32 $0xFFFFFE00  }
0xda: {  	_ =	swait.ge [sflag:s6], $0x1000  }
0xdb: {  	[sflag:s6] =	ssyncset.done $0x0  }
0xdc: {  	[sflag:s6] =	ssyncadd.s32 $0xFFFFF000  }
0xdd: {  	_ =	swait.ge [sflag:s6], $0x1000  }
0xde: {  	[sflag:s6] =	ssyncset.done $0x0  }
0xdf: {  	[sflag:s6] =	ssyncadd.s32 $0xFFFFF000  }
0xe0: {  	_ =	swait.ge [sflag:s6], $0x1000  }
0xe1: {  	[sflag:s6] =	ssyncset.done $0x0  }
0xe2: {  	[sflag:s6] =	ssyncadd.s32 $0xFFFFF000  }
0xe3: {  	_ =	swait.ge [sflag:s6], $0x1000  }
0xe4: {  	[sflag:s6] =	ssyncset.done $0x0  }
0xe5: {  	s28 =	simm.s32 $0x4800;
	[sflag:s6] =	ssyncadd.s32 $0xFFFFF000  }
0xe6: {  	[tilespmem:s28], [sflag:$0x6] =	stream.indirect.gather [spmem:s2], $0x20, s14, s14, $0xb8;
	[tilespmem:$0x15700] =	vst v63  }
0xe7: {  	s29 =	simm.s32 $0xC800;
	s3 =	rddreg [dreg:$0x1a]  }
0xe8: {  	[hbm4b:s3+s7] =	stream.strided.scatter [tilespmem:s29], [sflag:$0xC], $0x1000, s8, s7, $0x38;
	[tilespmem:$0x15700] =	vst v63  }
0xe9: {  	s13 =	simm.s32 $0xD800;
	s10 =	rddreg [dreg:$0x1b]  }
0xea: {  	[hbm4b:s10+s7] =	stream.strided.scatter [tilespmem:s13], [sflag:$0xC], $0x1000, s8, s7, $0x38;
	[tilespmem:$0x15700] =	vst v63  }
0xeb: {  	s15 =	simm.s32 $0xE800;
	s11 =	rddreg [dreg:$0x1c]  }
0xec: {  	[hbm4b:s11+s7] =	stream.strided.scatter [tilespmem:s15], [sflag:$0xC], $0x1000, s8, s7, $0x38;
	[tilespmem:$0x15700] =	vst v63  }
0xed: {  	s16 =	simm.s32 $0x5;
	s22 =	rddreg [dreg:$0x1d];
	s13 =	simm.s32 $0xF800  }
0xee: {  	[hbm4b:s22+s7] =	stream.strided.scatter [tilespmem:s13], [sflag:$0xC], $0x1000, s8, s7, $0x38;
	[tilespmem:$0x15700] =	vst v63  }
0xef: {  	s25 =	simm.s32 $0x0;
	s11 =	rddreg [dreg:$0x1e];
	s15 =	simm.s32 $0x600  }
0xf0: {  	[tilespmem:s15], [sflag:$0x4] =	stream.linear.gather [hbm4b:s11+s25], $0x200, $0x38;
	[tilespmem:$0x15700] =	vst v63  }
0xf1: {  	_ =	swait.ge [sflag:s16], $0x4000  }
0xf2: {  	[sflag:s16] =	ssyncset.done $0x0  }
0xf3: {  	s17 =	simm.s32 $0x3;
	[sflag:s16] =	ssyncadd.s32 $0xFFFFC000  }
0xf4: {  	_ =	swait.ge [sflag:s17], $0x200  }
0xf5: {  	[sflag:s17] =	ssyncset.done $0x0  }
0xf6: {  	[sflag:s17] =	ssyncadd.s32 $0xFFFFFE00  }
0xf7: {  	_ =	swait.ge [sflag:s5], $0x1000  }
0xf8: {  	[sflag:s5] =	ssyncset.done $0x0  }
0xf9: {  	[sflag:s5] =	ssyncadd.s32 $0xFFFFF000  }
0xfa: {  	_ =	swait.ge [sflag:s5], $0x1000  }
0xfb: {  	[sflag:s5] =	ssyncset.done $0x0  }
0xfc: {  	[sflag:s5] =	ssyncadd.s32 $0xFFFFF000  }
0xfd: {  	_ =	swait.ge [sflag:s5], $0x1000  }
0xfe: {  	[sflag:s5] =	ssyncset.done $0x0  }
0xff: {  	[sflag:s5] =	ssyncadd.s32 $0xFFFFF000  }
0x100: {  	_ =	swait.ge [sflag:s5], $0x1000  }
0x101: {  	[sflag:s5] =	ssyncset.done $0x0  }
0x102: {  	s13 =	simm.s32 $0x8800;
	s22 =	rddreg [dreg:$0x1f];
	[sflag:s5] =	ssyncadd.s32 $0xFFFFF000  }
0x103: {  	[tilespmem:s13], [sflag:$0x7] =	stream.indirect.gather [spmem:s2], $0x20, s26, s14, $0xb8;
	[tilespmem:$0x15700] =	vst v63  }
0x104: {  	s11 =	simm.s32 $0x800;
	s15 =	sld [smem:$0x7B3]  }
0x105: {  	[hbm4b:s22+s7] =	stream.strided.scatter [tilespmem:s11], [sflag:$0x9], $0x1000, s8, s7, $0x38;
	[tilespmem:$0x15700] =	vst v63  }
0x106: {  	s13 =	sld [smem:$0x7B4];
	s11 =	simm.s32 $0x1800  }
0x107: {  	[hbm4b:s15+s7] =	stream.strided.scatter [tilespmem:s11], [sflag:$0x9], $0x1000, s8, s7, $0x38;
	[tilespmem:$0x15700] =	vst v63  }
0x108: {  	s10 =	simm.s32 $0x2800;
	s22 =	sld [smem:$0x7B5]  }
0x109: {  	[hbm4b:s13+s7] =	stream.strided.scatter [tilespmem:s10], [sflag:$0x9], $0x1000, s8, s7, $0x38;
	[tilespmem:$0x15700] =	vst v63  }
0x10a: {  	s15 =	sld [smem:$0x7B6];
	s13 =	simm.s32 $0x3800  }
0x10b: {  	[hbm4b:s22+s7] =	stream.strided.scatter [tilespmem:s13], [sflag:$0x9], $0x1000, s8, s7, $0x38;
	[tilespmem:$0x15700] =	vst v63  }
0x10c: {  	s30 =	simm.s32 $0x6  }
0x10d: {  	[tilespmem:s25], [sflag:$0x1] =	stream.linear.gather [hbm4b:s15+s25], $0x200, $0x38;
	[tilespmem:$0x15700] =	vst v63  }
0x10e: {  	_ =	swait.ge [sflag:s30], $0x4000  }
0x10f: {  	[sflag:s30] =	ssyncset.done $0x0  }
0x110: {  	s12 =	simm.s32 $0x4;
	[sflag:s30] =	ssyncadd.s32 $0xFFFFC000  }
0x111: {  	_ =	swait.ge [sflag:s12], $0x200  }
0x112: {  	[sflag:s12] =	ssyncset.done $0x0  }
0x113: {  	[sflag:s12] =	ssyncadd.s32 $0xFFFFFE00  }
0x114: {  	_ =	swait.ge [sflag:s4], $0x1000  }
0x115: {  	[sflag:s4] =	ssyncset.done $0x0  }
0x116: {  	[sflag:s4] =	ssyncadd.s32 $0xFFFFF000  }
0x117: {  	_ =	swait.ge [sflag:s4], $0x1000  }
0x118: {  	[sflag:s4] =	ssyncset.done $0x0  }
0x119: {  	[sflag:s4] =	ssyncadd.s32 $0xFFFFF000  }
0x11a: {  	_ =	swait.ge [sflag:s4], $0x1000  }
0x11b: {  	[sflag:s4] =	ssyncset.done $0x0  }
0x11c: {  	[sflag:s4] =	ssyncadd.s32 $0xFFFFF000  }
0x11d: {  	_ =	swait.ge [sflag:s4], $0x1000  }
0x11e: {  	[sflag:s4] =	ssyncset.done $0x0  }
0x11f: {  	s22 =	simm.s32 $0x600;
	s21 =	sld [smem:$0x7B7];
	[sflag:s4] =	ssyncadd.s32 $0xFFFFF000  }
0x120: {  	[tilespmem:s29], [sflag:$0x8] =	stream.indirect.gather [spmem:s2], $0x20, s22, s14, $0xb8;
	[tilespmem:$0x15700] =	vst v63  }
0x121: {  	s22 =	sld [smem:$0x7B8]  }
0x122: {  	[hbm4b:s21+s7] =	stream.strided.scatter [tilespmem:s28], [sflag:$0xA], $0x1000, s8, s7, $0x38;
	[tilespmem:$0x15700] =	vst v63  }
0x123: {  	s15 =	sld [smem:$0x7B9]  }
0x124: {  	[hbm4b:s22+s7] =	stream.strided.scatter [tilespmem:s0], [sflag:$0xA], $0x1000, s8, s7, $0x38;
	[tilespmem:$0x15700] =	vst v63  }
0x125: {  	s22 =	sld [smem:$0x7BA]  }
0x126: {  	[hbm4b:s15+s7] =	stream.strided.scatter [tilespmem:s1], [sflag:$0xA], $0x1000, s8, s7, $0x38;
	[tilespmem:$0x15700] =	vst v63  }
0x127: {  	s15 =	sld [smem:$0x7BB]  }
0x128: {  	[hbm4b:s22+s7] =	stream.strided.scatter [tilespmem:s24], [sflag:$0xA], $0x1000, s8, s7, $0x38;
	[tilespmem:$0x15700] =	vst v63  }
0x129: {  	s20 =	simm.s32 $0x7  }
0x12a: {  	[tilespmem:s14], [sflag:$0x2] =	stream.linear.gather [hbm4b:s15+s25], $0x200, $0x38;
	[tilespmem:$0x15700] =	vst v63  }
0x12b: {  	_ =	swait.ge [sflag:s20], $0x4000  }
0x12c: {  	[sflag:s20] =	ssyncset.done $0x0  }
0x12d: {  	s19 =	simm.s32 $0x1;
	[sflag:s20] =	ssyncadd.s32 $0xFFFFC000  }
0x12e: {  	_ =	swait.ge [sflag:s19], $0x200  }
0x12f: {  	[sflag:s19] =	ssyncset.done $0x0  }
0x130: {  	[sflag:s19] =	ssyncadd.s32 $0xFFFFFE00  }
0x131: {  	_ =	swait.ge [sflag:s9], $0x1000  }
0x132: {  	[sflag:s9] =	ssyncset.done $0x0  }
0x133: {  	[sflag:s9] =	ssyncadd.s32 $0xFFFFF000  }
0x134: {  	_ =	swait.ge [sflag:s9], $0x1000  }
0x135: {  	[sflag:s9] =	ssyncset.done $0x0  }
0x136: {  	[sflag:s9] =	ssyncadd.s32 $0xFFFFF000  }
0x137: {  	_ =	swait.ge [sflag:s9], $0x1000  }
0x138: {  	[sflag:s9] =	ssyncset.done $0x0  }
0x139: {  	[sflag:s9] =	ssyncadd.s32 $0xFFFFF000  }
0x13a: {  	_ =	swait.ge [sflag:s9], $0x1000  }
0x13b: {  	[sflag:s9] =	ssyncset.done $0x0  }
0x13c: {  	s22 =	simm.s32 $0x800;
	s21 =	sld [smem:$0x7BC];
	[sflag:s9] =	ssyncadd.s32 $0xFFFFF000  }
0x13d: {  	[tilespmem:s22], [sflag:$0x5] =	stream.indirect.gather [spmem:s2], $0x20, s25, s14, $0xb8;
	[tilespmem:$0x15700] =	vst v63  }
0x13e: {  	s15 =	simm.s32 $0x8800;
	s22 =	sld [smem:$0x7BD]  }
0x13f: {  	[hbm4b:s21+s7] =	stream.strided.scatter [tilespmem:s15], [sflag:$0xB], $0x1000, s8, s7, $0x38;
	[tilespmem:$0x15700] =	vst v63  }
0x140: {  	s18 =	simm.s32 $0x9800;
	s21 =	sld [smem:$0x7BE]  }
0x141: {  	[hbm4b:s22+s7] =	stream.strided.scatter [tilespmem:s18], [sflag:$0xB], $0x1000, s8, s7, $0x38;
	[tilespmem:$0x15700] =	vst v63  }
0x142: {  	s15 =	simm.s32 $0xA800;
	s22 =	sld [smem:$0x7BF]  }
0x143: {  	[hbm4b:s21+s7] =	stream.strided.scatter [tilespmem:s15], [sflag:$0xB], $0x1000, s8, s7, $0x38;
	[tilespmem:$0x15700] =	vst v63  }
0x144: {  	s18 =	simm.s32 $0xB800;
	s21 =	sld [smem:$0x7C0]  }
0x145: {  	[hbm4b:s22+s7] =	stream.strided.scatter [tilespmem:s18], [sflag:$0xB], $0x1000, s8, s7, $0x38;
	[tilespmem:$0x15700] =	vst v63  }
0x146: {  	_ = 	snop  }
0x147: {  	[tilespmem:s26], [sflag:$0x3] =	stream.linear.gather [hbm4b:s21+s25], $0x200, $0x38;
	[tilespmem:$0x15700] =	vst v63  }
0x148: {  	_ =	swait.ge [sflag:s23], $0x4000  }
0x149: {  	[sflag:s23] =	ssyncset.done $0x0  }
0x14a: {  	s3 =	simm.s32 $0x2;
	[sflag:s23] =	ssyncadd.s32 $0xFFFFC000  }
0x14b: {  	_ =	swait.ge [sflag:s3], $0x200  }
0x14c: {  	[sflag:s3] =	ssyncset.done $0x0  }
0x14d: {  	[sflag:s3] =	ssyncadd.s32 $0xFFFFFE00  }
0x14e: {  	_ =	swait.ge [sflag:s6], $0x1000  }
0x14f: {  	[sflag:s6] =	ssyncset.done $0x0  }
0x150: {  	[sflag:s6] =	ssyncadd.s32 $0xFFFFF000  }
0x151: {  	_ =	swait.ge [sflag:s6], $0x1000  }
0x152: {  	[sflag:s6] =	ssyncset.done $0x0  }
0x153: {  	[sflag:s6] =	ssyncadd.s32 $0xFFFFF000  }
0x154: {  	_ =	swait.ge [sflag:s6], $0x1000  }
0x155: {  	[sflag:s6] =	ssyncset.done $0x0  }
0x156: {  	[sflag:s6] =	ssyncadd.s32 $0xFFFFF000  }
0x157: {  	_ =	swait.ge [sflag:s6], $0x1000  }
0x158: {  	[sflag:s6] =	ssyncset.done $0x0  }
0x159: {  	s21 =	sld [smem:$0x7C1];
	[sflag:s6] =	ssyncadd.s32 $0xFFFFF000  }
0x15a: {  	[tilespmem:s28], [sflag:$0x6] =	stream.indirect.gather [spmem:s2], $0x20, s14, s14, $0xb8;
	[tilespmem:$0x15700] =	vst v63  }
0x15b: {  	s22 =	sld [smem:$0x7C2]  }
0x15c: {  	[hbm4b:s21+s7] =	stream.strided.scatter [tilespmem:s29], [sflag:$0xC], $0x1000, s8, s7, $0x38;
	[tilespmem:$0x15700] =	vst v63  }
0x15d: {  	s31 =	simm.s32 $0xD800;
	s21 =	sld [smem:$0x7C3]  }
0x15e: {  	[hbm4b:s22+s7] =	stream.strided.scatter [tilespmem:s31], [sflag:$0xC], $0x1000, s8, s7, $0x38;
	[tilespmem:$0x15700] =	vst v63  }
0x15f: {  	s22 =	sld [smem:$0x7C4];
	s31 =	simm.s32 $0xE800  }
0x160: {  	[hbm4b:s21+s7] =	stream.strided.scatter [tilespmem:s31], [sflag:$0xC], $0x1000, s8, s7, $0x38;
	[tilespmem:$0x15700] =	vst v63  }
0x161: {  	s21 =	sld [smem:$0x7C5];
	s31 =	simm.s32 $0xF800  }
0x162: {  	[hbm4b:s22+s7] =	stream.strided.scatter [tilespmem:s31], [sflag:$0xC], $0x1000, s8, s7, $0x38;
	[tilespmem:$0x15700] =	vst v63  }
0x163: {  	s31 =	simm.s32 $0x600  }
0x164: {  	[tilespmem:s31], [sflag:$0x4] =	stream.linear.gather [hbm4b:s21+s25], $0x200, $0x38;
	[tilespmem:$0x15700] =	vst v63  }
0x165: {  	_ =	swait.ge [sflag:s16], $0x4000  }
0x166: {  	[sflag:s16] =	ssyncset.done $0x0  }
0x167: {  	[sflag:s16] =	ssyncadd.s32 $0xFFFFC000  }
0x168: {  	_ =	swait.ge [sflag:s17], $0x200  }
0x169: {  	[sflag:s17] =	ssyncset.done $0x0  }
0x16a: {  	[sflag:s17] =	ssyncadd.s32 $0xFFFFFE00  }
0x16b: {  	_ =	swait.ge [sflag:s5], $0x1000  }
0x16c: {  	[sflag:s5] =	ssyncset.done $0x0  }
0x16d: {  	[sflag:s5] =	ssyncadd.s32 $0xFFFFF000  }
0x16e: {  	_ =	swait.ge [sflag:s5], $0x1000  }
0x16f: {  	[sflag:s5] =	ssyncset.done $0x0  }
0x170: {  	[sflag:s5] =	ssyncadd.s32 $0xFFFFF000  }
0x171: {  	_ =	swait.ge [sflag:s5], $0x1000  }
0x172: {  	[sflag:s5] =	ssyncset.done $0x0  }
0x173: {  	[sflag:s5] =	ssyncadd.s32 $0xFFFFF000  }
0x174: {  	_ =	swait.ge [sflag:s5], $0x1000  }
0x175: {  	[sflag:s5] =	ssyncset.done $0x0  }
0x176: {  	s31 =	simm.s32 $0x8800;
	s21 =	sld [smem:$0x7C6];
	[sflag:s5] =	ssyncadd.s32 $0xFFFFF000  }
0x177: {  	[tilespmem:s31], [sflag:$0x7] =	stream.indirect.gather [spmem:s2], $0x20, s26, s14, $0xb8;
	[tilespmem:$0x15700] =	vst v63  }
0x178: {  	s22 =	sld [smem:$0x7C7];
	s31 =	simm.s32 $0x800  }
0x179: {  	[hbm4b:s21+s7] =	stream.strided.scatter [tilespmem:s31], [sflag:$0x9], $0x1000, s8, s7, $0x38;
	[tilespmem:$0x15700] =	vst v63  }
0x17a: {  	s21 =	sld [smem:$0x7C8]  }
0x17b: {  	[hbm4b:s22+s7] =	stream.strided.scatter [tilespmem:s11], [sflag:$0x9], $0x1000, s8, s7, $0x38;
	[tilespmem:$0x15700] =	vst v63  }
0x17c: {  	s31 =	sld [smem:$0x7C9]  }
0x17d: {  	[hbm4b:s21+s7] =	stream.strided.scatter [tilespmem:s10], [sflag:$0x9], $0x1000, s8, s7, $0x38;
	[tilespmem:$0x15700] =	vst v63  }
0x17e: {  	s10 =	sld [smem:$0x7CA]  }
0x17f: {  	[hbm4b:s31+s7] =	stream.strided.scatter [tilespmem:s13], [sflag:$0x9], $0x1000, s8, s7, $0x38;
	[tilespmem:$0x15700] =	vst v63  }
0x180: {  	_ = 	snop  }
0x181: {  	[tilespmem:s25], [sflag:$0x1] =	stream.linear.gather [hbm4b:s10+s25], $0x200, $0x38;
	[tilespmem:$0x15700] =	vst v63  }
0x182: {  	_ =	swait.ge [sflag:s30], $0x4000  }
0x183: {  	[sflag:s30] =	ssyncset.done $0x0  }
0x184: {  	[sflag:s30] =	ssyncadd.s32 $0xFFFFC000  }
0x185: {  	_ =	swait.ge [sflag:s12], $0x200  }
0x186: {  	[sflag:s12] =	ssyncset.done $0x0  }
0x187: {  	[sflag:s12] =	ssyncadd.s32 $0xFFFFFE00  }
0x188: {  	_ =	swait.ge [sflag:s4], $0x1000  }
0x189: {  	[sflag:s4] =	ssyncset.done $0x0  }
0x18a: {  	[sflag:s4] =	ssyncadd.s32 $0xFFFFF000  }
0x18b: {  	_ =	swait.ge [sflag:s4], $0x1000  }
0x18c: {  	[sflag:s4] =	ssyncset.done $0x0  }
0x18d: {  	[sflag:s4] =	ssyncadd.s32 $0xFFFFF000  }
0x18e: {  	_ =	swait.ge [sflag:s4], $0x1000  }
0x18f: {  	[sflag:s4] =	ssyncset.done $0x0  }
0x190: {  	[sflag:s4] =	ssyncadd.s32 $0xFFFFF000  }
0x191: {  	_ =	swait.ge [sflag:s4], $0x1000  }
0x192: {  	[sflag:s4] =	ssyncset.done $0x0  }
0x193: {  	s31 =	simm.s32 $0x600;
	s22 =	sld [smem:$0x7CB];
	[sflag:s4] =	ssyncadd.s32 $0xFFFFF000  }
0x194: {  	[tilespmem:s29], [sflag:$0x8] =	stream.indirect.gather [spmem:s2], $0x20, s31, s14, $0xb8;
	[tilespmem:$0x15700] =	vst v63  }
0x195: {  	s13 =	sld [smem:$0x7CC]  }
0x196: {  	[hbm4b:s22+s7] =	stream.strided.scatter [tilespmem:s28], [sflag:$0xA], $0x1000, s8, s7, $0x38;
	[tilespmem:$0x15700] =	vst v63  }
0x197: {  	s31 =	sld [smem:$0x7CD]  }
0x198: {  	[hbm4b:s13+s7] =	stream.strided.scatter [tilespmem:s0], [sflag:$0xA], $0x1000, s8, s7, $0x38;
	[tilespmem:$0x15700] =	vst v63  }
0x199: {  	s10 =	sld [smem:$0x7CE]  }
0x19a: {  	[hbm4b:s31+s7] =	stream.strided.scatter [tilespmem:s1], [sflag:$0xA], $0x1000, s8, s7, $0x38;
	[tilespmem:$0x15700] =	vst v63  }
0x19b: {  	s13 =	sld [smem:$0x7CF]  }
0x19c: {  	[hbm4b:s10+s7] =	stream.strided.scatter [tilespmem:s24], [sflag:$0xA], $0x1000, s8, s7, $0x38;
	[tilespmem:$0x15700] =	vst v63  }
0x19d: {  	_ = 	snop  }
0x19e: {  	[tilespmem:s14], [sflag:$0x2] =	stream.linear.gather [hbm4b:s13+s25], $0x200, $0x38;
	[tilespmem:$0x15700] =	vst v63  }
0x19f: {  	_ =	swait.ge [sflag:s20], $0x4000  }
0x1a0: {  	[sflag:s20] =	ssyncset.done $0x0  }
0x1a1: {  	[sflag:s20] =	ssyncadd.s32 $0xFFFFC000  }
0x1a2: {  	_ =	swait.ge [sflag:s19], $0x200  }
0x1a3: {  	[sflag:s19] =	ssyncset.done $0x0  }
0x1a4: {  	[sflag:s19] =	ssyncadd.s32 $0xFFFFFE00  }
0x1a5: {  	_ =	swait.ge [sflag:s9], $0x1000  }
0x1a6: {  	[sflag:s9] =	ssyncset.done $0x0  }
0x1a7: {  	[sflag:s9] =	ssyncadd.s32 $0xFFFFF000  }
0x1a8: {  	_ =	swait.ge [sflag:s9], $0x1000  }
0x1a9: {  	[sflag:s9] =	ssyncset.done $0x0  }
0x1aa: {  	[sflag:s9] =	ssyncadd.s32 $0xFFFFF000  }
0x1ab: {  	_ =	swait.ge [sflag:s9], $0x1000  }
0x1ac: {  	[sflag:s9] =	ssyncset.done $0x0  }
0x1ad: {  	[sflag:s9] =	ssyncadd.s32 $0xFFFFF000  }
0x1ae: {  	_ =	swait.ge [sflag:s9], $0x1000  }
0x1af: {  	[sflag:s9] =	ssyncset.done $0x0  }
0x1b0: {  	s13 =	simm.s32 $0x800;
	s22 =	sld [smem:$0x7D0];
	[sflag:s9] =	ssyncadd.s32 $0xFFFFF000  }
0x1b1: {  	[tilespmem:s13], [sflag:$0x5] =	stream.indirect.gather [spmem:s2], $0x20, s25, s14, $0xb8;
	[tilespmem:$0x15700] =	vst v63  }
0x1b2: {  	s31 =	simm.s32 $0x8800;
	s20 =	sld [smem:$0x7D1]  }
0x1b3: {  	[hbm4b:s22+s7] =	stream.strided.scatter [tilespmem:s31], [sflag:$0xB], $0x1000, s8, s7, $0x38;
	[tilespmem:$0x15700] =	vst v63  }
0x1b4: {  	s10 =	sld [smem:$0x7D2];
	s31 =	simm.s32 $0x9800  }
0x1b5: {  	[hbm4b:s20+s7] =	stream.strided.scatter [tilespmem:s31], [sflag:$0xB], $0x1000, s8, s7, $0x38;
	[tilespmem:$0x15700] =	vst v63  }
0x1b6: {  	s13 =	sld [smem:$0x7D3]  }
0x1b7: {  	[hbm4b:s10+s7] =	stream.strided.scatter [tilespmem:s15], [sflag:$0xB], $0x1000, s8, s7, $0x38;
	[tilespmem:$0x15700] =	vst v63  }
0x1b8: {  	s20 =	sld [smem:$0x7D4]  }
0x1b9: {  	[hbm4b:s13+s7] =	stream.strided.scatter [tilespmem:s18], [sflag:$0xB], $0x1000, s8, s7, $0x38;
	[tilespmem:$0x15700] =	vst v63  }
0x1ba: {  	_ = 	snop  }
0x1bb: {  	[tilespmem:s26], [sflag:$0x3] =	stream.linear.gather [hbm4b:s20+s25], $0x200, $0x38;
	[tilespmem:$0x15700] =	vst v63  }
0x1bc: {  	_ =	swait.ge [sflag:s23], $0x4000  }
0x1bd: {  	[sflag:s23] =	ssyncset.done $0x0  }
0x1be: {  	[sflag:s23] =	ssyncadd.s32 $0xFFFFC000  }
0x1bf: {  	_ =	swait.ge [sflag:s3], $0x200  }
0x1c0: {  	[sflag:s3] =	ssyncset.done $0x0  }
0x1c1: {  	[sflag:s3] =	ssyncadd.s32 $0xFFFFFE00  }
0x1c2: {  	_ =	swait.ge [sflag:s6], $0x1000  }
0x1c3: {  	[sflag:s6] =	ssyncset.done $0x0  }
0x1c4: {  	[sflag:s6] =	ssyncadd.s32 $0xFFFFF000  }
0x1c5: {  	_ =	swait.ge [sflag:s6], $0x1000  }
0x1c6: {  	[sflag:s6] =	ssyncset.done $0x0  }
0x1c7: {  	[sflag:s6] =	ssyncadd.s32 $0xFFFFF000  }
0x1c8: {  	_ =	swait.ge [sflag:s6], $0x1000  }
0x1c9: {  	[sflag:s6] =	ssyncset.done $0x0  }
0x1ca: {  	[sflag:s6] =	ssyncadd.s32 $0xFFFFF000  }
0x1cb: {  	_ =	swait.ge [sflag:s6], $0x1000  }
0x1cc: {  	[sflag:s6] =	ssyncset.done $0x0  }
0x1cd: {  	s10 =	sld [smem:$0x7D5];
	[sflag:s6] =	ssyncadd.s32 $0xFFFFF000  }
0x1ce: {  	[tilespmem:s28], [sflag:$0x6] =	stream.indirect.gather [spmem:s2], $0x20, s14, s14, $0xb8;
	[tilespmem:$0x15700] =	vst v63  }
0x1cf: {  	s13 =	sld [smem:$0x7D6]  }
0x1d0: {  	[hbm4b:s10+s7] =	stream.strided.scatter [tilespmem:s29], [sflag:$0xC], $0x1000, s8, s7, $0x38;
	[tilespmem:$0x15700] =	vst v63  }
0x1d1: {  	s18 =	simm.s32 $0xD800;
	s15 =	sld [smem:$0x7D7]  }
0x1d2: {  	[hbm4b:s13+s7] =	stream.strided.scatter [tilespmem:s18], [sflag:$0xC], $0x1000, s8, s7, $0x38;
	[tilespmem:$0x15700] =	vst v63  }
0x1d3: {  	s20 =	sld [smem:$0x7D8];
	s13 =	simm.s32 $0xE800  }
0x1d4: {  	[hbm4b:s15+s7] =	stream.strided.scatter [tilespmem:s13], [sflag:$0xC], $0x1000, s8, s7, $0x38;
	[tilespmem:$0x15700] =	vst v63  }
0x1d5: {  	s15 =	sld [smem:$0x7D9];
	s13 =	simm.s32 $0xF800  }
0x1d6: {  	[hbm4b:s20+s7] =	stream.strided.scatter [tilespmem:s13], [sflag:$0xC], $0x1000, s8, s7, $0x38;
	[tilespmem:$0x15700] =	vst v63  }
0x1d7: {  	s18 =	simm.s32 $0x600  }
0x1d8: {  	[tilespmem:s18], [sflag:$0x4] =	stream.linear.gather [hbm4b:s15+s25], $0x200, $0x38;
	[tilespmem:$0x15700] =	vst v63  }
0x1d9: {  	_ =	swait.ge [sflag:s16], $0x4000  }
0x1da: {  	[sflag:s16] =	ssyncset.done $0x0  }
0x1db: {  	[sflag:s16] =	ssyncadd.s32 $0xFFFFC000  }
0x1dc: {  	_ =	swait.ge [sflag:s17], $0x200  }
0x1dd: {  	[sflag:s17] =	ssyncset.done $0x0  }
0x1de: {  	[sflag:s17] =	ssyncadd.s32 $0xFFFFFE00  }
0x1df: {  	_ =	swait.ge [sflag:s5], $0x1000  }
0x1e0: {  	[sflag:s5] =	ssyncset.done $0x0  }
0x1e1: {  	[sflag:s5] =	ssyncadd.s32 $0xFFFFF000  }
0x1e2: {  	_ =	swait.ge [sflag:s5], $0x1000  }
0x1e3: {  	[sflag:s5] =	ssyncset.done $0x0  }
0x1e4: {  	[sflag:s5] =	ssyncadd.s32 $0xFFFFF000  }
0x1e5: {  	_ =	swait.ge [sflag:s5], $0x1000  }
0x1e6: {  	[sflag:s5] =	ssyncset.done $0x0  }
0x1e7: {  	[sflag:s5] =	ssyncadd.s32 $0xFFFFF000  }
0x1e8: {  	_ =	swait.ge [sflag:s5], $0x1000  }
0x1e9: {  	[sflag:s5] =	ssyncset.done $0x0  }
0x1ea: {  	s22 =	simm.s32 $0x8800;
	s20 =	sld [smem:$0x7DA];
	[sflag:s5] =	ssyncadd.s32 $0xFFFFF000  }
0x1eb: {  	[tilespmem:s22], [sflag:$0x7] =	stream.indirect.gather [spmem:s2], $0x20, s26, s14, $0xb8;
	[tilespmem:$0x15700] =	vst v63  }
0x1ec: {  	s15 =	simm.s32 $0x800;
	s22 =	sld [smem:$0x7DB]  }
0x1ed: {  	[hbm4b:s20+s7] =	stream.strided.scatter [tilespmem:s15], [sflag:$0x9], $0x1000, s8, s7, $0x38;
	[tilespmem:$0x15700] =	vst v63  }
0x1ee: {  	s18 =	sld [smem:$0x7DC];
	s20 =	simm.s32 $0x1800  }
0x1ef: {  	[hbm4b:s22+s7] =	stream.strided.scatter [tilespmem:s20], [sflag:$0x9], $0x1000, s8, s7, $0x38;
	[tilespmem:$0x15700] =	vst v63  }
0x1f0: {  	s11 =	simm.s32 $0x2800;
	s10 =	sld [smem:$0x7DD]  }
0x1f1: {  	[hbm4b:s18+s7] =	stream.strided.scatter [tilespmem:s11], [sflag:$0x9], $0x1000, s8, s7, $0x38;
	[tilespmem:$0x15700] =	vst v63  }
0x1f2: {  	s15 =	sld [smem:$0x7DE];
	s18 =	simm.s32 $0x3800  }
0x1f3: {  	[hbm4b:s10+s7] =	stream.strided.scatter [tilespmem:s18], [sflag:$0x9], $0x1000, s8, s7, $0x38;
	[tilespmem:$0x15700] =	vst v63  }
0x1f4: {  	_ = 	snop  }
0x1f5: {  	[tilespmem:s25], [sflag:$0x1] =	stream.linear.gather [hbm4b:s15+s25], $0x200, $0x38;
	[tilespmem:$0x15700] =	vst v63  }
0x1f6: {  	_ =	swait.ge [sflag:s30], $0x4000  }
0x1f7: {  	[sflag:s30] =	ssyncset.done $0x0  }
0x1f8: {  	[sflag:s30] =	ssyncadd.s32 $0xFFFFC000  }
0x1f9: {  	_ =	swait.ge [sflag:s12], $0x200  }
0x1fa: {  	[sflag:s12] =	ssyncset.done $0x0  }
0x1fb: {  	[sflag:s12] =	ssyncadd.s32 $0xFFFFFE00  }
0x1fc: {  	_ =	swait.ge [sflag:s4], $0x1000  }
0x1fd: {  	[sflag:s4] =	ssyncset.done $0x0  }
0x1fe: {  	[sflag:s4] =	ssyncadd.s32 $0xFFFFF000  }
0x1ff: {  	_ =	swait.ge [sflag:s4], $0x1000  }
0x200: {  	[sflag:s4] =	ssyncset.done $0x0  }
0x201: {  	[sflag:s4] =	ssyncadd.s32 $0xFFFFF000  }
0x202: {  	_ =	swait.ge [sflag:s4], $0x1000  }
0x203: {  	[sflag:s4] =	ssyncset.done $0x0  }
0x204: {  	[sflag:s4] =	ssyncadd.s32 $0xFFFFF000  }
0x205: {  	_ =	swait.ge [sflag:s4], $0x1000  }
0x206: {  	[sflag:s4] =	ssyncset.done $0x0  }
0x207: {  	s22 =	simm.s32 $0x600;
	s20 =	sld [smem:$0x7DF];
	[sflag:s4] =	ssyncadd.s32 $0xFFFFF000  }
0x208: {  	[tilespmem:s29], [sflag:$0x8] =	stream.indirect.gather [spmem:s2], $0x20, s22, s14, $0xb8;
	[tilespmem:$0x15700] =	vst v63  }
0x209: {  	s15 =	sld [smem:$0x7E0]  }
0x20a: {  	[hbm4b:s20+s7] =	stream.strided.scatter [tilespmem:s28], [sflag:$0xA], $0x1000, s8, s7, $0x38;
	[tilespmem:$0x15700] =	vst v63  }
0x20b: {  	s18 =	sld [smem:$0x7E1]  }
0x20c: {  	[hbm4b:s15+s7] =	stream.strided.scatter [tilespmem:s0], [sflag:$0xA], $0x1000, s8, s7, $0x38;
	[tilespmem:$0x15700] =	vst v63  }
0x20d: {  	s20 =	sld [smem:$0x7E2]  }
0x20e: {  	[hbm4b:s18+s7] =	stream.strided.scatter [tilespmem:s1], [sflag:$0xA], $0x1000, s8, s7, $0x38;
	[tilespmem:$0x15700] =	vst v63  }
0x20f: {  	s10 =	sld [smem:$0x7E3]  }
0x210: {  	[hbm4b:s20+s7] =	stream.strided.scatter [tilespmem:s24], [sflag:$0xA], $0x1000, s8, s7, $0x38;
	[tilespmem:$0x15700] =	vst v63  }
0x211: {  	s23 =	simm.s32 $0x7  }
0x212: {  	[tilespmem:s14], [sflag:$0x2] =	stream.linear.gather [hbm4b:s10+s25], $0x200, $0x38;
	[tilespmem:$0x15700] =	vst v63  }
0x213: {  	_ =	swait.ge [sflag:s23], $0x4000  }
0x214: {  	[sflag:s23] =	ssyncset.done $0x0  }
0x215: {  	[sflag:s23] =	ssyncadd.s32 $0xFFFFC000  }
0x216: {  	_ =	swait.ge [sflag:s19], $0x200  }
0x217: {  	[sflag:s19] =	ssyncset.done $0x0  }
0x218: {  	[sflag:s19] =	ssyncadd.s32 $0xFFFFFE00  }
0x219: {  	_ =	swait.ge [sflag:s9], $0x1000  }
0x21a: {  	[sflag:s9] =	ssyncset.done $0x0  }
0x21b: {  	[sflag:s9] =	ssyncadd.s32 $0xFFFFF000  }
0x21c: {  	_ =	swait.ge [sflag:s9], $0x1000  }
0x21d: {  	[sflag:s9] =	ssyncset.done $0x0  }
0x21e: {  	[sflag:s9] =	ssyncadd.s32 $0xFFFFF000  }
0x21f: {  	_ =	swait.ge [sflag:s9], $0x1000  }
0x220: {  	[sflag:s9] =	ssyncset.done $0x0  }
0x221: {  	[sflag:s9] =	ssyncadd.s32 $0xFFFFF000  }
0x222: {  	_ =	swait.ge [sflag:s9], $0x1000  }
0x223: {  	[sflag:s9] =	ssyncset.done $0x0  }
0x224: {  	s18 =	simm.s32 $0x800;
	s15 =	sld [smem:$0x7E4];
	[sflag:s9] =	ssyncadd.s32 $0xFFFFF000  }
0x225: {  	[tilespmem:s18], [sflag:$0x5] =	stream.indirect.gather [spmem:s2], $0x20, s25, s14, $0xb8;
	[tilespmem:$0x15700] =	vst v63  }
0x226: {  	s20 =	simm.s32 $0x8800;
	s19 =	sld [smem:$0x7E5]  }
0x227: {  	[hbm4b:s15+s7] =	stream.strided.scatter [tilespmem:s20], [sflag:$0xB], $0x1000, s8, s7, $0x38;
	[tilespmem:$0x15700] =	vst v63  }
0x228: {  	s10 =	sld [smem:$0x7E6]  }
0x229: {  	[hbm4b:s19+s7] =	stream.strided.scatter [tilespmem:s31], [sflag:$0xB], $0x1000, s8, s7, $0x38;
	[tilespmem:$0x15700] =	vst v63  }
0x22a: {  	s15 =	sld [smem:$0x7E7];
	s20 =	simm.s32 $0xA800  }
0x22b: {  	[hbm4b:s10+s7] =	stream.strided.scatter [tilespmem:s20], [sflag:$0xB], $0x1000, s8, s7, $0x38;
	[tilespmem:$0x15700] =	vst v63  }
0x22c: {  	s31 =	sld [smem:$0x7E8];
	s19 =	simm.s32 $0xB800  }
0x22d: {  	[hbm4b:s15+s7] =	stream.strided.scatter [tilespmem:s19], [sflag:$0xB], $0x1000, s8, s7, $0x38;
	[tilespmem:$0x15700] =	vst v63  }
0x22e: {  	s18 =	simm.s32 $0x8  }
0x22f: {  	[tilespmem:s26], [sflag:$0x3] =	stream.linear.gather [hbm4b:s31+s25], $0x200, $0x38;
	[tilespmem:$0x15700] =	vst v63  }
0x230: {  	_ =	swait.ge [sflag:s18], $0x4000  }
0x231: {  	[sflag:s18] =	ssyncset.done $0x0  }
0x232: {  	[sflag:s18] =	ssyncadd.s32 $0xFFFFC000  }
0x233: {  	_ =	swait.ge [sflag:s3], $0x200  }
0x234: {  	[sflag:s3] =	ssyncset.done $0x0  }
0x235: {  	[sflag:s3] =	ssyncadd.s32 $0xFFFFFE00  }
0x236: {  	_ =	swait.ge [sflag:s6], $0x1000  }
0x237: {  	[sflag:s6] =	ssyncset.done $0x0  }
0x238: {  	[sflag:s6] =	ssyncadd.s32 $0xFFFFF000  }
0x239: {  	_ =	swait.ge [sflag:s6], $0x1000  }
0x23a: {  	[sflag:s6] =	ssyncset.done $0x0  }
0x23b: {  	[sflag:s6] =	ssyncadd.s32 $0xFFFFF000  }
0x23c: {  	_ =	swait.ge [sflag:s6], $0x1000  }
0x23d: {  	[sflag:s6] =	ssyncset.done $0x0  }
0x23e: {  	[sflag:s6] =	ssyncadd.s32 $0xFFFFF000  }
0x23f: {  	_ =	swait.ge [sflag:s6], $0x1000  }
0x240: {  	[sflag:s6] =	ssyncset.done $0x0  }
0x241: {  	s25 =	sld [smem:$0x7E9];
	[sflag:s6] =	ssyncadd.s32 $0xFFFFF000  }
0x242: {  	[tilespmem:s28], [sflag:$0x6] =	stream.indirect.gather [spmem:s2], $0x20, s14, s14, $0xb8;
	[tilespmem:$0x15700] =	vst v63  }
0x243: {  	s31 =	sld [smem:$0x7EA]  }
0x244: {  	[hbm4b:s25+s7] =	stream.strided.scatter [tilespmem:s29], [sflag:$0xC], $0x1000, s8, s7, $0x38;
	[tilespmem:$0x15700] =	vst v63  }
0x245: {  	s10 =	sld [smem:$0x7EB];
	s25 =	simm.s32 $0xD800  }
0x246: {  	[hbm4b:s31+s7] =	stream.strided.scatter [tilespmem:s25], [sflag:$0xC], $0x1000, s8, s7, $0x38;
	[tilespmem:$0x15700] =	vst v63  }
0x247: {  	s19 =	simm.s32 $0xE800;
	s31 =	sld [smem:$0x7EC]  }
0x248: {  	[hbm4b:s10+s7] =	stream.strided.scatter [tilespmem:s19], [sflag:$0xC], $0x1000, s8, s7, $0x38;
	[tilespmem:$0x15700] =	vst v63  }
0x249: {  	s10 =	sld [smem:$0x7ED]  }
0x24a: {  	[hbm4b:s31+s7] =	stream.strided.scatter [tilespmem:s13], [sflag:$0xC], $0x1000, s8, s7, $0x38;
	[tilespmem:$0x15700] =	vst v63  }
0x24b: {  	s3 =	simm.s32 $0x0;
	s13 =	simm.s32 $0x600  }
0x24c: {  	[tilespmem:s13], [sflag:$0x4] =	stream.linear.gather [hbm4b:s10+s3], $0x200, $0x38;
	[tilespmem:$0x15700] =	vst v63  }
0x24d: {  	_ =	swait.ge [sflag:s16], $0x4000  }
0x24e: {  	[sflag:s16] =	ssyncset.done $0x0  }
0x24f: {  	[sflag:s16] =	ssyncadd.s32 $0xFFFFC000  }
0x250: {  	_ =	swait.ge [sflag:s17], $0x200  }
0x251: {  	[sflag:s17] =	ssyncset.done $0x0  }
0x252: {  	[sflag:s17] =	ssyncadd.s32 $0xFFFFFE00  }
0x253: {  	_ =	swait.ge [sflag:s5], $0x1000  }
0x254: {  	[sflag:s5] =	ssyncset.done $0x0  }
0x255: {  	[sflag:s5] =	ssyncadd.s32 $0xFFFFF000  }
0x256: {  	_ =	swait.ge [sflag:s5], $0x1000  }
0x257: {  	[sflag:s5] =	ssyncset.done $0x0  }
0x258: {  	[sflag:s5] =	ssyncadd.s32 $0xFFFFF000  }
0x259: {  	_ =	swait.ge [sflag:s5], $0x1000  }
0x25a: {  	[sflag:s5] =	ssyncset.done $0x0  }
0x25b: {  	[sflag:s5] =	ssyncadd.s32 $0xFFFFF000  }
0x25c: {  	_ =	swait.ge [sflag:s5], $0x1000  }
0x25d: {  	s22 =	simm.s32 $0x8800;
	[sflag:s5] =	ssyncset.done $0x0  }
0x25e: {  	s28 =	simm.s32 $0x400;
	s17 =	sld [smem:$0x7EE];
	[sflag:s5] =	ssyncadd.s32 $0xFFFFF000  }
0x25f: {  	[tilespmem:s22], [sflag:$0x7] =	stream.indirect.gather [spmem:s2], $0x20, s28, s14, $0xb8;
	[tilespmem:$0x15700] =	vst v63  }
0x260: {  	s26 =	simm.s32 $0x800;
	s16 =	sld [smem:$0x7EF]  }
0x261: {  	[hbm4b:s17+s7] =	stream.strided.scatter [tilespmem:s26], [sflag:$0x9], $0x1000, s8, s7, $0x38;
	[tilespmem:$0x15700] =	vst v63  }
0x262: {  	s21 =	sld [smem:$0x7F0];
	s17 =	simm.s32 $0x1800  }
0x263: {  	[hbm4b:s16+s7] =	stream.strided.scatter [tilespmem:s17], [sflag:$0x9], $0x1000, s8, s7, $0x38;
	[tilespmem:$0x15700] =	vst v63  }
0x264: {  	s22 =	sld [smem:$0x7F1];
	s17 =	simm.s32 $0x2800  }
0x265: {  	[hbm4b:s21+s7] =	stream.strided.scatter [tilespmem:s17], [sflag:$0x9], $0x1000, s8, s7, $0x38;
	[tilespmem:$0x15700] =	vst v63  }
0x266: {  	s11 =	simm.s32 $0x3800  }
0x267: {  	[hbm4b:s22+s7] =	stream.strided.scatter [tilespmem:s11], [sflag:$0x9], $0x1000, s8, s7, $0x38;
	[tilespmem:$0x15700] =	vst v63  }
0x268: {  	_ =	swait.ge [sflag:s30], $0x4000  }
0x269: {  	[sflag:s30] =	ssyncset.done $0x0  }
0x26a: {  	[sflag:s30] =	ssyncadd.s32 $0xFFFFC000  }
0x26b: {  	_ =	swait.ge [sflag:s12], $0x200  }
0x26c: {  	[sflag:s12] =	ssyncset.done $0x0  }
0x26d: {  	[sflag:s12] =	ssyncadd.s32 $0xFFFFFE00  }
0x26e: {  	_ =	swait.ge [sflag:s4], $0x1000  }
0x26f: {  	[sflag:s4] =	ssyncset.done $0x0  }
0x270: {  	[sflag:s4] =	ssyncadd.s32 $0xFFFFF000  }
0x271: {  	_ =	swait.ge [sflag:s4], $0x1000  }
0x272: {  	[sflag:s4] =	ssyncset.done $0x0  }
0x273: {  	[sflag:s4] =	ssyncadd.s32 $0xFFFFF000  }
0x274: {  	_ =	swait.ge [sflag:s4], $0x1000  }
0x275: {  	[sflag:s4] =	ssyncset.done $0x0  }
0x276: {  	[sflag:s4] =	ssyncadd.s32 $0xFFFFF000  }
0x277: {  	_ =	swait.ge [sflag:s4], $0x1000  }
0x278: {  	[sflag:s4] =	ssyncset.done $0x0  }
0x279: {  	s13 =	simm.s32 $0x600;
	s16 =	sld [smem:$0x7F2];
	[sflag:s4] =	ssyncadd.s32 $0xFFFFF000  }
0x27a: {  	[tilespmem:s29], [sflag:$0x8] =	stream.indirect.gather [spmem:s2], $0x20, s13, s14, $0xb8;
	[tilespmem:$0x15700] =	vst v63  }
0x27b: {  	s10 =	simm.s32 $0x4800;
	s17 =	sld [smem:$0x7F3]  }
0x27c: {  	[hbm4b:s16+s7] =	stream.strided.scatter [tilespmem:s10], [sflag:$0xA], $0x1000, s8, s7, $0x38;
	[tilespmem:$0x15700] =	vst v63  }
0x27d: {  	s29 =	sld [smem:$0x7F4]  }
0x27e: {  	[hbm4b:s17+s7] =	stream.strided.scatter [tilespmem:s0], [sflag:$0xA], $0x1000, s8, s7, $0x38;
	[tilespmem:$0x15700] =	vst v63  }
0x27f: {  	s30 =	sld [smem:$0x7F5]  }
0x280: {  	[hbm4b:s29+s7] =	stream.strided.scatter [tilespmem:s1], [sflag:$0xA], $0x1000, s8, s7, $0x38;
	[tilespmem:$0x15700] =	vst v63  }
0x281: {  	_ = 	snop  }
0x282: {  	[hbm4b:s30+s7] =	stream.strided.scatter [tilespmem:s24], [sflag:$0xA], $0x1000, s8, s7, $0x38;
	[tilespmem:$0x15700] =	vst v63  }
0x283: {  	_ =	swait.ge [sflag:s23], $0x4000  }
0x284: {  	s0 =	sld [smem:$0x7F6]  }
0x285: {  	[sflag:s23] =	ssyncset.done $0x0  }
0x286: {  	s11 =	simm.s32 $0x8800;
	s1 =	sld [smem:$0x7F7];
	[sflag:s23] =	ssyncadd.s32 $0xFFFFC000  }
0x287: {  	[hbm4b:s0+s7] =	stream.strided.scatter [tilespmem:s11], [sflag:$0xB], $0x1000, s8, s7, $0x38;
	[tilespmem:$0x15700] =	vst v63  }
0x288: {  	s16 =	simm.s32 $0x9800;
	s12 =	sld [smem:$0x7F8]  }
0x289: {  	[hbm4b:s1+s7] =	stream.strided.scatter [tilespmem:s16], [sflag:$0xB], $0x1000, s8, s7, $0x38;
	[tilespmem:$0x15700] =	vst v63  }
0x28a: {  	s20 =	simm.s32 $0xA800;
	s17 =	sld [smem:$0x7F9]  }
0x28b: {  	[hbm4b:s12+s7] =	stream.strided.scatter [tilespmem:s20], [sflag:$0xB], $0x1000, s8, s7, $0x38;
	[tilespmem:$0x15700] =	vst v63  }
0x28c: {  	s15 =	simm.s32 $0xB800  }
0x28d: {  	[hbm4b:s17+s7] =	stream.strided.scatter [tilespmem:s15], [sflag:$0xB], $0x1000, s8, s7, $0x38;
	[tilespmem:$0x15700] =	vst v63  }
0x28e: {  	_ =	swait.ge [sflag:s18], $0x4000  }
0x28f: {  	s22 =	sld [smem:$0x7FA]  }
0x290: {  	[sflag:s18] =	ssyncset.done $0x0  }
0x291: {  	s1 =	simm.s32 $0xC800;
	s24 =	sld [smem:$0x7FB];
	[sflag:s18] =	ssyncadd.s32 $0xFFFFC000  }
0x292: {  	[hbm4b:s22+s7] =	stream.strided.scatter [tilespmem:s1], [sflag:$0xC], $0x1000, s8, s7, $0x38;
	[tilespmem:$0x15700] =	vst v63  }
0x293: {  	s29 =	sld [smem:$0x7FC]  }
0x294: {  	[hbm4b:s24+s7] =	stream.strided.scatter [tilespmem:s25], [sflag:$0xC], $0x1000, s8, s7, $0x38;
	[tilespmem:$0x15700] =	vst v63  }
0x295: {  	s30 =	sld [smem:$0x7FD]  }
0x296: {  	[hbm4b:s29+s7] =	stream.strided.scatter [tilespmem:s19], [sflag:$0xC], $0x1000, s8, s7, $0x38;
	[tilespmem:$0x15700] =	vst v63  }
0x297: {  	s31 =	simm.s32 $0xF800  }
0x298: {  	[hbm4b:s30+s7] =	stream.strided.scatter [tilespmem:s31], [sflag:$0xC], $0x1000, s8, s7, $0x38;
	[tilespmem:$0x15700] =	vst v63  }
0x299: {  	_ =	swait.ge [sflag:s9], $0x1000  }
0x29a: {  	[sflag:s9] =	ssyncset.done $0x0  }
0x29b: {  	[sflag:s9] =	ssyncadd.s32 $0xFFFFF000  }
0x29c: {  	_ =	swait.ge [sflag:s9], $0x1000  }
0x29d: {  	[sflag:s9] =	ssyncset.done $0x0  }
0x29e: {  	[sflag:s9] =	ssyncadd.s32 $0xFFFFF000  }
0x29f: {  	_ =	swait.ge [sflag:s9], $0x1000  }
0x2a0: {  	[sflag:s9] =	ssyncset.done $0x0  }
0x2a1: {  	[sflag:s9] =	ssyncadd.s32 $0xFFFFF000  }
0x2a2: {  	_ =	swait.ge [sflag:s9], $0x1000  }
0x2a3: {  	[sflag:s9] =	ssyncset.done $0x0  }
0x2a4: {  	[sflag:s9] =	ssyncadd.s32 $0xFFFFF000  }
0x2a5: {  	_ =	swait.ge [sflag:s6], $0x1000  }
0x2a6: {  	[sflag:s6] =	ssyncset.done $0x0  }
0x2a7: {  	[sflag:s6] =	ssyncadd.s32 $0xFFFFF000  }
0x2a8: {  	_ =	swait.ge [sflag:s6], $0x1000  }
0x2a9: {  	[sflag:s6] =	ssyncset.done $0x0  }
0x2aa: {  	[sflag:s6] =	ssyncadd.s32 $0xFFFFF000  }
0x2ab: {  	_ =	swait.ge [sflag:s6], $0x1000  }
0x2ac: {  	[sflag:s6] =	ssyncset.done $0x0  }
0x2ad: {  	[sflag:s6] =	ssyncadd.s32 $0xFFFFF000  }
0x2ae: {  	_ =	swait.ge [sflag:s6], $0x1000  }
0x2af: {  	[sflag:s6] =	ssyncset.done $0x0  }
0x2b0: {  	[sflag:s6] =	ssyncadd.s32 $0xFFFFF000  }
0x2b1: {  	_ =	swait.ge [sflag:s5], $0x1000  }
0x2b2: {  	[sflag:s5] =	ssyncset.done $0x0  }
0x2b3: {  	[sflag:s5] =	ssyncadd.s32 $0xFFFFF000  }
0x2b4: {  	_ =	swait.ge [sflag:s5], $0x1000  }
0x2b5: {  	[sflag:s5] =	ssyncset.done $0x0  }
0x2b6: {  	[sflag:s5] =	ssyncadd.s32 $0xFFFFF000  }
0x2b7: {  	_ =	swait.ge [sflag:s5], $0x1000  }
0x2b8: {  	[sflag:s5] =	ssyncset.done $0x0  }
0x2b9: {  	[sflag:s5] =	ssyncadd.s32 $0xFFFFF000  }
0x2ba: {  	_ =	swait.ge [sflag:s5], $0x1000  }
0x2bb: {  	[sflag:s5] =	ssyncset.done $0x0  }
0x2bc: {  	[sflag:s5] =	ssyncadd.s32 $0xFFFFF000  }
0x2bd: {  	_ =	swait.ge [sflag:s4], $0x1000  }
0x2be: {  	[sflag:s4] =	ssyncset.done $0x0  }
0x2bf: {  	[sflag:s4] =	ssyncadd.s32 $0xFFFFF000  }
0x2c0: {  	_ =	swait.ge [sflag:s4], $0x1000  }
0x2c1: {  	[sflag:s4] =	ssyncset.done $0x0  }
0x2c2: {  	[sflag:s4] =	ssyncadd.s32 $0xFFFFF000  }
0x2c3: {  	_ =	swait.ge [sflag:s4], $0x1000  }
0x2c4: {  	s31 =	sld [smem:$0x7B2];
	_ =	sdelay $0x2  }
0x2c5: {  	p1 =	sne.s32 s31, $0x1  }
.Ltmp1:
0x2c6: {  	_ = 	snop;
	(pc) =	sbr.rel @!p1 .LBB2_6-.Ltmp1, $4  }
0x2c7: {  	[sflag:s4] =	ssyncset.done $0x0  }
0x2c8: {  	[sflag:s4] =	ssyncadd.s32 $0xFFFFF000  }
0x2c9: {  	p0 =	por $0x1, $0x1;
	_ =	swait.ge [sflag:s4], $0x1000  }
0x2ca: {  	s21 =	sadd.s32 $0xFFFFFFFF, s31;
	s22 =	rddreg [dreg:$0x3];
	[sflag:s4] =	ssyncset.done $0x0  }
0x2cb: {  	s16 =	simm.s32 $0x5  }
0x2cc: {  	s31 =	simm.s32 $0x3;
	s30 =	simm.s32 $0x6;
	s17 =	simm.s32 $0x4  }
.LBB2_3:
0x2cd: {  	[sflag:s4] =	ssyncadd.s32 $0xFFFFF000;
	s0 =	simm.s32 $0xD  }
0x2ce: {  	[tilespmem:s26], [sflag:$0xD] =	stream.linear.gather [hbm4b:s22+s3], $0x4000, $0x38;
	[tilespmem:$0x15700] =	vst v63  }
0x2cf: {  	_ =	swait.ge [sflag:s0], $0x4000  }
0x2d0: {  	[sflag:s0] =	ssyncset.done $0x0  }
0x2d1: {  	s24 =	rddreg [dreg:$0x4];
	[sflag:s0] =	ssyncadd.s32 $0xFFFFC000  }
0x2d2: {  	[spmem:s24] =	stream.linear.scatter [tilespmem:s26], [sflag:$0xD], $0x4000, $0x38;
	[tilespmem:$0x15700] =	vst v63  }
0x2d3: {  	_ =	swait.ge [sflag:s0], $0x4000  }
0x2d4: {  	[sflag:s0] =	ssyncset.done $0x0  }
0x2d5: {  	s25 =	rddreg [dreg:$0x5];
	[sflag:s0] =	ssyncadd.s32 $0xFFFFC000  }
0x2d6: {  	[tilespmem:s26], [sflag:$0xD] =	stream.linear.gather [hbm4b:s25+s3], $0xF00, $0x38;
	[tilespmem:$0x15700] =	vst v63  }
0x2d7: {  	_ =	swait.ge [sflag:s0], $0xF00  }
0x2d8: {  	[sflag:s0] =	ssyncset.done $0x0  }
0x2d9: {  	s29 =	rddreg [dreg:$0x6];
	[sflag:s0] =	ssyncadd.s32 $0xFFFFF100  }
0x2da: {  	[spmem:s29] =	stream.linear.scatter [tilespmem:s26], [sflag:$0xD], $0xF00, $0x38;
	[tilespmem:$0x15700] =	vst v63  }
0x2db: {  	_ =	swait.ge [sflag:s0], $0xF00  }
0x2dc: {  	[sflag:s0] =	ssyncset.done $0x0  }
0x2dd: {  	[sflag:s0] =	ssyncadd.s32 $0xFFFFF100  }
0x2de: {  	[bflag:$0x0] =	sbarrier.arrive $0xFFFF  }
0x2df: {  	s0 =	rddreg [dreg:$0x7]  }
0x2e0: {  	[tilespmem:s3], [sflag:$0x1] =	stream.linear.gather [hbm4b:s0+s3], $0x200, $0x38;
	[tilespmem:$0x15700] =	vst v63  }
0x2e1: {  	s24 =	rddreg [dreg:$0x8]  }
0x2e2: {  	[tilespmem:s14], [sflag:$0x2] =	stream.linear.gather [hbm4b:s24+s3], $0x200, $0x38;
	[tilespmem:$0x15700] =	vst v63  }
0x2e3: {  	s12 =	rddreg [dreg:$0x9]  }
0x2e4: {  	[tilespmem:s28], [sflag:$0x3] =	stream.linear.gather [hbm4b:s12+s3], $0x200, $0x38;
	[tilespmem:$0x15700] =	vst v63  }
0x2e5: {  	s25 =	simm.s32 $0x1;
	s15 =	rddreg [dreg:$0xa]  }
0x2e6: {  	[tilespmem:s13], [sflag:$0x4] =	stream.linear.gather [hbm4b:s15+s3], $0x200, $0x38;
	[tilespmem:$0x15700] =	vst v63  }
0x2e7: {  	_ =	swait.ge [sflag:s25], $0x200  }
0x2e8: {  	[sflag:s25] =	ssyncset.done $0x0  }
0x2e9: {  	[sflag:s25] =	ssyncadd.s32 $0xFFFFFE00  }
0x2ea: {  	[tilespmem:s26], [sflag:$0x5] =	stream.indirect.gather [spmem:s2], $0x20, s3, s14, $0xb8;
	[tilespmem:$0x15700] =	vst v63  }
0x2eb: {  	s3 =	simm.s32 $0x2  }
0x2ec: {  	_ =	swait.ge [sflag:s3], $0x200  }
0x2ed: {  	[sflag:s3] =	ssyncset.done $0x0  }
0x2ee: {  	[sflag:s3] =	ssyncadd.s32 $0xFFFFFE00  }
0x2ef: {  	[tilespmem:s10], [sflag:$0x6] =	stream.indirect.gather [spmem:s2], $0x20, s14, s14, $0xb8;
	[tilespmem:$0x15700] =	vst v63  }
0x2f0: {  	_ =	swait.ge [sflag:s16], $0x4000  }
0x2f1: {  	[sflag:s16] =	ssyncset.done $0x0  }
0x2f2: {  	[sflag:s16] =	ssyncadd.s32 $0xFFFFC000  }
0x2f3: {  	_ =	swait.ge [sflag:s31], $0x200  }
0x2f4: {  	[sflag:s31] =	ssyncset.done $0x0  }
0x2f5: {  	[sflag:s31] =	ssyncadd.s32 $0xFFFFFE00  }
0x2f6: {  	[tilespmem:s11], [sflag:$0x7] =	stream.indirect.gather [spmem:s2], $0x20, s28, s14, $0xb8;
	[tilespmem:$0x15700] =	vst v63  }
0x2f7: {  	s18 =	rddreg [dreg:$0xb]  }
0x2f8: {  	[hbm4b:s18+s7] =	stream.strided.scatter [tilespmem:s26], [sflag:$0x9], $0x1000, s8, s7, $0x38;
	[tilespmem:$0x15700] =	vst v63  }
0x2f9: {  	s29 =	simm.s32 $0x1800;
	s19 =	rddreg [dreg:$0xc]  }
0x2fa: {  	[hbm4b:s19+s7] =	stream.strided.scatter [tilespmem:s29], [sflag:$0x9], $0x1000, s8, s7, $0x38;
	[tilespmem:$0x15700] =	vst v63  }
0x2fb: {  	s20 =	rddreg [dreg:$0xd];
	s18 =	simm.s32 $0x2800  }
0x2fc: {  	[hbm4b:s20+s7] =	stream.strided.scatter [tilespmem:s18], [sflag:$0x9], $0x1000, s8, s7, $0x38;
	[tilespmem:$0x15700] =	vst v63  }
0x2fd: {  	s15 =	rddreg [dreg:$0xe];
	s20 =	simm.s32 $0x3800  }
0x2fe: {  	[hbm4b:s15+s7] =	stream.strided.scatter [tilespmem:s20], [sflag:$0x9], $0x1000, s8, s7, $0x38;
	[tilespmem:$0x15700] =	vst v63  }
0x2ff: {  	s12 =	simm.s32 $0x0;
	s19 =	rddreg [dreg:$0xf]  }
0x300: {  	[tilespmem:s12], [sflag:$0x1] =	stream.linear.gather [hbm4b:s19+s12], $0x200, $0x38;
	[tilespmem:$0x15700] =	vst v63  }
0x301: {  	_ =	swait.ge [sflag:s30], $0x4000  }
0x302: {  	[sflag:s30] =	ssyncset.done $0x0  }
0x303: {  	[sflag:s30] =	ssyncadd.s32 $0xFFFFC000  }
0x304: {  	_ =	swait.ge [sflag:s17], $0x200  }
0x305: {  	[sflag:s17] =	ssyncset.done $0x0  }
0x306: {  	[sflag:s17] =	ssyncadd.s32 $0xFFFFFE00  }
0x307: {  	[tilespmem:s1], [sflag:$0x8] =	stream.indirect.gather [spmem:s2], $0x20, s13, s14, $0xb8;
	[tilespmem:$0x15700] =	vst v63  }
0x308: {  	s0 =	rddreg [dreg:$0x10]  }
0x309: {  	[hbm4b:s0+s7] =	stream.strided.scatter [tilespmem:s10], [sflag:$0xA], $0x1000, s8, s7, $0x38;
	[tilespmem:$0x15700] =	vst v63  }
0x30a: {  	s19 =	simm.s32 $0x5800;
	s15 =	rddreg [dreg:$0x11]  }
0x30b: {  	[hbm4b:s15+s7] =	stream.strided.scatter [tilespmem:s19], [sflag:$0xA], $0x1000, s8, s7, $0x38;
	[tilespmem:$0x15700] =	vst v63  }
0x30c: {  	s18 =	rddreg [dreg:$0x12];
	s1 =	simm.s32 $0x6800  }
0x30d: {  	[hbm4b:s18+s7] =	stream.strided.scatter [tilespmem:s1], [sflag:$0xA], $0x1000, s8, s7, $0x38;
	[tilespmem:$0x15700] =	vst v63  }
0x30e: {  	s20 =	rddreg [dreg:$0x13];
	s13 =	simm.s32 $0x7800  }
0x30f: {  	[hbm4b:s20+s7] =	stream.strided.scatter [tilespmem:s13], [sflag:$0xA], $0x1000, s8, s7, $0x38;
	[tilespmem:$0x15700] =	vst v63  }
0x310: {  	s10 =	rddreg [dreg:$0x14]  }
0x311: {  	[tilespmem:s14], [sflag:$0x2] =	stream.linear.gather [hbm4b:s10+s12], $0x200, $0x38;
	[tilespmem:$0x15700] =	vst v63  }
0x312: {  	_ =	swait.ge [sflag:s23], $0x4000  }
0x313: {  	[sflag:s23] =	ssyncset.done $0x0  }
0x314: {  	[sflag:s23] =	ssyncadd.s32 $0xFFFFC000  }
0x315: {  	_ =	swait.ge [sflag:s25], $0x200  }
0x316: {  	[sflag:s25] =	ssyncset.done $0x0  }
0x317: {  	[sflag:s25] =	ssyncadd.s32 $0xFFFFFE00  }
0x318: {  	_ =	swait.ge [sflag:s9], $0x1000  }
0x319: {  	[sflag:s9] =	ssyncset.done $0x0  }
0x31a: {  	[sflag:s9] =	ssyncadd.s32 $0xFFFFF000  }
0x31b: {  	_ =	swait.ge [sflag:s9], $0x1000  }
0x31c: {  	[sflag:s9] =	ssyncset.done $0x0  }
0x31d: {  	[sflag:s9] =	ssyncadd.s32 $0xFFFFF000  }
0x31e: {  	_ =	swait.ge [sflag:s9], $0x1000  }
0x31f: {  	[sflag:s9] =	ssyncset.done $0x0  }
0x320: {  	[sflag:s9] =	ssyncadd.s32 $0xFFFFF000  }
0x321: {  	_ =	swait.ge [sflag:s9], $0x1000  }
0x322: {  	[sflag:s9] =	ssyncset.done $0x0  }
0x323: {  	[sflag:s9] =	ssyncadd.s32 $0xFFFFF000  }
0x324: {  	[tilespmem:s26], [sflag:$0x5] =	stream.indirect.gather [spmem:s2], $0x20, s12, s14, $0xb8;
	[tilespmem:$0x15700] =	vst v63  }
0x325: {  	s15 =	rddreg [dreg:$0x15]  }
0x326: {  	[hbm4b:s15+s7] =	stream.strided.scatter [tilespmem:s11], [sflag:$0xB], $0x1000, s8, s7, $0x38;
	[tilespmem:$0x15700] =	vst v63  }
0x327: {  	s18 =	rddreg [dreg:$0x16];
	s26 =	simm.s32 $0x9800  }
0x328: {  	[hbm4b:s18+s7] =	stream.strided.scatter [tilespmem:s26], [sflag:$0xB], $0x1000, s8, s7, $0x38;
	[tilespmem:$0x15700] =	vst v63  }
0x329: {  	s10 =	simm.s32 $0xA800;
	s19 =	rddreg [dreg:$0x17]  }
0x32a: {  	[hbm4b:s19+s7] =	stream.strided.scatter [tilespmem:s10], [sflag:$0xB], $0x1000, s8, s7, $0x38;
	[tilespmem:$0x15700] =	vst v63  }
0x32b: {  	s1 =	rddreg [dreg:$0x18];
	s19 =	simm.s32 $0xB800  }
0x32c: {  	[hbm4b:s1+s7] =	stream.strided.scatter [tilespmem:s19], [sflag:$0xB], $0x1000, s8, s7, $0x38;
	[tilespmem:$0x15700] =	vst v63  }
0x32d: {  	s23 =	simm.s32 $0x8;
	s15 =	rddreg [dreg:$0x19];
	s26 =	simm.s32 $0x400  }
0x32e: {  	[tilespmem:s26], [sflag:$0x3] =	stream.linear.gather [hbm4b:s15+s12], $0x200, $0x38;
	[tilespmem:$0x15700] =	vst v63  }
0x32f: {  	_ =	swait.ge [sflag:s23], $0x4000  }
0x330: {  	[sflag:s23] =	ssyncset.done $0x0  }
0x331: {  	[sflag:s23] =	ssyncadd.s32 $0xFFFFC000  }
0x332: {  	_ =	swait.ge [sflag:s3], $0x200  }
0x333: {  	[sflag:s3] =	ssyncset.done $0x0  }
0x334: {  	[sflag:s3] =	ssyncadd.s32 $0xFFFFFE00  }
0x335: {  	_ =	swait.ge [sflag:s6], $0x1000  }
0x336: {  	[sflag:s6] =	ssyncset.done $0x0  }
0x337: {  	[sflag:s6] =	ssyncadd.s32 $0xFFFFF000  }
0x338: {  	_ =	swait.ge [sflag:s6], $0x1000  }
0x339: {  	[sflag:s6] =	ssyncset.done $0x0  }
0x33a: {  	[sflag:s6] =	ssyncadd.s32 $0xFFFFF000  }
0x33b: {  	_ =	swait.ge [sflag:s6], $0x1000  }
0x33c: {  	[sflag:s6] =	ssyncset.done $0x0  }
0x33d: {  	[sflag:s6] =	ssyncadd.s32 $0xFFFFF000  }
0x33e: {  	_ =	swait.ge [sflag:s6], $0x1000  }
0x33f: {  	[sflag:s6] =	ssyncset.done $0x0  }
0x340: {  	s28 =	simm.s32 $0x4800;
	[sflag:s6] =	ssyncadd.s32 $0xFFFFF000  }
0x341: {  	[tilespmem:s28], [sflag:$0x6] =	stream.indirect.gather [spmem:s2], $0x20, s14, s14, $0xb8;
	[tilespmem:$0x15700] =	vst v63  }
0x342: {  	s11 =	simm.s32 $0xC800;
	s1 =	rddreg [dreg:$0x1a]  }
0x343: {  	[hbm4b:s1+s7] =	stream.strided.scatter [tilespmem:s11], [sflag:$0xC], $0x1000, s8, s7, $0x38;
	[tilespmem:$0x15700] =	vst v63  }
0x344: {  	s19 =	simm.s32 $0xD800;
	s10 =	rddreg [dreg:$0x1b]  }
0x345: {  	[hbm4b:s10+s7] =	stream.strided.scatter [tilespmem:s19], [sflag:$0xC], $0x1000, s8, s7, $0x38;
	[tilespmem:$0x15700] =	vst v63  }
0x346: {  	s15 =	rddreg [dreg:$0x1c];
	s10 =	simm.s32 $0xE800  }
0x347: {  	[hbm4b:s15+s7] =	stream.strided.scatter [tilespmem:s10], [sflag:$0xC], $0x1000, s8, s7, $0x38;
	[tilespmem:$0x15700] =	vst v63  }
0x348: {  	s1 =	rddreg [dreg:$0x1d];
	s19 =	simm.s32 $0xF800  }
0x349: {  	[hbm4b:s1+s7] =	stream.strided.scatter [tilespmem:s19], [sflag:$0xC], $0x1000, s8, s7, $0x38;
	[tilespmem:$0x15700] =	vst v63  }
0x34a: {  	s13 =	simm.s32 $0x600;
	s15 =	rddreg [dreg:$0x1e]  }
0x34b: {  	[tilespmem:s13], [sflag:$0x4] =	stream.linear.gather [hbm4b:s15+s12], $0x200, $0x38;
	[tilespmem:$0x15700] =	vst v63  }
0x34c: {  	_ =	swait.ge [sflag:s16], $0x4000  }
0x34d: {  	[sflag:s16] =	ssyncset.done $0x0  }
0x34e: {  	[sflag:s16] =	ssyncadd.s32 $0xFFFFC000  }
0x34f: {  	_ =	swait.ge [sflag:s31], $0x200  }
0x350: {  	[sflag:s31] =	ssyncset.done $0x0  }
0x351: {  	[sflag:s31] =	ssyncadd.s32 $0xFFFFFE00  }
0x352: {  	_ =	swait.ge [sflag:s5], $0x1000  }
0x353: {  	[sflag:s5] =	ssyncset.done $0x0  }
0x354: {  	[sflag:s5] =	ssyncadd.s32 $0xFFFFF000  }
0x355: {  	_ =	swait.ge [sflag:s5], $0x1000  }
0x356: {  	[sflag:s5] =	ssyncset.done $0x0  }
0x357: {  	[sflag:s5] =	ssyncadd.s32 $0xFFFFF000  }
0x358: {  	_ =	swait.ge [sflag:s5], $0x1000  }
0x359: {  	[sflag:s5] =	ssyncset.done $0x0  }
0x35a: {  	[sflag:s5] =	ssyncadd.s32 $0xFFFFF000  }
0x35b: {  	_ =	swait.ge [sflag:s5], $0x1000  }
0x35c: {  	[sflag:s5] =	ssyncset.done $0x0  }
0x35d: {  	s10 =	simm.s32 $0x8800;
	s1 =	rddreg [dreg:$0x1f];
	[sflag:s5] =	ssyncadd.s32 $0xFFFFF000  }
0x35e: {  	[tilespmem:s10], [sflag:$0x7] =	stream.indirect.gather [spmem:s2], $0x20, s26, s14, $0xb8;
	[tilespmem:$0x15700] =	vst v63  }
0x35f: {  	s19 =	simm.s32 $0x800;
	s15 =	sld [smem:$0x7B3]  }
0x360: {  	[hbm4b:s1+s7] =	stream.strided.scatter [tilespmem:s19], [sflag:$0x9], $0x1000, s8, s7, $0x38;
	[tilespmem:$0x15700] =	vst v63  }
0x361: {  	s10 =	simm.s32 $0x1800;
	s1 =	sld [smem:$0x7B4]  }
0x362: {  	[hbm4b:s15+s7] =	stream.strided.scatter [tilespmem:s10], [sflag:$0x9], $0x1000, s8, s7, $0x38;
	[tilespmem:$0x15700] =	vst v63  }
0x363: {  	s29 =	simm.s32 $0x2800;
	s15 =	sld [smem:$0x7B5]  }
0x364: {  	[hbm4b:s1+s7] =	stream.strided.scatter [tilespmem:s29], [sflag:$0x9], $0x1000, s8, s7, $0x38;
	[tilespmem:$0x15700] =	vst v63  }
0x365: {  	s0 =	sld [smem:$0x7B6];
	s19 =	simm.s32 $0x3800  }
0x366: {  	[hbm4b:s15+s7] =	stream.strided.scatter [tilespmem:s19], [sflag:$0x9], $0x1000, s8, s7, $0x38;
	[tilespmem:$0x15700] =	vst v63  }
0x367: {  	_ = 	snop  }
0x368: {  	[tilespmem:s12], [sflag:$0x1] =	stream.linear.gather [hbm4b:s0+s12], $0x200, $0x38;
	[tilespmem:$0x15700] =	vst v63  }
0x369: {  	_ =	swait.ge [sflag:s30], $0x4000  }
0x36a: {  	[sflag:s30] =	ssyncset.done $0x0  }
0x36b: {  	[sflag:s30] =	ssyncadd.s32 $0xFFFFC000  }
0x36c: {  	_ =	swait.ge [sflag:s17], $0x200  }
0x36d: {  	[sflag:s17] =	ssyncset.done $0x0  }
0x36e: {  	[sflag:s17] =	ssyncadd.s32 $0xFFFFFE00  }
0x36f: {  	_ =	swait.ge [sflag:s4], $0x1000  }
0x370: {  	[sflag:s4] =	ssyncset.done $0x0  }
0x371: {  	[sflag:s4] =	ssyncadd.s32 $0xFFFFF000  }
0x372: {  	_ =	swait.ge [sflag:s4], $0x1000  }
0x373: {  	[sflag:s4] =	ssyncset.done $0x0  }
0x374: {  	[sflag:s4] =	ssyncadd.s32 $0xFFFFF000  }
0x375: {  	_ =	swait.ge [sflag:s4], $0x1000  }
0x376: {  	[sflag:s4] =	ssyncset.done $0x0  }
0x377: {  	[sflag:s4] =	ssyncadd.s32 $0xFFFFF000  }
0x378: {  	_ =	swait.ge [sflag:s4], $0x1000  }
0x379: {  	[sflag:s4] =	ssyncset.done $0x0  }
0x37a: {  	s1 =	sld [smem:$0x7B7];
	[sflag:s4] =	ssyncadd.s32 $0xFFFFF000  }
0x37b: {  	[tilespmem:s11], [sflag:$0x8] =	stream.indirect.gather [spmem:s2], $0x20, s13, s14, $0xb8;
	[tilespmem:$0x15700] =	vst v63  }
0x37c: {  	s15 =	sld [smem:$0x7B8]  }
0x37d: {  	[hbm4b:s1+s7] =	stream.strided.scatter [tilespmem:s28], [sflag:$0xA], $0x1000, s8, s7, $0x38;
	[tilespmem:$0x15700] =	vst v63  }
0x37e: {  	s0 =	simm.s32 $0x5800;
	s29 =	sld [smem:$0x7B9]  }
0x37f: {  	[hbm4b:s15+s7] =	stream.strided.scatter [tilespmem:s0], [sflag:$0xA], $0x1000, s8, s7, $0x38;
	[tilespmem:$0x15700] =	vst v63  }
0x380: {  	s24 =	sld [smem:$0x7BA];
	s1 =	simm.s32 $0x6800  }
0x381: {  	[hbm4b:s29+s7] =	stream.strided.scatter [tilespmem:s1], [sflag:$0xA], $0x1000, s8, s7, $0x38;
	[tilespmem:$0x15700] =	vst v63  }
0x382: {  	s15 =	sld [smem:$0x7BB];
	s29 =	simm.s32 $0x7800  }
0x383: {  	[hbm4b:s24+s7] =	stream.strided.scatter [tilespmem:s29], [sflag:$0xA], $0x1000, s8, s7, $0x38;
	[tilespmem:$0x15700] =	vst v63  }
0x384: {  	s20 =	simm.s32 $0x7  }
0x385: {  	[tilespmem:s14], [sflag:$0x2] =	stream.linear.gather [hbm4b:s15+s12], $0x200, $0x38;
	[tilespmem:$0x15700] =	vst v63  }
0x386: {  	_ =	swait.ge [sflag:s20], $0x4000  }
0x387: {  	[sflag:s20] =	ssyncset.done $0x0  }
0x388: {  	[sflag:s20] =	ssyncadd.s32 $0xFFFFC000  }
0x389: {  	_ =	swait.ge [sflag:s25], $0x200  }
0x38a: {  	[sflag:s25] =	ssyncset.done $0x0  }
0x38b: {  	[sflag:s25] =	ssyncadd.s32 $0xFFFFFE00  }
0x38c: {  	_ =	swait.ge [sflag:s9], $0x1000  }
0x38d: {  	[sflag:s9] =	ssyncset.done $0x0  }
0x38e: {  	[sflag:s9] =	ssyncadd.s32 $0xFFFFF000  }
0x38f: {  	_ =	swait.ge [sflag:s9], $0x1000  }
0x390: {  	[sflag:s9] =	ssyncset.done $0x0  }
0x391: {  	[sflag:s9] =	ssyncadd.s32 $0xFFFFF000  }
0x392: {  	_ =	swait.ge [sflag:s9], $0x1000  }
0x393: {  	[sflag:s9] =	ssyncset.done $0x0  }
0x394: {  	[sflag:s9] =	ssyncadd.s32 $0xFFFFF000  }
0x395: {  	_ =	swait.ge [sflag:s9], $0x1000  }
0x396: {  	[sflag:s9] =	ssyncset.done $0x0  }
0x397: {  	s15 =	simm.s32 $0x800;
	s22 =	sld [smem:$0x7BC];
	[sflag:s9] =	ssyncadd.s32 $0xFFFFF000  }
0x398: {  	[tilespmem:s15], [sflag:$0x5] =	stream.indirect.gather [spmem:s2], $0x20, s12, s14, $0xb8;
	[tilespmem:$0x15700] =	vst v63  }
0x399: {  	s24 =	sld [smem:$0x7BD];
	s15 =	simm.s32 $0x8800  }
0x39a: {  	[hbm4b:s22+s7] =	stream.strided.scatter [tilespmem:s15], [sflag:$0xB], $0x1000, s8, s7, $0x38;
	[tilespmem:$0x15700] =	vst v63  }
0x39b: {  	s18 =	simm.s32 $0x9800;
	s22 =	sld [smem:$0x7BE]  }
0x39c: {  	[hbm4b:s24+s7] =	stream.strided.scatter [tilespmem:s18], [sflag:$0xB], $0x1000, s8, s7, $0x38;
	[tilespmem:$0x15700] =	vst v63  }
0x39d: {  	s15 =	simm.s32 $0xA800;
	s24 =	sld [smem:$0x7BF]  }
0x39e: {  	[hbm4b:s22+s7] =	stream.strided.scatter [tilespmem:s15], [sflag:$0xB], $0x1000, s8, s7, $0x38;
	[tilespmem:$0x15700] =	vst v63  }
0x39f: {  	s18 =	simm.s32 $0xB800;
	s22 =	sld [smem:$0x7C0]  }
0x3a0: {  	[hbm4b:s24+s7] =	stream.strided.scatter [tilespmem:s18], [sflag:$0xB], $0x1000, s8, s7, $0x38;
	[tilespmem:$0x15700] =	vst v63  }
0x3a1: {  	_ = 	snop  }
0x3a2: {  	[tilespmem:s26], [sflag:$0x3] =	stream.linear.gather [hbm4b:s22+s12], $0x200, $0x38;
	[tilespmem:$0x15700] =	vst v63  }
0x3a3: {  	_ =	swait.ge [sflag:s23], $0x4000  }
0x3a4: {  	[sflag:s23] =	ssyncset.done $0x0  }
0x3a5: {  	[sflag:s23] =	ssyncadd.s32 $0xFFFFC000  }
0x3a6: {  	_ =	swait.ge [sflag:s3], $0x200  }
0x3a7: {  	[sflag:s3] =	ssyncset.done $0x0  }
0x3a8: {  	[sflag:s3] =	ssyncadd.s32 $0xFFFFFE00  }
0x3a9: {  	_ =	swait.ge [sflag:s6], $0x1000  }
0x3aa: {  	[sflag:s6] =	ssyncset.done $0x0  }
0x3ab: {  	[sflag:s6] =	ssyncadd.s32 $0xFFFFF000  }
0x3ac: {  	_ =	swait.ge [sflag:s6], $0x1000  }
0x3ad: {  	[sflag:s6] =	ssyncset.done $0x0  }
0x3ae: {  	[sflag:s6] =	ssyncadd.s32 $0xFFFFF000  }
0x3af: {  	_ =	swait.ge [sflag:s6], $0x1000  }
0x3b0: {  	[sflag:s6] =	ssyncset.done $0x0  }
0x3b1: {  	[sflag:s6] =	ssyncadd.s32 $0xFFFFF000  }
0x3b2: {  	_ =	swait.ge [sflag:s6], $0x1000  }
0x3b3: {  	[sflag:s6] =	ssyncset.done $0x0  }
0x3b4: {  	s18 =	sld [smem:$0x7C1];
	[sflag:s6] =	ssyncadd.s32 $0xFFFFF000  }
0x3b5: {  	[tilespmem:s28], [sflag:$0x6] =	stream.indirect.gather [spmem:s2], $0x20, s14, s14, $0xb8;
	[tilespmem:$0x15700] =	vst v63  }
0x3b6: {  	s24 =	sld [smem:$0x7C2]  }
0x3b7: {  	[hbm4b:s18+s7] =	stream.strided.scatter [tilespmem:s11], [sflag:$0xC], $0x1000, s8, s7, $0x38;
	[tilespmem:$0x15700] =	vst v63  }
0x3b8: {  	s22 =	sld [smem:$0x7C3];
	s18 =	simm.s32 $0xD800  }
0x3b9: {  	[hbm4b:s24+s7] =	stream.strided.scatter [tilespmem:s18], [sflag:$0xC], $0x1000, s8, s7, $0x38;
	[tilespmem:$0x15700] =	vst v63  }
0x3ba: {  	s24 =	sld [smem:$0x7C4];
	s18 =	simm.s32 $0xE800  }
0x3bb: {  	[hbm4b:s22+s7] =	stream.strided.scatter [tilespmem:s18], [sflag:$0xC], $0x1000, s8, s7, $0x38;
	[tilespmem:$0x15700] =	vst v63  }
0x3bc: {  	s22 =	sld [smem:$0x7C5];
	s18 =	simm.s32 $0xF800  }
0x3bd: {  	[hbm4b:s24+s7] =	stream.strided.scatter [tilespmem:s18], [sflag:$0xC], $0x1000, s8, s7, $0x38;
	[tilespmem:$0x15700] =	vst v63  }
0x3be: {  	_ = 	snop  }
0x3bf: {  	[tilespmem:s13], [sflag:$0x4] =	stream.linear.gather [hbm4b:s22+s12], $0x200, $0x38;
	[tilespmem:$0x15700] =	vst v63  }
0x3c0: {  	_ =	swait.ge [sflag:s16], $0x4000  }
0x3c1: {  	[sflag:s16] =	ssyncset.done $0x0  }
0x3c2: {  	[sflag:s16] =	ssyncadd.s32 $0xFFFFC000  }
0x3c3: {  	_ =	swait.ge [sflag:s31], $0x200  }
0x3c4: {  	[sflag:s31] =	ssyncset.done $0x0  }
0x3c5: {  	[sflag:s31] =	ssyncadd.s32 $0xFFFFFE00  }
0x3c6: {  	_ =	swait.ge [sflag:s5], $0x1000  }
0x3c7: {  	[sflag:s5] =	ssyncset.done $0x0  }
0x3c8: {  	[sflag:s5] =	ssyncadd.s32 $0xFFFFF000  }
0x3c9: {  	_ =	swait.ge [sflag:s5], $0x1000  }
0x3ca: {  	[sflag:s5] =	ssyncset.done $0x0  }
0x3cb: {  	[sflag:s5] =	ssyncadd.s32 $0xFFFFF000  }
0x3cc: {  	_ =	swait.ge [sflag:s5], $0x1000  }
0x3cd: {  	[sflag:s5] =	ssyncset.done $0x0  }
0x3ce: {  	[sflag:s5] =	ssyncadd.s32 $0xFFFFF000  }
0x3cf: {  	_ =	swait.ge [sflag:s5], $0x1000  }
0x3d0: {  	[sflag:s5] =	ssyncset.done $0x0  }
0x3d1: {  	s18 =	simm.s32 $0x8800;
	s22 =	sld [smem:$0x7C6];
	[sflag:s5] =	ssyncadd.s32 $0xFFFFF000  }
0x3d2: {  	[tilespmem:s18], [sflag:$0x7] =	stream.indirect.gather [spmem:s2], $0x20, s26, s14, $0xb8;
	[tilespmem:$0x15700] =	vst v63  }
0x3d3: {  	s24 =	sld [smem:$0x7C7];
	s18 =	simm.s32 $0x800  }
0x3d4: {  	[hbm4b:s22+s7] =	stream.strided.scatter [tilespmem:s18], [sflag:$0x9], $0x1000, s8, s7, $0x38;
	[tilespmem:$0x15700] =	vst v63  }
0x3d5: {  	s22 =	sld [smem:$0x7C8]  }
0x3d6: {  	[hbm4b:s24+s7] =	stream.strided.scatter [tilespmem:s10], [sflag:$0x9], $0x1000, s8, s7, $0x38;
	[tilespmem:$0x15700] =	vst v63  }
0x3d7: {  	s18 =	simm.s32 $0x2800;
	s24 =	sld [smem:$0x7C9]  }
0x3d8: {  	[hbm4b:s22+s7] =	stream.strided.scatter [tilespmem:s18], [sflag:$0x9], $0x1000, s8, s7, $0x38;
	[tilespmem:$0x15700] =	vst v63  }
0x3d9: {  	s22 =	sld [smem:$0x7CA]  }
0x3da: {  	[hbm4b:s24+s7] =	stream.strided.scatter [tilespmem:s19], [sflag:$0x9], $0x1000, s8, s7, $0x38;
	[tilespmem:$0x15700] =	vst v63  }
0x3db: {  	_ = 	snop  }
0x3dc: {  	[tilespmem:s12], [sflag:$0x1] =	stream.linear.gather [hbm4b:s22+s12], $0x200, $0x38;
	[tilespmem:$0x15700] =	vst v63  }
0x3dd: {  	_ =	swait.ge [sflag:s30], $0x4000  }
0x3de: {  	[sflag:s30] =	ssyncset.done $0x0  }
0x3df: {  	[sflag:s30] =	ssyncadd.s32 $0xFFFFC000  }
0x3e0: {  	_ =	swait.ge [sflag:s17], $0x200  }
0x3e1: {  	[sflag:s17] =	ssyncset.done $0x0  }
0x3e2: {  	[sflag:s17] =	ssyncadd.s32 $0xFFFFFE00  }
0x3e3: {  	_ =	swait.ge [sflag:s4], $0x1000  }
0x3e4: {  	[sflag:s4] =	ssyncset.done $0x0  }
0x3e5: {  	[sflag:s4] =	ssyncadd.s32 $0xFFFFF000  }
0x3e6: {  	_ =	swait.ge [sflag:s4], $0x1000  }
0x3e7: {  	[sflag:s4] =	ssyncset.done $0x0  }
0x3e8: {  	[sflag:s4] =	ssyncadd.s32 $0xFFFFF000  }
0x3e9: {  	_ =	swait.ge [sflag:s4], $0x1000  }
0x3ea: {  	[sflag:s4] =	ssyncset.done $0x0  }
0x3eb: {  	[sflag:s4] =	ssyncadd.s32 $0xFFFFF000  }
0x3ec: {  	_ =	swait.ge [sflag:s4], $0x1000  }
0x3ed: {  	[sflag:s4] =	ssyncset.done $0x0  }
0x3ee: {  	s24 =	sld [smem:$0x7CB];
	[sflag:s4] =	ssyncadd.s32 $0xFFFFF000  }
0x3ef: {  	[tilespmem:s11], [sflag:$0x8] =	stream.indirect.gather [spmem:s2], $0x20, s13, s14, $0xb8;
	[tilespmem:$0x15700] =	vst v63  }
0x3f0: {  	s19 =	sld [smem:$0x7CC]  }
0x3f1: {  	[hbm4b:s24+s7] =	stream.strided.scatter [tilespmem:s28], [sflag:$0xA], $0x1000, s8, s7, $0x38;
	[tilespmem:$0x15700] =	vst v63  }
0x3f2: {  	s22 =	sld [smem:$0x7CD]  }
0x3f3: {  	[hbm4b:s19+s7] =	stream.strided.scatter [tilespmem:s0], [sflag:$0xA], $0x1000, s8, s7, $0x38;
	[tilespmem:$0x15700] =	vst v63  }
0x3f4: {  	s19 =	sld [smem:$0x7CE]  }
0x3f5: {  	[hbm4b:s22+s7] =	stream.strided.scatter [tilespmem:s1], [sflag:$0xA], $0x1000, s8, s7, $0x38;
	[tilespmem:$0x15700] =	vst v63  }
0x3f6: {  	s0 =	sld [smem:$0x7CF]  }
0x3f7: {  	[hbm4b:s19+s7] =	stream.strided.scatter [tilespmem:s29], [sflag:$0xA], $0x1000, s8, s7, $0x38;
	[tilespmem:$0x15700] =	vst v63  }
0x3f8: {  	_ = 	snop  }
0x3f9: {  	[tilespmem:s14], [sflag:$0x2] =	stream.linear.gather [hbm4b:s0+s12], $0x200, $0x38;
	[tilespmem:$0x15700] =	vst v63  }
0x3fa: {  	_ =	swait.ge [sflag:s20], $0x4000  }
0x3fb: {  	[sflag:s20] =	ssyncset.done $0x0  }
0x3fc: {  	[sflag:s20] =	ssyncadd.s32 $0xFFFFC000  }
0x3fd: {  	_ =	swait.ge [sflag:s25], $0x200  }
0x3fe: {  	[sflag:s25] =	ssyncset.done $0x0  }
0x3ff: {  	[sflag:s25] =	ssyncadd.s32 $0xFFFFFE00  }
0x400: {  	_ =	swait.ge [sflag:s9], $0x1000  }
0x401: {  	[sflag:s9] =	ssyncset.done $0x0  }
0x402: {  	[sflag:s9] =	ssyncadd.s32 $0xFFFFF000  }
0x403: {  	_ =	swait.ge [sflag:s9], $0x1000  }
0x404: {  	[sflag:s9] =	ssyncset.done $0x0  }
0x405: {  	[sflag:s9] =	ssyncadd.s32 $0xFFFFF000  }
0x406: {  	_ =	swait.ge [sflag:s9], $0x1000  }
0x407: {  	[sflag:s9] =	ssyncset.done $0x0  }
0x408: {  	[sflag:s9] =	ssyncadd.s32 $0xFFFFF000  }
0x409: {  	_ =	swait.ge [sflag:s9], $0x1000  }
0x40a: {  	[sflag:s9] =	ssyncset.done $0x0  }
0x40b: {  	s19 =	simm.s32 $0x800;
	s1 =	sld [smem:$0x7D0];
	[sflag:s9] =	ssyncadd.s32 $0xFFFFF000  }
0x40c: {  	[tilespmem:s19], [sflag:$0x5] =	stream.indirect.gather [spmem:s2], $0x20, s12, s14, $0xb8;
	[tilespmem:$0x15700] =	vst v63  }
0x40d: {  	s29 =	simm.s32 $0x8800;
	s20 =	sld [smem:$0x7D1]  }
0x40e: {  	[hbm4b:s1+s7] =	stream.strided.scatter [tilespmem:s29], [sflag:$0xB], $0x1000, s8, s7, $0x38;
	[tilespmem:$0x15700] =	vst v63  }
0x40f: {  	s0 =	sld [smem:$0x7D2];
	s29 =	simm.s32 $0x9800  }
0x410: {  	[hbm4b:s20+s7] =	stream.strided.scatter [tilespmem:s29], [sflag:$0xB], $0x1000, s8, s7, $0x38;
	[tilespmem:$0x15700] =	vst v63  }
0x411: {  	s1 =	sld [smem:$0x7D3]  }
0x412: {  	[hbm4b:s0+s7] =	stream.strided.scatter [tilespmem:s15], [sflag:$0xB], $0x1000, s8, s7, $0x38;
	[tilespmem:$0x15700] =	vst v63  }
0x413: {  	s19 =	sld [smem:$0x7D4];
	s20 =	simm.s32 $0xB800  }
0x414: {  	[hbm4b:s1+s7] =	stream.strided.scatter [tilespmem:s20], [sflag:$0xB], $0x1000, s8, s7, $0x38;
	[tilespmem:$0x15700] =	vst v63  }
0x415: {  	_ = 	snop  }
0x416: {  	[tilespmem:s26], [sflag:$0x3] =	stream.linear.gather [hbm4b:s19+s12], $0x200, $0x38;
	[tilespmem:$0x15700] =	vst v63  }
0x417: {  	_ =	swait.ge [sflag:s23], $0x4000  }
0x418: {  	[sflag:s23] =	ssyncset.done $0x0  }
0x419: {  	[sflag:s23] =	ssyncadd.s32 $0xFFFFC000  }
0x41a: {  	_ =	swait.ge [sflag:s3], $0x200  }
0x41b: {  	[sflag:s3] =	ssyncset.done $0x0  }
0x41c: {  	[sflag:s3] =	ssyncadd.s32 $0xFFFFFE00  }
0x41d: {  	_ =	swait.ge [sflag:s6], $0x1000  }
0x41e: {  	[sflag:s6] =	ssyncset.done $0x0  }
0x41f: {  	[sflag:s6] =	ssyncadd.s32 $0xFFFFF000  }
0x420: {  	_ =	swait.ge [sflag:s6], $0x1000  }
0x421: {  	[sflag:s6] =	ssyncset.done $0x0  }
0x422: {  	[sflag:s6] =	ssyncadd.s32 $0xFFFFF000  }
0x423: {  	_ =	swait.ge [sflag:s6], $0x1000  }
0x424: {  	[sflag:s6] =	ssyncset.done $0x0  }
0x425: {  	[sflag:s6] =	ssyncadd.s32 $0xFFFFF000  }
0x426: {  	_ =	swait.ge [sflag:s6], $0x1000  }
0x427: {  	[sflag:s6] =	ssyncset.done $0x0  }
0x428: {  	s0 =	sld [smem:$0x7D5];
	[sflag:s6] =	ssyncadd.s32 $0xFFFFF000  }
0x429: {  	[tilespmem:s28], [sflag:$0x6] =	stream.indirect.gather [spmem:s2], $0x20, s14, s14, $0xb8;
	[tilespmem:$0x15700] =	vst v63  }
0x42a: {  	s1 =	sld [smem:$0x7D6]  }
0x42b: {  	[hbm4b:s0+s7] =	stream.strided.scatter [tilespmem:s11], [sflag:$0xC], $0x1000, s8, s7, $0x38;
	[tilespmem:$0x15700] =	vst v63  }
0x42c: {  	s19 =	simm.s32 $0xD800;
	s15 =	sld [smem:$0x7D7]  }
0x42d: {  	[hbm4b:s1+s7] =	stream.strided.scatter [tilespmem:s19], [sflag:$0xC], $0x1000, s8, s7, $0x38;
	[tilespmem:$0x15700] =	vst v63  }
0x42e: {  	s24 =	sld [smem:$0x7D8];
	s1 =	simm.s32 $0xE800  }
0x42f: {  	[hbm4b:s15+s7] =	stream.strided.scatter [tilespmem:s1], [sflag:$0xC], $0x1000, s8, s7, $0x38;
	[tilespmem:$0x15700] =	vst v63  }
0x430: {  	s19 =	simm.s32 $0xF800;
	s15 =	sld [smem:$0x7D9]  }
0x431: {  	[hbm4b:s24+s7] =	stream.strided.scatter [tilespmem:s19], [sflag:$0xC], $0x1000, s8, s7, $0x38;
	[tilespmem:$0x15700] =	vst v63  }
0x432: {  	_ = 	snop  }
0x433: {  	[tilespmem:s13], [sflag:$0x4] =	stream.linear.gather [hbm4b:s15+s12], $0x200, $0x38;
	[tilespmem:$0x15700] =	vst v63  }
0x434: {  	_ =	swait.ge [sflag:s16], $0x4000  }
0x435: {  	[sflag:s16] =	ssyncset.done $0x0  }
0x436: {  	[sflag:s16] =	ssyncadd.s32 $0xFFFFC000  }
0x437: {  	_ =	swait.ge [sflag:s31], $0x200  }
0x438: {  	[sflag:s31] =	ssyncset.done $0x0  }
0x439: {  	[sflag:s31] =	ssyncadd.s32 $0xFFFFFE00  }
0x43a: {  	_ =	swait.ge [sflag:s5], $0x1000  }
0x43b: {  	[sflag:s5] =	ssyncset.done $0x0  }
0x43c: {  	[sflag:s5] =	ssyncadd.s32 $0xFFFFF000  }
0x43d: {  	_ =	swait.ge [sflag:s5], $0x1000  }
0x43e: {  	[sflag:s5] =	ssyncset.done $0x0  }
0x43f: {  	[sflag:s5] =	ssyncadd.s32 $0xFFFFF000  }
0x440: {  	_ =	swait.ge [sflag:s5], $0x1000  }
0x441: {  	[sflag:s5] =	ssyncset.done $0x0  }
0x442: {  	[sflag:s5] =	ssyncadd.s32 $0xFFFFF000  }
0x443: {  	_ =	swait.ge [sflag:s5], $0x1000  }
0x444: {  	[sflag:s5] =	ssyncset.done $0x0  }
0x445: {  	s1 =	simm.s32 $0x8800;
	s0 =	sld [smem:$0x7DA];
	[sflag:s5] =	ssyncadd.s32 $0xFFFFF000  }
0x446: {  	[tilespmem:s1], [sflag:$0x7] =	stream.indirect.gather [spmem:s2], $0x20, s26, s14, $0xb8;
	[tilespmem:$0x15700] =	vst v63  }
0x447: {  	s19 =	simm.s32 $0x800;
	s15 =	sld [smem:$0x7DB]  }
0x448: {  	[hbm4b:s0+s7] =	stream.strided.scatter [tilespmem:s19], [sflag:$0x9], $0x1000, s8, s7, $0x38;
	[tilespmem:$0x15700] =	vst v63  }
0x449: {  	s10 =	simm.s32 $0x1800;
	s0 =	sld [smem:$0x7DC]  }
0x44a: {  	[hbm4b:s15+s7] =	stream.strided.scatter [tilespmem:s10], [sflag:$0x9], $0x1000, s8, s7, $0x38;
	[tilespmem:$0x15700] =	vst v63  }
0x44b: {  	s1 =	simm.s32 $0x2800;
	s15 =	sld [smem:$0x7DD]  }
0x44c: {  	[hbm4b:s0+s7] =	stream.strided.scatter [tilespmem:s1], [sflag:$0x9], $0x1000, s8, s7, $0x38;
	[tilespmem:$0x15700] =	vst v63  }
0x44d: {  	s18 =	simm.s32 $0x3800;
	s19 =	sld [smem:$0x7DE]  }
0x44e: {  	[hbm4b:s15+s7] =	stream.strided.scatter [tilespmem:s18], [sflag:$0x9], $0x1000, s8, s7, $0x38;
	[tilespmem:$0x15700] =	vst v63  }
0x44f: {  	_ = 	snop  }
0x450: {  	[tilespmem:s12], [sflag:$0x1] =	stream.linear.gather [hbm4b:s19+s12], $0x200, $0x38;
	[tilespmem:$0x15700] =	vst v63  }
0x451: {  	_ =	swait.ge [sflag:s30], $0x4000  }
0x452: {  	[sflag:s30] =	ssyncset.done $0x0  }
0x453: {  	[sflag:s30] =	ssyncadd.s32 $0xFFFFC000  }
0x454: {  	_ =	swait.ge [sflag:s17], $0x200  }
0x455: {  	[sflag:s17] =	ssyncset.done $0x0  }
0x456: {  	[sflag:s17] =	ssyncadd.s32 $0xFFFFFE00  }
0x457: {  	_ =	swait.ge [sflag:s4], $0x1000  }
0x458: {  	[sflag:s4] =	ssyncset.done $0x0  }
0x459: {  	[sflag:s4] =	ssyncadd.s32 $0xFFFFF000  }
0x45a: {  	_ =	swait.ge [sflag:s4], $0x1000  }
0x45b: {  	[sflag:s4] =	ssyncset.done $0x0  }
0x45c: {  	[sflag:s4] =	ssyncadd.s32 $0xFFFFF000  }
0x45d: {  	_ =	swait.ge [sflag:s4], $0x1000  }
0x45e: {  	[sflag:s4] =	ssyncset.done $0x0  }
0x45f: {  	[sflag:s4] =	ssyncadd.s32 $0xFFFFF000  }
0x460: {  	_ =	swait.ge [sflag:s4], $0x1000  }
0x461: {  	[sflag:s4] =	ssyncset.done $0x0  }
0x462: {  	s0 =	sld [smem:$0x7DF];
	[sflag:s4] =	ssyncadd.s32 $0xFFFFF000  }
0x463: {  	[tilespmem:s11], [sflag:$0x8] =	stream.indirect.gather [spmem:s2], $0x20, s13, s14, $0xb8;
	[tilespmem:$0x15700] =	vst v63  }
0x464: {  	s10 =	sld [smem:$0x7E0]  }
0x465: {  	[hbm4b:s0+s7] =	stream.strided.scatter [tilespmem:s28], [sflag:$0xA], $0x1000, s8, s7, $0x38;
	[tilespmem:$0x15700] =	vst v63  }
0x466: {  	s18 =	simm.s32 $0x5800;
	s15 =	sld [smem:$0x7E1]  }
0x467: {  	[hbm4b:s10+s7] =	stream.strided.scatter [tilespmem:s18], [sflag:$0xA], $0x1000, s8, s7, $0x38;
	[tilespmem:$0x15700] =	vst v63  }
0x468: {  	s19 =	sld [smem:$0x7E2];
	s10 =	simm.s32 $0x6800  }
0x469: {  	[hbm4b:s15+s7] =	stream.strided.scatter [tilespmem:s10], [sflag:$0xA], $0x1000, s8, s7, $0x38;
	[tilespmem:$0x15700] =	vst v63  }
0x46a: {  	s18 =	simm.s32 $0x7800;
	s15 =	sld [smem:$0x7E3]  }
0x46b: {  	[hbm4b:s19+s7] =	stream.strided.scatter [tilespmem:s18], [sflag:$0xA], $0x1000, s8, s7, $0x38;
	[tilespmem:$0x15700] =	vst v63  }
0x46c: {  	s23 =	simm.s32 $0x7  }
0x46d: {  	[tilespmem:s14], [sflag:$0x2] =	stream.linear.gather [hbm4b:s15+s12], $0x200, $0x38;
	[tilespmem:$0x15700] =	vst v63  }
0x46e: {  	_ =	swait.ge [sflag:s23], $0x4000  }
0x46f: {  	[sflag:s23] =	ssyncset.done $0x0  }
0x470: {  	[sflag:s23] =	ssyncadd.s32 $0xFFFFC000  }
0x471: {  	_ =	swait.ge [sflag:s25], $0x200  }
0x472: {  	[sflag:s25] =	ssyncset.done $0x0  }
0x473: {  	[sflag:s25] =	ssyncadd.s32 $0xFFFFFE00  }
0x474: {  	_ =	swait.ge [sflag:s9], $0x1000  }
0x475: {  	[sflag:s9] =	ssyncset.done $0x0  }
0x476: {  	[sflag:s9] =	ssyncadd.s32 $0xFFFFF000  }
0x477: {  	_ =	swait.ge [sflag:s9], $0x1000  }
0x478: {  	[sflag:s9] =	ssyncset.done $0x0  }
0x479: {  	[sflag:s9] =	ssyncadd.s32 $0xFFFFF000  }
0x47a: {  	_ =	swait.ge [sflag:s9], $0x1000  }
0x47b: {  	[sflag:s9] =	ssyncset.done $0x0  }
0x47c: {  	[sflag:s9] =	ssyncadd.s32 $0xFFFFF000  }
0x47d: {  	_ =	swait.ge [sflag:s9], $0x1000  }
0x47e: {  	[sflag:s9] =	ssyncset.done $0x0  }
0x47f: {  	s24 =	simm.s32 $0x800;
	s19 =	sld [smem:$0x7E4];
	[sflag:s9] =	ssyncadd.s32 $0xFFFFF000  }
0x480: {  	[tilespmem:s24], [sflag:$0x5] =	stream.indirect.gather [spmem:s2], $0x20, s12, s14, $0xb8;
	[tilespmem:$0x15700] =	vst v63  }
0x481: {  	s0 =	simm.s32 $0x8800;
	s25 =	sld [smem:$0x7E5]  }
0x482: {  	[hbm4b:s19+s7] =	stream.strided.scatter [tilespmem:s0], [sflag:$0xB], $0x1000, s8, s7, $0x38;
	[tilespmem:$0x15700] =	vst v63  }
0x483: {  	s10 =	sld [smem:$0x7E6]  }
0x484: {  	[hbm4b:s25+s7] =	stream.strided.scatter [tilespmem:s29], [sflag:$0xB], $0x1000, s8, s7, $0x38;
	[tilespmem:$0x15700] =	vst v63  }
0x485: {  	s15 =	sld [smem:$0x7E7];
	s25 =	simm.s32 $0xA800  }
0x486: {  	[hbm4b:s10+s7] =	stream.strided.scatter [tilespmem:s25], [sflag:$0xB], $0x1000, s8, s7, $0x38;
	[tilespmem:$0x15700] =	vst v63  }
0x487: {  	s0 =	sld [smem:$0x7E8]  }
0x488: {  	[hbm4b:s15+s7] =	stream.strided.scatter [tilespmem:s20], [sflag:$0xB], $0x1000, s8, s7, $0x38;
	[tilespmem:$0x15700] =	vst v63  }
0x489: {  	s18 =	simm.s32 $0x8  }
0x48a: {  	[tilespmem:s26], [sflag:$0x3] =	stream.linear.gather [hbm4b:s0+s12], $0x200, $0x38;
	[tilespmem:$0x15700] =	vst v63  }
0x48b: {  	_ =	swait.ge [sflag:s18], $0x4000  }
0x48c: {  	[sflag:s18] =	ssyncset.done $0x0  }
0x48d: {  	[sflag:s18] =	ssyncadd.s32 $0xFFFFC000  }
0x48e: {  	_ =	swait.ge [sflag:s3], $0x200  }
0x48f: {  	[sflag:s3] =	ssyncset.done $0x0  }
0x490: {  	[sflag:s3] =	ssyncadd.s32 $0xFFFFFE00  }
0x491: {  	_ =	swait.ge [sflag:s6], $0x1000  }
0x492: {  	[sflag:s6] =	ssyncset.done $0x0  }
0x493: {  	[sflag:s6] =	ssyncadd.s32 $0xFFFFF000  }
0x494: {  	_ =	swait.ge [sflag:s6], $0x1000  }
0x495: {  	[sflag:s6] =	ssyncset.done $0x0  }
0x496: {  	[sflag:s6] =	ssyncadd.s32 $0xFFFFF000  }
0x497: {  	_ =	swait.ge [sflag:s6], $0x1000  }
0x498: {  	[sflag:s6] =	ssyncset.done $0x0  }
0x499: {  	[sflag:s6] =	ssyncadd.s32 $0xFFFFF000  }
0x49a: {  	_ =	swait.ge [sflag:s6], $0x1000  }
0x49b: {  	[sflag:s6] =	ssyncset.done $0x0  }
0x49c: {  	s10 =	sld [smem:$0x7E9];
	[sflag:s6] =	ssyncadd.s32 $0xFFFFF000  }
0x49d: {  	[tilespmem:s28], [sflag:$0x6] =	stream.indirect.gather [spmem:s2], $0x20, s14, s14, $0xb8;
	[tilespmem:$0x15700] =	vst v63  }
0x49e: {  	s12 =	sld [smem:$0x7EA]  }
0x49f: {  	[hbm4b:s10+s7] =	stream.strided.scatter [tilespmem:s11], [sflag:$0xC], $0x1000, s8, s7, $0x38;
	[tilespmem:$0x15700] =	vst v63  }
0x4a0: {  	s25 =	simm.s32 $0xD800;
	s15 =	sld [smem:$0x7EB]  }
0x4a1: {  	[hbm4b:s12+s7] =	stream.strided.scatter [tilespmem:s25], [sflag:$0xC], $0x1000, s8, s7, $0x38;
	[tilespmem:$0x15700] =	vst v63  }
0x4a2: {  	s0 =	simm.s32 $0xE800;
	s10 =	sld [smem:$0x7EC]  }
0x4a3: {  	[hbm4b:s15+s7] =	stream.strided.scatter [tilespmem:s0], [sflag:$0xC], $0x1000, s8, s7, $0x38;
	[tilespmem:$0x15700] =	vst v63  }
0x4a4: {  	s12 =	sld [smem:$0x7ED];
	s15 =	simm.s32 $0xF800  }
0x4a5: {  	[hbm4b:s10+s7] =	stream.strided.scatter [tilespmem:s15], [sflag:$0xC], $0x1000, s8, s7, $0x38;
	[tilespmem:$0x15700] =	vst v63  }
0x4a6: {  	s3 =	simm.s32 $0x0  }
0x4a7: {  	[tilespmem:s13], [sflag:$0x4] =	stream.linear.gather [hbm4b:s12+s3], $0x200, $0x38;
	[tilespmem:$0x15700] =	vst v63  }
0x4a8: {  	_ =	swait.ge [sflag:s16], $0x4000  }
0x4a9: {  	[sflag:s16] =	ssyncset.done $0x0  }
0x4aa: {  	[sflag:s16] =	ssyncadd.s32 $0xFFFFC000  }
0x4ab: {  	_ =	swait.ge [sflag:s31], $0x200  }
0x4ac: {  	[sflag:s31] =	ssyncset.done $0x0  }
0x4ad: {  	[sflag:s31] =	ssyncadd.s32 $0xFFFFFE00  }
0x4ae: {  	_ =	swait.ge [sflag:s5], $0x1000  }
0x4af: {  	[sflag:s5] =	ssyncset.done $0x0  }
0x4b0: {  	[sflag:s5] =	ssyncadd.s32 $0xFFFFF000  }
0x4b1: {  	_ =	swait.ge [sflag:s5], $0x1000  }
0x4b2: {  	[sflag:s5] =	ssyncset.done $0x0  }
0x4b3: {  	[sflag:s5] =	ssyncadd.s32 $0xFFFFF000  }
0x4b4: {  	_ =	swait.ge [sflag:s5], $0x1000  }
0x4b5: {  	[sflag:s5] =	ssyncset.done $0x0  }
0x4b6: {  	[sflag:s5] =	ssyncadd.s32 $0xFFFFF000  }
0x4b7: {  	_ =	swait.ge [sflag:s5], $0x1000  }
0x4b8: {  	s24 =	simm.s32 $0x8800;
	[sflag:s5] =	ssyncset.done $0x0  }
0x4b9: {  	s28 =	simm.s32 $0x400;
	s22 =	sld [smem:$0x7EE];
	[sflag:s5] =	ssyncadd.s32 $0xFFFFF000  }
0x4ba: {  	[tilespmem:s24], [sflag:$0x7] =	stream.indirect.gather [spmem:s2], $0x20, s28, s14, $0xb8;
	[tilespmem:$0x15700] =	vst v63  }
0x4bb: {  	s26 =	simm.s32 $0x800;
	s24 =	sld [smem:$0x7EF]  }
0x4bc: {  	[hbm4b:s22+s7] =	stream.strided.scatter [tilespmem:s26], [sflag:$0x9], $0x1000, s8, s7, $0x38;
	[tilespmem:$0x15700] =	vst v63  }
0x4bd: {  	s12 =	simm.s32 $0x1800;
	s22 =	sld [smem:$0x7F0]  }
0x4be: {  	[hbm4b:s24+s7] =	stream.strided.scatter [tilespmem:s12], [sflag:$0x9], $0x1000, s8, s7, $0x38;
	[tilespmem:$0x15700] =	vst v63  }
0x4bf: {  	s12 =	sld [smem:$0x7F1]  }
0x4c0: {  	[hbm4b:s22+s7] =	stream.strided.scatter [tilespmem:s1], [sflag:$0x9], $0x1000, s8, s7, $0x38;
	[tilespmem:$0x15700] =	vst v63  }
0x4c1: {  	s22 =	simm.s32 $0x3800  }
0x4c2: {  	[hbm4b:s12+s7] =	stream.strided.scatter [tilespmem:s22], [sflag:$0x9], $0x1000, s8, s7, $0x38;
	[tilespmem:$0x15700] =	vst v63  }
0x4c3: {  	_ =	swait.ge [sflag:s30], $0x4000  }
0x4c4: {  	[sflag:s30] =	ssyncset.done $0x0  }
0x4c5: {  	[sflag:s30] =	ssyncadd.s32 $0xFFFFC000  }
0x4c6: {  	_ =	swait.ge [sflag:s17], $0x200  }
0x4c7: {  	[sflag:s17] =	ssyncset.done $0x0  }
0x4c8: {  	[sflag:s17] =	ssyncadd.s32 $0xFFFFFE00  }
0x4c9: {  	_ =	swait.ge [sflag:s4], $0x1000  }
0x4ca: {  	[sflag:s4] =	ssyncset.done $0x0  }
0x4cb: {  	[sflag:s4] =	ssyncadd.s32 $0xFFFFF000  }
0x4cc: {  	_ =	swait.ge [sflag:s4], $0x1000  }
0x4cd: {  	[sflag:s4] =	ssyncset.done $0x0  }
0x4ce: {  	[sflag:s4] =	ssyncadd.s32 $0xFFFFF000  }
0x4cf: {  	_ =	swait.ge [sflag:s4], $0x1000  }
0x4d0: {  	[sflag:s4] =	ssyncset.done $0x0  }
0x4d1: {  	[sflag:s4] =	ssyncadd.s32 $0xFFFFF000  }
0x4d2: {  	_ =	swait.ge [sflag:s4], $0x1000  }
0x4d3: {  	[sflag:s4] =	ssyncset.done $0x0  }
0x4d4: {  	s13 =	simm.s32 $0x600;
	s24 =	sld [smem:$0x7F2];
	[sflag:s4] =	ssyncadd.s32 $0xFFFFF000  }
0x4d5: {  	[tilespmem:s11], [sflag:$0x8] =	stream.indirect.gather [spmem:s2], $0x20, s13, s14, $0xb8;
	[tilespmem:$0x15700] =	vst v63  }
0x4d6: {  	s10 =	simm.s32 $0x4800;
	s1 =	sld [smem:$0x7F3]  }
0x4d7: {  	[hbm4b:s24+s7] =	stream.strided.scatter [tilespmem:s10], [sflag:$0xA], $0x1000, s8, s7, $0x38;
	[tilespmem:$0x15700] =	vst v63  }
0x4d8: {  	s12 =	simm.s32 $0x5800;
	s22 =	sld [smem:$0x7F4]  }
0x4d9: {  	[hbm4b:s1+s7] =	stream.strided.scatter [tilespmem:s12], [sflag:$0xA], $0x1000, s8, s7, $0x38;
	[tilespmem:$0x15700] =	vst v63  }
0x4da: {  	s24 =	sld [smem:$0x7F5];
	s12 =	simm.s32 $0x6800  }
0x4db: {  	[hbm4b:s22+s7] =	stream.strided.scatter [tilespmem:s12], [sflag:$0xA], $0x1000, s8, s7, $0x38;
	[tilespmem:$0x15700] =	vst v63  }
0x4dc: {  	s22 =	simm.s32 $0x7800  }
0x4dd: {  	[hbm4b:s24+s7] =	stream.strided.scatter [tilespmem:s22], [sflag:$0xA], $0x1000, s8, s7, $0x38;
	[tilespmem:$0x15700] =	vst v63  }
0x4de: {  	_ =	swait.ge [sflag:s23], $0x4000  }
0x4df: {  	s24 =	sld [smem:$0x7F6]  }
0x4e0: {  	[sflag:s23] =	ssyncset.done $0x0  }
0x4e1: {  	s11 =	simm.s32 $0x8800;
	s1 =	sld [smem:$0x7F7];
	[sflag:s23] =	ssyncadd.s32 $0xFFFFC000  }
0x4e2: {  	[hbm4b:s24+s7] =	stream.strided.scatter [tilespmem:s11], [sflag:$0xB], $0x1000, s8, s7, $0x38;
	[tilespmem:$0x15700] =	vst v63  }
0x4e3: {  	s12 =	sld [smem:$0x7F8]  }
0x4e4: {  	[hbm4b:s1+s7] =	stream.strided.scatter [tilespmem:s29], [sflag:$0xB], $0x1000, s8, s7, $0x38;
	[tilespmem:$0x15700] =	vst v63  }
0x4e5: {  	s19 =	simm.s32 $0xA800;
	s29 =	sld [smem:$0x7F9]  }
0x4e6: {  	[hbm4b:s12+s7] =	stream.strided.scatter [tilespmem:s19], [sflag:$0xB], $0x1000, s8, s7, $0x38;
	[tilespmem:$0x15700] =	vst v63  }
0x4e7: {  	_ = 	snop  }
0x4e8: {  	[hbm4b:s29+s7] =	stream.strided.scatter [tilespmem:s20], [sflag:$0xB], $0x1000, s8, s7, $0x38;
	[tilespmem:$0x15700] =	vst v63  }
0x4e9: {  	_ =	swait.ge [sflag:s18], $0x4000  }
0x4ea: {  	s12 =	sld [smem:$0x7FA]  }
0x4eb: {  	[sflag:s18] =	ssyncset.done $0x0  }
0x4ec: {  	s1 =	simm.s32 $0xC800;
	s19 =	sld [smem:$0x7FB];
	[sflag:s18] =	ssyncadd.s32 $0xFFFFC000  }
0x4ed: {  	[hbm4b:s12+s7] =	stream.strided.scatter [tilespmem:s1], [sflag:$0xC], $0x1000, s8, s7, $0x38;
	[tilespmem:$0x15700] =	vst v63  }
0x4ee: {  	s20 =	sld [smem:$0x7FC]  }
0x4ef: {  	[hbm4b:s19+s7] =	stream.strided.scatter [tilespmem:s25], [sflag:$0xC], $0x1000, s8, s7, $0x38;
	[tilespmem:$0x15700] =	vst v63  }
0x4f0: {  	s29 =	sld [smem:$0x7FD]  }
0x4f1: {  	[hbm4b:s20+s7] =	stream.strided.scatter [tilespmem:s0], [sflag:$0xC], $0x1000, s8, s7, $0x38;
	[tilespmem:$0x15700] =	vst v63  }
0x4f2: {  	_ = 	snop  }
0x4f3: {  	[hbm4b:s29+s7] =	stream.strided.scatter [tilespmem:s15], [sflag:$0xC], $0x1000, s8, s7, $0x38;
	[tilespmem:$0x15700] =	vst v63  }
0x4f4: {  	_ =	swait.ge [sflag:s9], $0x1000  }
0x4f5: {  	[sflag:s9] =	ssyncset.done $0x0  }
0x4f6: {  	[sflag:s9] =	ssyncadd.s32 $0xFFFFF000  }
0x4f7: {  	_ =	swait.ge [sflag:s9], $0x1000  }
0x4f8: {  	[sflag:s9] =	ssyncset.done $0x0  }
0x4f9: {  	[sflag:s9] =	ssyncadd.s32 $0xFFFFF000  }
0x4fa: {  	_ =	swait.ge [sflag:s9], $0x1000  }
0x4fb: {  	[sflag:s9] =	ssyncset.done $0x0  }
0x4fc: {  	[sflag:s9] =	ssyncadd.s32 $0xFFFFF000  }
0x4fd: {  	_ =	swait.ge [sflag:s9], $0x1000  }
0x4fe: {  	[sflag:s9] =	ssyncset.done $0x0  }
0x4ff: {  	[sflag:s9] =	ssyncadd.s32 $0xFFFFF000  }
0x500: {  	_ =	swait.ge [sflag:s6], $0x1000  }
0x501: {  	[sflag:s6] =	ssyncset.done $0x0  }
0x502: {  	[sflag:s6] =	ssyncadd.s32 $0xFFFFF000  }
0x503: {  	_ =	swait.ge [sflag:s6], $0x1000  }
0x504: {  	[sflag:s6] =	ssyncset.done $0x0  }
0x505: {  	[sflag:s6] =	ssyncadd.s32 $0xFFFFF000  }
0x506: {  	_ =	swait.ge [sflag:s6], $0x1000  }
0x507: {  	[sflag:s6] =	ssyncset.done $0x0  }
0x508: {  	[sflag:s6] =	ssyncadd.s32 $0xFFFFF000  }
0x509: {  	_ =	swait.ge [sflag:s6], $0x1000  }
0x50a: {  	[sflag:s6] =	ssyncset.done $0x0  }
0x50b: {  	[sflag:s6] =	ssyncadd.s32 $0xFFFFF000  }
0x50c: {  	_ =	swait.ge [sflag:s5], $0x1000  }
0x50d: {  	[sflag:s5] =	ssyncset.done $0x0  }
0x50e: {  	[sflag:s5] =	ssyncadd.s32 $0xFFFFF000  }
0x50f: {  	_ =	swait.ge [sflag:s5], $0x1000  }
0x510: {  	[sflag:s5] =	ssyncset.done $0x0  }
0x511: {  	[sflag:s5] =	ssyncadd.s32 $0xFFFFF000  }
0x512: {  	_ =	swait.ge [sflag:s5], $0x1000  }
0x513: {  	[sflag:s5] =	ssyncset.done $0x0  }
0x514: {  	[sflag:s5] =	ssyncadd.s32 $0xFFFFF000  }
0x515: {  	_ =	swait.ge [sflag:s5], $0x1000  }
0x516: {  	[sflag:s5] =	ssyncset.done $0x0  }
0x517: {  	[sflag:s5] =	ssyncadd.s32 $0xFFFFF000  }
0x518: {  	_ =	swait.ge [sflag:s4], $0x1000  }
0x519: {  	[sflag:s4] =	ssyncset.done $0x0  }
0x51a: {  	[sflag:s4] =	ssyncadd.s32 $0xFFFFF000  }
0x51b: {  	_ =	swait.ge [sflag:s4], $0x1000  }
0x51c: {  	[sflag:s4] =	ssyncset.done $0x0  }
0x51d: {  	p1 =	sne.s32 s21, $0x1;
	[sflag:s4] =	ssyncadd.s32 $0xFFFFF000  }
.Ltmp2:
0x51e: {  	_ =	swait.ge [sflag:s4], $0x1000;
	(pc) =	sbr.rel @p1 .LBB2_3-.Ltmp2, $4  }
0x51f: {  	[sflag:s4] =	ssyncset.done $0x0  }
0x520: {  	[sflag:s4] =	ssyncadd.s32 $0xFFFFF000  }
0x521: {  	_ =	swait.ge [sflag:s4], $0x1000  }
0x522: {  	s21 =	sadd.s32 $0xFFFFFFFF, s21;
	s22 =	rddreg [dreg:$0x3];
	[sflag:s4] =	ssyncset.done $0x0  }
0x523: {  	s19 =	simm.s32 $0x9800;
	s1 =	simm.s32 $0x6800  }
0x524: {  	s0 =	simm.s32 $0x5800;
	s24 =	simm.s32 $0x7800;
	s15 =	simm.s32 $0xD  }
0x525: {  	s29 =	simm.s32 $0x4;
	s30 =	simm.s32 $0x6;
	s12 =	simm.s32 $0x3  }
0x526: {  	s16 =	simm.s32 $0x5;
	s17 =	simm.s32 $0x2;
	s25 =	simm.s32 $0x1  }
.LBB2_5:
0x527: {  	[sflag:s4] =	ssyncadd.s32 @p0 $0xFFFFF000  }
0x528: {  	[tilespmem:s26], [sflag:$0xD] =	stream.linear.gather [hbm4b:s22+s3], $0x4000, $0x38;
	[tilespmem:$0x15700] =	vst v63  }
0x529: {  	_ =	swait.ge [sflag:s15], $0x4000  }
0x52a: {  	[sflag:s15] =	ssyncset.done $0x0  }
0x52b: {  	s21 =	rddreg [dreg:$0x4];
	[sflag:s15] =	ssyncadd.s32 $0xFFFFC000  }
0x52c: {  	[spmem:s21] =	stream.linear.scatter [tilespmem:s26], [sflag:$0xD], $0x4000, $0x38;
	[tilespmem:$0x15700] =	vst v63  }
0x52d: {  	_ =	swait.ge [sflag:s15], $0x4000  }
0x52e: {  	[sflag:s15] =	ssyncset.done $0x0  }
0x52f: {  	s20 =	rddreg [dreg:$0x5];
	[sflag:s15] =	ssyncadd.s32 $0xFFFFC000  }
0x530: {  	[tilespmem:s26], [sflag:$0xD] =	stream.linear.gather [hbm4b:s20+s3], $0xF00, $0x38;
	[tilespmem:$0x15700] =	vst v63  }
0x531: {  	_ =	swait.ge [sflag:s15], $0xF00  }
0x532: {  	[sflag:s15] =	ssyncset.done $0x0  }
0x533: {  	s22 =	rddreg [dreg:$0x6];
	[sflag:s15] =	ssyncadd.s32 $0xFFFFF100  }
0x534: {  	[spmem:s22] =	stream.linear.scatter [tilespmem:s26], [sflag:$0xD], $0xF00, $0x38;
	[tilespmem:$0x15700] =	vst v63  }
0x535: {  	_ =	swait.ge [sflag:s15], $0xF00  }
0x536: {  	[sflag:s15] =	ssyncset.done $0x0  }
0x537: {  	[sflag:s15] =	ssyncadd.s32 $0xFFFFF100  }
0x538: {  	[bflag:$0x0] =	sbarrier.arrive $0xFFFF  }
0x539: {  	s20 =	rddreg [dreg:$0x7]  }
0x53a: {  	[tilespmem:s3], [sflag:$0x1] =	stream.linear.gather [hbm4b:s20+s3], $0x200, $0x38;
	[tilespmem:$0x15700] =	vst v63  }
0x53b: {  	s31 =	rddreg [dreg:$0x8]  }
0x53c: {  	[tilespmem:s14], [sflag:$0x2] =	stream.linear.gather [hbm4b:s31+s3], $0x200, $0x38;
	[tilespmem:$0x15700] =	vst v63  }
0x53d: {  	s15 =	rddreg [dreg:$0x9]  }
0x53e: {  	[tilespmem:s28], [sflag:$0x3] =	stream.linear.gather [hbm4b:s15+s3], $0x200, $0x38;
	[tilespmem:$0x15700] =	vst v63  }
0x53f: {  	s22 =	rddreg [dreg:$0xa]  }
0x540: {  	[tilespmem:s13], [sflag:$0x4] =	stream.linear.gather [hbm4b:s22+s3], $0x200, $0x38;
	[tilespmem:$0x15700] =	vst v63  }
0x541: {  	_ =	swait.ge [sflag:s25], $0x200  }
0x542: {  	[sflag:s25] =	ssyncset.done $0x0  }
0x543: {  	[sflag:s25] =	ssyncadd.s32 $0xFFFFFE00  }
0x544: {  	[tilespmem:s26], [sflag:$0x5] =	stream.indirect.gather [spmem:s2], $0x20, s3, s14, $0xb8;
	[tilespmem:$0x15700] =	vst v63  }
0x545: {  	_ =	swait.ge [sflag:s17], $0x200  }
0x546: {  	[sflag:s17] =	ssyncset.done $0x0  }
0x547: {  	[sflag:s17] =	ssyncadd.s32 $0xFFFFFE00  }
0x548: {  	[tilespmem:s10], [sflag:$0x6] =	stream.indirect.gather [spmem:s2], $0x20, s14, s14, $0xb8;
	[tilespmem:$0x15700] =	vst v63  }
0x549: {  	_ =	swait.ge [sflag:s16], $0x4000  }
0x54a: {  	[sflag:s16] =	ssyncset.done $0x0  }
0x54b: {  	[sflag:s16] =	ssyncadd.s32 $0xFFFFC000  }
0x54c: {  	_ =	swait.ge [sflag:s12], $0x200  }
0x54d: {  	[sflag:s12] =	ssyncset.done $0x0  }
0x54e: {  	[sflag:s12] =	ssyncadd.s32 $0xFFFFFE00  }
0x54f: {  	[tilespmem:s11], [sflag:$0x7] =	stream.indirect.gather [spmem:s2], $0x20, s28, s14, $0xb8;
	[tilespmem:$0x15700] =	vst v63  }
0x550: {  	s31 =	rddreg [dreg:$0xb]  }
0x551: {  	[hbm4b:s31+s7] =	stream.strided.scatter [tilespmem:s26], [sflag:$0x9], $0x1000, s8, s7, $0x38;
	[tilespmem:$0x15700] =	vst v63  }
0x552: {  	s22 =	simm.s32 $0x1800;
	s15 =	rddreg [dreg:$0xc]  }
0x553: {  	[hbm4b:s15+s7] =	stream.strided.scatter [tilespmem:s22], [sflag:$0x9], $0x1000, s8, s7, $0x38;
	[tilespmem:$0x15700] =	vst v63  }
0x554: {  	s20 =	rddreg [dreg:$0xd];
	s31 =	simm.s32 $0x2800  }
0x555: {  	[hbm4b:s20+s7] =	stream.strided.scatter [tilespmem:s31], [sflag:$0x9], $0x1000, s8, s7, $0x38;
	[tilespmem:$0x15700] =	vst v63  }
0x556: {  	s21 =	rddreg [dreg:$0xe];
	s31 =	simm.s32 $0x3800  }
0x557: {  	[hbm4b:s21+s7] =	stream.strided.scatter [tilespmem:s31], [sflag:$0x9], $0x1000, s8, s7, $0x38;
	[tilespmem:$0x15700] =	vst v63  }
0x558: {  	s22 =	rddreg [dreg:$0xf]  }
0x559: {  	[tilespmem:s3], [sflag:$0x1] =	stream.linear.gather [hbm4b:s22+s3], $0x200, $0x38;
	[tilespmem:$0x15700] =	vst v63  }
0x55a: {  	_ =	swait.ge [sflag:s30], $0x4000  }
0x55b: {  	[sflag:s30] =	ssyncset.done $0x0  }
0x55c: {  	[sflag:s30] =	ssyncadd.s32 $0xFFFFC000  }
0x55d: {  	_ =	swait.ge [sflag:s29], $0x200  }
0x55e: {  	[sflag:s29] =	ssyncset.done $0x0  }
0x55f: {  	s31 =	simm.s32 $0xC800;
	[sflag:s29] =	ssyncadd.s32 $0xFFFFFE00  }
0x560: {  	[tilespmem:s31], [sflag:$0x8] =	stream.indirect.gather [spmem:s2], $0x20, s13, s14, $0xb8;
	[tilespmem:$0x15700] =	vst v63  }
0x561: {  	s22 =	rddreg [dreg:$0x10]  }
0x562: {  	[hbm4b:s22+s7] =	stream.strided.scatter [tilespmem:s10], [sflag:$0xA], $0x1000, s8, s7, $0x38;
	[tilespmem:$0x15700] =	vst v63  }
0x563: {  	s15 =	rddreg [dreg:$0x11]  }
0x564: {  	[hbm4b:s15+s7] =	stream.strided.scatter [tilespmem:s0], [sflag:$0xA], $0x1000, s8, s7, $0x38;
	[tilespmem:$0x15700] =	vst v63  }
0x565: {  	s22 =	rddreg [dreg:$0x12]  }
0x566: {  	[hbm4b:s22+s7] =	stream.strided.scatter [tilespmem:s1], [sflag:$0xA], $0x1000, s8, s7, $0x38;
	[tilespmem:$0x15700] =	vst v63  }
0x567: {  	s0 =	rddreg [dreg:$0x13]  }
0x568: {  	[hbm4b:s0+s7] =	stream.strided.scatter [tilespmem:s24], [sflag:$0xA], $0x1000, s8, s7, $0x38;
	[tilespmem:$0x15700] =	vst v63  }
0x569: {  	s15 =	rddreg [dreg:$0x14]  }
0x56a: {  	[tilespmem:s14], [sflag:$0x2] =	stream.linear.gather [hbm4b:s15+s3], $0x200, $0x38;
	[tilespmem:$0x15700] =	vst v63  }
0x56b: {  	_ =	swait.ge [sflag:s23], $0x4000  }
0x56c: {  	[sflag:s23] =	ssyncset.done $0x0  }
0x56d: {  	[sflag:s23] =	ssyncadd.s32 $0xFFFFC000  }
0x56e: {  	_ =	swait.ge [sflag:s25], $0x200  }
0x56f: {  	[sflag:s25] =	ssyncset.done $0x0  }
0x570: {  	[sflag:s25] =	ssyncadd.s32 $0xFFFFFE00  }
0x571: {  	_ =	swait.ge [sflag:s9], $0x1000  }
0x572: {  	[sflag:s9] =	ssyncset.done $0x0  }
0x573: {  	[sflag:s9] =	ssyncadd.s32 $0xFFFFF000  }
0x574: {  	_ =	swait.ge [sflag:s9], $0x1000  }
0x575: {  	[sflag:s9] =	ssyncset.done $0x0  }
0x576: {  	[sflag:s9] =	ssyncadd.s32 $0xFFFFF000  }
0x577: {  	_ =	swait.ge [sflag:s9], $0x1000  }
0x578: {  	[sflag:s9] =	ssyncset.done $0x0  }
0x579: {  	[sflag:s9] =	ssyncadd.s32 $0xFFFFF000  }
0x57a: {  	_ =	swait.ge [sflag:s9], $0x1000  }
0x57b: {  	[sflag:s9] =	ssyncset.done $0x0  }
0x57c: {  	[sflag:s9] =	ssyncadd.s32 $0xFFFFF000  }
0x57d: {  	[tilespmem:s26], [sflag:$0x5] =	stream.indirect.gather [spmem:s2], $0x20, s3, s14, $0xb8;
	[tilespmem:$0x15700] =	vst v63  }
0x57e: {  	s21 =	rddreg [dreg:$0x15]  }
0x57f: {  	[hbm4b:s21+s7] =	stream.strided.scatter [tilespmem:s11], [sflag:$0xB], $0x1000, s8, s7, $0x38;
	[tilespmem:$0x15700] =	vst v63  }
0x580: {  	s22 =	rddreg [dreg:$0x16]  }
0x581: {  	[hbm4b:s22+s7] =	stream.strided.scatter [tilespmem:s19], [sflag:$0xB], $0x1000, s8, s7, $0x38;
	[tilespmem:$0x15700] =	vst v63  }
0x582: {  	s1 =	simm.s32 $0xA800;
	s24 =	rddreg [dreg:$0x17]  }
0x583: {  	[hbm4b:s24+s7] =	stream.strided.scatter [tilespmem:s1], [sflag:$0xB], $0x1000, s8, s7, $0x38;
	[tilespmem:$0x15700] =	vst v63  }
0x584: {  	s25 =	rddreg [dreg:$0x18];
	s19 =	simm.s32 $0xB800  }
0x585: {  	[hbm4b:s25+s7] =	stream.strided.scatter [tilespmem:s19], [sflag:$0xB], $0x1000, s8, s7, $0x38;
	[tilespmem:$0x15700] =	vst v63  }
0x586: {  	s15 =	rddreg [dreg:$0x19]  }
0x587: {  	[tilespmem:s28], [sflag:$0x3] =	stream.linear.gather [hbm4b:s15+s3], $0x200, $0x38;
	[tilespmem:$0x15700] =	vst v63  }
0x588: {  	_ =	swait.ge [sflag:s18], $0x4000  }
0x589: {  	[sflag:s18] =	ssyncset.done $0x0  }
0x58a: {  	[sflag:s18] =	ssyncadd.s32 $0xFFFFC000  }
0x58b: {  	_ =	swait.ge [sflag:s17], $0x200  }
0x58c: {  	[sflag:s17] =	ssyncset.done $0x0  }
0x58d: {  	[sflag:s17] =	ssyncadd.s32 $0xFFFFFE00  }
0x58e: {  	_ =	swait.ge [sflag:s6], $0x1000  }
0x58f: {  	[sflag:s6] =	ssyncset.done $0x0  }
0x590: {  	[sflag:s6] =	ssyncadd.s32 $0xFFFFF000  }
0x591: {  	_ =	swait.ge [sflag:s6], $0x1000  }
0x592: {  	[sflag:s6] =	ssyncset.done $0x0  }
0x593: {  	[sflag:s6] =	ssyncadd.s32 $0xFFFFF000  }
0x594: {  	_ =	swait.ge [sflag:s6], $0x1000  }
0x595: {  	[sflag:s6] =	ssyncset.done $0x0  }
0x596: {  	[sflag:s6] =	ssyncadd.s32 $0xFFFFF000  }
0x597: {  	_ =	swait.ge [sflag:s6], $0x1000  }
0x598: {  	[sflag:s6] =	ssyncset.done $0x0  }
0x599: {  	[sflag:s6] =	ssyncadd.s32 $0xFFFFF000  }
0x59a: {  	[tilespmem:s10], [sflag:$0x6] =	stream.indirect.gather [spmem:s2], $0x20, s14, s14, $0xb8;
	[tilespmem:$0x15700] =	vst v63  }
0x59b: {  	s22 =	rddreg [dreg:$0x1a]  }
0x59c: {  	[hbm4b:s22+s7] =	stream.strided.scatter [tilespmem:s31], [sflag:$0xC], $0x1000, s8, s7, $0x38;
	[tilespmem:$0x15700] =	vst v63  }
0x59d: {  	s1 =	simm.s32 $0xD800;
	s24 =	rddreg [dreg:$0x1b]  }
0x59e: {  	[hbm4b:s24+s7] =	stream.strided.scatter [tilespmem:s1], [sflag:$0xC], $0x1000, s8, s7, $0x38;
	[tilespmem:$0x15700] =	vst v63  }
0x59f: {  	s19 =	simm.s32 $0xE800;
	s25 =	rddreg [dreg:$0x1c]  }
0x5a0: {  	[hbm4b:s25+s7] =	stream.strided.scatter [tilespmem:s19], [sflag:$0xC], $0x1000, s8, s7, $0x38;
	[tilespmem:$0x15700] =	vst v63  }
0x5a1: {  	s21 =	rddreg [dreg:$0x1d];
	s25 =	simm.s32 $0xF800  }
0x5a2: {  	[hbm4b:s21+s7] =	stream.strided.scatter [tilespmem:s25], [sflag:$0xC], $0x1000, s8, s7, $0x38;
	[tilespmem:$0x15700] =	vst v63  }
0x5a3: {  	s24 =	rddreg [dreg:$0x1e]  }
0x5a4: {  	[tilespmem:s13], [sflag:$0x4] =	stream.linear.gather [hbm4b:s24+s3], $0x200, $0x38;
	[tilespmem:$0x15700] =	vst v63  }
0x5a5: {  	_ =	swait.ge [sflag:s16], $0x4000  }
0x5a6: {  	[sflag:s16] =	ssyncset.done $0x0  }
0x5a7: {  	[sflag:s16] =	ssyncadd.s32 $0xFFFFC000  }
0x5a8: {  	_ =	swait.ge [sflag:s12], $0x200  }
0x5a9: {  	[sflag:s12] =	ssyncset.done $0x0  }
0x5aa: {  	[sflag:s12] =	ssyncadd.s32 $0xFFFFFE00  }
0x5ab: {  	_ =	swait.ge [sflag:s5], $0x1000  }
0x5ac: {  	[sflag:s5] =	ssyncset.done $0x0  }
0x5ad: {  	[sflag:s5] =	ssyncadd.s32 $0xFFFFF000  }
0x5ae: {  	_ =	swait.ge [sflag:s5], $0x1000  }
0x5af: {  	[sflag:s5] =	ssyncset.done $0x0  }
0x5b0: {  	[sflag:s5] =	ssyncadd.s32 $0xFFFFF000  }
0x5b1: {  	_ =	swait.ge [sflag:s5], $0x1000  }
0x5b2: {  	[sflag:s5] =	ssyncset.done $0x0  }
0x5b3: {  	[sflag:s5] =	ssyncadd.s32 $0xFFFFF000  }
0x5b4: {  	_ =	swait.ge [sflag:s5], $0x1000  }
0x5b5: {  	[sflag:s5] =	ssyncset.done $0x0  }
0x5b6: {  	s21 =	rddreg [dreg:$0x1f];
	[sflag:s5] =	ssyncadd.s32 $0xFFFFF000  }
0x5b7: {  	[tilespmem:s11], [sflag:$0x7] =	stream.indirect.gather [spmem:s2], $0x20, s28, s14, $0xb8;
	[tilespmem:$0x15700] =	vst v63  }
0x5b8: {  	s24 =	sld [smem:$0x7B3]  }
0x5b9: {  	[hbm4b:s21+s7] =	stream.strided.scatter [tilespmem:s26], [sflag:$0x9], $0x1000, s8, s7, $0x38;
	[tilespmem:$0x15700] =	vst v63  }
0x5ba: {  	s19 =	simm.s32 $0x1800;
	s25 =	sld [smem:$0x7B4]  }
0x5bb: {  	[hbm4b:s24+s7] =	stream.strided.scatter [tilespmem:s19], [sflag:$0x9], $0x1000, s8, s7, $0x38;
	[tilespmem:$0x15700] =	vst v63  }
0x5bc: {  	s21 =	sld [smem:$0x7B5];
	s24 =	simm.s32 $0x2800  }
0x5bd: {  	[hbm4b:s25+s7] =	stream.strided.scatter [tilespmem:s24], [sflag:$0x9], $0x1000, s8, s7, $0x38;
	[tilespmem:$0x15700] =	vst v63  }
0x5be: {  	s20 =	sld [smem:$0x7B6];
	s25 =	simm.s32 $0x3800  }
0x5bf: {  	[hbm4b:s21+s7] =	stream.strided.scatter [tilespmem:s25], [sflag:$0x9], $0x1000, s8, s7, $0x38;
	[tilespmem:$0x15700] =	vst v63  }
0x5c0: {  	_ = 	snop  }
0x5c1: {  	[tilespmem:s3], [sflag:$0x1] =	stream.linear.gather [hbm4b:s20+s3], $0x200, $0x38;
	[tilespmem:$0x15700] =	vst v63  }
0x5c2: {  	_ =	swait.ge [sflag:s30], $0x4000  }
0x5c3: {  	[sflag:s30] =	ssyncset.done $0x0  }
0x5c4: {  	[sflag:s30] =	ssyncadd.s32 $0xFFFFC000  }
0x5c5: {  	_ =	swait.ge [sflag:s29], $0x200  }
0x5c6: {  	[sflag:s29] =	ssyncset.done $0x0  }
0x5c7: {  	[sflag:s29] =	ssyncadd.s32 $0xFFFFFE00  }
0x5c8: {  	_ =	swait.ge [sflag:s4], $0x1000  }
0x5c9: {  	[sflag:s4] =	ssyncset.done $0x0  }
0x5ca: {  	[sflag:s4] =	ssyncadd.s32 $0xFFFFF000  }
0x5cb: {  	_ =	swait.ge [sflag:s4], $0x1000  }
0x5cc: {  	[sflag:s4] =	ssyncset.done $0x0  }
0x5cd: {  	[sflag:s4] =	ssyncadd.s32 $0xFFFFF000  }
0x5ce: {  	_ =	swait.ge [sflag:s4], $0x1000  }
0x5cf: {  	[sflag:s4] =	ssyncset.done $0x0  }
0x5d0: {  	[sflag:s4] =	ssyncadd.s32 $0xFFFFF000  }
0x5d1: {  	_ =	swait.ge [sflag:s4], $0x1000  }
0x5d2: {  	[sflag:s4] =	ssyncset.done $0x0  }
0x5d3: {  	s25 =	sld [smem:$0x7B7];
	[sflag:s4] =	ssyncadd.s32 $0xFFFFF000  }
0x5d4: {  	[tilespmem:s31], [sflag:$0x8] =	stream.indirect.gather [spmem:s2], $0x20, s13, s14, $0xb8;
	[tilespmem:$0x15700] =	vst v63  }
0x5d5: {  	s21 =	sld [smem:$0x7B8]  }
0x5d6: {  	[hbm4b:s25+s7] =	stream.strided.scatter [tilespmem:s10], [sflag:$0xA], $0x1000, s8, s7, $0x38;
	[tilespmem:$0x15700] =	vst v63  }
0x5d7: {  	s15 =	simm.s32 $0x5800;
	s25 =	sld [smem:$0x7B9]  }
0x5d8: {  	[hbm4b:s21+s7] =	stream.strided.scatter [tilespmem:s15], [sflag:$0xA], $0x1000, s8, s7, $0x38;
	[tilespmem:$0x15700] =	vst v63  }
0x5d9: {  	s1 =	simm.s32 $0x6800;
	s15 =	sld [smem:$0x7BA]  }
0x5da: {  	[hbm4b:s25+s7] =	stream.strided.scatter [tilespmem:s1], [sflag:$0xA], $0x1000, s8, s7, $0x38;
	[tilespmem:$0x15700] =	vst v63  }
0x5db: {  	s22 =	simm.s32 $0x7800;
	s25 =	sld [smem:$0x7BB]  }
0x5dc: {  	[hbm4b:s15+s7] =	stream.strided.scatter [tilespmem:s22], [sflag:$0xA], $0x1000, s8, s7, $0x38;
	[tilespmem:$0x15700] =	vst v63  }
0x5dd: {  	_ = 	snop  }
0x5de: {  	[tilespmem:s14], [sflag:$0x2] =	stream.linear.gather [hbm4b:s25+s3], $0x200, $0x38;
	[tilespmem:$0x15700] =	vst v63  }
0x5df: {  	_ =	swait.ge [sflag:s23], $0x4000  }
0x5e0: {  	[sflag:s23] =	ssyncset.done $0x0  }
0x5e1: {  	s0 =	simm.s32 $0x1;
	[sflag:s23] =	ssyncadd.s32 $0xFFFFC000  }
0x5e2: {  	_ =	swait.ge [sflag:s0], $0x200  }
0x5e3: {  	[sflag:s0] =	ssyncset.done $0x0  }
0x5e4: {  	[sflag:s0] =	ssyncadd.s32 $0xFFFFFE00  }
0x5e5: {  	_ =	swait.ge [sflag:s9], $0x1000  }
0x5e6: {  	[sflag:s9] =	ssyncset.done $0x0  }
0x5e7: {  	[sflag:s9] =	ssyncadd.s32 $0xFFFFF000  }
0x5e8: {  	_ =	swait.ge [sflag:s9], $0x1000  }
0x5e9: {  	[sflag:s9] =	ssyncset.done $0x0  }
0x5ea: {  	[sflag:s9] =	ssyncadd.s32 $0xFFFFF000  }
0x5eb: {  	_ =	swait.ge [sflag:s9], $0x1000  }
0x5ec: {  	[sflag:s9] =	ssyncset.done $0x0  }
0x5ed: {  	[sflag:s9] =	ssyncadd.s32 $0xFFFFF000  }
0x5ee: {  	_ =	swait.ge [sflag:s9], $0x1000  }
0x5ef: {  	[sflag:s9] =	ssyncset.done $0x0  }
0x5f0: {  	s1 =	sld [smem:$0x7BC];
	[sflag:s9] =	ssyncadd.s32 $0xFFFFF000  }
0x5f1: {  	[tilespmem:s26], [sflag:$0x5] =	stream.indirect.gather [spmem:s2], $0x20, s3, s14, $0xb8;
	[tilespmem:$0x15700] =	vst v63  }
0x5f2: {  	s15 =	sld [smem:$0x7BD]  }
0x5f3: {  	[hbm4b:s1+s7] =	stream.strided.scatter [tilespmem:s11], [sflag:$0xB], $0x1000, s8, s7, $0x38;
	[tilespmem:$0x15700] =	vst v63  }
0x5f4: {  	s25 =	simm.s32 $0x9800;
	s20 =	sld [smem:$0x7BE]  }
0x5f5: {  	[hbm4b:s15+s7] =	stream.strided.scatter [tilespmem:s25], [sflag:$0xB], $0x1000, s8, s7, $0x38;
	[tilespmem:$0x15700] =	vst v63  }
0x5f6: {  	s21 =	sld [smem:$0x7BF];
	s15 =	simm.s32 $0xA800  }
0x5f7: {  	[hbm4b:s20+s7] =	stream.strided.scatter [tilespmem:s15], [sflag:$0xB], $0x1000, s8, s7, $0x38;
	[tilespmem:$0x15700] =	vst v63  }
0x5f8: {  	s20 =	sld [smem:$0x7C0];
	s15 =	simm.s32 $0xB800  }
0x5f9: {  	[hbm4b:s21+s7] =	stream.strided.scatter [tilespmem:s15], [sflag:$0xB], $0x1000, s8, s7, $0x38;
	[tilespmem:$0x15700] =	vst v63  }
0x5fa: {  	_ = 	snop  }
0x5fb: {  	[tilespmem:s28], [sflag:$0x3] =	stream.linear.gather [hbm4b:s20+s3], $0x200, $0x38;
	[tilespmem:$0x15700] =	vst v63  }
0x5fc: {  	_ =	swait.ge [sflag:s18], $0x4000  }
0x5fd: {  	[sflag:s18] =	ssyncset.done $0x0  }
0x5fe: {  	[sflag:s18] =	ssyncadd.s32 $0xFFFFC000  }
0x5ff: {  	_ =	swait.ge [sflag:s17], $0x200  }
0x600: {  	[sflag:s17] =	ssyncset.done $0x0  }
0x601: {  	[sflag:s17] =	ssyncadd.s32 $0xFFFFFE00  }
0x602: {  	_ =	swait.ge [sflag:s6], $0x1000  }
0x603: {  	[sflag:s6] =	ssyncset.done $0x0  }
0x604: {  	[sflag:s6] =	ssyncadd.s32 $0xFFFFF000  }
0x605: {  	_ =	swait.ge [sflag:s6], $0x1000  }
0x606: {  	[sflag:s6] =	ssyncset.done $0x0  }
0x607: {  	[sflag:s6] =	ssyncadd.s32 $0xFFFFF000  }
0x608: {  	_ =	swait.ge [sflag:s6], $0x1000  }
0x609: {  	[sflag:s6] =	ssyncset.done $0x0  }
0x60a: {  	[sflag:s6] =	ssyncadd.s32 $0xFFFFF000  }
0x60b: {  	_ =	swait.ge [sflag:s6], $0x1000  }
0x60c: {  	[sflag:s6] =	ssyncset.done $0x0  }
0x60d: {  	s21 =	sld [smem:$0x7C1];
	[sflag:s6] =	ssyncadd.s32 $0xFFFFF000  }
0x60e: {  	[tilespmem:s10], [sflag:$0x6] =	stream.indirect.gather [spmem:s2], $0x20, s14, s14, $0xb8;
	[tilespmem:$0x15700] =	vst v63  }
0x60f: {  	s1 =	sld [smem:$0x7C2]  }
0x610: {  	[hbm4b:s21+s7] =	stream.strided.scatter [tilespmem:s31], [sflag:$0xC], $0x1000, s8, s7, $0x38;
	[tilespmem:$0x15700] =	vst v63  }
0x611: {  	s15 =	simm.s32 $0xD800;
	s20 =	sld [smem:$0x7C3]  }
0x612: {  	[hbm4b:s1+s7] =	stream.strided.scatter [tilespmem:s15], [sflag:$0xC], $0x1000, s8, s7, $0x38;
	[tilespmem:$0x15700] =	vst v63  }
0x613: {  	s21 =	sld [smem:$0x7C4];
	s1 =	simm.s32 $0xE800  }
0x614: {  	[hbm4b:s20+s7] =	stream.strided.scatter [tilespmem:s1], [sflag:$0xC], $0x1000, s8, s7, $0x38;
	[tilespmem:$0x15700] =	vst v63  }
0x615: {  	s15 =	simm.s32 $0xF800;
	s20 =	sld [smem:$0x7C5]  }
0x616: {  	[hbm4b:s21+s7] =	stream.strided.scatter [tilespmem:s15], [sflag:$0xC], $0x1000, s8, s7, $0x38;
	[tilespmem:$0x15700] =	vst v63  }
0x617: {  	_ = 	snop  }
0x618: {  	[tilespmem:s13], [sflag:$0x4] =	stream.linear.gather [hbm4b:s20+s3], $0x200, $0x38;
	[tilespmem:$0x15700] =	vst v63  }
0x619: {  	_ =	swait.ge [sflag:s16], $0x4000  }
0x61a: {  	[sflag:s16] =	ssyncset.done $0x0  }
0x61b: {  	[sflag:s16] =	ssyncadd.s32 $0xFFFFC000  }
0x61c: {  	_ =	swait.ge [sflag:s12], $0x200  }
0x61d: {  	[sflag:s12] =	ssyncset.done $0x0  }
0x61e: {  	[sflag:s12] =	ssyncadd.s32 $0xFFFFFE00  }
0x61f: {  	_ =	swait.ge [sflag:s5], $0x1000  }
0x620: {  	[sflag:s5] =	ssyncset.done $0x0  }
0x621: {  	[sflag:s5] =	ssyncadd.s32 $0xFFFFF000  }
0x622: {  	_ =	swait.ge [sflag:s5], $0x1000  }
0x623: {  	[sflag:s5] =	ssyncset.done $0x0  }
0x624: {  	[sflag:s5] =	ssyncadd.s32 $0xFFFFF000  }
0x625: {  	_ =	swait.ge [sflag:s5], $0x1000  }
0x626: {  	[sflag:s5] =	ssyncset.done $0x0  }
0x627: {  	[sflag:s5] =	ssyncadd.s32 $0xFFFFF000  }
0x628: {  	_ =	swait.ge [sflag:s5], $0x1000  }
0x629: {  	[sflag:s5] =	ssyncset.done $0x0  }
0x62a: {  	s21 =	sld [smem:$0x7C6];
	[sflag:s5] =	ssyncadd.s32 $0xFFFFF000  }
0x62b: {  	[tilespmem:s11], [sflag:$0x7] =	stream.indirect.gather [spmem:s2], $0x20, s28, s14, $0xb8;
	[tilespmem:$0x15700] =	vst v63  }
0x62c: {  	s15 =	sld [smem:$0x7C7]  }
0x62d: {  	[hbm4b:s21+s7] =	stream.strided.scatter [tilespmem:s26], [sflag:$0x9], $0x1000, s8, s7, $0x38;
	[tilespmem:$0x15700] =	vst v63  }
0x62e: {  	s20 =	sld [smem:$0x7C8]  }
0x62f: {  	[hbm4b:s15+s7] =	stream.strided.scatter [tilespmem:s19], [sflag:$0x9], $0x1000, s8, s7, $0x38;
	[tilespmem:$0x15700] =	vst v63  }
0x630: {  	s15 =	sld [smem:$0x7C9]  }
0x631: {  	[hbm4b:s20+s7] =	stream.strided.scatter [tilespmem:s24], [sflag:$0x9], $0x1000, s8, s7, $0x38;
	[tilespmem:$0x15700] =	vst v63  }
0x632: {  	s20 =	sld [smem:$0x7CA];
	s24 =	simm.s32 $0x3800  }
0x633: {  	[hbm4b:s15+s7] =	stream.strided.scatter [tilespmem:s24], [sflag:$0x9], $0x1000, s8, s7, $0x38;
	[tilespmem:$0x15700] =	vst v63  }
0x634: {  	_ = 	snop  }
0x635: {  	[tilespmem:s3], [sflag:$0x1] =	stream.linear.gather [hbm4b:s20+s3], $0x200, $0x38;
	[tilespmem:$0x15700] =	vst v63  }
0x636: {  	_ =	swait.ge [sflag:s30], $0x4000  }
0x637: {  	[sflag:s30] =	ssyncset.done $0x0  }
0x638: {  	[sflag:s30] =	ssyncadd.s32 $0xFFFFC000  }
0x639: {  	_ =	swait.ge [sflag:s29], $0x200  }
0x63a: {  	[sflag:s29] =	ssyncset.done $0x0  }
0x63b: {  	[sflag:s29] =	ssyncadd.s32 $0xFFFFFE00  }
0x63c: {  	_ =	swait.ge [sflag:s4], $0x1000  }
0x63d: {  	[sflag:s4] =	ssyncset.done $0x0  }
0x63e: {  	[sflag:s4] =	ssyncadd.s32 $0xFFFFF000  }
0x63f: {  	_ =	swait.ge [sflag:s4], $0x1000  }
0x640: {  	[sflag:s4] =	ssyncset.done $0x0  }
0x641: {  	[sflag:s4] =	ssyncadd.s32 $0xFFFFF000  }
0x642: {  	_ =	swait.ge [sflag:s4], $0x1000  }
0x643: {  	[sflag:s4] =	ssyncset.done $0x0  }
0x644: {  	[sflag:s4] =	ssyncadd.s32 $0xFFFFF000  }
0x645: {  	_ =	swait.ge [sflag:s4], $0x1000  }
0x646: {  	[sflag:s4] =	ssyncset.done $0x0  }
0x647: {  	s15 =	sld [smem:$0x7CB];
	[sflag:s4] =	ssyncadd.s32 $0xFFFFF000  }
0x648: {  	[tilespmem:s31], [sflag:$0x8] =	stream.indirect.gather [spmem:s2], $0x20, s13, s14, $0xb8;
	[tilespmem:$0x15700] =	vst v63  }
0x649: {  	s21 =	sld [smem:$0x7CC]  }
0x64a: {  	[hbm4b:s15+s7] =	stream.strided.scatter [tilespmem:s10], [sflag:$0xA], $0x1000, s8, s7, $0x38;
	[tilespmem:$0x15700] =	vst v63  }
0x64b: {  	s20 =	sld [smem:$0x7CD];
	s15 =	simm.s32 $0x5800  }
0x64c: {  	[hbm4b:s21+s7] =	stream.strided.scatter [tilespmem:s15], [sflag:$0xA], $0x1000, s8, s7, $0x38;
	[tilespmem:$0x15700] =	vst v63  }
0x64d: {  	s21 =	sld [smem:$0x7CE];
	s15 =	simm.s32 $0x6800  }
0x64e: {  	[hbm4b:s20+s7] =	stream.strided.scatter [tilespmem:s15], [sflag:$0xA], $0x1000, s8, s7, $0x38;
	[tilespmem:$0x15700] =	vst v63  }
0x64f: {  	s22 =	simm.s32 $0x7800;
	s15 =	sld [smem:$0x7CF]  }
0x650: {  	[hbm4b:s21+s7] =	stream.strided.scatter [tilespmem:s22], [sflag:$0xA], $0x1000, s8, s7, $0x38;
	[tilespmem:$0x15700] =	vst v63  }
0x651: {  	_ = 	snop  }
0x652: {  	[tilespmem:s14], [sflag:$0x2] =	stream.linear.gather [hbm4b:s15+s3], $0x200, $0x38;
	[tilespmem:$0x15700] =	vst v63  }
0x653: {  	_ =	swait.ge [sflag:s23], $0x4000  }
0x654: {  	[sflag:s23] =	ssyncset.done $0x0  }
0x655: {  	[sflag:s23] =	ssyncadd.s32 $0xFFFFC000  }
0x656: {  	_ =	swait.ge [sflag:s0], $0x200  }
0x657: {  	[sflag:s0] =	ssyncset.done $0x0  }
0x658: {  	[sflag:s0] =	ssyncadd.s32 $0xFFFFFE00  }
0x659: {  	_ =	swait.ge [sflag:s9], $0x1000  }
0x65a: {  	[sflag:s9] =	ssyncset.done $0x0  }
0x65b: {  	[sflag:s9] =	ssyncadd.s32 $0xFFFFF000  }
0x65c: {  	_ =	swait.ge [sflag:s9], $0x1000  }
0x65d: {  	[sflag:s9] =	ssyncset.done $0x0  }
0x65e: {  	[sflag:s9] =	ssyncadd.s32 $0xFFFFF000  }
0x65f: {  	_ =	swait.ge [sflag:s9], $0x1000  }
0x660: {  	[sflag:s9] =	ssyncset.done $0x0  }
0x661: {  	[sflag:s9] =	ssyncadd.s32 $0xFFFFF000  }
0x662: {  	_ =	swait.ge [sflag:s9], $0x1000  }
0x663: {  	[sflag:s9] =	ssyncset.done $0x0  }
0x664: {  	s15 =	sld [smem:$0x7D0];
	[sflag:s9] =	ssyncadd.s32 $0xFFFFF000  }
0x665: {  	[tilespmem:s26], [sflag:$0x5] =	stream.indirect.gather [spmem:s2], $0x20, s3, s14, $0xb8;
	[tilespmem:$0x15700] =	vst v63  }
0x666: {  	s21 =	sld [smem:$0x7D1]  }
0x667: {  	[hbm4b:s15+s7] =	stream.strided.scatter [tilespmem:s11], [sflag:$0xB], $0x1000, s8, s7, $0x38;
	[tilespmem:$0x15700] =	vst v63  }
0x668: {  	s25 =	simm.s32 $0x9800;
	s15 =	sld [smem:$0x7D2]  }
0x669: {  	[hbm4b:s21+s7] =	stream.strided.scatter [tilespmem:s25], [sflag:$0xB], $0x1000, s8, s7, $0x38;
	[tilespmem:$0x15700] =	vst v63  }
0x66a: {  	s21 =	sld [smem:$0x7D3];
	s25 =	simm.s32 $0xA800  }
0x66b: {  	[hbm4b:s15+s7] =	stream.strided.scatter [tilespmem:s25], [sflag:$0xB], $0x1000, s8, s7, $0x38;
	[tilespmem:$0x15700] =	vst v63  }
0x66c: {  	s20 =	sld [smem:$0x7D4];
	s25 =	simm.s32 $0xB800  }
0x66d: {  	[hbm4b:s21+s7] =	stream.strided.scatter [tilespmem:s25], [sflag:$0xB], $0x1000, s8, s7, $0x38;
	[tilespmem:$0x15700] =	vst v63  }
0x66e: {  	_ = 	snop  }
0x66f: {  	[tilespmem:s28], [sflag:$0x3] =	stream.linear.gather [hbm4b:s20+s3], $0x200, $0x38;
	[tilespmem:$0x15700] =	vst v63  }
0x670: {  	_ =	swait.ge [sflag:s18], $0x4000  }
0x671: {  	[sflag:s18] =	ssyncset.done $0x0  }
0x672: {  	[sflag:s18] =	ssyncadd.s32 $0xFFFFC000  }
0x673: {  	_ =	swait.ge [sflag:s17], $0x200  }
0x674: {  	[sflag:s17] =	ssyncset.done $0x0  }
0x675: {  	[sflag:s17] =	ssyncadd.s32 $0xFFFFFE00  }
0x676: {  	_ =	swait.ge [sflag:s6], $0x1000  }
0x677: {  	[sflag:s6] =	ssyncset.done $0x0  }
0x678: {  	[sflag:s6] =	ssyncadd.s32 $0xFFFFF000  }
0x679: {  	_ =	swait.ge [sflag:s6], $0x1000  }
0x67a: {  	[sflag:s6] =	ssyncset.done $0x0  }
0x67b: {  	[sflag:s6] =	ssyncadd.s32 $0xFFFFF000  }
0x67c: {  	_ =	swait.ge [sflag:s6], $0x1000  }
0x67d: {  	[sflag:s6] =	ssyncset.done $0x0  }
0x67e: {  	[sflag:s6] =	ssyncadd.s32 $0xFFFFF000  }
0x67f: {  	_ =	swait.ge [sflag:s6], $0x1000  }
0x680: {  	[sflag:s6] =	ssyncset.done $0x0  }
0x681: {  	s25 =	sld [smem:$0x7D5];
	[sflag:s6] =	ssyncadd.s32 $0xFFFFF000  }
0x682: {  	[tilespmem:s10], [sflag:$0x6] =	stream.indirect.gather [spmem:s2], $0x20, s14, s14, $0xb8;
	[tilespmem:$0x15700] =	vst v63  }
0x683: {  	s15 =	sld [smem:$0x7D6]  }
0x684: {  	[hbm4b:s25+s7] =	stream.strided.scatter [tilespmem:s31], [sflag:$0xC], $0x1000, s8, s7, $0x38;
	[tilespmem:$0x15700] =	vst v63  }
0x685: {  	s20 =	sld [smem:$0x7D7];
	s25 =	simm.s32 $0xD800  }
0x686: {  	[hbm4b:s15+s7] =	stream.strided.scatter [tilespmem:s25], [sflag:$0xC], $0x1000, s8, s7, $0x38;
	[tilespmem:$0x15700] =	vst v63  }
0x687: {  	s21 =	sld [smem:$0x7D8]  }
0x688: {  	[hbm4b:s20+s7] =	stream.strided.scatter [tilespmem:s1], [sflag:$0xC], $0x1000, s8, s7, $0x38;
	[tilespmem:$0x15700] =	vst v63  }
0x689: {  	s15 =	sld [smem:$0x7D9];
	s25 =	simm.s32 $0xF800  }
0x68a: {  	[hbm4b:s21+s7] =	stream.strided.scatter [tilespmem:s25], [sflag:$0xC], $0x1000, s8, s7, $0x38;
	[tilespmem:$0x15700] =	vst v63  }
0x68b: {  	_ = 	snop  }
0x68c: {  	[tilespmem:s13], [sflag:$0x4] =	stream.linear.gather [hbm4b:s15+s3], $0x200, $0x38;
	[tilespmem:$0x15700] =	vst v63  }
0x68d: {  	_ =	swait.ge [sflag:s16], $0x4000  }
0x68e: {  	[sflag:s16] =	ssyncset.done $0x0  }
0x68f: {  	[sflag:s16] =	ssyncadd.s32 $0xFFFFC000  }
0x690: {  	_ =	swait.ge [sflag:s12], $0x200  }
0x691: {  	[sflag:s12] =	ssyncset.done $0x0  }
0x692: {  	[sflag:s12] =	ssyncadd.s32 $0xFFFFFE00  }
0x693: {  	_ =	swait.ge [sflag:s5], $0x1000  }
0x694: {  	[sflag:s5] =	ssyncset.done $0x0  }
0x695: {  	[sflag:s5] =	ssyncadd.s32 $0xFFFFF000  }
0x696: {  	_ =	swait.ge [sflag:s5], $0x1000  }
0x697: {  	[sflag:s5] =	ssyncset.done $0x0  }
0x698: {  	[sflag:s5] =	ssyncadd.s32 $0xFFFFF000  }
0x699: {  	_ =	swait.ge [sflag:s5], $0x1000  }
0x69a: {  	[sflag:s5] =	ssyncset.done $0x0  }
0x69b: {  	[sflag:s5] =	ssyncadd.s32 $0xFFFFF000  }
0x69c: {  	_ =	swait.ge [sflag:s5], $0x1000  }
0x69d: {  	[sflag:s5] =	ssyncset.done $0x0  }
0x69e: {  	s1 =	sld [smem:$0x7DA];
	[sflag:s5] =	ssyncadd.s32 $0xFFFFF000  }
0x69f: {  	[tilespmem:s11], [sflag:$0x7] =	stream.indirect.gather [spmem:s2], $0x20, s28, s14, $0xb8;
	[tilespmem:$0x15700] =	vst v63  }
0x6a0: {  	s15 =	sld [smem:$0x7DB]  }
0x6a1: {  	[hbm4b:s1+s7] =	stream.strided.scatter [tilespmem:s26], [sflag:$0x9], $0x1000, s8, s7, $0x38;
	[tilespmem:$0x15700] =	vst v63  }
0x6a2: {  	s25 =	simm.s32 $0x1800;
	s20 =	sld [smem:$0x7DC]  }
0x6a3: {  	[hbm4b:s15+s7] =	stream.strided.scatter [tilespmem:s25], [sflag:$0x9], $0x1000, s8, s7, $0x38;
	[tilespmem:$0x15700] =	vst v63  }
0x6a4: {  	s19 =	simm.s32 $0x2800;
	s15 =	sld [smem:$0x7DD]  }
0x6a5: {  	[hbm4b:s20+s7] =	stream.strided.scatter [tilespmem:s19], [sflag:$0x9], $0x1000, s8, s7, $0x38;
	[tilespmem:$0x15700] =	vst v63  }
0x6a6: {  	s24 =	simm.s32 $0x3800;
	s19 =	sld [smem:$0x7DE]  }
0x6a7: {  	[hbm4b:s15+s7] =	stream.strided.scatter [tilespmem:s24], [sflag:$0x9], $0x1000, s8, s7, $0x38;
	[tilespmem:$0x15700] =	vst v63  }
0x6a8: {  	_ = 	snop  }
0x6a9: {  	[tilespmem:s3], [sflag:$0x1] =	stream.linear.gather [hbm4b:s19+s3], $0x200, $0x38;
	[tilespmem:$0x15700] =	vst v63  }
0x6aa: {  	_ =	swait.ge [sflag:s30], $0x4000  }
0x6ab: {  	[sflag:s30] =	ssyncset.done $0x0  }
0x6ac: {  	[sflag:s30] =	ssyncadd.s32 $0xFFFFC000  }
0x6ad: {  	_ =	swait.ge [sflag:s29], $0x200  }
0x6ae: {  	[sflag:s29] =	ssyncset.done $0x0  }
0x6af: {  	[sflag:s29] =	ssyncadd.s32 $0xFFFFFE00  }
0x6b0: {  	_ =	swait.ge [sflag:s4], $0x1000  }
0x6b1: {  	[sflag:s4] =	ssyncset.done $0x0  }
0x6b2: {  	[sflag:s4] =	ssyncadd.s32 $0xFFFFF000  }
0x6b3: {  	_ =	swait.ge [sflag:s4], $0x1000  }
0x6b4: {  	[sflag:s4] =	ssyncset.done $0x0  }
0x6b5: {  	[sflag:s4] =	ssyncadd.s32 $0xFFFFF000  }
0x6b6: {  	_ =	swait.ge [sflag:s4], $0x1000  }
0x6b7: {  	[sflag:s4] =	ssyncset.done $0x0  }
0x6b8: {  	[sflag:s4] =	ssyncadd.s32 $0xFFFFF000  }
0x6b9: {  	_ =	swait.ge [sflag:s4], $0x1000  }
0x6ba: {  	[sflag:s4] =	ssyncset.done $0x0  }
0x6bb: {  	s25 =	sld [smem:$0x7DF];
	[sflag:s4] =	ssyncadd.s32 $0xFFFFF000  }
0x6bc: {  	[tilespmem:s31], [sflag:$0x8] =	stream.indirect.gather [spmem:s2], $0x20, s13, s14, $0xb8;
	[tilespmem:$0x15700] =	vst v63  }
0x6bd: {  	s15 =	sld [smem:$0x7E0]  }
0x6be: {  	[hbm4b:s25+s7] =	stream.strided.scatter [tilespmem:s10], [sflag:$0xA], $0x1000, s8, s7, $0x38;
	[tilespmem:$0x15700] =	vst v63  }
0x6bf: {  	s24 =	simm.s32 $0x5800;
	s19 =	sld [smem:$0x7E1]  }
0x6c0: {  	[hbm4b:s15+s7] =	stream.strided.scatter [tilespmem:s24], [sflag:$0xA], $0x1000, s8, s7, $0x38;
	[tilespmem:$0x15700] =	vst v63  }
0x6c1: {  	s25 =	sld [smem:$0x7E2];
	s15 =	simm.s32 $0x6800  }
0x6c2: {  	[hbm4b:s19+s7] =	stream.strided.scatter [tilespmem:s15], [sflag:$0xA], $0x1000, s8, s7, $0x38;
	[tilespmem:$0x15700] =	vst v63  }
0x6c3: {  	s22 =	simm.s32 $0x7800;
	s19 =	sld [smem:$0x7E3]  }
0x6c4: {  	[hbm4b:s25+s7] =	stream.strided.scatter [tilespmem:s22], [sflag:$0xA], $0x1000, s8, s7, $0x38;
	[tilespmem:$0x15700] =	vst v63  }
0x6c5: {  	_ = 	snop  }
0x6c6: {  	[tilespmem:s14], [sflag:$0x2] =	stream.linear.gather [hbm4b:s19+s3], $0x200, $0x38;
	[tilespmem:$0x15700] =	vst v63  }
0x6c7: {  	_ =	swait.ge [sflag:s23], $0x4000  }
0x6c8: {  	[sflag:s23] =	ssyncset.done $0x0  }
0x6c9: {  	[sflag:s23] =	ssyncadd.s32 $0xFFFFC000  }
0x6ca: {  	_ =	swait.ge [sflag:s0], $0x200  }
0x6cb: {  	[sflag:s0] =	ssyncset.done $0x0  }
0x6cc: {  	[sflag:s0] =	ssyncadd.s32 $0xFFFFFE00  }
0x6cd: {  	_ =	swait.ge [sflag:s9], $0x1000  }
0x6ce: {  	[sflag:s9] =	ssyncset.done $0x0  }
0x6cf: {  	[sflag:s9] =	ssyncadd.s32 $0xFFFFF000  }
0x6d0: {  	_ =	swait.ge [sflag:s9], $0x1000  }
0x6d1: {  	[sflag:s9] =	ssyncset.done $0x0  }
0x6d2: {  	[sflag:s9] =	ssyncadd.s32 $0xFFFFF000  }
0x6d3: {  	_ =	swait.ge [sflag:s9], $0x1000  }
0x6d4: {  	[sflag:s9] =	ssyncset.done $0x0  }
0x6d5: {  	[sflag:s9] =	ssyncadd.s32 $0xFFFFF000  }
0x6d6: {  	_ =	swait.ge [sflag:s9], $0x1000  }
0x6d7: {  	[sflag:s9] =	ssyncset.done $0x0  }
0x6d8: {  	s24 =	sld [smem:$0x7E4];
	[sflag:s9] =	ssyncadd.s32 $0xFFFFF000  }
0x6d9: {  	[tilespmem:s26], [sflag:$0x5] =	stream.indirect.gather [spmem:s2], $0x20, s3, s14, $0xb8;
	[tilespmem:$0x15700] =	vst v63  }
0x6da: {  	s25 =	sld [smem:$0x7E5]  }
0x6db: {  	[hbm4b:s24+s7] =	stream.strided.scatter [tilespmem:s11], [sflag:$0xB], $0x1000, s8, s7, $0x38;
	[tilespmem:$0x15700] =	vst v63  }
0x6dc: {  	s15 =	simm.s32 $0x9800;
	s0 =	sld [smem:$0x7E6]  }
0x6dd: {  	[hbm4b:s25+s7] =	stream.strided.scatter [tilespmem:s15], [sflag:$0xB], $0x1000, s8, s7, $0x38;
	[tilespmem:$0x15700] =	vst v63  }
0x6de: {  	s21 =	simm.s32 $0xA800;
	s22 =	sld [smem:$0x7E7]  }
0x6df: {  	[hbm4b:s0+s7] =	stream.strided.scatter [tilespmem:s21], [sflag:$0xB], $0x1000, s8, s7, $0x38;
	[tilespmem:$0x15700] =	vst v63  }
0x6e0: {  	s24 =	sld [smem:$0x7E8];
	s25 =	simm.s32 $0xB800  }
0x6e1: {  	[hbm4b:s22+s7] =	stream.strided.scatter [tilespmem:s25], [sflag:$0xB], $0x1000, s8, s7, $0x38;
	[tilespmem:$0x15700] =	vst v63  }
0x6e2: {  	_ = 	snop  }
0x6e3: {  	[tilespmem:s28], [sflag:$0x3] =	stream.linear.gather [hbm4b:s24+s3], $0x200, $0x38;
	[tilespmem:$0x15700] =	vst v63  }
0x6e4: {  	_ =	swait.ge [sflag:s18], $0x4000  }
0x6e5: {  	[sflag:s18] =	ssyncset.done $0x0  }
0x6e6: {  	[sflag:s18] =	ssyncadd.s32 $0xFFFFC000  }
0x6e7: {  	_ =	swait.ge [sflag:s17], $0x200  }
0x6e8: {  	[sflag:s17] =	ssyncset.done $0x0  }
0x6e9: {  	[sflag:s17] =	ssyncadd.s32 $0xFFFFFE00  }
0x6ea: {  	_ =	swait.ge [sflag:s6], $0x1000  }
0x6eb: {  	[sflag:s6] =	ssyncset.done $0x0  }
0x6ec: {  	[sflag:s6] =	ssyncadd.s32 $0xFFFFF000  }
0x6ed: {  	_ =	swait.ge [sflag:s6], $0x1000  }
0x6ee: {  	[sflag:s6] =	ssyncset.done $0x0  }
0x6ef: {  	[sflag:s6] =	ssyncadd.s32 $0xFFFFF000  }
0x6f0: {  	_ =	swait.ge [sflag:s6], $0x1000  }
0x6f1: {  	[sflag:s6] =	ssyncset.done $0x0  }
0x6f2: {  	[sflag:s6] =	ssyncadd.s32 $0xFFFFF000  }
0x6f3: {  	_ =	swait.ge [sflag:s6], $0x1000  }
0x6f4: {  	[sflag:s6] =	ssyncset.done $0x0  }
0x6f5: {  	s19 =	sld [smem:$0x7E9];
	[sflag:s6] =	ssyncadd.s32 $0xFFFFF000  }
0x6f6: {  	[tilespmem:s10], [sflag:$0x6] =	stream.indirect.gather [spmem:s2], $0x20, s14, s14, $0xb8;
	[tilespmem:$0x15700] =	vst v63  }
0x6f7: {  	s20 =	sld [smem:$0x7EA]  }
0x6f8: {  	[hbm4b:s19+s7] =	stream.strided.scatter [tilespmem:s31], [sflag:$0xC], $0x1000, s8, s7, $0x38;
	[tilespmem:$0x15700] =	vst v63  }
0x6f9: {  	s22 =	simm.s32 $0xD800;
	s24 =	sld [smem:$0x7EB]  }
0x6fa: {  	[hbm4b:s20+s7] =	stream.strided.scatter [tilespmem:s22], [sflag:$0xC], $0x1000, s8, s7, $0x38;
	[tilespmem:$0x15700] =	vst v63  }
0x6fb: {  	s19 =	sld [smem:$0x7EC];
	s20 =	simm.s32 $0xE800  }
0x6fc: {  	[hbm4b:s24+s7] =	stream.strided.scatter [tilespmem:s20], [sflag:$0xC], $0x1000, s8, s7, $0x38;
	[tilespmem:$0x15700] =	vst v63  }
0x6fd: {  	s0 =	sld [smem:$0x7ED];
	s24 =	simm.s32 $0xF800  }
0x6fe: {  	[hbm4b:s19+s7] =	stream.strided.scatter [tilespmem:s24], [sflag:$0xC], $0x1000, s8, s7, $0x38;
	[tilespmem:$0x15700] =	vst v63  }
0x6ff: {  	_ = 	snop  }
0x700: {  	[tilespmem:s13], [sflag:$0x4] =	stream.linear.gather [hbm4b:s0+s3], $0x200, $0x38;
	[tilespmem:$0x15700] =	vst v63  }
0x701: {  	_ =	swait.ge [sflag:s16], $0x4000  }
0x702: {  	[sflag:s16] =	ssyncset.done $0x0  }
0x703: {  	[sflag:s16] =	ssyncadd.s32 $0xFFFFC000  }
0x704: {  	_ =	swait.ge [sflag:s12], $0x200  }
0x705: {  	[sflag:s12] =	ssyncset.done $0x0  }
0x706: {  	[sflag:s12] =	ssyncadd.s32 $0xFFFFFE00  }
0x707: {  	_ =	swait.ge [sflag:s5], $0x1000  }
0x708: {  	[sflag:s5] =	ssyncset.done $0x0  }
0x709: {  	[sflag:s5] =	ssyncadd.s32 $0xFFFFF000  }
0x70a: {  	_ =	swait.ge [sflag:s5], $0x1000  }
0x70b: {  	[sflag:s5] =	ssyncset.done $0x0  }
0x70c: {  	[sflag:s5] =	ssyncadd.s32 $0xFFFFF000  }
0x70d: {  	_ =	swait.ge [sflag:s5], $0x1000  }
0x70e: {  	[sflag:s5] =	ssyncset.done $0x0  }
0x70f: {  	[sflag:s5] =	ssyncadd.s32 $0xFFFFF000  }
0x710: {  	_ =	swait.ge [sflag:s5], $0x1000  }
0x711: {  	[sflag:s5] =	ssyncset.done $0x0  }
0x712: {  	s12 =	sld [smem:$0x7EE];
	[sflag:s5] =	ssyncadd.s32 $0xFFFFF000  }
0x713: {  	[tilespmem:s11], [sflag:$0x7] =	stream.indirect.gather [spmem:s2], $0x20, s28, s14, $0xb8;
	[tilespmem:$0x15700] =	vst v63  }
0x714: {  	s16 =	sld [smem:$0x7EF]  }
0x715: {  	[hbm4b:s12+s7] =	stream.strided.scatter [tilespmem:s26], [sflag:$0x9], $0x1000, s8, s7, $0x38;
	[tilespmem:$0x15700] =	vst v63  }
0x716: {  	s1 =	simm.s32 $0x1800;
	s17 =	sld [smem:$0x7F0]  }
0x717: {  	[hbm4b:s16+s7] =	stream.strided.scatter [tilespmem:s1], [sflag:$0x9], $0x1000, s8, s7, $0x38;
	[tilespmem:$0x15700] =	vst v63  }
0x718: {  	s19 =	sld [smem:$0x7F1];
	s26 =	simm.s32 $0x2800  }
0x719: {  	[hbm4b:s17+s7] =	stream.strided.scatter [tilespmem:s26], [sflag:$0x9], $0x1000, s8, s7, $0x38;
	[tilespmem:$0x15700] =	vst v63  }
0x71a: {  	s28 =	simm.s32 $0x3800  }
0x71b: {  	[hbm4b:s19+s7] =	stream.strided.scatter [tilespmem:s28], [sflag:$0x9], $0x1000, s8, s7, $0x38;
	[tilespmem:$0x15700] =	vst v63  }
0x71c: {  	_ =	swait.ge [sflag:s30], $0x4000  }
0x71d: {  	[sflag:s30] =	ssyncset.done $0x0  }
0x71e: {  	[sflag:s30] =	ssyncadd.s32 $0xFFFFC000  }
0x71f: {  	_ =	swait.ge [sflag:s29], $0x200  }
0x720: {  	[sflag:s29] =	ssyncset.done $0x0  }
0x721: {  	[sflag:s29] =	ssyncadd.s32 $0xFFFFFE00  }
0x722: {  	_ =	swait.ge [sflag:s4], $0x1000  }
0x723: {  	[sflag:s4] =	ssyncset.done $0x0  }
0x724: {  	[sflag:s4] =	ssyncadd.s32 $0xFFFFF000  }
0x725: {  	_ =	swait.ge [sflag:s4], $0x1000  }
0x726: {  	[sflag:s4] =	ssyncset.done $0x0  }
0x727: {  	[sflag:s4] =	ssyncadd.s32 $0xFFFFF000  }
0x728: {  	_ =	swait.ge [sflag:s4], $0x1000  }
0x729: {  	[sflag:s4] =	ssyncset.done $0x0  }
0x72a: {  	[sflag:s4] =	ssyncadd.s32 $0xFFFFF000  }
0x72b: {  	_ =	swait.ge [sflag:s4], $0x1000  }
0x72c: {  	[sflag:s4] =	ssyncset.done $0x0  }
0x72d: {  	s1 =	sld [smem:$0x7F2];
	[sflag:s4] =	ssyncadd.s32 $0xFFFFF000  }
0x72e: {  	[tilespmem:s31], [sflag:$0x8] =	stream.indirect.gather [spmem:s2], $0x20, s13, s14, $0xb8;
	[tilespmem:$0x15700] =	vst v63  }
0x72f: {  	s2 =	sld [smem:$0x7F3]  }
0x730: {  	[hbm4b:s1+s7] =	stream.strided.scatter [tilespmem:s10], [sflag:$0xA], $0x1000, s8, s7, $0x38;
	[tilespmem:$0x15700] =	vst v63  }
0x731: {  	s3 =	sld [smem:$0x7F4];
	s10 =	simm.s32 $0x5800  }
0x732: {  	[hbm4b:s2+s7] =	stream.strided.scatter [tilespmem:s10], [sflag:$0xA], $0x1000, s8, s7, $0x38;
	[tilespmem:$0x15700] =	vst v63  }
0x733: {  	s12 =	sld [smem:$0x7F5];
	s13 =	simm.s32 $0x6800  }
0x734: {  	[hbm4b:s3+s7] =	stream.strided.scatter [tilespmem:s13], [sflag:$0xA], $0x1000, s8, s7, $0x38;
	[tilespmem:$0x15700] =	vst v63  }
0x735: {  	s14 =	simm.s32 $0x7800  }
0x736: {  	[hbm4b:s12+s7] =	stream.strided.scatter [tilespmem:s14], [sflag:$0xA], $0x1000, s8, s7, $0x38;
	[tilespmem:$0x15700] =	vst v63  }
0x737: {  	_ =	swait.ge [sflag:s23], $0x4000  }
0x738: {  	s16 =	sld [smem:$0x7F6]  }
0x739: {  	[sflag:s23] =	ssyncset.done $0x0  }
0x73a: {  	s17 =	sld [smem:$0x7F7];
	[sflag:s23] =	ssyncadd.s32 $0xFFFFC000  }
0x73b: {  	[hbm4b:s16+s7] =	stream.strided.scatter [tilespmem:s11], [sflag:$0xB], $0x1000, s8, s7, $0x38;
	[tilespmem:$0x15700] =	vst v63  }
0x73c: {  	s19 =	sld [smem:$0x7F8]  }
0x73d: {  	[hbm4b:s17+s7] =	stream.strided.scatter [tilespmem:s15], [sflag:$0xB], $0x1000, s8, s7, $0x38;
	[tilespmem:$0x15700] =	vst v63  }
0x73e: {  	s23 =	sld [smem:$0x7F9]  }
0x73f: {  	[hbm4b:s19+s7] =	stream.strided.scatter [tilespmem:s21], [sflag:$0xB], $0x1000, s8, s7, $0x38;
	[tilespmem:$0x15700] =	vst v63  }
0x740: {  	s25 =	simm.s32 $0xB800  }
0x741: {  	[hbm4b:s23+s7] =	stream.strided.scatter [tilespmem:s25], [sflag:$0xB], $0x1000, s8, s7, $0x38;
	[tilespmem:$0x15700] =	vst v63  }
0x742: {  	_ =	swait.ge [sflag:s18], $0x4000  }
0x743: {  	s26 =	sld [smem:$0x7FA]  }
0x744: {  	[sflag:s18] =	ssyncset.done $0x0  }
0x745: {  	s28 =	sld [smem:$0x7FB];
	[sflag:s18] =	ssyncadd.s32 $0xFFFFC000  }
0x746: {  	[hbm4b:s26+s7] =	stream.strided.scatter [tilespmem:s31], [sflag:$0xC], $0x1000, s8, s7, $0x38;
	[tilespmem:$0x15700] =	vst v63  }
0x747: {  	s29 =	sld [smem:$0x7FC]  }
0x748: {  	[hbm4b:s28+s7] =	stream.strided.scatter [tilespmem:s22], [sflag:$0xC], $0x1000, s8, s7, $0x38;
	[tilespmem:$0x15700] =	vst v63  }
0x749: {  	s30 =	sld [smem:$0x7FD]  }
0x74a: {  	[hbm4b:s29+s7] =	stream.strided.scatter [tilespmem:s20], [sflag:$0xC], $0x1000, s8, s7, $0x38;
	[tilespmem:$0x15700] =	vst v63  }
0x74b: {  	_ = 	snop  }
0x74c: {  	[hbm4b:s30+s7] =	stream.strided.scatter [tilespmem:s24], [sflag:$0xC], $0x1000, s8, s7, $0x38;
	[tilespmem:$0x15700] =	vst v63  }
0x74d: {  	_ =	swait.ge [sflag:s9], $0x1000  }
0x74e: {  	[sflag:s9] =	ssyncset.done $0x0  }
0x74f: {  	[sflag:s9] =	ssyncadd.s32 $0xFFFFF000  }
0x750: {  	_ =	swait.ge [sflag:s9], $0x1000  }
0x751: {  	[sflag:s9] =	ssyncset.done $0x0  }
0x752: {  	[sflag:s9] =	ssyncadd.s32 $0xFFFFF000  }
0x753: {  	_ =	swait.ge [sflag:s9], $0x1000  }
0x754: {  	[sflag:s9] =	ssyncset.done $0x0  }
0x755: {  	[sflag:s9] =	ssyncadd.s32 $0xFFFFF000  }
0x756: {  	_ =	swait.ge [sflag:s9], $0x1000  }
0x757: {  	[sflag:s9] =	ssyncset.done $0x0  }
0x758: {  	[sflag:s9] =	ssyncadd.s32 $0xFFFFF000  }
0x759: {  	_ =	swait.ge [sflag:s6], $0x1000  }
0x75a: {  	[sflag:s6] =	ssyncset.done $0x0  }
0x75b: {  	[sflag:s6] =	ssyncadd.s32 $0xFFFFF000  }
0x75c: {  	_ =	swait.ge [sflag:s6], $0x1000  }
0x75d: {  	[sflag:s6] =	ssyncset.done $0x0  }
0x75e: {  	[sflag:s6] =	ssyncadd.s32 $0xFFFFF000  }
0x75f: {  	_ =	swait.ge [sflag:s6], $0x1000  }
0x760: {  	[sflag:s6] =	ssyncset.done $0x0  }
0x761: {  	[sflag:s6] =	ssyncadd.s32 $0xFFFFF000  }
0x762: {  	_ =	swait.ge [sflag:s6], $0x1000  }
0x763: {  	[sflag:s6] =	ssyncset.done $0x0  }
0x764: {  	[sflag:s6] =	ssyncadd.s32 $0xFFFFF000  }
0x765: {  	_ =	swait.ge [sflag:s5], $0x1000  }
0x766: {  	[sflag:s5] =	ssyncset.done $0x0  }
0x767: {  	[sflag:s5] =	ssyncadd.s32 $0xFFFFF000  }
0x768: {  	_ =	swait.ge [sflag:s5], $0x1000  }
0x769: {  	[sflag:s5] =	ssyncset.done $0x0  }
0x76a: {  	[sflag:s5] =	ssyncadd.s32 $0xFFFFF000  }
0x76b: {  	_ =	swait.ge [sflag:s5], $0x1000  }
0x76c: {  	[sflag:s5] =	ssyncset.done $0x0  }
0x76d: {  	[sflag:s5] =	ssyncadd.s32 $0xFFFFF000  }
0x76e: {  	_ =	swait.ge [sflag:s5], $0x1000  }
0x76f: {  	[sflag:s5] =	ssyncset.done $0x0  }
0x770: {  	[sflag:s5] =	ssyncadd.s32 $0xFFFFF000  }
0x771: {  	_ =	swait.ge [sflag:s4], $0x1000  }
0x772: {  	[sflag:s4] =	ssyncset.done $0x0  }
0x773: {  	[sflag:s4] =	ssyncadd.s32 $0xFFFFF000  }
0x774: {  	_ =	swait.ge [sflag:s4], $0x1000  }
0x775: {  	[sflag:s4] =	ssyncset.done $0x0  }
0x776: {  	[sflag:s4] =	ssyncadd.s32 $0xFFFFF000  }
0x777: {  	_ =	swait.ge [sflag:s4], $0x1000  }
0x778: {  	[sflag:s4] =	ssyncset.done $0x0  }
0x779: {  	[sflag:s4] =	ssyncadd.s32 $0xFFFFF000  }
0x77a: {  	_ =	swait.ge [sflag:s4], $0x1000  }
0x77b: {  	[sflag:s4] =	ssyncset.done $0x0  }
0x77c: {  	[sflag:s4] =	ssyncadd.s32 $0xFFFFF000  }
0x77d: {  	_ =	sfence.sel $0x180000  }
0x77e: {  	[bflag:$0x0] =	sbarrier.arrive $0xFFFF  }
0x77f: {  	_ =	strace $0x90000047  }
0x780: {  	s31 =	stileid.u32;
	[bflag:$0x2] =	sbarrier.arrive $0xFFFF  }
0x781: {  	p0 =	sne.s32 s31, $0x0;
	s0 =	rddreg [dreg:$0x2]  }
0x782: {  	s0 =	sadd.s32 @!p0 $0x100000, s0  }
0x783: {  	[sflag:s0] =	ssyncadd.tile.s32 @!p0 $0x1;
	_ =	shalt  }
.LBB2_6:
.Ltmp3:
0x784: {  	(pc) =	sbr.rel .LBB2_5-.Ltmp3, $4  }
0x785: {  	s19 =	simm.s32 $0x9800;
	s1 =	simm.s32 $0x6800  }
0x786: {  	s0 =	simm.s32 $0x5800;
	s24 =	simm.s32 $0x7800;
	s15 =	simm.s32 $0xD  }
0x787: {  	s29 =	simm.s32 $0x4;
	s30 =	simm.s32 $0x6;
	s12 =	simm.s32 $0x3  }
0x788: {  	s16 =	simm.s32 $0x5;
	s17 =	simm.s32 $0x2;
	s25 =	simm.s32 $0x1  }
.Lfunc_end2:
_tile_overlayer_lowered:
.L_overlay_start_2:
0x789: {  	(tag) =	ssettag $0x2  }
0x78a: {  	s0 =	rddreg [dreg:$0x0];
	s2 =	stileid.u32  }
0x78b: {  	s1 =	rddreg [dreg:$0x1];
	p0 =	sne.s32 s2, $0x0  }
0x78c: {  	s3 =	rddreg [dreg:$0x2];
	[bflag:$0x3] =	sbarrier.arrive $0xFFFF;
	s2 =	simm.s32 @!p0 $0x1C0D  }
0x78d: {  	[timem:s3], [sflag:s2] =	dma.local @!p0 [hbm:s0], s1  }
0x78e: {  	s0 =	simm.s32 @!p0 $0xD  }
0x78f: {  	_ =	swait.ge @!p0 [sflag:s0], s1  }
0x790: {  	s1 =	ssub.s32 @!p0 $0x0, s1;
	[sflag:s0] =	ssyncset.done @!p0 $0x0  }
0x791: {  	[sflag:s0] =	ssyncadd.s32 @!p0 s1  }
0x792: {  	[bflag:$0x3] =	sbarrier.arrive $0xFFFF  }
0x793: {  	_ =	shalt  }

</sc_bundles>
